<compile_context>
chip_gen: v7x
topology: tpu7x:2x2x1
jax: 0.10.2.dev20260603
libtpu: 0.0.44.dev20260713+nightly
codegen_flags: <defaults>
</compile_context>

<pallas_src>
import jax
import jax.numpy as jnp
from jax import lax
from jax.experimental import pallas as pl
from jax.experimental.pallas import tpu as pltpu
from jax.experimental.pallas import tpu_sc as plsc

VOCAB = 1000000
EMBED = 64
BATCH = 16384

_info = plsc.get_sparse_core_info()
NC, NS, L = _info.num_cores, _info.num_subcores, _info.num_lanes
NW = NC * NS
BPW = BATCH // NW
CHUNK = 32
NCHUNK = BPW // CHUNK
NVREG = EMBED // 16


def _sc_body(x_hbm, t_hbm, tgt_hbm, ctx_hbm, out_hbm,
             xidx, tidx, tbuf, cbuf, outv, semt, semc):
    wid = lax.axis_index("s") * NC + lax.axis_index("c")
    base = wid * BPW

    pltpu.sync_copy(x_hbm.at[pl.ds(base, BPW)], xidx)
    pltpu.sync_copy(t_hbm.at[pl.ds(base, BPW)], tidx)

    lane = lax.iota(jnp.int32, L)

    def chunk_step(p, carry):
        cbase = p * CHUNK
        descs = []
        for cc in range(CHUNK // 16):
            tv = tidx[pl.ds(cbase + cc * 16, 16)]
            xv = xidx[pl.ds(cbase + cc * 16, 16)]
            for j in range(16):
                row = cc * 16 + j
                descs.append(pltpu.async_copy(
                    tgt_hbm.at[tv[j]], tbuf.at[row, pl.ds(0, EMBED)], semt))
                descs.append(pltpu.async_copy(
                    ctx_hbm.at[xv[j]], cbuf.at[row, pl.ds(0, EMBED)], semc))
        for d in descs:
            d.wait()
        for cc in range(CHUNK // 16):
            res = jnp.zeros((L,), jnp.float32)
            for j in range(16):
                row = cc * 16 + j
                s = jnp.zeros((L,), jnp.float32)
                for k in range(NVREG):
                    s = s + (tbuf[row, pl.ds(k * 16, 16)]
                             * cbuf[row, pl.ds(k * 16, 16)])
                tot = jnp.sum(s)
                res = jnp.where(lane == j, tot, res)
            outv[pl.ds(cbase + cc * 16, 16)] = res
        return carry

    lax.fori_loop(0, NCHUNK, chunk_step, 0)
    pltpu.sync_copy(outv, out_hbm.at[pl.ds(base, BPW)])


@jax.jit
def _sc_call(x, t, target_table, context_table):
    mesh = plsc.VectorSubcoreMesh(core_axis_name="c", subcore_axis_name="s")
    return pl.kernel(
        _sc_body,
        out_type=jax.ShapeDtypeStruct((BATCH,), jnp.float32),
        mesh=mesh,
        compiler_params=pltpu.CompilerParams(
            needs_layout_passes=False,
        ),
        scratch_types=[
            pltpu.VMEM((BPW,), jnp.int32),
            pltpu.VMEM((BPW,), jnp.int32),
            pltpu.VMEM((CHUNK, 2 * EMBED), jnp.float32),
            pltpu.VMEM((CHUNK, 2 * EMBED), jnp.float32),
            pltpu.VMEM((BPW,), jnp.float32),
            pltpu.SemaphoreType.DMA,
            pltpu.SemaphoreType.DMA,
        ],
    )(x, t, target_table, context_table)


def kernel(x, t, target_table, context_table):
    tt, cc = jax.lax.optimization_barrier(
        (target_table.T, context_table.T))
    return _sc_call(x, t, tt.T, cc.T)

# --- scband reference (transcript-rebuilt; emitter-appended) ---
"""Pipeline reference for scband-skip-gram-negative-sampling-8667244003904 (READ-ONLY COPY).

The authoritative reference and input builder live on the scoring server;
editing this copy changes nothing except your own understanding.
"""

import jax, jax.numpy as jnp
import numpy as np

VOCAB = 1000000
EMBED = 64
BATCH = 16384

def setup_inputs(seed: int = 0) -> dict:
    key = jax.random.key(seed)
    k1, k2, k3, k4 = jax.random.split(key, 4)
    x = jax.random.randint(k1, (BATCH,), 0, VOCAB, dtype=jnp.int64 if jax.config.jax_enable_x64 else jnp.int32).astype(jnp.int32)
    t = jax.random.randint(k2, (BATCH,), 0, VOCAB, dtype=jnp.int64 if jax.config.jax_enable_x64 else jnp.int32).astype(jnp.int32)
    target_table = jax.random.normal(k3, (VOCAB, EMBED), dtype=jnp.float32)
    context_table = jax.random.normal(k4, (VOCAB, EMBED), dtype=jnp.float32)
    return {"x": x, "t": t, "target_table": target_table, "context_table": context_table}

def reference(x, t, target_table, context_table):
    # target = target_embedding(t); context = context_embedding(x)
    target = jnp.take(target_table, t, axis=0)
    context = jnp.take(context_table, x, axis=0)
    prediction = jnp.sum(target * context, axis=1)
    return prediction

if __name__ == "__main__":
    import jax
    _d = setup_inputs()
    print(jax.jit(kernel)(*tuple(_d.values())))

</pallas_src>

<mosaic_0001>
#map = affine_map<(d0, d1) -> (0)>
#map1 = affine_map<(d0, d1) -> (0, 0)>
module attributes {stable_mosaic.version = 14 : i64} {
  func.func @_sc_body(%arg0: i32, %arg1: i32, %arg2: memref<16384xi32, #tpu.memory_space<hbm>>, %arg3: memref<16384xi32, #tpu.memory_space<hbm>>, %arg4: memref<1000000x64xf32, #tpu.memory_space<hbm>>, %arg5: memref<1000000x64xf32, #tpu.memory_space<hbm>>, %arg6: memref<16384xf32, #tpu.memory_space<hbm>>, %arg7: memref<512xi32, #tpu.memory_space<vmem>>, %arg8: memref<512xi32, #tpu.memory_space<vmem>>, %arg9: memref<32x128xf32, #tpu.memory_space<vmem>>, %arg10: memref<32x128xf32, #tpu.memory_space<vmem>>, %arg11: memref<512xf32, #tpu.memory_space<vmem>>, %arg12: memref<!tpu.dma_semaphore, #tpu.memory_space<semaphore_mem>>, %arg13: memref<!tpu.dma_semaphore, #tpu.memory_space<semaphore_mem>>) attributes {dimension_semantics = [#tpu.dimension_semantics<core_parallel>, #tpu.dimension_semantics<subcore_parallel>], iteration_bounds = array<i64: 2, 16>, scalar_prefetch = 0 : i64, scratch_operands = 7 : i64, tpu.core_type = #tpu.core_type<sc_vector_subcore>, window_params = [{transform_indices = #map}, {transform_indices = #map}, {transform_indices = #map1}, {transform_indices = #map1}, {transform_indices = #map}]} {
    %mul3A = arith.constant 2 : i32
    %mul3A_0 = arith.muli %arg1, %mul3A : i32
    %add3A = arith.addi %mul3A_0, %arg0 : i32
    %mul3A_1 = arith.constant 512 : i32
    %mul3A_2 = arith.muli %add3A, %mul3A_1 : i32
    "tpu.region"() ({
      %run_scoped3A = tpu.sem_alloc : memref<!tpu.dma_semaphore, #tpu.memory_space<semaphore_mem>>
      %dma_start3A = tpu.memref_slice %arg2[%mul3A_2] : memref<16384xi32, #tpu.memory_space<hbm>> -> memref<512xi32, #tpu.memory_space<hbm>>
      %dma_start3A_8 = tpu.memref_slice %arg2[%mul3A_2] : memref<16384xi32, #tpu.memory_space<hbm>> -> memref<512xi32, #tpu.memory_space<hbm>>
      tpu.enqueue_dma source(%dma_start3A_8 : memref<512xi32, #tpu.memory_space<hbm>>) target(%arg7 : memref<512xi32, #tpu.memory_space<vmem>>) target_semaphore(%run_scoped3A : memref<!tpu.dma_semaphore, #tpu.memory_space<semaphore_mem>>)
      %dma_wait3A = tpu.memref_slice %arg2[%mul3A_2] : memref<16384xi32, #tpu.memory_space<hbm>> -> memref<512xi32, #tpu.memory_space<hbm>>
      %dma_wait3A_9 = tpu.memref_slice %arg2[%mul3A_2] : memref<16384xi32, #tpu.memory_space<hbm>> -> memref<512xi32, #tpu.memory_space<hbm>>
      tpu.wait_dma2 semaphore(%run_scoped3A : memref<!tpu.dma_semaphore, #tpu.memory_space<semaphore_mem>>) src(%dma_wait3A_9 : memref<512xi32, #tpu.memory_space<hbm>>) dst(%arg7 : memref<512xi32, #tpu.memory_space<vmem>>)
      tpu.yield
    }) : () -> ()
    "tpu.region"() ({
      %run_scoped3A = tpu.sem_alloc : memref<!tpu.dma_semaphore, #tpu.memory_space<semaphore_mem>>
      %dma_start3A = tpu.memref_slice %arg3[%mul3A_2] : memref<16384xi32, #tpu.memory_space<hbm>> -> memref<512xi32, #tpu.memory_space<hbm>>
      %dma_start3A_8 = tpu.memref_slice %arg3[%mul3A_2] : memref<16384xi32, #tpu.memory_space<hbm>> -> memref<512xi32, #tpu.memory_space<hbm>>
      tpu.enqueue_dma source(%dma_start3A_8 : memref<512xi32, #tpu.memory_space<hbm>>) target(%arg8 : memref<512xi32, #tpu.memory_space<vmem>>) target_semaphore(%run_scoped3A : memref<!tpu.dma_semaphore, #tpu.memory_space<semaphore_mem>>)
      %dma_wait3A = tpu.memref_slice %arg3[%mul3A_2] : memref<16384xi32, #tpu.memory_space<hbm>> -> memref<512xi32, #tpu.memory_space<hbm>>
      %dma_wait3A_9 = tpu.memref_slice %arg3[%mul3A_2] : memref<16384xi32, #tpu.memory_space<hbm>> -> memref<512xi32, #tpu.memory_space<hbm>>
      tpu.wait_dma2 semaphore(%run_scoped3A : memref<!tpu.dma_semaphore, #tpu.memory_space<semaphore_mem>>) src(%dma_wait3A_9 : memref<512xi32, #tpu.memory_space<hbm>>) dst(%arg8 : memref<512xi32, #tpu.memory_space<vmem>>)
      tpu.yield
    }) : () -> ()
    %iota3A = tpu.iota {dimensions = array<i32: 0>} : vector<16xi32>
    %scan3A = arith.constant 0 : i32
    %scan3A_3 = arith.constant 0 : i32
    %scan3A_4 = arith.constant 16 : i32
    %scan3A_5 = arith.addi %scan3A_3, %scan3A_4 : i32
    %scan3A_6 = arith.constant 1 : i32
    scf.for %scan3A_8 = %scan3A_3 to %scan3A_5 step %scan3A_6  : i32 {
      %mul3A_9 = arith.constant 32 : i32
      %mul3A_10 = arith.muli %scan3A_8, %mul3A_9 : i32
      %add3A_11 = arith.constant 0 : i32
      %add3A_12 = arith.addi %mul3A_10, %add3A_11 : i32
      %get3A = arith.index_cast %add3A_12 : i32 to index
      %get3A_13 = tpu.vector_load %arg8[%get3A] {strides = array<i32>} : memref<512xi32, #tpu.memory_space<vmem>>, vector<16xi32>,
      %add3A_14 = arith.constant 0 : i32
      %add3A_15 = arith.addi %mul3A_10, %add3A_14 : i32
      %get3A_16 = arith.index_cast %add3A_15 : i32 to index
      %get3A_17 = tpu.vector_load %arg7[%get3A_16] {strides = array<i32>} : memref<512xi32, #tpu.memory_space<vmem>>, vector<16xi32>,
      %slice3A = vector.extract_strided_slice %get3A_13 {offsets = [0], sizes = [1], strides = [1]} : vector<16xi32> to vector<1xi32>
      %squeeze3A = vector.extract %slice3A[0] : i32 from vector<1xi32>
      %dma_start3A = arith.constant 0 : i32
      %dma_start3A_18 = arith.constant 0 : i32
      %dma_start3A_19 = tpu.memref_slice %arg9[%dma_start3A, %dma_start3A_18] : memref<32x128xf32, #tpu.memory_space<vmem>> -> memref<1x64xf32, #tpu.memory_space<vmem>>
      %dma_start3A_20 = tpu.memref_squeeze %dma_start3A_19 : memref<1x64xf32, #tpu.memory_space<vmem>> -> memref<64xf32, #tpu.memory_space<vmem>>
      %dma_start3A_21 = arith.constant 0 : i32
      %dma_start3A_22 = tpu.memref_slice %arg4[%squeeze3A, %dma_start3A_21] : memref<1000000x64xf32, #tpu.memory_space<hbm>> -> memref<1x64xf32, #tpu.memory_space<hbm>>
      %dma_start3A_23 = tpu.memref_squeeze %dma_start3A_22 : memref<1x64xf32, #tpu.memory_space<hbm>> -> memref<64xf32, #tpu.memory_space<hbm>>
      %dma_start3A_24 = arith.constant 0 : i32
      %dma_start3A_25 = tpu.memref_slice %arg9[%dma_start3A, %dma_start3A_24] : memref<32x128xf32, #tpu.memory_space<vmem>> -> memref<1x64xf32, #tpu.memory_space<vmem>>
      %dma_start3A_26 = tpu.memref_squeeze %dma_start3A_25 : memref<1x64xf32, #tpu.memory_space<vmem>> -> memref<64xf32, #tpu.memory_space<vmem>>
      %dma_start3A_27 = arith.constant 0 : i32
      %dma_start3A_28 = tpu.memref_slice %arg4[%squeeze3A, %dma_start3A_27] : memref<1000000x64xf32, #tpu.memory_space<hbm>> -> memref<1x64xf32, #tpu.memory_space<hbm>>
      %dma_start3A_29 = tpu.memref_squeeze %dma_start3A_28 : memref<1x64xf32, #tpu.memory_space<hbm>> -> memref<64xf32, #tpu.memory_space<hbm>>
      tpu.enqueue_dma source(%dma_start3A_29 : memref<64xf32, #tpu.memory_space<hbm>>) target(%dma_start3A_26 : memref<64xf32, #tpu.memory_space<vmem>>) target_semaphore(%arg12 : memref<!tpu.dma_semaphore, #tpu.memory_space<semaphore_mem>>)
      %slice3A_30 = vector.extract_strided_slice %get3A_17 {offsets = [0], sizes = [1], strides = [1]} : vector<16xi32> to vector<1xi32>
      %squeeze3A_31 = vector.extract %slice3A_30[0] : i32 from vector<1xi32>
      %dma_start3A_32 = arith.constant 0 : i32
      %dma_start3A_33 = arith.constant 0 : i32
      %dma_start3A_34 = tpu.memref_slice %arg10[%dma_start3A_32, %dma_start3A_33] : memref<32x128xf32, #tpu.memory_space<vmem>> -> memref<1x64xf32, #tpu.memory_space<vmem>>
      %dma_start3A_35 = tpu.memref_squeeze %dma_start3A_34 : memref<1x64xf32, #tpu.memory_space<vmem>> -> memref<64xf32, #tpu.memory_space<vmem>>
      %dma_start3A_36 = arith.constant 0 : i32
      %dma_start3A_37 = tpu.memref_slice %arg5[%squeeze3A_31, %dma_start3A_36] : memref<1000000x64xf32, #tpu.memory_space<hbm>> -> memref<1x64xf32, #tpu.memory_space<hbm>>
      %dma_start3A_38 = tpu.memref_squeeze %dma_start3A_37 : memref<1x64xf32, #tpu.memory_space<hbm>> -> memref<64xf32, #tpu.memory_space<hbm>>
      %dma_start3A_39 = arith.constant 0 : i32
      %dma_start3A_40 = tpu.memref_slice %arg10[%dma_start3A_32, %dma_start3A_39] : memref<32x128xf32, #tpu.memory_space<vmem>> -> memref<1x64xf32, #tpu.memory_space<vmem>>
      %dma_start3A_41 = tpu.memref_squeeze %dma_start3A_40 : memref<1x64xf32, #tpu.memory_space<vmem>> -> memref<64xf32, #tpu.memory_space<vmem>>
      %dma_start3A_42 = arith.constant 0 : i32
      %dma_start3A_43 = tpu.memref_slice %arg5[%squeeze3A_31, %dma_start3A_42] : memref<1000000x64xf32, #tpu.memory_space<hbm>> -> memref<1x64xf32, #tpu.memory_space<hbm>>
      %dma_start3A_44 = tpu.memref_squeeze %dma_start3A_43 : memref<1x64xf32, #tpu.memory_space<hbm>> -> memref<64xf32, #tpu.memory_space<hbm>>
      tpu.enqueue_dma source(%dma_start3A_44 : memref<64xf32, #tpu.memory_space<hbm>>) target(%dma_start3A_41 : memref<64xf32, #tpu.memory_space<vmem>>) target_semaphore(%arg13 : memref<!tpu.dma_semaphore, #tpu.memory_space<semaphore_mem>>)
      %slice3A_45 = vector.extract_strided_slice %get3A_13 {offsets = [1], sizes = [1], strides = [1]} : vector<16xi32> to vector<1xi32>
      %squeeze3A_46 = vector.extract %slice3A_45[0] : i32 from vector<1xi32>
      %dma_start3A_47 = arith.constant 1 : i32
      %dma_start3A_48 = arith.constant 0 : i32
      %dma_start3A_49 = tpu.memref_slice %arg9[%dma_start3A_47, %dma_start3A_48] : memref<32x128xf32, #tpu.memory_space<vmem>> -> memref<1x64xf32, #tpu.memory_space<vmem>>
      %dma_start3A_50 = tpu.memref_squeeze %dma_start3A_49 : memref<1x64xf32, #tpu.memory_space<vmem>> -> memref<64xf32, #tpu.memory_space<vmem>>
      %dma_start3A_51 = arith.constant 0 : i32
      %dma_start3A_52 = tpu.memref_slice %arg4[%squeeze3A_46, %dma_start3A_51] : memref<1000000x64xf32, #tpu.memory_space<hbm>> -> memref<1x64xf32, #tpu.memory_space<hbm>>
      %dma_start3A_53 = tpu.memref_squeeze %dma_start3A_52 : memref<1x64xf32, #tpu.memory_space<hbm>> -> memref<64xf32, #tpu.memory_space<hbm>>
      %dma_start3A_54 = arith.constant 0 : i32
      %dma_start3A_55 = tpu.memref_slice %arg9[%dma_start3A_47, %dma_start3A_54] : memref<32x128xf32, #tpu.memory_space<vmem>> -> memref<1x64xf32, #tpu.memory_space<vmem>>
      %dma_start3A_56 = tpu.memref_squeeze %dma_start3A_55 : memref<1x64xf32, #tpu.memory_space<vmem>> -> memref<64xf32, #tpu.memory_space<vmem>>
      %dma_start3A_57 = arith.constant 0 : i32
      %dma_start3A_58 = tpu.memref_slice %arg4[%squeeze3A_46, %dma_start3A_57] : memref<1000000x64xf32, #tpu.memory_space<hbm>> -> memref<1x64xf32, #tpu.memory_space<hbm>>
      %dma_start3A_59 = tpu.memref_squeeze %dma_start3A_58 : memref<1x64xf32, #tpu.memory_space<hbm>> -> memref<64xf32, #tpu.memory_space<hbm>>
      tpu.enqueue_dma source(%dma_start3A_59 : memref<64xf32, #tpu.memory_space<hbm>>) target(%dma_start3A_56 : memref<64xf32, #tpu.memory_space<vmem>>) target_semaphore(%arg12 : memref<!tpu.dma_semaphore, #tpu.memory_space<semaphore_mem>>)
      %slice3A_60 = vector.extract_strided_slice %get3A_17 {offsets = [1], sizes = [1], strides = [1]} : vector<16xi32> to vector<1xi32>
      %squeeze3A_61 = vector.extract %slice3A_60[0] : i32 from vector<1xi32>
      %dma_start3A_62 = arith.constant 1 : i32
      %dma_start3A_63 = arith.constant 0 : i32
      %dma_start3A_64 = tpu.memref_slice %arg10[%dma_start3A_62, %dma_start3A_63] : memref<32x128xf32, #tpu.memory_space<vmem>> -> memref<1x64xf32, #tpu.memory_space<vmem>>
      %dma_start3A_65 = tpu.memref_squeeze %dma_start3A_64 : memref<1x64xf32, #tpu.memory_space<vmem>> -> memref<64xf32, #tpu.memory_space<vmem>>
      %dma_start3A_66 = arith.constant 0 : i32
      %dma_start3A_67 = tpu.memref_slice %arg5[%squeeze3A_61, %dma_start3A_66] : memref<1000000x64xf32, #tpu.memory_space<hbm>> -> memref<1x64xf32, #tpu.memory_space<hbm>>
      %dma_start3A_68 = tpu.memref_squeeze %dma_start3A_67 : memref<1x64xf32, #tpu.memory_space<hbm>> -> memref<64xf32, #tpu.memory_space<hbm>>
      %dma_start3A_69 = arith.constant 0 : i32
      %dma_start3A_70 = tpu.memref_slice %arg10[%dma_start3A_62, %dma_start3A_69] : memref<32x128xf32, #tpu.memory_space<vmem>> -> memref<1x64xf32, #tpu.memory_space<vmem>>
      %dma_start3A_71 = tpu.memref_squeeze %dma_start3A_70 : memref<1x64xf32, #tpu.memory_space<vmem>> -> memref<64xf32, #tpu.memory_space<vmem>>
      %dma_start3A_72 = arith.constant 0 : i32
      %dma_start3A_73 = tpu.memref_slice %arg5[%squeeze3A_61, %dma_start3A_72] : memref<1000000x64xf32, #tpu.memory_space<hbm>> -> memref<1x64xf32, #tpu.memory_space<hbm>>
      %dma_start3A_74 = tpu.memref_squeeze %dma_start3A_73 : memref<1x64xf32, #tpu.memory_space<hbm>> -> memref<64xf32, #tpu.memory_space<hbm>>
      tpu.enqueue_dma source(%dma_start3A_74 : memref<64xf32, #tpu.memory_space<hbm>>) target(%dma_start3A_71 : memref<64xf32, #tpu.memory_space<vmem>>) target_semaphore(%arg13 : memref<!tpu.dma_semaphore, #tpu.memory_space<semaphore_mem>>)
      %slice3A_75 = vector.extract_strided_slice %get3A_13 {offsets = [2], sizes = [1], strides = [1]} : vector<16xi32> to vector<1xi32>
      %squeeze3A_76 = vector.extract %slice3A_75[0] : i32 from vector<1xi32>
      %dma_start3A_77 = arith.constant 2 : i32
      %dma_start3A_78 = arith.constant 0 : i32
      %dma_start3A_79 = tpu.memref_slice %arg9[%dma_start3A_77, %dma_start3A_78] : memref<32x128xf32, #tpu.memory_space<vmem>> -> memref<1x64xf32, #tpu.memory_space<vmem>>
      %dma_start3A_80 = tpu.memref_squeeze %dma_start3A_79 : memref<1x64xf32, #tpu.memory_space<vmem>> -> memref<64xf32, #tpu.memory_space<vmem>>
      %dma_start3A_81 = arith.constant 0 : i32
      %dma_start3A_82 = tpu.memref_slice %arg4[%squeeze3A_76, %dma_start3A_81] : memref<1000000x64xf32, #tpu.memory_space<hbm>> -> memref<1x64xf32, #tpu.memory_space<hbm>>
      %dma_start3A_83 = tpu.memref_squeeze %dma_start3A_82 : memref<1x64xf32, #tpu.memory_space<hbm>> -> memref<64xf32, #tpu.memory_space<hbm>>
      %dma_start3A_84 = arith.constant 0 : i32
      %dma_start3A_85 = tpu.memref_slice %arg9[%dma_start3A_77, %dma_start3A_84] : memref<32x128xf32, #tpu.memory_space<vmem>> -> memref<1x64xf32, #tpu.memory_space<vmem>>
      %dma_start3A_86 = tpu.memref_squeeze %dma_start3A_85 : memref<1x64xf32, #tpu.memory_space<vmem>> -> memref<64xf32, #tpu.memory_space<vmem>>
      %dma_start3A_87 = arith.constant 0 : i32
      %dma_start3A_88 = tpu.memref_slice %arg4[%squeeze3A_76, %dma_start3A_87] : memref<1000000x64xf32, #tpu.memory_space<hbm>> -> memref<1x64xf32, #tpu.memory_space<hbm>>
      %dma_start3A_89 = tpu.memref_squeeze %dma_start3A_88 : memref<1x64xf32, #tpu.memory_space<hbm>> -> memref<64xf32, #tpu.memory_space<hbm>>
      tpu.enqueue_dma source(%dma_start3A_89 : memref<64xf32, #tpu.memory_space<hbm>>) target(%dma_start3A_86 : memref<64xf32, #tpu.memory_space<vmem>>) target_semaphore(%arg12 : memref<!tpu.dma_semaphore, #tpu.memory_space<semaphore_mem>>)
      %slice3A_90 = vector.extract_strided_slice %get3A_17 {offsets = [2], sizes = [1], strides = [1]} : vector<16xi32> to vector<1xi32>
      %squeeze3A_91 = vector.extract %slice3A_90[0] : i32 from vector<1xi32>
      %dma_start3A_92 = arith.constant 2 : i32
      %dma_start3A_93 = arith.constant 0 : i32
      %dma_start3A_94 = tpu.memref_slice %arg10[%dma_start3A_92, %dma_start3A_93] : memref<32x128xf32, #tpu.memory_space<vmem>> -> memref<1x64xf32, #tpu.memory_space<vmem>>
      %dma_start3A_95 = tpu.memref_squeeze %dma_start3A_94 : memref<1x64xf32, #tpu.memory_space<vmem>> -> memref<64xf32, #tpu.memory_space<vmem>>
      %dma_start3A_96 = arith.constant 0 : i32
      %dma_start3A_97 = tpu.memref_slice %arg5[%squeeze3A_91, %dma_start3A_96] : memref<1000000x64xf32, #tpu.memory_space<hbm>> -> memref<1x64xf32, #tpu.memory_space<hbm>>
      %dma_start3A_98 = tpu.memref_squeeze %dma_start3A_97 : memref<1x64xf32, #tpu.memory_space<hbm>> -> memref<64xf32, #tpu.memory_space<hbm>>
      %dma_start3A_99 = arith.constant 0 : i32
      %dma_start3A_100 = tpu.memref_slice %arg10[%dma_start3A_92, %dma_start3A_99] : memref<32x128xf32, #tpu.memory_space<vmem>> -> memref<1x64xf32, #tpu.memory_space<vmem>>
      %dma_start3A_101 = tpu.memref_squeeze %dma_start3A_100 : memref<1x64xf32, #tpu.memory_space<vmem>> -> memref<64xf32, #tpu.memory_space<vmem>>
      %dma_start3A_102 = arith.constant 0 : i32
      %dma_start3A_103 = tpu.memref_slice %arg5[%squeeze3A_91, %dma_start3A_102] : memref<1000000x64xf32, #tpu.memory_space<hbm>> -> memref<1x64xf32, #tpu.memory_space<hbm>>
      %dma_start3A_104 = tpu.memref_squeeze %dma_start3A_103 : memref<1x64xf32, #tpu.memory_space<hbm>> -> memref<64xf32, #tpu.memory_space<hbm>>
      tpu.enqueue_dma source(%dma_start3A_104 : memref<64xf32, #tpu.memory_space<hbm>>) target(%dma_start3A_101 : memref<64xf32, #tpu.memory_space<vmem>>) target_semaphore(%arg13 : memref<!tpu.dma_semaphore, #tpu.memory_space<semaphore_mem>>)
      %slice3A_105 = vector.extract_strided_slice %get3A_13 {offsets = [3], sizes = [1], strides = [1]} : vector<16xi32> to vector<1xi32>
      %squeeze3A_106 = vector.extract %slice3A_105[0] : i32 from vector<1xi32>
      %dma_start3A_107 = arith.constant 3 : i32
      %dma_start3A_108 = arith.constant 0 : i32
      %dma_start3A_109 = tpu.memref_slice %arg9[%dma_start3A_107, %dma_start3A_108] : memref<32x128xf32, #tpu.memory_space<vmem>> -> memref<1x64xf32, #tpu.memory_space<vmem>>
      %dma_start3A_110 = tpu.memref_squeeze %dma_start3A_109 : memref<1x64xf32, #tpu.memory_space<vmem>> -> memref<64xf32, #tpu.memory_space<vmem>>
      %dma_start3A_111 = arith.constant 0 : i32
      %dma_start3A_112 = tpu.memref_slice %arg4[%squeeze3A_106, %dma_start3A_111] : memref<1000000x64xf32, #tpu.memory_space<hbm>> -> memref<1x64xf32, #tpu.memory_space<hbm>>
      %dma_start3A_113 = tpu.memref_squeeze %dma_start3A_112 : memref<1x64xf32, #tpu.memory_space<hbm>> -> memref<64xf32, #tpu.memory_space<hbm>>
      %dma_start3A_114 = arith.constant 0 : i32
      %dma_start3A_115 = tpu.memref_slice %arg9[%dma_start3A_107, %dma_start3A_114] : memref<32x128xf32, #tpu.memory_space<vmem>> -> memref<1x64xf32, #tpu.memory_space<vmem>>
      %dma_start3A_116 = tpu.memref_squeeze %dma_start3A_115 : memref<1x64xf32, #tpu.memory_space<vmem>> -> memref<64xf32, #tpu.memory_space<vmem>>
      %dma_start3A_117 = arith.constant 0 : i32
      %dma_start3A_118 = tpu.memref_slice %arg4[%squeeze3A_106, %dma_start3A_117] : memref<1000000x64xf32, #tpu.memory_space<hbm>> -> memref<1x64xf32, #tpu.memory_space<hbm>>
      %dma_start3A_119 = tpu.memref_squeeze %dma_start3A_118 : memref<1x64xf32, #tpu.memory_space<hbm>> -> memref<64xf32, #tpu.memory_space<hbm>>
      tpu.enqueue_dma source(%dma_start3A_119 : memref<64xf32, #tpu.memory_space<hbm>>) target(%dma_start3A_116 : memref<64xf32, #tpu.memory_space<vmem>>) target_semaphore(%arg12 : memref<!tpu.dma_semaphore, #tpu.memory_space<semaphore_mem>>)
      %slice3A_120 = vector.extract_strided_slice %get3A_17 {offsets = [3], sizes = [1], strides = [1]} : vector<16xi32> to vector<1xi32>
      %squeeze3A_121 = vector.extract %slice3A_120[0] : i32 from vector<1xi32>
      %dma_start3A_122 = arith.constant 3 : i32
      %dma_start3A_123 = arith.constant 0 : i32
      %dma_start3A_124 = tpu.memref_slice %arg10[%dma_start3A_122, %dma_start3A_123] : memref<32x128xf32, #tpu.memory_space<vmem>> -> memref<1x64xf32, #tpu.memory_space<vmem>>
      %dma_start3A_125 = tpu.memref_squeeze %dma_start3A_124 : memref<1x64xf32, #tpu.memory_space<vmem>> -> memref<64xf32, #tpu.memory_space<vmem>>
      %dma_start3A_126 = arith.constant 0 : i32
      %dma_start3A_127 = tpu.memref_slice %arg5[%squeeze3A_121, %dma_start3A_126] : memref<1000000x64xf32, #tpu.memory_space<hbm>> -> memref<1x64xf32, #tpu.memory_space<hbm>>
      %dma_start3A_128 = tpu.memref_squeeze %dma_start3A_127 : memref<1x64xf32, #tpu.memory_space<hbm>> -> memref<64xf32, #tpu.memory_space<hbm>>
      %dma_start3A_129 = arith.constant 0 : i32
      %dma_start3A_130 = tpu.memref_slice %arg10[%dma_start3A_122, %dma_start3A_129] : memref<32x128xf32, #tpu.memory_space<vmem>> -> memref<1x64xf32, #tpu.memory_space<vmem>>
      %dma_start3A_131 = tpu.memref_squeeze %dma_start3A_130 : memref<1x64xf32, #tpu.memory_space<vmem>> -> memref<64xf32, #tpu.memory_space<vmem>>
      %dma_start3A_132 = arith.constant 0 : i32
      %dma_start3A_133 = tpu.memref_slice %arg5[%squeeze3A_121, %dma_start3A_132] : memref<1000000x64xf32, #tpu.memory_space<hbm>> -> memref<1x64xf32, #tpu.memory_space<hbm>>
      %dma_start3A_134 = tpu.memref_squeeze %dma_start3A_133 : memref<1x64xf32, #tpu.memory_space<hbm>> -> memref<64xf32, #tpu.memory_space<hbm>>
      tpu.enqueue_dma source(%dma_start3A_134 : memref<64xf32, #tpu.memory_space<hbm>>) target(%dma_start3A_131 : memref<64xf32, #tpu.memory_space<vmem>>) target_semaphore(%arg13 : memref<!tpu.dma_semaphore, #tpu.memory_space<semaphore_mem>>)
      %slice3A_135 = vector.extract_strided_slice %get3A_13 {offsets = [4], sizes = [1], strides = [1]} : vector<16xi32> to vector<1xi32>
      %squeeze3A_136 = vector.extract %slice3A_135[0] : i32 from vector<1xi32>
      %dma_start3A_137 = arith.constant 4 : i32
      %dma_start3A_138 = arith.constant 0 : i32
      %dma_start3A_139 = tpu.memref_slice %arg9[%dma_start3A_137, %dma_start3A_138] : memref<32x128xf32, #tpu.memory_space<vmem>> -> memref<1x64xf32, #tpu.memory_space<vmem>>
      %dma_start3A_140 = tpu.memref_squeeze %dma_start3A_139 : memref<1x64xf32, #tpu.memory_space<vmem>> -> memref<64xf32, #tpu.memory_space<vmem>>
      %dma_start3A_141 = arith.constant 0 : i32
      %dma_start3A_142 = tpu.memref_slice %arg4[%squeeze3A_136, %dma_start3A_141] : memref<1000000x64xf32, #tpu.memory_space<hbm>> -> memref<1x64xf32, #tpu.memory_space<hbm>>
      %dma_start3A_143 = tpu.memref_squeeze %dma_start3A_142 : memref<1x64xf32, #tpu.memory_space<hbm>> -> memref<64xf32, #tpu.memory_space<hbm>>
      %dma_start3A_144 = arith.constant 0 : i32
      %dma_start3A_145 = tpu.memref_slice %arg9[%dma_start3A_137, %dma_start3A_144] : memref<32x128xf32, #tpu.memory_space<vmem>> -> memref<1x64xf32, #tpu.memory_space<vmem>>
      %dma_start3A_146 = tpu.memref_squeeze %dma_start3A_145 : memref<1x64xf32, #tpu.memory_space<vmem>> -> memref<64xf32, #tpu.memory_space<vmem>>
      %dma_start3A_147 = arith.constant 0 : i32
      %dma_start3A_148 = tpu.memref_slice %arg4[%squeeze3A_136, %dma_start3A_147] : memref<1000000x64xf32, #tpu.memory_space<hbm>> -> memref<1x64xf32, #tpu.memory_space<hbm>>
      %dma_start3A_149 = tpu.memref_squeeze %dma_start3A_148 : memref<1x64xf32, #tpu.memory_space<hbm>> -> memref<64xf32, #tpu.memory_space<hbm>>
      tpu.enqueue_dma source(%dma_start3A_149 : memref<64xf32, #tpu.memory_space<hbm>>) target(%dma_start3A_146 : memref<64xf32, #tpu.memory_space<vmem>>) target_semaphore(%arg12 : memref<!tpu.dma_semaphore, #tpu.memory_space<semaphore_mem>>)
      %slice3A_150 = vector.extract_strided_slice %get3A_17 {offsets = [4], sizes = [1], strides = [1]} : vector<16xi32> to vector<1xi32>
      %squeeze3A_151 = vector.extract %slice3A_150[0] : i32 from vector<1xi32>
      %dma_start3A_152 = arith.constant 4 : i32
      %dma_start3A_153 = arith.constant 0 : i32
      %dma_start3A_154 = tpu.memref_slice %arg10[%dma_start3A_152, %dma_start3A_153] : memref<32x128xf32, #tpu.memory_space<vmem>> -> memref<1x64xf32, #tpu.memory_space<vmem>>
      %dma_start3A_155 = tpu.memref_squeeze %dma_start3A_154 : memref<1x64xf32, #tpu.memory_space<vmem>> -> memref<64xf32, #tpu.memory_space<vmem>>
      %dma_start3A_156 = arith.constant 0 : i32
      %dma_start3A_157 = tpu.memref_slice %arg5[%squeeze3A_151, %dma_start3A_156] : memref<1000000x64xf32, #tpu.memory_space<hbm>> -> memref<1x64xf32, #tpu.memory_space<hbm>>
      %dma_start3A_158 = tpu.memref_squeeze %dma_start3A_157 : memref<1x64xf32, #tpu.memory_space<hbm>> -> memref<64xf32, #tpu.memory_space<hbm>>
      %dma_start3A_159 = arith.constant 0 : i32
      %dma_start3A_160 = tpu.memref_slice %arg10[%dma_start3A_152, %dma_start3A_159] : memref<32x128xf32, #tpu.memory_space<vmem>> -> memref<1x64xf32, #tpu.memory_space<vmem>>
      %dma_start3A_161 = tpu.memref_squeeze %dma_start3A_160 : memref<1x64xf32, #tpu.memory_space<vmem>> -> memref<64xf32, #tpu.memory_space<vmem>>
      %dma_start3A_162 = arith.constant 0 : i32
      %dma_start3A_163 = tpu.memref_slice %arg5[%squeeze3A_151, %dma_start3A_162] : memref<1000000x64xf32, #tpu.memory_space<hbm>> -> memref<1x64xf32, #tpu.memory_space<hbm>>
      %dma_start3A_164 = tpu.memref_squeeze %dma_start3A_163 : memref<1x64xf32, #tpu.memory_space<hbm>> -> memref<64xf32, #tpu.memory_space<hbm>>
      tpu.enqueue_dma source(%dma_start3A_164 : memref<64xf32, #tpu.memory_space<hbm>>) target(%dma_start3A_161 : memref<64xf32, #tpu.memory_space<vmem>>) target_semaphore(%arg13 : memref<!tpu.dma_semaphore, #tpu.memory_space<semaphore_mem>>)
      %slice3A_165 = vector.extract_strided_slice %get3A_13 {offsets = [5], sizes = [1], strides = [1]} : vector<16xi32> to vector<1xi32>
      %squeeze3A_166 = vector.extract %slice3A_165[0] : i32 from vector<1xi32>
      %dma_start3A_167 = arith.constant 5 : i32
      %dma_start3A_168 = arith.constant 0 : i32
      %dma_start3A_169 = tpu.memref_slice %arg9[%dma_start3A_167, %dma_start3A_168] : memref<32x128xf32, #tpu.memory_space<vmem>> -> memref<1x64xf32, #tpu.memory_space<vmem>>
      %dma_start3A_170 = tpu.memref_squeeze %dma_start3A_169 : memref<1x64xf32, #tpu.memory_space<vmem>> -> memref<64xf32, #tpu.memory_space<vmem>>
      %dma_start3A_171 = arith.constant 0 : i32
      %dma_start3A_172 = tpu.memref_slice %arg4[%squeeze3A_166, %dma_start3A_171] : memref<1000000x64xf32, #tpu.memory_space<hbm>> -> memref<1x64xf32, #tpu.memory_space<hbm>>
      %dma_start3A_173 = tpu.memref_squeeze %dma_start3A_172 : memref<1x64xf32, #tpu.memory_space<hbm>> -> memref<64xf32, #tpu.memory_space<hbm>>
      %dma_start3A_174 = arith.constant 0 : i32
      %dma_start3A_175 = tpu.memref_slice %arg9[%dma_start3A_167, %dma_start3A_174] : memref<32x128xf32, #tpu.memory_space<vmem>> -> memref<1x64xf32, #tpu.memory_space<vmem>>
      %dma_start3A_176 = tpu.memref_squeeze %dma_start3A_175 : memref<1x64xf32, #tpu.memory_space<vmem>> -> memref<64xf32, #tpu.memory_space<vmem>>
      %dma_start3A_177 = arith.constant 0 : i32
      %dma_start3A_178 = tpu.memref_slice %arg4[%squeeze3A_166, %dma_start3A_177] : memref<1000000x64xf32, #tpu.memory_space<hbm>> -> memref<1x64xf32, #tpu.memory_space<hbm>>
      %dma_start3A_179 = tpu.memref_squeeze %dma_start3A_178 : memref<1x64xf32, #tpu.memory_space<hbm>> -> memref<64xf32, #tpu.memory_space<hbm>>
      tpu.enqueue_dma source(%dma_start3A_179 : memref<64xf32, #tpu.memory_space<hbm>>) target(%dma_start3A_176 : memref<64xf32, #tpu.memory_space<vmem>>) target_semaphore(%arg12 : memref<!tpu.dma_semaphore, #tpu.memory_space<semaphore_mem>>)
      %slice3A_180 = vector.extract_strided_slice %get3A_17 {offsets = [5], sizes = [1], strides = [1]} : vector<16xi32> to vector<1xi32>
      %squeeze3A_181 = vector.extract %slice3A_180[0] : i32 from vector<1xi32>
      %dma_start3A_182 = arith.constant 5 : i32
      %dma_start3A_183 = arith.constant 0 : i32
      %dma_start3A_184 = tpu.memref_slice %arg10[%dma_start3A_182, %dma_start3A_183] : memref<32x128xf32, #tpu.memory_space<vmem>> -> memref<1x64xf32, #tpu.memory_space<vmem>>
      %dma_start3A_185 = tpu.memref_squeeze %dma_start3A_184 : memref<1x64xf32, #tpu.memory_space<vmem>> -> memref<64xf32, #tpu.memory_space<vmem>>
      %dma_start3A_186 = arith.constant 0 : i32
      %dma_start3A_187 = tpu.memref_slice %arg5[%squeeze3A_181, %dma_start3A_186] : memref<1000000x64xf32, #tpu.memory_space<hbm>> -> memref<1x64xf32, #tpu.memory_space<hbm>>
      %dma_start3A_188 = tpu.memref_squeeze %dma_start3A_187 : memref<1x64xf32, #tpu.memory_space<hbm>> -> memref<64xf32, #tpu.memory_space<hbm>>
      %dma_start3A_189 = arith.constant 0 : i32
      %dma_start3A_190 = tpu.memref_slice %arg10[%dma_start3A_182, %dma_start3A_189] : memref<32x128xf32, #tpu.memory_space<vmem>> -> memref<1x64xf32, #tpu.memory_space<vmem>>
      %dma_start3A_191 = tpu.memref_squeeze %dma_start3A_190 : memref<1x64xf32, #tpu.memory_space<vmem>> -> memref<64xf32, #tpu.memory_space<vmem>>
      %dma_start3A_192 = arith.constant 0 : i32
      %dma_start3A_193 = tpu.memref_slice %arg5[%squeeze3A_181, %dma_start3A_192] : memref<1000000x64xf32, #tpu.memory_space<hbm>> -> memref<1x64xf32, #tpu.memory_space<hbm>>
      %dma_start3A_194 = tpu.memref_squeeze %dma_start3A_193 : memref<1x64xf32, #tpu.memory_space<hbm>> -> memref<64xf32, #tpu.memory_space<hbm>>
      tpu.enqueue_dma source(%dma_start3A_194 : memref<64xf32, #tpu.memory_space<hbm>>) target(%dma_start3A_191 : memref<64xf32, #tpu.memory_space<vmem>>) target_semaphore(%arg13 : memref<!tpu.dma_semaphore, #tpu.memory_space<semaphore_mem>>)
      %slice3A_195 = vector.extract_strided_slice %get3A_13 {offsets = [6], sizes = [1], strides = [1]} : vector<16xi32> to vector<1xi32>
      %squeeze3A_196 = vector.extract %slice3A_195[0] : i32 from vector<1xi32>
      %dma_start3A_197 = arith.constant 6 : i32
      %dma_start3A_198 = arith.constant 0 : i32
      %dma_start3A_199 = tpu.memref_slice %arg9[%dma_start3A_197, %dma_start3A_198] : memref<32x128xf32, #tpu.memory_space<vmem>> -> memref<1x64xf32, #tpu.memory_space<vmem>>
      %dma_start3A_200 = tpu.memref_squeeze %dma_start3A_199 : memref<1x64xf32, #tpu.memory_space<vmem>> -> memref<64xf32, #tpu.memory_space<vmem>>
      %dma_start3A_201 = arith.constant 0 : i32
      %dma_start3A_202 = tpu.memref_slice %arg4[%squeeze3A_196, %dma_start3A_201] : memref<1000000x64xf32, #tpu.memory_space<hbm>> -> memref<1x64xf32, #tpu.memory_space<hbm>>
      %dma_start3A_203 = tpu.memref_squeeze %dma_start3A_202 : memref<1x64xf32, #tpu.memory_space<hbm>> -> memref<64xf32, #tpu.memory_space<hbm>>
      %dma_start3A_204 = arith.constant 0 : i32
      %dma_start3A_205 = tpu.memref_slice %arg9[%dma_start3A_197, %dma_start3A_204] : memref<32x128xf32, #tpu.memory_space<vmem>> -> memref<1x64xf32, #tpu.memory_space<vmem>>
      %dma_start3A_206 = tpu.memref_squeeze %dma_start3A_205 : memref<1x64xf32, #tpu.memory_space<vmem>> -> memref<64xf32, #tpu.memory_space<vmem>>
      %dma_start3A_207 = arith.constant 0 : i32
      %dma_start3A_208 = tpu.memref_slice %arg4[%squeeze3A_196, %dma_start3A_207] : memref<1000000x64xf32, #tpu.memory_space<hbm>> -> memref<1x64xf32, #tpu.memory_space<hbm>>
      %dma_start3A_209 = tpu.memref_squeeze %dma_start3A_208 : memref<1x64xf32, #tpu.memory_space<hbm>> -> memref<64xf32, #tpu.memory_space<hbm>>
      tpu.enqueue_dma source(%dma_start3A_209 : memref<64xf32, #tpu.memory_space<hbm>>) target(%dma_start3A_206 : memref<64xf32, #tpu.memory_space<vmem>>) target_semaphore(%arg12 : memref<!tpu.dma_semaphore, #tpu.memory_space<semaphore_mem>>)
      %slice3A_210 = vector.extract_strided_slice %get3A_17 {offsets = [6], sizes = [1], strides = [1]} : vector<16xi32> to vector<1xi32>
      %squeeze3A_211 = vector.extract %slice3A_210[0] : i32 from vector<1xi32>
      %dma_start3A_212 = arith.constant 6 : i32
      %dma_start3A_213 = arith.constant 0 : i32
      %dma_start3A_214 = tpu.memref_slice %arg10[%dma_start3A_212, %dma_start3A_213] : memref<32x128xf32, #tpu.memory_space<vmem>> -> memref<1x64xf32, #tpu.memory_space<vmem>>
      %dma_start3A_215 = tpu.memref_squeeze %dma_start3A_214 : memref<1x64xf32, #tpu.memory_space<vmem>> -> memref<64xf32, #tpu.memory_space<vmem>>
      %dma_start3A_216 = arith.constant 0 : i32
      %dma_start3A_217 = tpu.memref_slice %arg5[%squeeze3A_211, %dma_start3A_216] : memref<1000000x64xf32, #tpu.memory_space<hbm>> -> memref<1x64xf32, #tpu.memory_space<hbm>>
      %dma_start3A_218 = tpu.memref_squeeze %dma_start3A_217 : memref<1x64xf32, #tpu.memory_space<hbm>> -> memref<64xf32, #tpu.memory_space<hbm>>
      %dma_start3A_219 = arith.constant 0 : i32
      %dma_start3A_220 = tpu.memref_slice %arg10[%dma_start3A_212, %dma_start3A_219] : memref<32x128xf32, #tpu.memory_space<vmem>> -> memref<1x64xf32, #tpu.memory_space<vmem>>
      %dma_start3A_221 = tpu.memref_squeeze %dma_start3A_220 : memref<1x64xf32, #tpu.memory_space<vmem>> -> memref<64xf32, #tpu.memory_space<vmem>>
      %dma_start3A_222 = arith.constant 0 : i32
      %dma_start3A_223 = tpu.memref_slice %arg5[%squeeze3A_211, %dma_start3A_222] : memref<1000000x64xf32, #tpu.memory_space<hbm>> -> memref<1x64xf32, #tpu.memory_space<hbm>>
      %dma_start3A_224 = tpu.memref_squeeze %dma_start3A_223 : memref<1x64xf32, #tpu.memory_space<hbm>> -> memref<64xf32, #tpu.memory_space<hbm>>
      tpu.enqueue_dma source(%dma_start3A_224 : memref<64xf32, #tpu.memory_space<hbm>>) target(%dma_start3A_221 : memref<64xf32, #tpu.memory_space<vmem>>) target_semaphore(%arg13 : memref<!tpu.dma_semaphore, #tpu.memory_space<semaphore_mem>>)
      %slice3A_225 = vector.extract_strided_slice %get3A_13 {offsets = [7], sizes = [1], strides = [1]} : vector<16xi32> to vector<1xi32>
      %squeeze3A_226 = vector.extract %slice3A_225[0] : i32 from vector<1xi32>
      %dma_start3A_227 = arith.constant 7 : i32
      %dma_start3A_228 = arith.constant 0 : i32
      %dma_start3A_229 = tpu.memref_slice %arg9[%dma_start3A_227, %dma_start3A_228] : memref<32x128xf32, #tpu.memory_space<vmem>> -> memref<1x64xf32, #tpu.memory_space<vmem>>
      %dma_start3A_230 = tpu.memref_squeeze %dma_start3A_229 : memref<1x64xf32, #tpu.memory_space<vmem>> -> memref<64xf32, #tpu.memory_space<vmem>>
      %dma_start3A_231 = arith.constant 0 : i32
      %dma_start3A_232 = tpu.memref_slice %arg4[%squeeze3A_226, %dma_start3A_231] : memref<1000000x64xf32, #tpu.memory_space<hbm>> -> memref<1x64xf32, #tpu.memory_space<hbm>>
      %dma_start3A_233 = tpu.memref_squeeze %dma_start3A_232 : memref<1x64xf32, #tpu.memory_space<hbm>> -> memref<64xf32, #tpu.memory_space<hbm>>
      %dma_start3A_234 = arith.constant 0 : i32
      %dma_start3A_235 = tpu.memref_slice %arg9[%dma_start3A_227, %dma_start3A_234] : memref<32x128xf32, #tpu.memory_space<vmem>> -> memref<1x64xf32, #tpu.memory_space<vmem>>
      %dma_start3A_236 = tpu.memref_squeeze %dma_start3A_235 : memref<1x64xf32, #tpu.memory_space<vmem>> -> memref<64xf32, #tpu.memory_space<vmem>>
      %dma_start3A_237 = arith.constant 0 : i32
      %dma_start3A_238 = tpu.memref_slice %arg4[%squeeze3A_226, %dma_start3A_237] : memref<1000000x64xf32, #tpu.memory_space<hbm>> -> memref<1x64xf32, #tpu.memory_space<hbm>>
      %dma_start3A_239 = tpu.memref_squeeze %dma_start3A_238 : memref<1x64xf32, #tpu.memory_space<hbm>> -> memref<64xf32, #tpu.memory_space<hbm>>
      tpu.enqueue_dma source(%dma_start3A_239 : memref<64xf32, #tpu.memory_space<hbm>>) target(%dma_start3A_236 : memref<64xf32, #tpu.memory_space<vmem>>) target_semaphore(%arg12 : memref<!tpu.dma_semaphore, #tpu.memory_space<semaphore_mem>>)
      %slice3A_240 = vector.extract_strided_slice %get3A_17 {offsets = [7], sizes = [1], strides = [1]} : vector<16xi32> to vector<1xi32>
      %squeeze3A_241 = vector.extract %slice3A_240[0] : i32 from vector<1xi32>
      %dma_start3A_242 = arith.constant 7 : i32
      %dma_start3A_243 = arith.constant 0 : i32
      %dma_start3A_244 = tpu.memref_slice %arg10[%dma_start3A_242, %dma_start3A_243] : memref<32x128xf32, #tpu.memory_space<vmem>> -> memref<1x64xf32, #tpu.memory_space<vmem>>
      %dma_start3A_245 = tpu.memref_squeeze %dma_start3A_244 : memref<1x64xf32, #tpu.memory_space<vmem>> -> memref<64xf32, #tpu.memory_space<vmem>>
      %dma_start3A_246 = arith.constant 0 : i32
      %dma_start3A_247 = tpu.memref_slice %arg5[%squeeze3A_241, %dma_start3A_246] : memref<1000000x64xf32, #tpu.memory_space<hbm>> -> memref<1x64xf32, #tpu.memory_space<hbm>>
      %dma_start3A_248 = tpu.memref_squeeze %dma_start3A_247 : memref<1x64xf32, #tpu.memory_space<hbm>> -> memref<64xf32, #tpu.memory_space<hbm>>
      %dma_start3A_249 = arith.constant 0 : i32
      %dma_start3A_250 = tpu.memref_slice %arg10[%dma_start3A_242, %dma_start3A_249] : memref<32x128xf32, #tpu.memory_space<vmem>> -> memref<1x64xf32, #tpu.memory_space<vmem>>
      %dma_start3A_251 = tpu.memref_squeeze %dma_start3A_250 : memref<1x64xf32, #tpu.memory_space<vmem>> -> memref<64xf32, #tpu.memory_space<vmem>>
      %dma_start3A_252 = arith.constant 0 : i32
      %dma_start3A_253 = tpu.memref_slice %arg5[%squeeze3A_241, %dma_start3A_252] : memref<1000000x64xf32, #tpu.memory_space<hbm>> -> memref<1x64xf32, #tpu.memory_space<hbm>>
      %dma_start3A_254 = tpu.memref_squeeze %dma_start3A_253 : memref<1x64xf32, #tpu.memory_space<hbm>> -> memref<64xf32, #tpu.memory_space<hbm>>
      tpu.enqueue_dma source(%dma_start3A_254 : memref<64xf32, #tpu.memory_space<hbm>>) target(%dma_start3A_251 : memref<64xf32, #tpu.memory_space<vmem>>) target_semaphore(%arg13 : memref<!tpu.dma_semaphore, #tpu.memory_space<semaphore_mem>>)
      %slice3A_255 = vector.extract_strided_slice %get3A_13 {offsets = [8], sizes = [1], strides = [1]} : vector<16xi32> to vector<1xi32>
      %squeeze3A_256 = vector.extract %slice3A_255[0] : i32 from vector<1xi32>
      %dma_start3A_257 = arith.constant 8 : i32
      %dma_start3A_258 = arith.constant 0 : i32
      %dma_start3A_259 = tpu.memref_slice %arg9[%dma_start3A_257, %dma_start3A_258] : memref<32x128xf32, #tpu.memory_space<vmem>> -> memref<1x64xf32, #tpu.memory_space<vmem>>
      %dma_start3A_260 = tpu.memref_squeeze %dma_start3A_259 : memref<1x64xf32, #tpu.memory_space<vmem>> -> memref<64xf32, #tpu.memory_space<vmem>>
      %dma_start3A_261 = arith.constant 0 : i32
      %dma_start3A_262 = tpu.memref_slice %arg4[%squeeze3A_256, %dma_start3A_261] : memref<1000000x64xf32, #tpu.memory_space<hbm>> -> memref<1x64xf32, #tpu.memory_space<hbm>>
      %dma_start3A_263 = tpu.memref_squeeze %dma_start3A_262 : memref<1x64xf32, #tpu.memory_space<hbm>> -> memref<64xf32, #tpu.memory_space<hbm>>
      %dma_start3A_264 = arith.constant 0 : i32
      %dma_start3A_265 = tpu.memref_slice %arg9[%dma_start3A_257, %dma_start3A_264] : memref<32x128xf32, #tpu.memory_space<vmem>> -> memref<1x64xf32, #tpu.memory_space<vmem>>
      %dma_start3A_266 = tpu.memref_squeeze %dma_start3A_265 : memref<1x64xf32, #tpu.memory_space<vmem>> -> memref<64xf32, #tpu.memory_space<vmem>>
      %dma_start3A_267 = arith.constant 0 : i32
      %dma_start3A_268 = tpu.memref_slice %arg4[%squeeze3A_256, %dma_start3A_267] : memref<1000000x64xf32, #tpu.memory_space<hbm>> -> memref<1x64xf32, #tpu.memory_space<hbm>>
      %dma_start3A_269 = tpu.memref_squeeze %dma_start3A_268 : memref<1x64xf32, #tpu.memory_space<hbm>> -> memref<64xf32, #tpu.memory_space<hbm>>
      tpu.enqueue_dma source(%dma_start3A_269 : memref<64xf32, #tpu.memory_space<hbm>>) target(%dma_start3A_266 : memref<64xf32, #tpu.memory_space<vmem>>) target_semaphore(%arg12 : memref<!tpu.dma_semaphore, #tpu.memory_space<semaphore_mem>>)
      %slice3A_270 = vector.extract_strided_slice %get3A_17 {offsets = [8], sizes = [1], strides = [1]} : vector<16xi32> to vector<1xi32>
      %squeeze3A_271 = vector.extract %slice3A_270[0] : i32 from vector<1xi32>
      %dma_start3A_272 = arith.constant 8 : i32
      %dma_start3A_273 = arith.constant 0 : i32
      %dma_start3A_274 = tpu.memref_slice %arg10[%dma_start3A_272, %dma_start3A_273] : memref<32x128xf32, #tpu.memory_space<vmem>> -> memref<1x64xf32, #tpu.memory_space<vmem>>
      %dma_start3A_275 = tpu.memref_squeeze %dma_start3A_274 : memref<1x64xf32, #tpu.memory_space<vmem>> -> memref<64xf32, #tpu.memory_space<vmem>>
      %dma_start3A_276 = arith.constant 0 : i32
      %dma_start3A_277 = tpu.memref_slice %arg5[%squeeze3A_271, %dma_start3A_276] : memref<1000000x64xf32, #tpu.memory_space<hbm>> -> memref<1x64xf32, #tpu.memory_space<hbm>>
      %dma_start3A_278 = tpu.memref_squeeze %dma_start3A_277 : memref<1x64xf32, #tpu.memory_space<hbm>> -> memref<64xf32, #tpu.memory_space<hbm>>
      %dma_start3A_279 = arith.constant 0 : i32
      %dma_start3A_280 = tpu.memref_slice %arg10[%dma_start3A_272, %dma_start3A_279] : memref<32x128xf32, #tpu.memory_space<vmem>> -> memref<1x64xf32, #tpu.memory_space<vmem>>
      %dma_start3A_281 = tpu.memref_squeeze %dma_start3A_280 : memref<1x64xf32, #tpu.memory_space<vmem>> -> memref<64xf32, #tpu.memory_space<vmem>>
      %dma_start3A_282 = arith.constant 0 : i32
      %dma_start3A_283 = tpu.memref_slice %arg5[%squeeze3A_271, %dma_start3A_282] : memref<1000000x64xf32, #tpu.memory_space<hbm>> -> memref<1x64xf32, #tpu.memory_space<hbm>>
      %dma_start3A_284 = tpu.memref_squeeze %dma_start3A_283 : memref<1x64xf32, #tpu.memory_space<hbm>> -> memref<64xf32, #tpu.memory_space<hbm>>
      tpu.enqueue_dma source(%dma_start3A_284 : memref<64xf32, #tpu.memory_space<hbm>>) target(%dma_start3A_281 : memref<64xf32, #tpu.memory_space<vmem>>) target_semaphore(%arg13 : memref<!tpu.dma_semaphore, #tpu.memory_space<semaphore_mem>>)
      %slice3A_285 = vector.extract_strided_slice %get3A_13 {offsets = [9], sizes = [1], strides = [1]} : vector<16xi32> to vector<1xi32>
      %squeeze3A_286 = vector.extract %slice3A_285[0] : i32 from vector<1xi32>
      %dma_start3A_287 = arith.constant 9 : i32
      %dma_start3A_288 = arith.constant 0 : i32
      %dma_start3A_289 = tpu.memref_slice %arg9[%dma_start3A_287, %dma_start3A_288] : memref<32x128xf32, #tpu.memory_space<vmem>> -> memref<1x64xf32, #tpu.memory_space<vmem>>
      %dma_start3A_290 = tpu.memref_squeeze %dma_start3A_289 : memref<1x64xf32, #tpu.memory_space<vmem>> -> memref<64xf32, #tpu.memory_space<vmem>>
      %dma_start3A_291 = arith.constant 0 : i32
      %dma_start3A_292 = tpu.memref_slice %arg4[%squeeze3A_286, %dma_start3A_291] : memref<1000000x64xf32, #tpu.memory_space<hbm>> -> memref<1x64xf32, #tpu.memory_space<hbm>>
      %dma_start3A_293 = tpu.memref_squeeze %dma_start3A_292 : memref<1x64xf32, #tpu.memory_space<hbm>> -> memref<64xf32, #tpu.memory_space<hbm>>
      %dma_start3A_294 = arith.constant 0 : i32
      %dma_start3A_295 = tpu.memref_slice %arg9[%dma_start3A_287, %dma_start3A_294] : memref<32x128xf32, #tpu.memory_space<vmem>> -> memref<1x64xf32, #tpu.memory_space<vmem>>
      %dma_start3A_296 = tpu.memref_squeeze %dma_start3A_295 : memref<1x64xf32, #tpu.memory_space<vmem>> -> memref<64xf32, #tpu.memory_space<vmem>>
      %dma_start3A_297 = arith.constant 0 : i32
      %dma_start3A_298 = tpu.memref_slice %arg4[%squeeze3A_286, %dma_start3A_297] : memref<1000000x64xf32, #tpu.memory_space<hbm>> -> memref<1x64xf32, #tpu.memory_space<hbm>>
      %dma_start3A_299 = tpu.memref_squeeze %dma_start3A_298 : memref<1x64xf32, #tpu.memory_space<hbm>> -> memref<64xf32, #tpu.memory_space<hbm>>
      tpu.enqueue_dma source(%dma_start3A_299 : memref<64xf32, #tpu.memory_space<hbm>>) target(%dma_start3A_296 : memref<64xf32, #tpu.memory_space<vmem>>) target_semaphore(%arg12 : memref<!tpu.dma_semaphore, #tpu.memory_space<semaphore_mem>>)
      %slice3A_300 = vector.extract_strided_slice %get3A_17 {offsets = [9], sizes = [1], strides = [1]} : vector<16xi32> to vector<1xi32>
      %squeeze3A_301 = vector.extract %slice3A_300[0] : i32 from vector<1xi32>
      %dma_start3A_302 = arith.constant 9 : i32
      %dma_start3A_303 = arith.constant 0 : i32
      %dma_start3A_304 = tpu.memref_slice %arg10[%dma_start3A_302, %dma_start3A_303] : memref<32x128xf32, #tpu.memory_space<vmem>> -> memref<1x64xf32, #tpu.memory_space<vmem>>
      %dma_start3A_305 = tpu.memref_squeeze %dma_start3A_304 : memref<1x64xf32, #tpu.memory_space<vmem>> -> memref<64xf32, #tpu.memory_space<vmem>>
      %dma_start3A_306 = arith.constant 0 : i32
      %dma_start3A_307 = tpu.memref_slice %arg5[%squeeze3A_301, %dma_start3A_306] : memref<1000000x64xf32, #tpu.memory_space<hbm>> -> memref<1x64xf32, #tpu.memory_space<hbm>>
      %dma_start3A_308 = tpu.memref_squeeze %dma_start3A_307 : memref<1x64xf32, #tpu.memory_space<hbm>> -> memref<64xf32, #tpu.memory_space<hbm>>
      %dma_start3A_309 = arith.constant 0 : i32
      %dma_start3A_310 = tpu.memref_slice %arg10[%dma_start3A_302, %dma_start3A_309] : memref<32x128xf32, #tpu.memory_space<vmem>> -> memref<1x64xf32, #tpu.memory_space<vmem>>
      %dma_start3A_311 = tpu.memref_squeeze %dma_start3A_310 : memref<1x64xf32, #tpu.memory_space<vmem>> -> memref<64xf32, #tpu.memory_space<vmem>>
      %dma_start3A_312 = arith.constant 0 : i32
      %dma_start3A_313 = tpu.memref_slice %arg5[%squeeze3A_301, %dma_start3A_312] : memref<1000000x64xf32, #tpu.memory_space<hbm>> -> memref<1x64xf32, #tpu.memory_space<hbm>>
      %dma_start3A_314 = tpu.memref_squeeze %dma_start3A_313 : memref<1x64xf32, #tpu.memory_space<hbm>> -> memref<64xf32, #tpu.memory_space<hbm>>
      tpu.enqueue_dma source(%dma_start3A_314 : memref<64xf32, #tpu.memory_space<hbm>>) target(%dma_start3A_311 : memref<64xf32, #tpu.memory_space<vmem>>) target_semaphore(%arg13 : memref<!tpu.dma_semaphore, #tpu.memory_space<semaphore_mem>>)
      %slice3A_315 = vector.extract_strided_slice %get3A_13 {offsets = [10], sizes = [1], strides = [1]} : vector<16xi32> to vector<1xi32>
      %squeeze3A_316 = vector.extract %slice3A_315[0] : i32 from vector<1xi32>
      %dma_start3A_317 = arith.constant 10 : i32
      %dma_start3A_318 = arith.constant 0 : i32
      %dma_start3A_319 = tpu.memref_slice %arg9[%dma_start3A_317, %dma_start3A_318] : memref<32x128xf32, #tpu.memory_space<vmem>> -> memref<1x64xf32, #tpu.memory_space<vmem>>
      %dma_start3A_320 = tpu.memref_squeeze %dma_start3A_319 : memref<1x64xf32, #tpu.memory_space<vmem>> -> memref<64xf32, #tpu.memory_space<vmem>>
      %dma_start3A_321 = arith.constant 0 : i32
      %dma_start3A_322 = tpu.memref_slice %arg4[%squeeze3A_316, %dma_start3A_321] : memref<1000000x64xf32, #tpu.memory_space<hbm>> -> memref<1x64xf32, #tpu.memory_space<hbm>>
      %dma_start3A_323 = tpu.memref_squeeze %dma_start3A_322 : memref<1x64xf32, #tpu.memory_space<hbm>> -> memref<64xf32, #tpu.memory_space<hbm>>
      %dma_start3A_324 = arith.constant 0 : i32
      %dma_start3A_325 = tpu.memref_slice %arg9[%dma_start3A_317, %dma_start3A_324] : memref<32x128xf32, #tpu.memory_space<vmem>> -> memref<1x64xf32, #tpu.memory_space<vmem>>
      %dma_start3A_326 = tpu.memref_squeeze %dma_start3A_325 : memref<1x64xf32, #tpu.memory_space<vmem>> -> memref<64xf32, #tpu.memory_space<vmem>>
      %dma_start3A_327 = arith.constant 0 : i32
      %dma_start3A_328 = tpu.memref_slice %arg4[%squeeze3A_316, %dma_start3A_327] : memref<1000000x64xf32, #tpu.memory_space<hbm>> -> memref<1x64xf32, #tpu.memory_space<hbm>>
      %dma_start3A_329 = tpu.memref_squeeze %dma_start3A_328 : memref<1x64xf32, #tpu.memory_space<hbm>> -> memref<64xf32, #tpu.memory_space<hbm>>
      tpu.enqueue_dma source(%dma_start3A_329 : memref<64xf32, #tpu.memory_space<hbm>>) target(%dma_start3A_326 : memref<64xf32, #tpu.memory_space<vmem>>) target_semaphore(%arg12 : memref<!tpu.dma_semaphore, #tpu.memory_space<semaphore_mem>>)
      %slice3A_330 = vector.extract_strided_slice %get3A_17 {offsets = [10], sizes = [1], strides = [1]} : vector<16xi32> to vector<1xi32>
      %squeeze3A_331 = vector.extract %slice3A_330[0] : i32 from vector<1xi32>
      %dma_start3A_332 = arith.constant 10 : i32
      %dma_start3A_333 = arith.constant 0 : i32
      %dma_start3A_334 = tpu.memref_slice %arg10[%dma_start3A_332, %dma_start3A_333] : memref<32x128xf32, #tpu.memory_space<vmem>> -> memref<1x64xf32, #tpu.memory_space<vmem>>
      %dma_start3A_335 = tpu.memref_squeeze %dma_start3A_334 : memref<1x64xf32, #tpu.memory_space<vmem>> -> memref<64xf32, #tpu.memory_space<vmem>>
      %dma_start3A_336 = arith.constant 0 : i32
      %dma_start3A_337 = tpu.memref_slice %arg5[%squeeze3A_331, %dma_start3A_336] : memref<1000000x64xf32, #tpu.memory_space<hbm>> -> memref<1x64xf32, #tpu.memory_space<hbm>>
      %dma_start3A_338 = tpu.memref_squeeze %dma_start3A_337 : memref<1x64xf32, #tpu.memory_space<hbm>> -> memref<64xf32, #tpu.memory_space<hbm>>
      %dma_start3A_339 = arith.constant 0 : i32
      %dma_start3A_340 = tpu.memref_slice %arg10[%dma_start3A_332, %dma_start3A_339] : memref<32x128xf32, #tpu.memory_space<vmem>> -> memref<1x64xf32, #tpu.memory_space<vmem>>
      %dma_start3A_341 = tpu.memref_squeeze %dma_start3A_340 : memref<1x64xf32, #tpu.memory_space<vmem>> -> memref<64xf32, #tpu.memory_space<vmem>>
      %dma_start3A_342 = arith.constant 0 : i32
      %dma_start3A_343 = tpu.memref_slice %arg5[%squeeze3A_331, %dma_start3A_342] : memref<1000000x64xf32, #tpu.memory_space<hbm>> -> memref<1x64xf32, #tpu.memory_space<hbm>>
      %dma_start3A_344 = tpu.memref_squeeze %dma_start3A_343 : memref<1x64xf32, #tpu.memory_space<hbm>> -> memref<64xf32, #tpu.memory_space<hbm>>
      tpu.enqueue_dma source(%dma_start3A_344 : memref<64xf32, #tpu.memory_space<hbm>>) target(%dma_start3A_341 : memref<64xf32, #tpu.memory_space<vmem>>) target_semaphore(%arg13 : memref<!tpu.dma_semaphore, #tpu.memory_space<semaphore_mem>>)
      %slice3A_345 = vector.extract_strided_slice %get3A_13 {offsets = [11], sizes = [1], strides = [1]} : vector<16xi32> to vector<1xi32>
      %squeeze3A_346 = vector.extract %slice3A_345[0] : i32 from vector<1xi32>
      %dma_start3A_347 = arith.constant 11 : i32
      %dma_start3A_348 = arith.constant 0 : i32
      %dma_start3A_349 = tpu.memref_slice %arg9[%dma_start3A_347, %dma_start3A_348] : memref<32x128xf32, #tpu.memory_space<vmem>> -> memref<1x64xf32, #tpu.memory_space<vmem>>
      %dma_start3A_350 = tpu.memref_squeeze %dma_start3A_349 : memref<1x64xf32, #tpu.memory_space<vmem>> -> memref<64xf32, #tpu.memory_space<vmem>>
      %dma_start3A_351 = arith.constant 0 : i32
      %dma_start3A_352 = tpu.memref_slice %arg4[%squeeze3A_346, %dma_start3A_351] : memref<1000000x64xf32, #tpu.memory_space<hbm>> -> memref<1x64xf32, #tpu.memory_space<hbm>>
      %dma_start3A_353 = tpu.memref_squeeze %dma_start3A_352 : memref<1x64xf32, #tpu.memory_space<hbm>> -> memref<64xf32, #tpu.memory_space<hbm>>
      %dma_start3A_354 = arith.constant 0 : i32
      %dma_start3A_355 = tpu.memref_slice %arg9[%dma_start3A_347, %dma_start3A_354] : memref<32x128xf32, #tpu.memory_space<vmem>> -> memref<1x64xf32, #tpu.memory_space<vmem>>
      %dma_start3A_356 = tpu.memref_squeeze %dma_start3A_355 : memref<1x64xf32, #tpu.memory_space<vmem>> -> memref<64xf32, #tpu.memory_space<vmem>>
      %dma_start3A_357 = arith.constant 0 : i32
      %dma_start3A_358 = tpu.memref_slice %arg4[%squeeze3A_346, %dma_start3A_357] : memref<1000000x64xf32, #tpu.memory_space<hbm>> -> memref<1x64xf32, #tpu.memory_space<hbm>>
      %dma_start3A_359 = tpu.memref_squeeze %dma_start3A_358 : memref<1x64xf32, #tpu.memory_space<hbm>> -> memref<64xf32, #tpu.memory_space<hbm>>
      tpu.enqueue_dma source(%dma_start3A_359 : memref<64xf32, #tpu.memory_space<hbm>>) target(%dma_start3A_356 : memref<64xf32, #tpu.memory_space<vmem>>) target_semaphore(%arg12 : memref<!tpu.dma_semaphore, #tpu.memory_space<semaphore_mem>>)
      %slice3A_360 = vector.extract_strided_slice %get3A_17 {offsets = [11], sizes = [1], strides = [1]} : vector<16xi32> to vector<1xi32>
      %squeeze3A_361 = vector.extract %slice3A_360[0] : i32 from vector<1xi32>
      %dma_start3A_362 = arith.constant 11 : i32
      %dma_start3A_363 = arith.constant 0 : i32
      %dma_start3A_364 = tpu.memref_slice %arg10[%dma_start3A_362, %dma_start3A_363] : memref<32x128xf32, #tpu.memory_space<vmem>> -> memref<1x64xf32, #tpu.memory_space<vmem>>
      %dma_start3A_365 = tpu.memref_squeeze %dma_start3A_364 : memref<1x64xf32, #tpu.memory_space<vmem>> -> memref<64xf32, #tpu.memory_space<vmem>>
      %dma_start3A_366 = arith.constant 0 : i32
      %dma_start3A_367 = tpu.memref_slice %arg5[%squeeze3A_361, %dma_start3A_366] : memref<1000000x64xf32, #tpu.memory_space<hbm>> -> memref<1x64xf32, #tpu.memory_space<hbm>>
      %dma_start3A_368 = tpu.memref_squeeze %dma_start3A_367 : memref<1x64xf32, #tpu.memory_space<hbm>> -> memref<64xf32, #tpu.memory_space<hbm>>
      %dma_start3A_369 = arith.constant 0 : i32
      %dma_start3A_370 = tpu.memref_slice %arg10[%dma_start3A_362, %dma_start3A_369] : memref<32x128xf32, #tpu.memory_space<vmem>> -> memref<1x64xf32, #tpu.memory_space<vmem>>
      %dma_start3A_371 = tpu.memref_squeeze %dma_start3A_370 : memref<1x64xf32, #tpu.memory_space<vmem>> -> memref<64xf32, #tpu.memory_space<vmem>>
      %dma_start3A_372 = arith.constant 0 : i32
      %dma_start3A_373 = tpu.memref_slice %arg5[%squeeze3A_361, %dma_start3A_372] : memref<1000000x64xf32, #tpu.memory_space<hbm>> -> memref<1x64xf32, #tpu.memory_space<hbm>>
      %dma_start3A_374 = tpu.memref_squeeze %dma_start3A_373 : memref<1x64xf32, #tpu.memory_space<hbm>> -> memref<64xf32, #tpu.memory_space<hbm>>
      tpu.enqueue_dma source(%dma_start3A_374 : memref<64xf32, #tpu.memory_space<hbm>>) target(%dma_start3A_371 : memref<64xf32, #tpu.memory_space<vmem>>) target_semaphore(%arg13 : memref<!tpu.dma_semaphore, #tpu.memory_space<semaphore_mem>>)
      %slice3A_375 = vector.extract_strided_slice %get3A_13 {offsets = [12], sizes = [1], strides = [1]} : vector<16xi32> to vector<1xi32>
      %squeeze3A_376 = vector.extract %slice3A_375[0] : i32 from vector<1xi32>
      %dma_start3A_377 = arith.constant 12 : i32
      %dma_start3A_378 = arith.constant 0 : i32
      %dma_start3A_379 = tpu.memref_slice %arg9[%dma_start3A_377, %dma_start3A_378] : memref<32x128xf32, #tpu.memory_space<vmem>> -> memref<1x64xf32, #tpu.memory_space<vmem>>
      %dma_start3A_380 = tpu.memref_squeeze %dma_start3A_379 : memref<1x64xf32, #tpu.memory_space<vmem>> -> memref<64xf32, #tpu.memory_space<vmem>>
      %dma_start3A_381 = arith.constant 0 : i32
      %dma_start3A_382 = tpu.memref_slice %arg4[%squeeze3A_376, %dma_start3A_381] : memref<1000000x64xf32, #tpu.memory_space<hbm>> -> memref<1x64xf32, #tpu.memory_space<hbm>>
      %dma_start3A_383 = tpu.memref_squeeze %dma_start3A_382 : memref<1x64xf32, #tpu.memory_space<hbm>> -> memref<64xf32, #tpu.memory_space<hbm>>
      %dma_start3A_384 = arith.constant 0 : i32
      %dma_start3A_385 = tpu.memref_slice %arg9[%dma_start3A_377, %dma_start3A_384] : memref<32x128xf32, #tpu.memory_space<vmem>> -> memref<1x64xf32, #tpu.memory_space<vmem>>
      %dma_start3A_386 = tpu.memref_squeeze %dma_start3A_385 : memref<1x64xf32, #tpu.memory_space<vmem>> -> memref<64xf32, #tpu.memory_space<vmem>>
      %dma_start3A_387 = arith.constant 0 : i32
      %dma_start3A_388 = tpu.memref_slice %arg4[%squeeze3A_376, %dma_start3A_387] : memref<1000000x64xf32, #tpu.memory_space<hbm>> -> memref<1x64xf32, #tpu.memory_space<hbm>>
      %dma_start3A_389 = tpu.memref_squeeze %dma_start3A_388 : memref<1x64xf32, #tpu.memory_space<hbm>> -> memref<64xf32, #tpu.memory_space<hbm>>
      tpu.enqueue_dma source(%dma_start3A_389 : memref<64xf32, #tpu.memory_space<hbm>>) target(%dma_start3A_386 : memref<64xf32, #tpu.memory_space<vmem>>) target_semaphore(%arg12 : memref<!tpu.dma_semaphore, #tpu.memory_space<semaphore_mem>>)
      %slice3A_390 = vector.extract_strided_slice %get3A_17 {offsets = [12], sizes = [1], strides = [1]} : vector<16xi32> to vector<1xi32>
      %squeeze3A_391 = vector.extract %slice3A_390[0] : i32 from vector<1xi32>
      %dma_start3A_392 = arith.constant 12 : i32
      %dma_start3A_393 = arith.constant 0 : i32
      %dma_start3A_394 = tpu.memref_slice %arg10[%dma_start3A_392, %dma_start3A_393] : memref<32x128xf32, #tpu.memory_space<vmem>> -> memref<1x64xf32, #tpu.memory_space<vmem>>
      %dma_start3A_395 = tpu.memref_squeeze %dma_start3A_394 : memref<1x64xf32, #tpu.memory_space<vmem>> -> memref<64xf32, #tpu.memory_space<vmem>>
      %dma_start3A_396 = arith.constant 0 : i32
      %dma_start3A_397 = tpu.memref_slice %arg5[%squeeze3A_391, %dma_start3A_396] : memref<1000000x64xf32, #tpu.memory_space<hbm>> -> memref<1x64xf32, #tpu.memory_space<hbm>>
      %dma_start3A_398 = tpu.memref_squeeze %dma_start3A_397 : memref<1x64xf32, #tpu.memory_space<hbm>> -> memref<64xf32, #tpu.memory_space<hbm>>
      %dma_start3A_399 = arith.constant 0 : i32
      %dma_start3A_400 = tpu.memref_slice %arg10[%dma_start3A_392, %dma_start3A_399] : memref<32x128xf32, #tpu.memory_space<vmem>> -> memref<1x64xf32, #tpu.memory_space<vmem>>
      %dma_start3A_401 = tpu.memref_squeeze %dma_start3A_400 : memref<1x64xf32, #tpu.memory_space<vmem>> -> memref<64xf32, #tpu.memory_space<vmem>>
      %dma_start3A_402 = arith.constant 0 : i32
      %dma_start3A_403 = tpu.memref_slice %arg5[%squeeze3A_391, %dma_start3A_402] : memref<1000000x64xf32, #tpu.memory_space<hbm>> -> memref<1x64xf32, #tpu.memory_space<hbm>>
      %dma_start3A_404 = tpu.memref_squeeze %dma_start3A_403 : memref<1x64xf32, #tpu.memory_space<hbm>> -> memref<64xf32, #tpu.memory_space<hbm>>
      tpu.enqueue_dma source(%dma_start3A_404 : memref<64xf32, #tpu.memory_space<hbm>>) target(%dma_start3A_401 : memref<64xf32, #tpu.memory_space<vmem>>) target_semaphore(%arg13 : memref<!tpu.dma_semaphore, #tpu.memory_space<semaphore_mem>>)
      %slice3A_405 = vector.extract_strided_slice %get3A_13 {offsets = [13], sizes = [1], strides = [1]} : vector<16xi32> to vector<1xi32>
      %squeeze3A_406 = vector.extract %slice3A_405[0] : i32 from vector<1xi32>
      %dma_start3A_407 = arith.constant 13 : i32
      %dma_start3A_408 = arith.constant 0 : i32
      %dma_start3A_409 = tpu.memref_slice %arg9[%dma_start3A_407, %dma_start3A_408] : memref<32x128xf32, #tpu.memory_space<vmem>> -> memref<1x64xf32, #tpu.memory_space<vmem>>
      %dma_start3A_410 = tpu.memref_squeeze %dma_start3A_409 : memref<1x64xf32, #tpu.memory_space<vmem>> -> memref<64xf32, #tpu.memory_space<vmem>>
      %dma_start3A_411 = arith.constant 0 : i32
      %dma_start3A_412 = tpu.memref_slice %arg4[%squeeze3A_406, %dma_start3A_411] : memref<1000000x64xf32, #tpu.memory_space<hbm>> -> memref<1x64xf32, #tpu.memory_space<hbm>>
      %dma_start3A_413 = tpu.memref_squeeze %dma_start3A_412 : memref<1x64xf32, #tpu.memory_space<hbm>> -> memref<64xf32, #tpu.memory_space<hbm>>
      %dma_start3A_414 = arith.constant 0 : i32
      %dma_start3A_415 = tpu.memref_slice %arg9[%dma_start3A_407, %dma_start3A_414] : memref<32x128xf32, #tpu.memory_space<vmem>> -> memref<1x64xf32, #tpu.memory_space<vmem>>
      %dma_start3A_416 = tpu.memref_squeeze %dma_start3A_415 : memref<1x64xf32, #tpu.memory_space<vmem>> -> memref<64xf32, #tpu.memory_space<vmem>>
      %dma_start3A_417 = arith.constant 0 : i32
      %dma_start3A_418 = tpu.memref_slice %arg4[%squeeze3A_406, %dma_start3A_417] : memref<1000000x64xf32, #tpu.memory_space<hbm>> -> memref<1x64xf32, #tpu.memory_space<hbm>>
      %dma_start3A_419 = tpu.memref_squeeze %dma_start3A_418 : memref<1x64xf32, #tpu.memory_space<hbm>> -> memref<64xf32, #tpu.memory_space<hbm>>
      tpu.enqueue_dma source(%dma_start3A_419 : memref<64xf32, #tpu.memory_space<hbm>>) target(%dma_start3A_416 : memref<64xf32, #tpu.memory_space<vmem>>) target_semaphore(%arg12 : memref<!tpu.dma_semaphore, #tpu.memory_space<semaphore_mem>>)
      %slice3A_420 = vector.extract_strided_slice %get3A_17 {offsets = [13], sizes = [1], strides = [1]} : vector<16xi32> to vector<1xi32>
      %squeeze3A_421 = vector.extract %slice3A_420[0] : i32 from vector<1xi32>
      %dma_start3A_422 = arith.constant 13 : i32
      %dma_start3A_423 = arith.constant 0 : i32
      %dma_start3A_424 = tpu.memref_slice %arg10[%dma_start3A_422, %dma_start3A_423] : memref<32x128xf32, #tpu.memory_space<vmem>> -> memref<1x64xf32, #tpu.memory_space<vmem>>
      %dma_start3A_425 = tpu.memref_squeeze %dma_start3A_424 : memref<1x64xf32, #tpu.memory_space<vmem>> -> memref<64xf32, #tpu.memory_space<vmem>>
      %dma_start3A_426 = arith.constant 0 : i32
      %dma_start3A_427 = tpu.memref_slice %arg5[%squeeze3A_421, %dma_start3A_426] : memref<1000000x64xf32, #tpu.memory_space<hbm>> -> memref<1x64xf32, #tpu.memory_space<hbm>>
      %dma_start3A_428 = tpu.memref_squeeze %dma_start3A_427 : memref<1x64xf32, #tpu.memory_space<hbm>> -> memref<64xf32, #tpu.memory_space<hbm>>
      %dma_start3A_429 = arith.constant 0 : i32
      %dma_start3A_430 = tpu.memref_slice %arg10[%dma_start3A_422, %dma_start3A_429] : memref<32x128xf32, #tpu.memory_space<vmem>> -> memref<1x64xf32, #tpu.memory_space<vmem>>
      %dma_start3A_431 = tpu.memref_squeeze %dma_start3A_430 : memref<1x64xf32, #tpu.memory_space<vmem>> -> memref<64xf32, #tpu.memory_space<vmem>>
      %dma_start3A_432 = arith.constant 0 : i32
      %dma_start3A_433 = tpu.memref_slice %arg5[%squeeze3A_421, %dma_start3A_432] : memref<1000000x64xf32, #tpu.memory_space<hbm>> -> memref<1x64xf32, #tpu.memory_space<hbm>>
      %dma_start3A_434 = tpu.memref_squeeze %dma_start3A_433 : memref<1x64xf32, #tpu.memory_space<hbm>> -> memref<64xf32, #tpu.memory_space<hbm>>
      tpu.enqueue_dma source(%dma_start3A_434 : memref<64xf32, #tpu.memory_space<hbm>>) target(%dma_start3A_431 : memref<64xf32, #tpu.memory_space<vmem>>) target_semaphore(%arg13 : memref<!tpu.dma_semaphore, #tpu.memory_space<semaphore_mem>>)
      %slice3A_435 = vector.extract_strided_slice %get3A_13 {offsets = [14], sizes = [1], strides = [1]} : vector<16xi32> to vector<1xi32>
      %squeeze3A_436 = vector.extract %slice3A_435[0] : i32 from vector<1xi32>
      %dma_start3A_437 = arith.constant 14 : i32
      %dma_start3A_438 = arith.constant 0 : i32
      %dma_start3A_439 = tpu.memref_slice %arg9[%dma_start3A_437, %dma_start3A_438] : memref<32x128xf32, #tpu.memory_space<vmem>> -> memref<1x64xf32, #tpu.memory_space<vmem>>
      %dma_start3A_440 = tpu.memref_squeeze %dma_start3A_439 : memref<1x64xf32, #tpu.memory_space<vmem>> -> memref<64xf32, #tpu.memory_space<vmem>>
      %dma_start3A_441 = arith.constant 0 : i32
      %dma_start3A_442 = tpu.memref_slice %arg4[%squeeze3A_436, %dma_start3A_441] : memref<1000000x64xf32, #tpu.memory_space<hbm>> -> memref<1x64xf32, #tpu.memory_space<hbm>>
      %dma_start3A_443 = tpu.memref_squeeze %dma_start3A_442 : memref<1x64xf32, #tpu.memory_space<hbm>> -> memref<64xf32, #tpu.memory_space<hbm>>
      %dma_start3A_444 = arith.constant 0 : i32
      %dma_start3A_445 = tpu.memref_slice %arg9[%dma_start3A_437, %dma_start3A_444] : memref<32x128xf32, #tpu.memory_space<vmem>> -> memref<1x64xf32, #tpu.memory_space<vmem>>
      %dma_start3A_446 = tpu.memref_squeeze %dma_start3A_445 : memref<1x64xf32, #tpu.memory_space<vmem>> -> memref<64xf32, #tpu.memory_space<vmem>>
      %dma_start3A_447 = arith.constant 0 : i32
      %dma_start3A_448 = tpu.memref_slice %arg4[%squeeze3A_436, %dma_start3A_447] : memref<1000000x64xf32, #tpu.memory_space<hbm>> -> memref<1x64xf32, #tpu.memory_space<hbm>>
      %dma_start3A_449 = tpu.memref_squeeze %dma_start3A_448 : memref<1x64xf32, #tpu.memory_space<hbm>> -> memref<64xf32, #tpu.memory_space<hbm>>
      tpu.enqueue_dma source(%dma_start3A_449 : memref<64xf32, #tpu.memory_space<hbm>>) target(%dma_start3A_446 : memref<64xf32, #tpu.memory_space<vmem>>) target_semaphore(%arg12 : memref<!tpu.dma_semaphore, #tpu.memory_space<semaphore_mem>>)
      %slice3A_450 = vector.extract_strided_slice %get3A_17 {offsets = [14], sizes = [1], strides = [1]} : vector<16xi32> to vector<1xi32>
      %squeeze3A_451 = vector.extract %slice3A_450[0] : i32 from vector<1xi32>
      %dma_start3A_452 = arith.constant 14 : i32
      %dma_start3A_453 = arith.constant 0 : i32
      %dma_start3A_454 = tpu.memref_slice %arg10[%dma_start3A_452, %dma_start3A_453] : memref<32x128xf32, #tpu.memory_space<vmem>> -> memref<1x64xf32, #tpu.memory_space<vmem>>
      %dma_start3A_455 = tpu.memref_squeeze %dma_start3A_454 : memref<1x64xf32, #tpu.memory_space<vmem>> -> memref<64xf32, #tpu.memory_space<vmem>>
      %dma_start3A_456 = arith.constant 0 : i32
      %dma_start3A_457 = tpu.memref_slice %arg5[%squeeze3A_451, %dma_start3A_456] : memref<1000000x64xf32, #tpu.memory_space<hbm>> -> memref<1x64xf32, #tpu.memory_space<hbm>>
      %dma_start3A_458 = tpu.memref_squeeze %dma_start3A_457 : memref<1x64xf32, #tpu.memory_space<hbm>> -> memref<64xf32, #tpu.memory_space<hbm>>
      %dma_start3A_459 = arith.constant 0 : i32
      %dma_start3A_460 = tpu.memref_slice %arg10[%dma_start3A_452, %dma_start3A_459] : memref<32x128xf32, #tpu.memory_space<vmem>> -> memref<1x64xf32, #tpu.memory_space<vmem>>
      %dma_start3A_461 = tpu.memref_squeeze %dma_start3A_460 : memref<1x64xf32, #tpu.memory_space<vmem>> -> memref<64xf32, #tpu.memory_space<vmem>>
      %dma_start3A_462 = arith.constant 0 : i32
      %dma_start3A_463 = tpu.memref_slice %arg5[%squeeze3A_451, %dma_start3A_462] : memref<1000000x64xf32, #tpu.memory_space<hbm>> -> memref<1x64xf32, #tpu.memory_space<hbm>>
      %dma_start3A_464 = tpu.memref_squeeze %dma_start3A_463 : memref<1x64xf32, #tpu.memory_space<hbm>> -> memref<64xf32, #tpu.memory_space<hbm>>
      tpu.enqueue_dma source(%dma_start3A_464 : memref<64xf32, #tpu.memory_space<hbm>>) target(%dma_start3A_461 : memref<64xf32, #tpu.memory_space<vmem>>) target_semaphore(%arg13 : memref<!tpu.dma_semaphore, #tpu.memory_space<semaphore_mem>>)
      %slice3A_465 = vector.extract_strided_slice %get3A_13 {offsets = [15], sizes = [1], strides = [1]} : vector<16xi32> to vector<1xi32>
      %squeeze3A_466 = vector.extract %slice3A_465[0] : i32 from vector<1xi32>
      %dma_start3A_467 = arith.constant 15 : i32
      %dma_start3A_468 = arith.constant 0 : i32
      %dma_start3A_469 = tpu.memref_slice %arg9[%dma_start3A_467, %dma_start3A_468] : memref<32x128xf32, #tpu.memory_space<vmem>> -> memref<1x64xf32, #tpu.memory_space<vmem>>
      %dma_start3A_470 = tpu.memref_squeeze %dma_start3A_469 : memref<1x64xf32, #tpu.memory_space<vmem>> -> memref<64xf32, #tpu.memory_space<vmem>>
      %dma_start3A_471 = arith.constant 0 : i32
      %dma_start3A_472 = tpu.memref_slice %arg4[%squeeze3A_466, %dma_start3A_471] : memref<1000000x64xf32, #tpu.memory_space<hbm>> -> memref<1x64xf32, #tpu.memory_space<hbm>>
      %dma_start3A_473 = tpu.memref_squeeze %dma_start3A_472 : memref<1x64xf32, #tpu.memory_space<hbm>> -> memref<64xf32, #tpu.memory_space<hbm>>
      %dma_start3A_474 = arith.constant 0 : i32
      %dma_start3A_475 = tpu.memref_slice %arg9[%dma_start3A_467, %dma_start3A_474] : memref<32x128xf32, #tpu.memory_space<vmem>> -> memref<1x64xf32, #tpu.memory_space<vmem>>
      %dma_start3A_476 = tpu.memref_squeeze %dma_start3A_475 : memref<1x64xf32, #tpu.memory_space<vmem>> -> memref<64xf32, #tpu.memory_space<vmem>>
      %dma_start3A_477 = arith.constant 0 : i32
      %dma_start3A_478 = tpu.memref_slice %arg4[%squeeze3A_466, %dma_start3A_477] : memref<1000000x64xf32, #tpu.memory_space<hbm>> -> memref<1x64xf32, #tpu.memory_space<hbm>>
      %dma_start3A_479 = tpu.memref_squeeze %dma_start3A_478 : memref<1x64xf32, #tpu.memory_space<hbm>> -> memref<64xf32, #tpu.memory_space<hbm>>
      tpu.enqueue_dma source(%dma_start3A_479 : memref<64xf32, #tpu.memory_space<hbm>>) target(%dma_start3A_476 : memref<64xf32, #tpu.memory_space<vmem>>) target_semaphore(%arg12 : memref<!tpu.dma_semaphore, #tpu.memory_space<semaphore_mem>>)
      %slice3A_480 = vector.extract_strided_slice %get3A_17 {offsets = [15], sizes = [1], strides = [1]} : vector<16xi32> to vector<1xi32>
      %squeeze3A_481 = vector.extract %slice3A_480[0] : i32 from vector<1xi32>
      %dma_start3A_482 = arith.constant 15 : i32
      %dma_start3A_483 = arith.constant 0 : i32
      %dma_start3A_484 = tpu.memref_slice %arg10[%dma_start3A_482, %dma_start3A_483] : memref<32x128xf32, #tpu.memory_space<vmem>> -> memref<1x64xf32, #tpu.memory_space<vmem>>
      %dma_start3A_485 = tpu.memref_squeeze %dma_start3A_484 : memref<1x64xf32, #tpu.memory_space<vmem>> -> memref<64xf32, #tpu.memory_space<vmem>>
      %dma_start3A_486 = arith.constant 0 : i32
      %dma_start3A_487 = tpu.memref_slice %arg5[%squeeze3A_481, %dma_start3A_486] : memref<1000000x64xf32, #tpu.memory_space<hbm>> -> memref<1x64xf32, #tpu.memory_space<hbm>>
      %dma_start3A_488 = tpu.memref_squeeze %dma_start3A_487 : memref<1x64xf32, #tpu.memory_space<hbm>> -> memref<64xf32, #tpu.memory_space<hbm>>
      %dma_start3A_489 = arith.constant 0 : i32
      %dma_start3A_490 = tpu.memref_slice %arg10[%dma_start3A_482, %dma_start3A_489] : memref<32x128xf32, #tpu.memory_space<vmem>> -> memref<1x64xf32, #tpu.memory_space<vmem>>
      %dma_start3A_491 = tpu.memref_squeeze %dma_start3A_490 : memref<1x64xf32, #tpu.memory_space<vmem>> -> memref<64xf32, #tpu.memory_space<vmem>>
      %dma_start3A_492 = arith.constant 0 : i32
      %dma_start3A_493 = tpu.memref_slice %arg5[%squeeze3A_481, %dma_start3A_492] : memref<1000000x64xf32, #tpu.memory_space<hbm>> -> memref<1x64xf32, #tpu.memory_space<hbm>>
      %dma_start3A_494 = tpu.memref_squeeze %dma_start3A_493 : memref<1x64xf32, #tpu.memory_space<hbm>> -> memref<64xf32, #tpu.memory_space<hbm>>
      tpu.enqueue_dma source(%dma_start3A_494 : memref<64xf32, #tpu.memory_space<hbm>>) target(%dma_start3A_491 : memref<64xf32, #tpu.memory_space<vmem>>) target_semaphore(%arg13 : memref<!tpu.dma_semaphore, #tpu.memory_space<semaphore_mem>>)
      %add3A_495 = arith.constant 16 : i32
      %add3A_496 = arith.addi %mul3A_10, %add3A_495 : i32
      %get3A_497 = arith.index_cast %add3A_496 : i32 to index
      %get3A_498 = tpu.vector_load %arg8[%get3A_497] {strides = array<i32>} : memref<512xi32, #tpu.memory_space<vmem>>, vector<16xi32>,
      %add3A_499 = arith.constant 16 : i32
      %add3A_500 = arith.addi %mul3A_10, %add3A_499 : i32
      %get3A_501 = arith.index_cast %add3A_500 : i32 to index
      %get3A_502 = tpu.vector_load %arg7[%get3A_501] {strides = array<i32>} : memref<512xi32, #tpu.memory_space<vmem>>, vector<16xi32>,
      %slice3A_503 = vector.extract_strided_slice %get3A_498 {offsets = [0], sizes = [1], strides = [1]} : vector<16xi32> to vector<1xi32>
      %squeeze3A_504 = vector.extract %slice3A_503[0] : i32 from vector<1xi32>
      %dma_start3A_505 = arith.constant 16 : i32
      %dma_start3A_506 = arith.constant 0 : i32
      %dma_start3A_507 = tpu.memref_slice %arg9[%dma_start3A_505, %dma_start3A_506] : memref<32x128xf32, #tpu.memory_space<vmem>> -> memref<1x64xf32, #tpu.memory_space<vmem>>
      %dma_start3A_508 = tpu.memref_squeeze %dma_start3A_507 : memref<1x64xf32, #tpu.memory_space<vmem>> -> memref<64xf32, #tpu.memory_space<vmem>>
      %dma_start3A_509 = arith.constant 0 : i32
      %dma_start3A_510 = tpu.memref_slice %arg4[%squeeze3A_504, %dma_start3A_509] : memref<1000000x64xf32, #tpu.memory_space<hbm>> -> memref<1x64xf32, #tpu.memory_space<hbm>>
      %dma_start3A_511 = tpu.memref_squeeze %dma_start3A_510 : memref<1x64xf32, #tpu.memory_space<hbm>> -> memref<64xf32, #tpu.memory_space<hbm>>
      %dma_start3A_512 = arith.constant 0 : i32
      %dma_start3A_513 = tpu.memref_slice %arg9[%dma_start3A_505, %dma_start3A_512] : memref<32x128xf32, #tpu.memory_space<vmem>> -> memref<1x64xf32, #tpu.memory_space<vmem>>
      %dma_start3A_514 = tpu.memref_squeeze %dma_start3A_513 : memref<1x64xf32, #tpu.memory_space<vmem>> -> memref<64xf32, #tpu.memory_space<vmem>>
      %dma_start3A_515 = arith.constant 0 : i32
      %dma_start3A_516 = tpu.memref_slice %arg4[%squeeze3A_504, %dma_start3A_515] : memref<1000000x64xf32, #tpu.memory_space<hbm>> -> memref<1x64xf32, #tpu.memory_space<hbm>>
      %dma_start3A_517 = tpu.memref_squeeze %dma_start3A_516 : memref<1x64xf32, #tpu.memory_space<hbm>> -> memref<64xf32, #tpu.memory_space<hbm>>
      tpu.enqueue_dma source(%dma_start3A_517 : memref<64xf32, #tpu.memory_space<hbm>>) target(%dma_start3A_514 : memref<64xf32, #tpu.memory_space<vmem>>) target_semaphore(%arg12 : memref<!tpu.dma_semaphore, #tpu.memory_space<semaphore_mem>>)
      %slice3A_518 = vector.extract_strided_slice %get3A_502 {offsets = [0], sizes = [1], strides = [1]} : vector<16xi32> to vector<1xi32>
      %squeeze3A_519 = vector.extract %slice3A_518[0] : i32 from vector<1xi32>
      %dma_start3A_520 = arith.constant 16 : i32
      %dma_start3A_521 = arith.constant 0 : i32
      %dma_start3A_522 = tpu.memref_slice %arg10[%dma_start3A_520, %dma_start3A_521] : memref<32x128xf32, #tpu.memory_space<vmem>> -> memref<1x64xf32, #tpu.memory_space<vmem>>
      %dma_start3A_523 = tpu.memref_squeeze %dma_start3A_522 : memref<1x64xf32, #tpu.memory_space<vmem>> -> memref<64xf32, #tpu.memory_space<vmem>>
      %dma_start3A_524 = arith.constant 0 : i32
      %dma_start3A_525 = tpu.memref_slice %arg5[%squeeze3A_519, %dma_start3A_524] : memref<1000000x64xf32, #tpu.memory_space<hbm>> -> memref<1x64xf32, #tpu.memory_space<hbm>>
      %dma_start3A_526 = tpu.memref_squeeze %dma_start3A_525 : memref<1x64xf32, #tpu.memory_space<hbm>> -> memref<64xf32, #tpu.memory_space<hbm>>
      %dma_start3A_527 = arith.constant 0 : i32
      %dma_start3A_528 = tpu.memref_slice %arg10[%dma_start3A_520, %dma_start3A_527] : memref<32x128xf32, #tpu.memory_space<vmem>> -> memref<1x64xf32, #tpu.memory_space<vmem>>
      %dma_start3A_529 = tpu.memref_squeeze %dma_start3A_528 : memref<1x64xf32, #tpu.memory_space<vmem>> -> memref<64xf32, #tpu.memory_space<vmem>>
      %dma_start3A_530 = arith.constant 0 : i32
      %dma_start3A_531 = tpu.memref_slice %arg5[%squeeze3A_519, %dma_start3A_530] : memref<1000000x64xf32, #tpu.memory_space<hbm>> -> memref<1x64xf32, #tpu.memory_space<hbm>>
      %dma_start3A_532 = tpu.memref_squeeze %dma_start3A_531 : memref<1x64xf32, #tpu.memory_space<hbm>> -> memref<64xf32, #tpu.memory_space<hbm>>
      tpu.enqueue_dma source(%dma_start3A_532 : memref<64xf32, #tpu.memory_space<hbm>>) target(%dma_start3A_529 : memref<64xf32, #tpu.memory_space<vmem>>) target_semaphore(%arg13 : memref<!tpu.dma_semaphore, #tpu.memory_space<semaphore_mem>>)
      %slice3A_533 = vector.extract_strided_slice %get3A_498 {offsets = [1], sizes = [1], strides = [1]} : vector<16xi32> to vector<1xi32>
      %squeeze3A_534 = vector.extract %slice3A_533[0] : i32 from vector<1xi32>
      %dma_start3A_535 = arith.constant 17 : i32
      %dma_start3A_536 = arith.constant 0 : i32
      %dma_start3A_537 = tpu.memref_slice %arg9[%dma_start3A_535, %dma_start3A_536] : memref<32x128xf32, #tpu.memory_space<vmem>> -> memref<1x64xf32, #tpu.memory_space<vmem>>
      %dma_start3A_538 = tpu.memref_squeeze %dma_start3A_537 : memref<1x64xf32, #tpu.memory_space<vmem>> -> memref<64xf32, #tpu.memory_space<vmem>>
      %dma_start3A_539 = arith.constant 0 : i32
      %dma_start3A_540 = tpu.memref_slice %arg4[%squeeze3A_534, %dma_start3A_539] : memref<1000000x64xf32, #tpu.memory_space<hbm>> -> memref<1x64xf32, #tpu.memory_space<hbm>>
      %dma_start3A_541 = tpu.memref_squeeze %dma_start3A_540 : memref<1x64xf32, #tpu.memory_space<hbm>> -> memref<64xf32, #tpu.memory_space<hbm>>
      %dma_start3A_542 = arith.constant 0 : i32
      %dma_start3A_543 = tpu.memref_slice %arg9[%dma_start3A_535, %dma_start3A_542] : memref<32x128xf32, #tpu.memory_space<vmem>> -> memref<1x64xf32, #tpu.memory_space<vmem>>
      %dma_start3A_544 = tpu.memref_squeeze %dma_start3A_543 : memref<1x64xf32, #tpu.memory_space<vmem>> -> memref<64xf32, #tpu.memory_space<vmem>>
      %dma_start3A_545 = arith.constant 0 : i32
      %dma_start3A_546 = tpu.memref_slice %arg4[%squeeze3A_534, %dma_start3A_545] : memref<1000000x64xf32, #tpu.memory_space<hbm>> -> memref<1x64xf32, #tpu.memory_space<hbm>>
      %dma_start3A_547 = tpu.memref_squeeze %dma_start3A_546 : memref<1x64xf32, #tpu.memory_space<hbm>> -> memref<64xf32, #tpu.memory_space<hbm>>
      tpu.enqueue_dma source(%dma_start3A_547 : memref<64xf32, #tpu.memory_space<hbm>>) target(%dma_start3A_544 : memref<64xf32, #tpu.memory_space<vmem>>) target_semaphore(%arg12 : memref<!tpu.dma_semaphore, #tpu.memory_space<semaphore_mem>>)
      %slice3A_548 = vector.extract_strided_slice %get3A_502 {offsets = [1], sizes = [1], strides = [1]} : vector<16xi32> to vector<1xi32>
      %squeeze3A_549 = vector.extract %slice3A_548[0] : i32 from vector<1xi32>
      %dma_start3A_550 = arith.constant 17 : i32
      %dma_start3A_551 = arith.constant 0 : i32
      %dma_start3A_552 = tpu.memref_slice %arg10[%dma_start3A_550, %dma_start3A_551] : memref<32x128xf32, #tpu.memory_space<vmem>> -> memref<1x64xf32, #tpu.memory_space<vmem>>
      %dma_start3A_553 = tpu.memref_squeeze %dma_start3A_552 : memref<1x64xf32, #tpu.memory_space<vmem>> -> memref<64xf32, #tpu.memory_space<vmem>>
      %dma_start3A_554 = arith.constant 0 : i32
      %dma_start3A_555 = tpu.memref_slice %arg5[%squeeze3A_549, %dma_start3A_554] : memref<1000000x64xf32, #tpu.memory_space<hbm>> -> memref<1x64xf32, #tpu.memory_space<hbm>>
      %dma_start3A_556 = tpu.memref_squeeze %dma_start3A_555 : memref<1x64xf32, #tpu.memory_space<hbm>> -> memref<64xf32, #tpu.memory_space<hbm>>
      %dma_start3A_557 = arith.constant 0 : i32
      %dma_start3A_558 = tpu.memref_slice %arg10[%dma_start3A_550, %dma_start3A_557] : memref<32x128xf32, #tpu.memory_space<vmem>> -> memref<1x64xf32, #tpu.memory_space<vmem>>
      %dma_start3A_559 = tpu.memref_squeeze %dma_start3A_558 : memref<1x64xf32, #tpu.memory_space<vmem>> -> memref<64xf32, #tpu.memory_space<vmem>>
      %dma_start3A_560 = arith.constant 0 : i32
      %dma_start3A_561 = tpu.memref_slice %arg5[%squeeze3A_549, %dma_start3A_560] : memref<1000000x64xf32, #tpu.memory_space<hbm>> -> memref<1x64xf32, #tpu.memory_space<hbm>>
      %dma_start3A_562 = tpu.memref_squeeze %dma_start3A_561 : memref<1x64xf32, #tpu.memory_space<hbm>> -> memref<64xf32, #tpu.memory_space<hbm>>
      tpu.enqueue_dma source(%dma_start3A_562 : memref<64xf32, #tpu.memory_space<hbm>>) target(%dma_start3A_559 : memref<64xf32, #tpu.memory_space<vmem>>) target_semaphore(%arg13 : memref<!tpu.dma_semaphore, #tpu.memory_space<semaphore_mem>>)
      %slice3A_563 = vector.extract_strided_slice %get3A_498 {offsets = [2], sizes = [1], strides = [1]} : vector<16xi32> to vector<1xi32>
      %squeeze3A_564 = vector.extract %slice3A_563[0] : i32 from vector<1xi32>
      %dma_start3A_565 = arith.constant 18 : i32
      %dma_start3A_566 = arith.constant 0 : i32
      %dma_start3A_567 = tpu.memref_slice %arg9[%dma_start3A_565, %dma_start3A_566] : memref<32x128xf32, #tpu.memory_space<vmem>> -> memref<1x64xf32, #tpu.memory_space<vmem>>
      %dma_start3A_568 = tpu.memref_squeeze %dma_start3A_567 : memref<1x64xf32, #tpu.memory_space<vmem>> -> memref<64xf32, #tpu.memory_space<vmem>>
      %dma_start3A_569 = arith.constant 0 : i32
      %dma_start3A_570 = tpu.memref_slice %arg4[%squeeze3A_564, %dma_start3A_569] : memref<1000000x64xf32, #tpu.memory_space<hbm>> -> memref<1x64xf32, #tpu.memory_space<hbm>>
      %dma_start3A_571 = tpu.memref_squeeze %dma_start3A_570 : memref<1x64xf32, #tpu.memory_space<hbm>> -> memref<64xf32, #tpu.memory_space<hbm>>
      %dma_start3A_572 = arith.constant 0 : i32
      %dma_start3A_573 = tpu.memref_slice %arg9[%dma_start3A_565, %dma_start3A_572] : memref<32x128xf32, #tpu.memory_space<vmem>> -> memref<1x64xf32, #tpu.memory_space<vmem>>
      %dma_start3A_574 = tpu.memref_squeeze %dma_start3A_573 : memref<1x64xf32, #tpu.memory_space<vmem>> -> memref<64xf32, #tpu.memory_space<vmem>>
      %dma_start3A_575 = arith.constant 0 : i32
      %dma_start3A_576 = tpu.memref_slice %arg4[%squeeze3A_564, %dma_start3A_575] : memref<1000000x64xf32, #tpu.memory_space<hbm>> -> memref<1x64xf32, #tpu.memory_space<hbm>>
      %dma_start3A_577 = tpu.memref_squeeze %dma_start3A_576 : memref<1x64xf32, #tpu.memory_space<hbm>> -> memref<64xf32, #tpu.memory_space<hbm>>
      tpu.enqueue_dma source(%dma_start3A_577 : memref<64xf32, #tpu.memory_space<hbm>>) target(%dma_start3A_574 : memref<64xf32, #tpu.memory_space<vmem>>) target_semaphore(%arg12 : memref<!tpu.dma_semaphore, #tpu.memory_space<semaphore_mem>>)
      %slice3A_578 = vector.extract_strided_slice %get3A_502 {offsets = [2], sizes = [1], strides = [1]} : vector<16xi32> to vector<1xi32>
      %squeeze3A_579 = vector.extract %slice3A_578[0] : i32 from vector<1xi32>
      %dma_start3A_580 = arith.constant 18 : i32
      %dma_start3A_581 = arith.constant 0 : i32
      %dma_start3A_582 = tpu.memref_slice %arg10[%dma_start3A_580, %dma_start3A_581] : memref<32x128xf32, #tpu.memory_space<vmem>> -> memref<1x64xf32, #tpu.memory_space<vmem>>
      %dma_start3A_583 = tpu.memref_squeeze %dma_start3A_582 : memref<1x64xf32, #tpu.memory_space<vmem>> -> memref<64xf32, #tpu.memory_space<vmem>>
      %dma_start3A_584 = arith.constant 0 : i32
      %dma_start3A_585 = tpu.memref_slice %arg5[%squeeze3A_579, %dma_start3A_584] : memref<1000000x64xf32, #tpu.memory_space<hbm>> -> memref<1x64xf32, #tpu.memory_space<hbm>>
      %dma_start3A_586 = tpu.memref_squeeze %dma_start3A_585 : memref<1x64xf32, #tpu.memory_space<hbm>> -> memref<64xf32, #tpu.memory_space<hbm>>
      %dma_start3A_587 = arith.constant 0 : i32
      %dma_start3A_588 = tpu.memref_slice %arg10[%dma_start3A_580, %dma_start3A_587] : memref<32x128xf32, #tpu.memory_space<vmem>> -> memref<1x64xf32, #tpu.memory_space<vmem>>
      %dma_start3A_589 = tpu.memref_squeeze %dma_start3A_588 : memref<1x64xf32, #tpu.memory_space<vmem>> -> memref<64xf32, #tpu.memory_space<vmem>>
      %dma_start3A_590 = arith.constant 0 : i32
      %dma_start3A_591 = tpu.memref_slice %arg5[%squeeze3A_579, %dma_start3A_590] : memref<1000000x64xf32, #tpu.memory_space<hbm>> -> memref<1x64xf32, #tpu.memory_space<hbm>>
      %dma_start3A_592 = tpu.memref_squeeze %dma_start3A_591 : memref<1x64xf32, #tpu.memory_space<hbm>> -> memref<64xf32, #tpu.memory_space<hbm>>
      tpu.enqueue_dma source(%dma_start3A_592 : memref<64xf32, #tpu.memory_space<hbm>>) target(%dma_start3A_589 : memref<64xf32, #tpu.memory_space<vmem>>) target_semaphore(%arg13 : memref<!tpu.dma_semaphore, #tpu.memory_space<semaphore_mem>>)
      %slice3A_593 = vector.extract_strided_slice %get3A_498 {offsets = [3], sizes = [1], strides = [1]} : vector<16xi32> to vector<1xi32>
      %squeeze3A_594 = vector.extract %slice3A_593[0] : i32 from vector<1xi32>
      %dma_start3A_595 = arith.constant 19 : i32
      %dma_start3A_596 = arith.constant 0 : i32
      %dma_start3A_597 = tpu.memref_slice %arg9[%dma_start3A_595, %dma_start3A_596] : memref<32x128xf32, #tpu.memory_space<vmem>> -> memref<1x64xf32, #tpu.memory_space<vmem>>
      %dma_start3A_598 = tpu.memref_squeeze %dma_start3A_597 : memref<1x64xf32, #tpu.memory_space<vmem>> -> memref<64xf32, #tpu.memory_space<vmem>>
      %dma_start3A_599 = arith.constant 0 : i32
      %dma_start3A_600 = tpu.memref_slice %arg4[%squeeze3A_594, %dma_start3A_599] : memref<1000000x64xf32, #tpu.memory_space<hbm>> -> memref<1x64xf32, #tpu.memory_space<hbm>>
      %dma_start3A_601 = tpu.memref_squeeze %dma_start3A_600 : memref<1x64xf32, #tpu.memory_space<hbm>> -> memref<64xf32, #tpu.memory_space<hbm>>
      %dma_start3A_602 = arith.constant 0 : i32
      %dma_start3A_603 = tpu.memref_slice %arg9[%dma_start3A_595, %dma_start3A_602] : memref<32x128xf32, #tpu.memory_space<vmem>> -> memref<1x64xf32, #tpu.memory_space<vmem>>
      %dma_start3A_604 = tpu.memref_squeeze %dma_start3A_603 : memref<1x64xf32, #tpu.memory_space<vmem>> -> memref<64xf32, #tpu.memory_space<vmem>>
      %dma_start3A_605 = arith.constant 0 : i32
      %dma_start3A_606 = tpu.memref_slice %arg4[%squeeze3A_594, %dma_start3A_605] : memref<1000000x64xf32, #tpu.memory_space<hbm>> -> memref<1x64xf32, #tpu.memory_space<hbm>>
      %dma_start3A_607 = tpu.memref_squeeze %dma_start3A_606 : memref<1x64xf32, #tpu.memory_space<hbm>> -> memref<64xf32, #tpu.memory_space<hbm>>
      tpu.enqueue_dma source(%dma_start3A_607 : memref<64xf32, #tpu.memory_space<hbm>>) target(%dma_start3A_604 : memref<64xf32, #tpu.memory_space<vmem>>) target_semaphore(%arg12 : memref<!tpu.dma_semaphore, #tpu.memory_space<semaphore_mem>>)
      %slice3A_608 = vector.extract_strided_slice %get3A_502 {offsets = [3], sizes = [1], strides = [1]} : vector<16xi32> to vector<1xi32>
      %squeeze3A_609 = vector.extract %slice3A_608[0] : i32 from vector<1xi32>
      %dma_start3A_610 = arith.constant 19 : i32
      %dma_start3A_611 = arith.constant 0 : i32
      %dma_start3A_612 = tpu.memref_slice %arg10[%dma_start3A_610, %dma_start3A_611] : memref<32x128xf32, #tpu.memory_space<vmem>> -> memref<1x64xf32, #tpu.memory_space<vmem>>
      %dma_start3A_613 = tpu.memref_squeeze %dma_start3A_612 : memref<1x64xf32, #tpu.memory_space<vmem>> -> memref<64xf32, #tpu.memory_space<vmem>>
      %dma_start3A_614 = arith.constant 0 : i32
      %dma_start3A_615 = tpu.memref_slice %arg5[%squeeze3A_609, %dma_start3A_614] : memref<1000000x64xf32, #tpu.memory_space<hbm>> -> memref<1x64xf32, #tpu.memory_space<hbm>>
      %dma_start3A_616 = tpu.memref_squeeze %dma_start3A_615 : memref<1x64xf32, #tpu.memory_space<hbm>> -> memref<64xf32, #tpu.memory_space<hbm>>
      %dma_start3A_617 = arith.constant 0 : i32
      %dma_start3A_618 = tpu.memref_slice %arg10[%dma_start3A_610, %dma_start3A_617] : memref<32x128xf32, #tpu.memory_space<vmem>> -> memref<1x64xf32, #tpu.memory_space<vmem>>
      %dma_start3A_619 = tpu.memref_squeeze %dma_start3A_618 : memref<1x64xf32, #tpu.memory_space<vmem>> -> memref<64xf32, #tpu.memory_space<vmem>>
      %dma_start3A_620 = arith.constant 0 : i32
      %dma_start3A_621 = tpu.memref_slice %arg5[%squeeze3A_609, %dma_start3A_620] : memref<1000000x64xf32, #tpu.memory_space<hbm>> -> memref<1x64xf32, #tpu.memory_space<hbm>>
      %dma_start3A_622 = tpu.memref_squeeze %dma_start3A_621 : memref<1x64xf32, #tpu.memory_space<hbm>> -> memref<64xf32, #tpu.memory_space<hbm>>
      tpu.enqueue_dma source(%dma_start3A_622 : memref<64xf32, #tpu.memory_space<hbm>>) target(%dma_start3A_619 : memref<64xf32, #tpu.memory_space<vmem>>) target_semaphore(%arg13 : memref<!tpu.dma_semaphore, #tpu.memory_space<semaphore_mem>>)
      %slice3A_623 = vector.extract_strided_slice %get3A_498 {offsets = [4], sizes = [1], strides = [1]} : vector<16xi32> to vector<1xi32>
      %squeeze3A_624 = vector.extract %slice3A_623[0] : i32 from vector<1xi32>
      %dma_start3A_625 = arith.constant 20 : i32
      %dma_start3A_626 = arith.constant 0 : i32
      %dma_start3A_627 = tpu.memref_slice %arg9[%dma_start3A_625, %dma_start3A_626] : memref<32x128xf32, #tpu.memory_space<vmem>> -> memref<1x64xf32, #tpu.memory_space<vmem>>
      %dma_start3A_628 = tpu.memref_squeeze %dma_start3A_627 : memref<1x64xf32, #tpu.memory_space<vmem>> -> memref<64xf32, #tpu.memory_space<vmem>>
      %dma_start3A_629 = arith.constant 0 : i32
      %dma_start3A_630 = tpu.memref_slice %arg4[%squeeze3A_624, %dma_start3A_629] : memref<1000000x64xf32, #tpu.memory_space<hbm>> -> memref<1x64xf32, #tpu.memory_space<hbm>>
      %dma_start3A_631 = tpu.memref_squeeze %dma_start3A_630 : memref<1x64xf32, #tpu.memory_space<hbm>> -> memref<64xf32, #tpu.memory_space<hbm>>
      %dma_start3A_632 = arith.constant 0 : i32
      %dma_start3A_633 = tpu.memref_slice %arg9[%dma_start3A_625, %dma_start3A_632] : memref<32x128xf32, #tpu.memory_space<vmem>> -> memref<1x64xf32, #tpu.memory_space<vmem>>
      %dma_start3A_634 = tpu.memref_squeeze %dma_start3A_633 : memref<1x64xf32, #tpu.memory_space<vmem>> -> memref<64xf32, #tpu.memory_space<vmem>>
      %dma_start3A_635 = arith.constant 0 : i32
      %dma_start3A_636 = tpu.memref_slice %arg4[%squeeze3A_624, %dma_start3A_635] : memref<1000000x64xf32, #tpu.memory_space<hbm>> -> memref<1x64xf32, #tpu.memory_space<hbm>>
      %dma_start3A_637 = tpu.memref_squeeze %dma_start3A_636 : memref<1x64xf32, #tpu.memory_space<hbm>> -> memref<64xf32, #tpu.memory_space<hbm>>
      tpu.enqueue_dma source(%dma_start3A_637 : memref<64xf32, #tpu.memory_space<hbm>>) target(%dma_start3A_634 : memref<64xf32, #tpu.memory_space<vmem>>) target_semaphore(%arg12 : memref<!tpu.dma_semaphore, #tpu.memory_space<semaphore_mem>>)
      %slice3A_638 = vector.extract_strided_slice %get3A_502 {offsets = [4], sizes = [1], strides = [1]} : vector<16xi32> to vector<1xi32>
      %squeeze3A_639 = vector.extract %slice3A_638[0] : i32 from vector<1xi32>
      %dma_start3A_640 = arith.constant 20 : i32
      %dma_start3A_641 = arith.constant 0 : i32
      %dma_start3A_642 = tpu.memref_slice %arg10[%dma_start3A_640, %dma_start3A_641] : memref<32x128xf32, #tpu.memory_space<vmem>> -> memref<1x64xf32, #tpu.memory_space<vmem>>
      %dma_start3A_643 = tpu.memref_squeeze %dma_start3A_642 : memref<1x64xf32, #tpu.memory_space<vmem>> -> memref<64xf32, #tpu.memory_space<vmem>>
      %dma_start3A_644 = arith.constant 0 : i32
      %dma_start3A_645 = tpu.memref_slice %arg5[%squeeze3A_639, %dma_start3A_644] : memref<1000000x64xf32, #tpu.memory_space<hbm>> -> memref<1x64xf32, #tpu.memory_space<hbm>>
      %dma_start3A_646 = tpu.memref_squeeze %dma_start3A_645 : memref<1x64xf32, #tpu.memory_space<hbm>> -> memref<64xf32, #tpu.memory_space<hbm>>
      %dma_start3A_647 = arith.constant 0 : i32
      %dma_start3A_648 = tpu.memref_slice %arg10[%dma_start3A_640, %dma_start3A_647] : memref<32x128xf32, #tpu.memory_space<vmem>> -> memref<1x64xf32, #tpu.memory_space<vmem>>
      %dma_start3A_649 = tpu.memref_squeeze %dma_start3A_648 : memref<1x64xf32, #tpu.memory_space<vmem>> -> memref<64xf32, #tpu.memory_space<vmem>>
      %dma_start3A_650 = arith.constant 0 : i32
      %dma_start3A_651 = tpu.memref_slice %arg5[%squeeze3A_639, %dma_start3A_650] : memref<1000000x64xf32, #tpu.memory_space<hbm>> -> memref<1x64xf32, #tpu.memory_space<hbm>>
      %dma_start3A_652 = tpu.memref_squeeze %dma_start3A_651 : memref<1x64xf32, #tpu.memory_space<hbm>> -> memref<64xf32, #tpu.memory_space<hbm>>
      tpu.enqueue_dma source(%dma_start3A_652 : memref<64xf32, #tpu.memory_space<hbm>>) target(%dma_start3A_649 : memref<64xf32, #tpu.memory_space<vmem>>) target_semaphore(%arg13 : memref<!tpu.dma_semaphore, #tpu.memory_space<semaphore_mem>>)
      %slice3A_653 = vector.extract_strided_slice %get3A_498 {offsets = [5], sizes = [1], strides = [1]} : vector<16xi32> to vector<1xi32>
      %squeeze3A_654 = vector.extract %slice3A_653[0] : i32 from vector<1xi32>
      %dma_start3A_655 = arith.constant 21 : i32
      %dma_start3A_656 = arith.constant 0 : i32
      %dma_start3A_657 = tpu.memref_slice %arg9[%dma_start3A_655, %dma_start3A_656] : memref<32x128xf32, #tpu.memory_space<vmem>> -> memref<1x64xf32, #tpu.memory_space<vmem>>
      %dma_start3A_658 = tpu.memref_squeeze %dma_start3A_657 : memref<1x64xf32, #tpu.memory_space<vmem>> -> memref<64xf32, #tpu.memory_space<vmem>>
      %dma_start3A_659 = arith.constant 0 : i32
      %dma_start3A_660 = tpu.memref_slice %arg4[%squeeze3A_654, %dma_start3A_659] : memref<1000000x64xf32, #tpu.memory_space<hbm>> -> memref<1x64xf32, #tpu.memory_space<hbm>>
      %dma_start3A_661 = tpu.memref_squeeze %dma_start3A_660 : memref<1x64xf32, #tpu.memory_space<hbm>> -> memref<64xf32, #tpu.memory_space<hbm>>
      %dma_start3A_662 = arith.constant 0 : i32
      %dma_start3A_663 = tpu.memref_slice %arg9[%dma_start3A_655, %dma_start3A_662] : memref<32x128xf32, #tpu.memory_space<vmem>> -> memref<1x64xf32, #tpu.memory_space<vmem>>
      %dma_start3A_664 = tpu.memref_squeeze %dma_start3A_663 : memref<1x64xf32, #tpu.memory_space<vmem>> -> memref<64xf32, #tpu.memory_space<vmem>>
      %dma_start3A_665 = arith.constant 0 : i32
      %dma_start3A_666 = tpu.memref_slice %arg4[%squeeze3A_654, %dma_start3A_665] : memref<1000000x64xf32, #tpu.memory_space<hbm>> -> memref<1x64xf32, #tpu.memory_space<hbm>>
      %dma_start3A_667 = tpu.memref_squeeze %dma_start3A_666 : memref<1x64xf32, #tpu.memory_space<hbm>> -> memref<64xf32, #tpu.memory_space<hbm>>
      tpu.enqueue_dma source(%dma_start3A_667 : memref<64xf32, #tpu.memory_space<hbm>>) target(%dma_start3A_664 : memref<64xf32, #tpu.memory_space<vmem>>) target_semaphore(%arg12 : memref<!tpu.dma_semaphore, #tpu.memory_space<semaphore_mem>>)
      %slice3A_668 = vector.extract_strided_slice %get3A_502 {offsets = [5], sizes = [1], strides = [1]} : vector<16xi32> to vector<1xi32>
      %squeeze3A_669 = vector.extract %slice3A_668[0] : i32 from vector<1xi32>
      %dma_start3A_670 = arith.constant 21 : i32
      %dma_start3A_671 = arith.constant 0 : i32
      %dma_start3A_672 = tpu.memref_slice %arg10[%dma_start3A_670, %dma_start3A_671] : memref<32x128xf32, #tpu.memory_space<vmem>> -> memref<1x64xf32, #tpu.memory_space<vmem>>
      %dma_start3A_673 = tpu.memref_squeeze %dma_start3A_672 : memref<1x64xf32, #tpu.memory_space<vmem>> -> memref<64xf32, #tpu.memory_space<vmem>>
      %dma_start3A_674 = arith.constant 0 : i32
      %dma_start3A_675 = tpu.memref_slice %arg5[%squeeze3A_669, %dma_start3A_674] : memref<1000000x64xf32, #tpu.memory_space<hbm>> -> memref<1x64xf32, #tpu.memory_space<hbm>>
      %dma_start3A_676 = tpu.memref_squeeze %dma_start3A_675 : memref<1x64xf32, #tpu.memory_space<hbm>> -> memref<64xf32, #tpu.memory_space<hbm>>
      %dma_start3A_677 = arith.constant 0 : i32
      %dma_start3A_678 = tpu.memref_slice %arg10[%dma_start3A_670, %dma_start3A_677] : memref<32x128xf32, #tpu.memory_space<vmem>> -> memref<1x64xf32, #tpu.memory_space<vmem>>
      %dma_start3A_679 = tpu.memref_squeeze %dma_start3A_678 : memref<1x64xf32, #tpu.memory_space<vmem>> -> memref<64xf32, #tpu.memory_space<vmem>>
      %dma_start3A_680 = arith.constant 0 : i32
      %dma_start3A_681 = tpu.memref_slice %arg5[%squeeze3A_669, %dma_start3A_680] : memref<1000000x64xf32, #tpu.memory_space<hbm>> -> memref<1x64xf32, #tpu.memory_space<hbm>>
      %dma_start3A_682 = tpu.memref_squeeze %dma_start3A_681 : memref<1x64xf32, #tpu.memory_space<hbm>> -> memref<64xf32, #tpu.memory_space<hbm>>
      tpu.enqueue_dma source(%dma_start3A_682 : memref<64xf32, #tpu.memory_space<hbm>>) target(%dma_start3A_679 : memref<64xf32, #tpu.memory_space<vmem>>) target_semaphore(%arg13 : memref<!tpu.dma_semaphore, #tpu.memory_space<semaphore_mem>>)
      %slice3A_683 = vector.extract_strided_slice %get3A_498 {offsets = [6], sizes = [1], strides = [1]} : vector<16xi32> to vector<1xi32>
      %squeeze3A_684 = vector.extract %slice3A_683[0] : i32 from vector<1xi32>
      %dma_start3A_685 = arith.constant 22 : i32
      %dma_start3A_686 = arith.constant 0 : i32
      %dma_start3A_687 = tpu.memref_slice %arg9[%dma_start3A_685, %dma_start3A_686] : memref<32x128xf32, #tpu.memory_space<vmem>> -> memref<1x64xf32, #tpu.memory_space<vmem>>
      %dma_start3A_688 = tpu.memref_squeeze %dma_start3A_687 : memref<1x64xf32, #tpu.memory_space<vmem>> -> memref<64xf32, #tpu.memory_space<vmem>>
      %dma_start3A_689 = arith.constant 0 : i32
      %dma_start3A_690 = tpu.memref_slice %arg4[%squeeze3A_684, %dma_start3A_689] : memref<1000000x64xf32, #tpu.memory_space<hbm>> -> memref<1x64xf32, #tpu.memory_space<hbm>>
      %dma_start3A_691 = tpu.memref_squeeze %dma_start3A_690 : memref<1x64xf32, #tpu.memory_space<hbm>> -> memref<64xf32, #tpu.memory_space<hbm>>
      %dma_start3A_692 = arith.constant 0 : i32
      %dma_start3A_693 = tpu.memref_slice %arg9[%dma_start3A_685, %dma_start3A_692] : memref<32x128xf32, #tpu.memory_space<vmem>> -> memref<1x64xf32, #tpu.memory_space<vmem>>
      %dma_start3A_694 = tpu.memref_squeeze %dma_start3A_693 : memref<1x64xf32, #tpu.memory_space<vmem>> -> memref<64xf32, #tpu.memory_space<vmem>>
      %dma_start3A_695 = arith.constant 0 : i32
      %dma_start3A_696 = tpu.memref_slice %arg4[%squeeze3A_684, %dma_start3A_695] : memref<1000000x64xf32, #tpu.memory_space<hbm>> -> memref<1x64xf32, #tpu.memory_space<hbm>>
      %dma_start3A_697 = tpu.memref_squeeze %dma_start3A_696 : memref<1x64xf32, #tpu.memory_space<hbm>> -> memref<64xf32, #tpu.memory_space<hbm>>
      tpu.enqueue_dma source(%dma_start3A_697 : memref<64xf32, #tpu.memory_space<hbm>>) target(%dma_start3A_694 : memref<64xf32, #tpu.memory_space<vmem>>) target_semaphore(%arg12 : memref<!tpu.dma_semaphore, #tpu.memory_space<semaphore_mem>>)
      %slice3A_698 = vector.extract_strided_slice %get3A_502 {offsets = [6], sizes = [1], strides = [1]} : vector<16xi32> to vector<1xi32>
      %squeeze3A_699 = vector.extract %slice3A_698[0] : i32 from vector<1xi32>
      %dma_start3A_700 = arith.constant 22 : i32
      %dma_start3A_701 = arith.constant 0 : i32
      %dma_start3A_702 = tpu.memref_slice %arg10[%dma_start3A_700, %dma_start3A_701] : memref<32x128xf32, #tpu.memory_space<vmem>> -> memref<1x64xf32, #tpu.memory_space<vmem>>
      %dma_start3A_703 = tpu.memref_squeeze %dma_start3A_702 : memref<1x64xf32, #tpu.memory_space<vmem>> -> memref<64xf32, #tpu.memory_space<vmem>>
      %dma_start3A_704 = arith.constant 0 : i32
      %dma_start3A_705 = tpu.memref_slice %arg5[%squeeze3A_699, %dma_start3A_704] : memref<1000000x64xf32, #tpu.memory_space<hbm>> -> memref<1x64xf32, #tpu.memory_space<hbm>>
      %dma_start3A_706 = tpu.memref_squeeze %dma_start3A_705 : memref<1x64xf32, #tpu.memory_space<hbm>> -> memref<64xf32, #tpu.memory_space<hbm>>
      %dma_start3A_707 = arith.constant 0 : i32
      %dma_start3A_708 = tpu.memref_slice %arg10[%dma_start3A_700, %dma_start3A_707] : memref<32x128xf32, #tpu.memory_space<vmem>> -> memref<1x64xf32, #tpu.memory_space<vmem>>
      %dma_start3A_709 = tpu.memref_squeeze %dma_start3A_708 : memref<1x64xf32, #tpu.memory_space<vmem>> -> memref<64xf32, #tpu.memory_space<vmem>>
      %dma_start3A_710 = arith.constant 0 : i32
      %dma_start3A_711 = tpu.memref_slice %arg5[%squeeze3A_699, %dma_start3A_710] : memref<1000000x64xf32, #tpu.memory_space<hbm>> -> memref<1x64xf32, #tpu.memory_space<hbm>>
      %dma_start3A_712 = tpu.memref_squeeze %dma_start3A_711 : memref<1x64xf32, #tpu.memory_space<hbm>> -> memref<64xf32, #tpu.memory_space<hbm>>
      tpu.enqueue_dma source(%dma_start3A_712 : memref<64xf32, #tpu.memory_space<hbm>>) target(%dma_start3A_709 : memref<64xf32, #tpu.memory_space<vmem>>) target_semaphore(%arg13 : memref<!tpu.dma_semaphore, #tpu.memory_space<semaphore_mem>>)
      %slice3A_713 = vector.extract_strided_slice %get3A_498 {offsets = [7], sizes = [1], strides = [1]} : vector<16xi32> to vector<1xi32>
      %squeeze3A_714 = vector.extract %slice3A_713[0] : i32 from vector<1xi32>
      %dma_start3A_715 = arith.constant 23 : i32
      %dma_start3A_716 = arith.constant 0 : i32
      %dma_start3A_717 = tpu.memref_slice %arg9[%dma_start3A_715, %dma_start3A_716] : memref<32x128xf32, #tpu.memory_space<vmem>> -> memref<1x64xf32, #tpu.memory_space<vmem>>
      %dma_start3A_718 = tpu.memref_squeeze %dma_start3A_717 : memref<1x64xf32, #tpu.memory_space<vmem>> -> memref<64xf32, #tpu.memory_space<vmem>>
      %dma_start3A_719 = arith.constant 0 : i32
      %dma_start3A_720 = tpu.memref_slice %arg4[%squeeze3A_714, %dma_start3A_719] : memref<1000000x64xf32, #tpu.memory_space<hbm>> -> memref<1x64xf32, #tpu.memory_space<hbm>>
      %dma_start3A_721 = tpu.memref_squeeze %dma_start3A_720 : memref<1x64xf32, #tpu.memory_space<hbm>> -> memref<64xf32, #tpu.memory_space<hbm>>
      %dma_start3A_722 = arith.constant 0 : i32
      %dma_start3A_723 = tpu.memref_slice %arg9[%dma_start3A_715, %dma_start3A_722] : memref<32x128xf32, #tpu.memory_space<vmem>> -> memref<1x64xf32, #tpu.memory_space<vmem>>
      %dma_start3A_724 = tpu.memref_squeeze %dma_start3A_723 : memref<1x64xf32, #tpu.memory_space<vmem>> -> memref<64xf32, #tpu.memory_space<vmem>>
      %dma_start3A_725 = arith.constant 0 : i32
      %dma_start3A_726 = tpu.memref_slice %arg4[%squeeze3A_714, %dma_start3A_725] : memref<1000000x64xf32, #tpu.memory_space<hbm>> -> memref<1x64xf32, #tpu.memory_space<hbm>>
      %dma_start3A_727 = tpu.memref_squeeze %dma_start3A_726 : memref<1x64xf32, #tpu.memory_space<hbm>> -> memref<64xf32, #tpu.memory_space<hbm>>
      tpu.enqueue_dma source(%dma_start3A_727 : memref<64xf32, #tpu.memory_space<hbm>>) target(%dma_start3A_724 : memref<64xf32, #tpu.memory_space<vmem>>) target_semaphore(%arg12 : memref<!tpu.dma_semaphore, #tpu.memory_space<semaphore_mem>>)
      %slice3A_728 = vector.extract_strided_slice %get3A_502 {offsets = [7], sizes = [1], strides = [1]} : vector<16xi32> to vector<1xi32>
      %squeeze3A_729 = vector.extract %slice3A_728[0] : i32 from vector<1xi32>
      %dma_start3A_730 = arith.constant 23 : i32
      %dma_start3A_731 = arith.constant 0 : i32
      %dma_start3A_732 = tpu.memref_slice %arg10[%dma_start3A_730, %dma_start3A_731] : memref<32x128xf32, #tpu.memory_space<vmem>> -> memref<1x64xf32, #tpu.memory_space<vmem>>
      %dma_start3A_733 = tpu.memref_squeeze %dma_start3A_732 : memref<1x64xf32, #tpu.memory_space<vmem>> -> memref<64xf32, #tpu.memory_space<vmem>>
      %dma_start3A_734 = arith.constant 0 : i32
      %dma_start3A_735 = tpu.memref_slice %arg5[%squeeze3A_729, %dma_start3A_734] : memref<1000000x64xf32, #tpu.memory_space<hbm>> -> memref<1x64xf32, #tpu.memory_space<hbm>>
      %dma_start3A_736 = tpu.memref_squeeze %dma_start3A_735 : memref<1x64xf32, #tpu.memory_space<hbm>> -> memref<64xf32, #tpu.memory_space<hbm>>
      %dma_start3A_737 = arith.constant 0 : i32
      %dma_start3A_738 = tpu.memref_slice %arg10[%dma_start3A_730, %dma_start3A_737] : memref<32x128xf32, #tpu.memory_space<vmem>> -> memref<1x64xf32, #tpu.memory_space<vmem>>
      %dma_start3A_739 = tpu.memref_squeeze %dma_start3A_738 : memref<1x64xf32, #tpu.memory_space<vmem>> -> memref<64xf32, #tpu.memory_space<vmem>>
      %dma_start3A_740 = arith.constant 0 : i32
      %dma_start3A_741 = tpu.memref_slice %arg5[%squeeze3A_729, %dma_start3A_740] : memref<1000000x64xf32, #tpu.memory_space<hbm>> -> memref<1x64xf32, #tpu.memory_space<hbm>>
      %dma_start3A_742 = tpu.memref_squeeze %dma_start3A_741 : memref<1x64xf32, #tpu.memory_space<hbm>> -> memref<64xf32, #tpu.memory_space<hbm>>
      tpu.enqueue_dma source(%dma_start3A_742 : memref<64xf32, #tpu.memory_space<hbm>>) target(%dma_start3A_739 : memref<64xf32, #tpu.memory_space<vmem>>) target_semaphore(%arg13 : memref<!tpu.dma_semaphore, #tpu.memory_space<semaphore_mem>>)
      %slice3A_743 = vector.extract_strided_slice %get3A_498 {offsets = [8], sizes = [1], strides = [1]} : vector<16xi32> to vector<1xi32>
      %squeeze3A_744 = vector.extract %slice3A_743[0] : i32 from vector<1xi32>
      %dma_start3A_745 = arith.constant 24 : i32
      %dma_start3A_746 = arith.constant 0 : i32
      %dma_start3A_747 = tpu.memref_slice %arg9[%dma_start3A_745, %dma_start3A_746] : memref<32x128xf32, #tpu.memory_space<vmem>> -> memref<1x64xf32, #tpu.memory_space<vmem>>
      %dma_start3A_748 = tpu.memref_squeeze %dma_start3A_747 : memref<1x64xf32, #tpu.memory_space<vmem>> -> memref<64xf32, #tpu.memory_space<vmem>>
      %dma_start3A_749 = arith.constant 0 : i32
      %dma_start3A_750 = tpu.memref_slice %arg4[%squeeze3A_744, %dma_start3A_749] : memref<1000000x64xf32, #tpu.memory_space<hbm>> -> memref<1x64xf32, #tpu.memory_space<hbm>>
      %dma_start3A_751 = tpu.memref_squeeze %dma_start3A_750 : memref<1x64xf32, #tpu.memory_space<hbm>> -> memref<64xf32, #tpu.memory_space<hbm>>
      %dma_start3A_752 = arith.constant 0 : i32
      %dma_start3A_753 = tpu.memref_slice %arg9[%dma_start3A_745, %dma_start3A_752] : memref<32x128xf32, #tpu.memory_space<vmem>> -> memref<1x64xf32, #tpu.memory_space<vmem>>
      %dma_start3A_754 = tpu.memref_squeeze %dma_start3A_753 : memref<1x64xf32, #tpu.memory_space<vmem>> -> memref<64xf32, #tpu.memory_space<vmem>>
      %dma_start3A_755 = arith.constant 0 : i32
      %dma_start3A_756 = tpu.memref_slice %arg4[%squeeze3A_744, %dma_start3A_755] : memref<1000000x64xf32, #tpu.memory_space<hbm>> -> memref<1x64xf32, #tpu.memory_space<hbm>>
      %dma_start3A_757 = tpu.memref_squeeze %dma_start3A_756 : memref<1x64xf32, #tpu.memory_space<hbm>> -> memref<64xf32, #tpu.memory_space<hbm>>
      tpu.enqueue_dma source(%dma_start3A_757 : memref<64xf32, #tpu.memory_space<hbm>>) target(%dma_start3A_754 : memref<64xf32, #tpu.memory_space<vmem>>) target_semaphore(%arg12 : memref<!tpu.dma_semaphore, #tpu.memory_space<semaphore_mem>>)
      %slice3A_758 = vector.extract_strided_slice %get3A_502 {offsets = [8], sizes = [1], strides = [1]} : vector<16xi32> to vector<1xi32>
      %squeeze3A_759 = vector.extract %slice3A_758[0] : i32 from vector<1xi32>
      %dma_start3A_760 = arith.constant 24 : i32
      %dma_start3A_761 = arith.constant 0 : i32
      %dma_start3A_762 = tpu.memref_slice %arg10[%dma_start3A_760, %dma_start3A_761] : memref<32x128xf32, #tpu.memory_space<vmem>> -> memref<1x64xf32, #tpu.memory_space<vmem>>
      %dma_start3A_763 = tpu.memref_squeeze %dma_start3A_762 : memref<1x64xf32, #tpu.memory_space<vmem>> -> memref<64xf32, #tpu.memory_space<vmem>>
      %dma_start3A_764 = arith.constant 0 : i32
      %dma_start3A_765 = tpu.memref_slice %arg5[%squeeze3A_759, %dma_start3A_764] : memref<1000000x64xf32, #tpu.memory_space<hbm>> -> memref<1x64xf32, #tpu.memory_space<hbm>>
      %dma_start3A_766 = tpu.memref_squeeze %dma_start3A_765 : memref<1x64xf32, #tpu.memory_space<hbm>> -> memref<64xf32, #tpu.memory_space<hbm>>
      %dma_start3A_767 = arith.constant 0 : i32
      %dma_start3A_768 = tpu.memref_slice %arg10[%dma_start3A_760, %dma_start3A_767] : memref<32x128xf32, #tpu.memory_space<vmem>> -> memref<1x64xf32, #tpu.memory_space<vmem>>
      %dma_start3A_769 = tpu.memref_squeeze %dma_start3A_768 : memref<1x64xf32, #tpu.memory_space<vmem>> -> memref<64xf32, #tpu.memory_space<vmem>>
      %dma_start3A_770 = arith.constant 0 : i32
      %dma_start3A_771 = tpu.memref_slice %arg5[%squeeze3A_759, %dma_start3A_770] : memref<1000000x64xf32, #tpu.memory_space<hbm>> -> memref<1x64xf32, #tpu.memory_space<hbm>>
      %dma_start3A_772 = tpu.memref_squeeze %dma_start3A_771 : memref<1x64xf32, #tpu.memory_space<hbm>> -> memref<64xf32, #tpu.memory_space<hbm>>
      tpu.enqueue_dma source(%dma_start3A_772 : memref<64xf32, #tpu.memory_space<hbm>>) target(%dma_start3A_769 : memref<64xf32, #tpu.memory_space<vmem>>) target_semaphore(%arg13 : memref<!tpu.dma_semaphore, #tpu.memory_space<semaphore_mem>>)
      %slice3A_773 = vector.extract_strided_slice %get3A_498 {offsets = [9], sizes = [1], strides = [1]} : vector<16xi32> to vector<1xi32>
      %squeeze3A_774 = vector.extract %slice3A_773[0] : i32 from vector<1xi32>
      %dma_start3A_775 = arith.constant 25 : i32
      %dma_start3A_776 = arith.constant 0 : i32
      %dma_start3A_777 = tpu.memref_slice %arg9[%dma_start3A_775, %dma_start3A_776] : memref<32x128xf32, #tpu.memory_space<vmem>> -> memref<1x64xf32, #tpu.memory_space<vmem>>
      %dma_start3A_778 = tpu.memref_squeeze %dma_start3A_777 : memref<1x64xf32, #tpu.memory_space<vmem>> -> memref<64xf32, #tpu.memory_space<vmem>>
      %dma_start3A_779 = arith.constant 0 : i32
      %dma_start3A_780 = tpu.memref_slice %arg4[%squeeze3A_774, %dma_start3A_779] : memref<1000000x64xf32, #tpu.memory_space<hbm>> -> memref<1x64xf32, #tpu.memory_space<hbm>>
      %dma_start3A_781 = tpu.memref_squeeze %dma_start3A_780 : memref<1x64xf32, #tpu.memory_space<hbm>> -> memref<64xf32, #tpu.memory_space<hbm>>
      %dma_start3A_782 = arith.constant 0 : i32
      %dma_start3A_783 = tpu.memref_slice %arg9[%dma_start3A_775, %dma_start3A_782] : memref<32x128xf32, #tpu.memory_space<vmem>> -> memref<1x64xf32, #tpu.memory_space<vmem>>
      %dma_start3A_784 = tpu.memref_squeeze %dma_start3A_783 : memref<1x64xf32, #tpu.memory_space<vmem>> -> memref<64xf32, #tpu.memory_space<vmem>>
      %dma_start3A_785 = arith.constant 0 : i32
      %dma_start3A_786 = tpu.memref_slice %arg4[%squeeze3A_774, %dma_start3A_785] : memref<1000000x64xf32, #tpu.memory_space<hbm>> -> memref<1x64xf32, #tpu.memory_space<hbm>>
      %dma_start3A_787 = tpu.memref_squeeze %dma_start3A_786 : memref<1x64xf32, #tpu.memory_space<hbm>> -> memref<64xf32, #tpu.memory_space<hbm>>
      tpu.enqueue_dma source(%dma_start3A_787 : memref<64xf32, #tpu.memory_space<hbm>>) target(%dma_start3A_784 : memref<64xf32, #tpu.memory_space<vmem>>) target_semaphore(%arg12 : memref<!tpu.dma_semaphore, #tpu.memory_space<semaphore_mem>>)
      %slice3A_788 = vector.extract_strided_slice %get3A_502 {offsets = [9], sizes = [1], strides = [1]} : vector<16xi32> to vector<1xi32>
      %squeeze3A_789 = vector.extract %slice3A_788[0] : i32 from vector<1xi32>
      %dma_start3A_790 = arith.constant 25 : i32
      %dma_start3A_791 = arith.constant 0 : i32
      %dma_start3A_792 = tpu.memref_slice %arg10[%dma_start3A_790, %dma_start3A_791] : memref<32x128xf32, #tpu.memory_space<vmem>> -> memref<1x64xf32, #tpu.memory_space<vmem>>
      %dma_start3A_793 = tpu.memref_squeeze %dma_start3A_792 : memref<1x64xf32, #tpu.memory_space<vmem>> -> memref<64xf32, #tpu.memory_space<vmem>>
      %dma_start3A_794 = arith.constant 0 : i32
      %dma_start3A_795 = tpu.memref_slice %arg5[%squeeze3A_789, %dma_start3A_794] : memref<1000000x64xf32, #tpu.memory_space<hbm>> -> memref<1x64xf32, #tpu.memory_space<hbm>>
      %dma_start3A_796 = tpu.memref_squeeze %dma_start3A_795 : memref<1x64xf32, #tpu.memory_space<hbm>> -> memref<64xf32, #tpu.memory_space<hbm>>
      %dma_start3A_797 = arith.constant 0 : i32
      %dma_start3A_798 = tpu.memref_slice %arg10[%dma_start3A_790, %dma_start3A_797] : memref<32x128xf32, #tpu.memory_space<vmem>> -> memref<1x64xf32, #tpu.memory_space<vmem>>
      %dma_start3A_799 = tpu.memref_squeeze %dma_start3A_798 : memref<1x64xf32, #tpu.memory_space<vmem>> -> memref<64xf32, #tpu.memory_space<vmem>>
      %dma_start3A_800 = arith.constant 0 : i32
      %dma_start3A_801 = tpu.memref_slice %arg5[%squeeze3A_789, %dma_start3A_800] : memref<1000000x64xf32, #tpu.memory_space<hbm>> -> memref<1x64xf32, #tpu.memory_space<hbm>>
      %dma_start3A_802 = tpu.memref_squeeze %dma_start3A_801 : memref<1x64xf32, #tpu.memory_space<hbm>> -> memref<64xf32, #tpu.memory_space<hbm>>
      tpu.enqueue_dma source(%dma_start3A_802 : memref<64xf32, #tpu.memory_space<hbm>>) target(%dma_start3A_799 : memref<64xf32, #tpu.memory_space<vmem>>) target_semaphore(%arg13 : memref<!tpu.dma_semaphore, #tpu.memory_space<semaphore_mem>>)
      %slice3A_803 = vector.extract_strided_slice %get3A_498 {offsets = [10], sizes = [1], strides = [1]} : vector<16xi32> to vector<1xi32>
      %squeeze3A_804 = vector.extract %slice3A_803[0] : i32 from vector<1xi32>
      %dma_start3A_805 = arith.constant 26 : i32
      %dma_start3A_806 = arith.constant 0 : i32
      %dma_start3A_807 = tpu.memref_slice %arg9[%dma_start3A_805, %dma_start3A_806] : memref<32x128xf32, #tpu.memory_space<vmem>> -> memref<1x64xf32, #tpu.memory_space<vmem>>
      %dma_start3A_808 = tpu.memref_squeeze %dma_start3A_807 : memref<1x64xf32, #tpu.memory_space<vmem>> -> memref<64xf32, #tpu.memory_space<vmem>>
      %dma_start3A_809 = arith.constant 0 : i32
      %dma_start3A_810 = tpu.memref_slice %arg4[%squeeze3A_804, %dma_start3A_809] : memref<1000000x64xf32, #tpu.memory_space<hbm>> -> memref<1x64xf32, #tpu.memory_space<hbm>>
      %dma_start3A_811 = tpu.memref_squeeze %dma_start3A_810 : memref<1x64xf32, #tpu.memory_space<hbm>> -> memref<64xf32, #tpu.memory_space<hbm>>
      %dma_start3A_812 = arith.constant 0 : i32
      %dma_start3A_813 = tpu.memref_slice %arg9[%dma_start3A_805, %dma_start3A_812] : memref<32x128xf32, #tpu.memory_space<vmem>> -> memref<1x64xf32, #tpu.memory_space<vmem>>
      %dma_start3A_814 = tpu.memref_squeeze %dma_start3A_813 : memref<1x64xf32, #tpu.memory_space<vmem>> -> memref<64xf32, #tpu.memory_space<vmem>>
      %dma_start3A_815 = arith.constant 0 : i32
      %dma_start3A_816 = tpu.memref_slice %arg4[%squeeze3A_804, %dma_start3A_815] : memref<1000000x64xf32, #tpu.memory_space<hbm>> -> memref<1x64xf32, #tpu.memory_space<hbm>>
      %dma_start3A_817 = tpu.memref_squeeze %dma_start3A_816 : memref<1x64xf32, #tpu.memory_space<hbm>> -> memref<64xf32, #tpu.memory_space<hbm>>
      tpu.enqueue_dma source(%dma_start3A_817 : memref<64xf32, #tpu.memory_space<hbm>>) target(%dma_start3A_814 : memref<64xf32, #tpu.memory_space<vmem>>) target_semaphore(%arg12 : memref<!tpu.dma_semaphore, #tpu.memory_space<semaphore_mem>>)
      %slice3A_818 = vector.extract_strided_slice %get3A_502 {offsets = [10], sizes = [1], strides = [1]} : vector<16xi32> to vector<1xi32>
      %squeeze3A_819 = vector.extract %slice3A_818[0] : i32 from vector<1xi32>
      %dma_start3A_820 = arith.constant 26 : i32
      %dma_start3A_821 = arith.constant 0 : i32
      %dma_start3A_822 = tpu.memref_slice %arg10[%dma_start3A_820, %dma_start3A_821] : memref<32x128xf32, #tpu.memory_space<vmem>> -> memref<1x64xf32, #tpu.memory_space<vmem>>
      %dma_start3A_823 = tpu.memref_squeeze %dma_start3A_822 : memref<1x64xf32, #tpu.memory_space<vmem>> -> memref<64xf32, #tpu.memory_space<vmem>>
      %dma_start3A_824 = arith.constant 0 : i32
      %dma_start3A_825 = tpu.memref_slice %arg5[%squeeze3A_819, %dma_start3A_824] : memref<1000000x64xf32, #tpu.memory_space<hbm>> -> memref<1x64xf32, #tpu.memory_space<hbm>>
      %dma_start3A_826 = tpu.memref_squeeze %dma_start3A_825 : memref<1x64xf32, #tpu.memory_space<hbm>> -> memref<64xf32, #tpu.memory_space<hbm>>
      %dma_start3A_827 = arith.constant 0 : i32
      %dma_start3A_828 = tpu.memref_slice %arg10[%dma_start3A_820, %dma_start3A_827] : memref<32x128xf32, #tpu.memory_space<vmem>> -> memref<1x64xf32, #tpu.memory_space<vmem>>
      %dma_start3A_829 = tpu.memref_squeeze %dma_start3A_828 : memref<1x64xf32, #tpu.memory_space<vmem>> -> memref<64xf32, #tpu.memory_space<vmem>>
      %dma_start3A_830 = arith.constant 0 : i32
      %dma_start3A_831 = tpu.memref_slice %arg5[%squeeze3A_819, %dma_start3A_830] : memref<1000000x64xf32, #tpu.memory_space<hbm>> -> memref<1x64xf32, #tpu.memory_space<hbm>>
      %dma_start3A_832 = tpu.memref_squeeze %dma_start3A_831 : memref<1x64xf32, #tpu.memory_space<hbm>> -> memref<64xf32, #tpu.memory_space<hbm>>
      tpu.enqueue_dma source(%dma_start3A_832 : memref<64xf32, #tpu.memory_space<hbm>>) target(%dma_start3A_829 : memref<64xf32, #tpu.memory_space<vmem>>) target_semaphore(%arg13 : memref<!tpu.dma_semaphore, #tpu.memory_space<semaphore_mem>>)
      %slice3A_833 = vector.extract_strided_slice %get3A_498 {offsets = [11], sizes = [1], strides = [1]} : vector<16xi32> to vector<1xi32>
      %squeeze3A_834 = vector.extract %slice3A_833[0] : i32 from vector<1xi32>
      %dma_start3A_835 = arith.constant 27 : i32
      %dma_start3A_836 = arith.constant 0 : i32
      %dma_start3A_837 = tpu.memref_slice %arg9[%dma_start3A_835, %dma_start3A_836] : memref<32x128xf32, #tpu.memory_space<vmem>> -> memref<1x64xf32, #tpu.memory_space<vmem>>
      %dma_start3A_838 = tpu.memref_squeeze %dma_start3A_837 : memref<1x64xf32, #tpu.memory_space<vmem>> -> memref<64xf32, #tpu.memory_space<vmem>>
      %dma_start3A_839 = arith.constant 0 : i32
      %dma_start3A_840 = tpu.memref_slice %arg4[%squeeze3A_834, %dma_start3A_839] : memref<1000000x64xf32, #tpu.memory_space<hbm>> -> memref<1x64xf32, #tpu.memory_space<hbm>>
      %dma_start3A_841 = tpu.memref_squeeze %dma_start3A_840 : memref<1x64xf32, #tpu.memory_space<hbm>> -> memref<64xf32, #tpu.memory_space<hbm>>
      %dma_start3A_842 = arith.constant 0 : i32
      %dma_start3A_843 = tpu.memref_slice %arg9[%dma_start3A_835, %dma_start3A_842] : memref<32x128xf32, #tpu.memory_space<vmem>> -> memref<1x64xf32, #tpu.memory_space<vmem>>
      %dma_start3A_844 = tpu.memref_squeeze %dma_start3A_843 : memref<1x64xf32, #tpu.memory_space<vmem>> -> memref<64xf32, #tpu.memory_space<vmem>>
      %dma_start3A_845 = arith.constant 0 : i32
      %dma_start3A_846 = tpu.memref_slice %arg4[%squeeze3A_834, %dma_start3A_845] : memref<1000000x64xf32, #tpu.memory_space<hbm>> -> memref<1x64xf32, #tpu.memory_space<hbm>>
      %dma_start3A_847 = tpu.memref_squeeze %dma_start3A_846 : memref<1x64xf32, #tpu.memory_space<hbm>> -> memref<64xf32, #tpu.memory_space<hbm>>
      tpu.enqueue_dma source(%dma_start3A_847 : memref<64xf32, #tpu.memory_space<hbm>>) target(%dma_start3A_844 : memref<64xf32, #tpu.memory_space<vmem>>) target_semaphore(%arg12 : memref<!tpu.dma_semaphore, #tpu.memory_space<semaphore_mem>>)
      %slice3A_848 = vector.extract_strided_slice %get3A_502 {offsets = [11], sizes = [1], strides = [1]} : vector<16xi32> to vector<1xi32>
      %squeeze3A_849 = vector.extract %slice3A_848[0] : i32 from vector<1xi32>
      %dma_start3A_850 = arith.constant 27 : i32
      %dma_start3A_851 = arith.constant 0 : i32
      %dma_start3A_852 = tpu.memref_slice %arg10[%dma_start3A_850, %dma_start3A_851] : memref<32x128xf32, #tpu.memory_space<vmem>> -> memref<1x64xf32, #tpu.memory_space<vmem>>
      %dma_start3A_853 = tpu.memref_squeeze %dma_start3A_852 : memref<1x64xf32, #tpu.memory_space<vmem>> -> memref<64xf32, #tpu.memory_space<vmem>>
      %dma_start3A_854 = arith.constant 0 : i32
      %dma_start3A_855 = tpu.memref_slice %arg5[%squeeze3A_849, %dma_start3A_854] : memref<1000000x64xf32, #tpu.memory_space<hbm>> -> memref<1x64xf32, #tpu.memory_space<hbm>>
      %dma_start3A_856 = tpu.memref_squeeze %dma_start3A_855 : memref<1x64xf32, #tpu.memory_space<hbm>> -> memref<64xf32, #tpu.memory_space<hbm>>
      %dma_start3A_857 = arith.constant 0 : i32
      %dma_start3A_858 = tpu.memref_slice %arg10[%dma_start3A_850, %dma_start3A_857] : memref<32x128xf32, #tpu.memory_space<vmem>> -> memref<1x64xf32, #tpu.memory_space<vmem>>
      %dma_start3A_859 = tpu.memref_squeeze %dma_start3A_858 : memref<1x64xf32, #tpu.memory_space<vmem>> -> memref<64xf32, #tpu.memory_space<vmem>>
      %dma_start3A_860 = arith.constant 0 : i32
      %dma_start3A_861 = tpu.memref_slice %arg5[%squeeze3A_849, %dma_start3A_860] : memref<1000000x64xf32, #tpu.memory_space<hbm>> -> memref<1x64xf32, #tpu.memory_space<hbm>>
      %dma_start3A_862 = tpu.memref_squeeze %dma_start3A_861 : memref<1x64xf32, #tpu.memory_space<hbm>> -> memref<64xf32, #tpu.memory_space<hbm>>
      tpu.enqueue_dma source(%dma_start3A_862 : memref<64xf32, #tpu.memory_space<hbm>>) target(%dma_start3A_859 : memref<64xf32, #tpu.memory_space<vmem>>) target_semaphore(%arg13 : memref<!tpu.dma_semaphore, #tpu.memory_space<semaphore_mem>>)
      %slice3A_863 = vector.extract_strided_slice %get3A_498 {offsets = [12], sizes = [1], strides = [1]} : vector<16xi32> to vector<1xi32>
      %squeeze3A_864 = vector.extract %slice3A_863[0] : i32 from vector<1xi32>
      %dma_start3A_865 = arith.constant 28 : i32
      %dma_start3A_866 = arith.constant 0 : i32
      %dma_start3A_867 = tpu.memref_slice %arg9[%dma_start3A_865, %dma_start3A_866] : memref<32x128xf32, #tpu.memory_space<vmem>> -> memref<1x64xf32, #tpu.memory_space<vmem>>
      %dma_start3A_868 = tpu.memref_squeeze %dma_start3A_867 : memref<1x64xf32, #tpu.memory_space<vmem>> -> memref<64xf32, #tpu.memory_space<vmem>>
      %dma_start3A_869 = arith.constant 0 : i32
      %dma_start3A_870 = tpu.memref_slice %arg4[%squeeze3A_864, %dma_start3A_869] : memref<1000000x64xf32, #tpu.memory_space<hbm>> -> memref<1x64xf32, #tpu.memory_space<hbm>>
      %dma_start3A_871 = tpu.memref_squeeze %dma_start3A_870 : memref<1x64xf32, #tpu.memory_space<hbm>> -> memref<64xf32, #tpu.memory_space<hbm>>
      %dma_start3A_872 = arith.constant 0 : i32
      %dma_start3A_873 = tpu.memref_slice %arg9[%dma_start3A_865, %dma_start3A_872] : memref<32x128xf32, #tpu.memory_space<vmem>> -> memref<1x64xf32, #tpu.memory_space<vmem>>
      %dma_start3A_874 = tpu.memref_squeeze %dma_start3A_873 : memref<1x64xf32, #tpu.memory_space<vmem>> -> memref<64xf32, #tpu.memory_space<vmem>>
      %dma_start3A_875 = arith.constant 0 : i32
      %dma_start3A_876 = tpu.memref_slice %arg4[%squeeze3A_864, %dma_start3A_875] : memref<1000000x64xf32, #tpu.memory_space<hbm>> -> memref<1x64xf32, #tpu.memory_space<hbm>>
      %dma_start3A_877 = tpu.memref_squeeze %dma_start3A_876 : memref<1x64xf32, #tpu.memory_space<hbm>> -> memref<64xf32, #tpu.memory_space<hbm>>
      tpu.enqueue_dma source(%dma_start3A_877 : memref<64xf32, #tpu.memory_space<hbm>>) target(%dma_start3A_874 : memref<64xf32, #tpu.memory_space<vmem>>) target_semaphore(%arg12 : memref<!tpu.dma_semaphore, #tpu.memory_space<semaphore_mem>>)
      %slice3A_878 = vector.extract_strided_slice %get3A_502 {offsets = [12], sizes = [1], strides = [1]} : vector<16xi32> to vector<1xi32>
      %squeeze3A_879 = vector.extract %slice3A_878[0] : i32 from vector<1xi32>
      %dma_start3A_880 = arith.constant 28 : i32
      %dma_start3A_881 = arith.constant 0 : i32
      %dma_start3A_882 = tpu.memref_slice %arg10[%dma_start3A_880, %dma_start3A_881] : memref<32x128xf32, #tpu.memory_space<vmem>> -> memref<1x64xf32, #tpu.memory_space<vmem>>
      %dma_start3A_883 = tpu.memref_squeeze %dma_start3A_882 : memref<1x64xf32, #tpu.memory_space<vmem>> -> memref<64xf32, #tpu.memory_space<vmem>>
      %dma_start3A_884 = arith.constant 0 : i32
      %dma_start3A_885 = tpu.memref_slice %arg5[%squeeze3A_879, %dma_start3A_884] : memref<1000000x64xf32, #tpu.memory_space<hbm>> -> memref<1x64xf32, #tpu.memory_space<hbm>>
      %dma_start3A_886 = tpu.memref_squeeze %dma_start3A_885 : memref<1x64xf32, #tpu.memory_space<hbm>> -> memref<64xf32, #tpu.memory_space<hbm>>
      %dma_start3A_887 = arith.constant 0 : i32
      %dma_start3A_888 = tpu.memref_slice %arg10[%dma_start3A_880, %dma_start3A_887] : memref<32x128xf32, #tpu.memory_space<vmem>> -> memref<1x64xf32, #tpu.memory_space<vmem>>
      %dma_start3A_889 = tpu.memref_squeeze %dma_start3A_888 : memref<1x64xf32, #tpu.memory_space<vmem>> -> memref<64xf32, #tpu.memory_space<vmem>>
      %dma_start3A_890 = arith.constant 0 : i32
      %dma_start3A_891 = tpu.memref_slice %arg5[%squeeze3A_879, %dma_start3A_890] : memref<1000000x64xf32, #tpu.memory_space<hbm>> -> memref<1x64xf32, #tpu.memory_space<hbm>>
      %dma_start3A_892 = tpu.memref_squeeze %dma_start3A_891 : memref<1x64xf32, #tpu.memory_space<hbm>> -> memref<64xf32, #tpu.memory_space<hbm>>
      tpu.enqueue_dma source(%dma_start3A_892 : memref<64xf32, #tpu.memory_space<hbm>>) target(%dma_start3A_889 : memref<64xf32, #tpu.memory_space<vmem>>) target_semaphore(%arg13 : memref<!tpu.dma_semaphore, #tpu.memory_space<semaphore_mem>>)
      %slice3A_893 = vector.extract_strided_slice %get3A_498 {offsets = [13], sizes = [1], strides = [1]} : vector<16xi32> to vector<1xi32>
      %squeeze3A_894 = vector.extract %slice3A_893[0] : i32 from vector<1xi32>
      %dma_start3A_895 = arith.constant 29 : i32
      %dma_start3A_896 = arith.constant 0 : i32
      %dma_start3A_897 = tpu.memref_slice %arg9[%dma_start3A_895, %dma_start3A_896] : memref<32x128xf32, #tpu.memory_space<vmem>> -> memref<1x64xf32, #tpu.memory_space<vmem>>
      %dma_start3A_898 = tpu.memref_squeeze %dma_start3A_897 : memref<1x64xf32, #tpu.memory_space<vmem>> -> memref<64xf32, #tpu.memory_space<vmem>>
      %dma_start3A_899 = arith.constant 0 : i32
      %dma_start3A_900 = tpu.memref_slice %arg4[%squeeze3A_894, %dma_start3A_899] : memref<1000000x64xf32, #tpu.memory_space<hbm>> -> memref<1x64xf32, #tpu.memory_space<hbm>>
      %dma_start3A_901 = tpu.memref_squeeze %dma_start3A_900 : memref<1x64xf32, #tpu.memory_space<hbm>> -> memref<64xf32, #tpu.memory_space<hbm>>
      %dma_start3A_902 = arith.constant 0 : i32
      %dma_start3A_903 = tpu.memref_slice %arg9[%dma_start3A_895, %dma_start3A_902] : memref<32x128xf32, #tpu.memory_space<vmem>> -> memref<1x64xf32, #tpu.memory_space<vmem>>
      %dma_start3A_904 = tpu.memref_squeeze %dma_start3A_903 : memref<1x64xf32, #tpu.memory_space<vmem>> -> memref<64xf32, #tpu.memory_space<vmem>>
      %dma_start3A_905 = arith.constant 0 : i32
      %dma_start3A_906 = tpu.memref_slice %arg4[%squeeze3A_894, %dma_start3A_905] : memref<1000000x64xf32, #tpu.memory_space<hbm>> -> memref<1x64xf32, #tpu.memory_space<hbm>>
      %dma_start3A_907 = tpu.memref_squeeze %dma_start3A_906 : memref<1x64xf32, #tpu.memory_space<hbm>> -> memref<64xf32, #tpu.memory_space<hbm>>
      tpu.enqueue_dma source(%dma_start3A_907 : memref<64xf32, #tpu.memory_space<hbm>>) target(%dma_start3A_904 : memref<64xf32, #tpu.memory_space<vmem>>) target_semaphore(%arg12 : memref<!tpu.dma_semaphore, #tpu.memory_space<semaphore_mem>>)
      %slice3A_908 = vector.extract_strided_slice %get3A_502 {offsets = [13], sizes = [1], strides = [1]} : vector<16xi32> to vector<1xi32>
      %squeeze3A_909 = vector.extract %slice3A_908[0] : i32 from vector<1xi32>
      %dma_start3A_910 = arith.constant 29 : i32
      %dma_start3A_911 = arith.constant 0 : i32
      %dma_start3A_912 = tpu.memref_slice %arg10[%dma_start3A_910, %dma_start3A_911] : memref<32x128xf32, #tpu.memory_space<vmem>> -> memref<1x64xf32, #tpu.memory_space<vmem>>
      %dma_start3A_913 = tpu.memref_squeeze %dma_start3A_912 : memref<1x64xf32, #tpu.memory_space<vmem>> -> memref<64xf32, #tpu.memory_space<vmem>>
      %dma_start3A_914 = arith.constant 0 : i32
      %dma_start3A_915 = tpu.memref_slice %arg5[%squeeze3A_909, %dma_start3A_914] : memref<1000000x64xf32, #tpu.memory_space<hbm>> -> memref<1x64xf32, #tpu.memory_space<hbm>>
      %dma_start3A_916 = tpu.memref_squeeze %dma_start3A_915 : memref<1x64xf32, #tpu.memory_space<hbm>> -> memref<64xf32, #tpu.memory_space<hbm>>
      %dma_start3A_917 = arith.constant 0 : i32
      %dma_start3A_918 = tpu.memref_slice %arg10[%dma_start3A_910, %dma_start3A_917] : memref<32x128xf32, #tpu.memory_space<vmem>> -> memref<1x64xf32, #tpu.memory_space<vmem>>
      %dma_start3A_919 = tpu.memref_squeeze %dma_start3A_918 : memref<1x64xf32, #tpu.memory_space<vmem>> -> memref<64xf32, #tpu.memory_space<vmem>>
      %dma_start3A_920 = arith.constant 0 : i32
      %dma_start3A_921 = tpu.memref_slice %arg5[%squeeze3A_909, %dma_start3A_920] : memref<1000000x64xf32, #tpu.memory_space<hbm>> -> memref<1x64xf32, #tpu.memory_space<hbm>>
      %dma_start3A_922 = tpu.memref_squeeze %dma_start3A_921 : memref<1x64xf32, #tpu.memory_space<hbm>> -> memref<64xf32, #tpu.memory_space<hbm>>
      tpu.enqueue_dma source(%dma_start3A_922 : memref<64xf32, #tpu.memory_space<hbm>>) target(%dma_start3A_919 : memref<64xf32, #tpu.memory_space<vmem>>) target_semaphore(%arg13 : memref<!tpu.dma_semaphore, #tpu.memory_space<semaphore_mem>>)
      %slice3A_923 = vector.extract_strided_slice %get3A_498 {offsets = [14], sizes = [1], strides = [1]} : vector<16xi32> to vector<1xi32>
      %squeeze3A_924 = vector.extract %slice3A_923[0] : i32 from vector<1xi32>
      %dma_start3A_925 = arith.constant 30 : i32
      %dma_start3A_926 = arith.constant 0 : i32
      %dma_start3A_927 = tpu.memref_slice %arg9[%dma_start3A_925, %dma_start3A_926] : memref<32x128xf32, #tpu.memory_space<vmem>> -> memref<1x64xf32, #tpu.memory_space<vmem>>
      %dma_start3A_928 = tpu.memref_squeeze %dma_start3A_927 : memref<1x64xf32, #tpu.memory_space<vmem>> -> memref<64xf32, #tpu.memory_space<vmem>>
      %dma_start3A_929 = arith.constant 0 : i32
      %dma_start3A_930 = tpu.memref_slice %arg4[%squeeze3A_924, %dma_start3A_929] : memref<1000000x64xf32, #tpu.memory_space<hbm>> -> memref<1x64xf32, #tpu.memory_space<hbm>>
      %dma_start3A_931 = tpu.memref_squeeze %dma_start3A_930 : memref<1x64xf32, #tpu.memory_space<hbm>> -> memref<64xf32, #tpu.memory_space<hbm>>
      %dma_start3A_932 = arith.constant 0 : i32
      %dma_start3A_933 = tpu.memref_slice %arg9[%dma_start3A_925, %dma_start3A_932] : memref<32x128xf32, #tpu.memory_space<vmem>> -> memref<1x64xf32, #tpu.memory_space<vmem>>
      %dma_start3A_934 = tpu.memref_squeeze %dma_start3A_933 : memref<1x64xf32, #tpu.memory_space<vmem>> -> memref<64xf32, #tpu.memory_space<vmem>>
      %dma_start3A_935 = arith.constant 0 : i32
      %dma_start3A_936 = tpu.memref_slice %arg4[%squeeze3A_924, %dma_start3A_935] : memref<1000000x64xf32, #tpu.memory_space<hbm>> -> memref<1x64xf32, #tpu.memory_space<hbm>>
      %dma_start3A_937 = tpu.memref_squeeze %dma_start3A_936 : memref<1x64xf32, #tpu.memory_space<hbm>> -> memref<64xf32, #tpu.memory_space<hbm>>
      tpu.enqueue_dma source(%dma_start3A_937 : memref<64xf32, #tpu.memory_space<hbm>>) target(%dma_start3A_934 : memref<64xf32, #tpu.memory_space<vmem>>) target_semaphore(%arg12 : memref<!tpu.dma_semaphore, #tpu.memory_space<semaphore_mem>>)
      %slice3A_938 = vector.extract_strided_slice %get3A_502 {offsets = [14], sizes = [1], strides = [1]} : vector<16xi32> to vector<1xi32>
      %squeeze3A_939 = vector.extract %slice3A_938[0] : i32 from vector<1xi32>
      %dma_start3A_940 = arith.constant 30 : i32
      %dma_start3A_941 = arith.constant 0 : i32
      %dma_start3A_942 = tpu.memref_slice %arg10[%dma_start3A_940, %dma_start3A_941] : memref<32x128xf32, #tpu.memory_space<vmem>> -> memref<1x64xf32, #tpu.memory_space<vmem>>
      %dma_start3A_943 = tpu.memref_squeeze %dma_start3A_942 : memref<1x64xf32, #tpu.memory_space<vmem>> -> memref<64xf32, #tpu.memory_space<vmem>>
      %dma_start3A_944 = arith.constant 0 : i32
      %dma_start3A_945 = tpu.memref_slice %arg5[%squeeze3A_939, %dma_start3A_944] : memref<1000000x64xf32, #tpu.memory_space<hbm>> -> memref<1x64xf32, #tpu.memory_space<hbm>>
      %dma_start3A_946 = tpu.memref_squeeze %dma_start3A_945 : memref<1x64xf32, #tpu.memory_space<hbm>> -> memref<64xf32, #tpu.memory_space<hbm>>
      %dma_start3A_947 = arith.constant 0 : i32
      %dma_start3A_948 = tpu.memref_slice %arg10[%dma_start3A_940, %dma_start3A_947] : memref<32x128xf32, #tpu.memory_space<vmem>> -> memref<1x64xf32, #tpu.memory_space<vmem>>
      %dma_start3A_949 = tpu.memref_squeeze %dma_start3A_948 : memref<1x64xf32, #tpu.memory_space<vmem>> -> memref<64xf32, #tpu.memory_space<vmem>>
      %dma_start3A_950 = arith.constant 0 : i32
      %dma_start3A_951 = tpu.memref_slice %arg5[%squeeze3A_939, %dma_start3A_950] : memref<1000000x64xf32, #tpu.memory_space<hbm>> -> memref<1x64xf32, #tpu.memory_space<hbm>>
      %dma_start3A_952 = tpu.memref_squeeze %dma_start3A_951 : memref<1x64xf32, #tpu.memory_space<hbm>> -> memref<64xf32, #tpu.memory_space<hbm>>
      tpu.enqueue_dma source(%dma_start3A_952 : memref<64xf32, #tpu.memory_space<hbm>>) target(%dma_start3A_949 : memref<64xf32, #tpu.memory_space<vmem>>) target_semaphore(%arg13 : memref<!tpu.dma_semaphore, #tpu.memory_space<semaphore_mem>>)
      %slice3A_953 = vector.extract_strided_slice %get3A_498 {offsets = [15], sizes = [1], strides = [1]} : vector<16xi32> to vector<1xi32>
      %squeeze3A_954 = vector.extract %slice3A_953[0] : i32 from vector<1xi32>
      %dma_start3A_955 = arith.constant 31 : i32
      %dma_start3A_956 = arith.constant 0 : i32
      %dma_start3A_957 = tpu.memref_slice %arg9[%dma_start3A_955, %dma_start3A_956] : memref<32x128xf32, #tpu.memory_space<vmem>> -> memref<1x64xf32, #tpu.memory_space<vmem>>
      %dma_start3A_958 = tpu.memref_squeeze %dma_start3A_957 : memref<1x64xf32, #tpu.memory_space<vmem>> -> memref<64xf32, #tpu.memory_space<vmem>>
      %dma_start3A_959 = arith.constant 0 : i32
      %dma_start3A_960 = tpu.memref_slice %arg4[%squeeze3A_954, %dma_start3A_959] : memref<1000000x64xf32, #tpu.memory_space<hbm>> -> memref<1x64xf32, #tpu.memory_space<hbm>>
      %dma_start3A_961 = tpu.memref_squeeze %dma_start3A_960 : memref<1x64xf32, #tpu.memory_space<hbm>> -> memref<64xf32, #tpu.memory_space<hbm>>
      %dma_start3A_962 = arith.constant 0 : i32
      %dma_start3A_963 = tpu.memref_slice %arg9[%dma_start3A_955, %dma_start3A_962] : memref<32x128xf32, #tpu.memory_space<vmem>> -> memref<1x64xf32, #tpu.memory_space<vmem>>
      %dma_start3A_964 = tpu.memref_squeeze %dma_start3A_963 : memref<1x64xf32, #tpu.memory_space<vmem>> -> memref<64xf32, #tpu.memory_space<vmem>>
      %dma_start3A_965 = arith.constant 0 : i32
      %dma_start3A_966 = tpu.memref_slice %arg4[%squeeze3A_954, %dma_start3A_965] : memref<1000000x64xf32, #tpu.memory_space<hbm>> -> memref<1x64xf32, #tpu.memory_space<hbm>>
      %dma_start3A_967 = tpu.memref_squeeze %dma_start3A_966 : memref<1x64xf32, #tpu.memory_space<hbm>> -> memref<64xf32, #tpu.memory_space<hbm>>
      tpu.enqueue_dma source(%dma_start3A_967 : memref<64xf32, #tpu.memory_space<hbm>>) target(%dma_start3A_964 : memref<64xf32, #tpu.memory_space<vmem>>) target_semaphore(%arg12 : memref<!tpu.dma_semaphore, #tpu.memory_space<semaphore_mem>>)
      %slice3A_968 = vector.extract_strided_slice %get3A_502 {offsets = [15], sizes = [1], strides = [1]} : vector<16xi32> to vector<1xi32>
      %squeeze3A_969 = vector.extract %slice3A_968[0] : i32 from vector<1xi32>
      %dma_start3A_970 = arith.constant 31 : i32
      %dma_start3A_971 = arith.constant 0 : i32
      %dma_start3A_972 = tpu.memref_slice %arg10[%dma_start3A_970, %dma_start3A_971] : memref<32x128xf32, #tpu.memory_space<vmem>> -> memref<1x64xf32, #tpu.memory_space<vmem>>
      %dma_start3A_973 = tpu.memref_squeeze %dma_start3A_972 : memref<1x64xf32, #tpu.memory_space<vmem>> -> memref<64xf32, #tpu.memory_space<vmem>>
      %dma_start3A_974 = arith.constant 0 : i32
      %dma_start3A_975 = tpu.memref_slice %arg5[%squeeze3A_969, %dma_start3A_974] : memref<1000000x64xf32, #tpu.memory_space<hbm>> -> memref<1x64xf32, #tpu.memory_space<hbm>>
      %dma_start3A_976 = tpu.memref_squeeze %dma_start3A_975 : memref<1x64xf32, #tpu.memory_space<hbm>> -> memref<64xf32, #tpu.memory_space<hbm>>
      %dma_start3A_977 = arith.constant 0 : i32
      %dma_start3A_978 = tpu.memref_slice %arg10[%dma_start3A_970, %dma_start3A_977] : memref<32x128xf32, #tpu.memory_space<vmem>> -> memref<1x64xf32, #tpu.memory_space<vmem>>
      %dma_start3A_979 = tpu.memref_squeeze %dma_start3A_978 : memref<1x64xf32, #tpu.memory_space<vmem>> -> memref<64xf32, #tpu.memory_space<vmem>>
      %dma_start3A_980 = arith.constant 0 : i32
      %dma_start3A_981 = tpu.memref_slice %arg5[%squeeze3A_969, %dma_start3A_980] : memref<1000000x64xf32, #tpu.memory_space<hbm>> -> memref<1x64xf32, #tpu.memory_space<hbm>>
      %dma_start3A_982 = tpu.memref_squeeze %dma_start3A_981 : memref<1x64xf32, #tpu.memory_space<hbm>> -> memref<64xf32, #tpu.memory_space<hbm>>
      tpu.enqueue_dma source(%dma_start3A_982 : memref<64xf32, #tpu.memory_space<hbm>>) target(%dma_start3A_979 : memref<64xf32, #tpu.memory_space<vmem>>) target_semaphore(%arg13 : memref<!tpu.dma_semaphore, #tpu.memory_space<semaphore_mem>>)
      %dma_wait3A = arith.constant 0 : i32
      %dma_wait3A_983 = arith.constant 0 : i32
      %dma_wait3A_984 = tpu.memref_slice %arg9[%dma_wait3A, %dma_wait3A_983] : memref<32x128xf32, #tpu.memory_space<vmem>> -> memref<1x64xf32, #tpu.memory_space<vmem>>
      %dma_wait3A_985 = tpu.memref_squeeze %dma_wait3A_984 : memref<1x64xf32, #tpu.memory_space<vmem>> -> memref<64xf32, #tpu.memory_space<vmem>>
      %dma_wait3A_986 = arith.constant 0 : i32
      %dma_wait3A_987 = tpu.memref_slice %arg4[%squeeze3A, %dma_wait3A_986] : memref<1000000x64xf32, #tpu.memory_space<hbm>> -> memref<1x64xf32, #tpu.memory_space<hbm>>
      %dma_wait3A_988 = tpu.memref_squeeze %dma_wait3A_987 : memref<1x64xf32, #tpu.memory_space<hbm>> -> memref<64xf32, #tpu.memory_space<hbm>>
      %dma_wait3A_989 = arith.constant 0 : i32
      %dma_wait3A_990 = tpu.memref_slice %arg9[%dma_wait3A, %dma_wait3A_989] : memref<32x128xf32, #tpu.memory_space<vmem>> -> memref<1x64xf32, #tpu.memory_space<vmem>>
      %dma_wait3A_991 = tpu.memref_squeeze %dma_wait3A_990 : memref<1x64xf32, #tpu.memory_space<vmem>> -> memref<64xf32, #tpu.memory_space<vmem>>
      %dma_wait3A_992 = arith.constant 0 : i32
      %dma_wait3A_993 = tpu.memref_slice %arg4[%squeeze3A, %dma_wait3A_992] : memref<1000000x64xf32, #tpu.memory_space<hbm>> -> memref<1x64xf32, #tpu.memory_space<hbm>>
      %dma_wait3A_994 = tpu.memref_squeeze %dma_wait3A_993 : memref<1x64xf32, #tpu.memory_space<hbm>> -> memref<64xf32, #tpu.memory_space<hbm>>
      tpu.wait_dma2 semaphore(%arg12 : memref<!tpu.dma_semaphore, #tpu.memory_space<semaphore_mem>>) src(%dma_wait3A_994 : memref<64xf32, #tpu.memory_space<hbm>>) dst(%dma_wait3A_991 : memref<64xf32, #tpu.memory_space<vmem>>)
      %dma_wait3A_995 = arith.constant 0 : i32
      %dma_wait3A_996 = arith.constant 0 : i32
      %dma_wait3A_997 = tpu.memref_slice %arg10[%dma_wait3A_995, %dma_wait3A_996] : memref<32x128xf32, #tpu.memory_space<vmem>> -> memref<1x64xf32, #tpu.memory_space<vmem>>
      %dma_wait3A_998 = tpu.memref_squeeze %dma_wait3A_997 : memref<1x64xf32, #tpu.memory_space<vmem>> -> memref<64xf32, #tpu.memory_space<vmem>>
      %dma_wait3A_999 = arith.constant 0 : i32
      %dma_wait3A_1000 = tpu.memref_slice %arg5[%squeeze3A_31, %dma_wait3A_999] : memref<1000000x64xf32, #tpu.memory_space<hbm>> -> memref<1x64xf32, #tpu.memory_space<hbm>>
      %dma_wait3A_1001 = tpu.memref_squeeze %dma_wait3A_1000 : memref<1x64xf32, #tpu.memory_space<hbm>> -> memref<64xf32, #tpu.memory_space<hbm>>
      %dma_wait3A_1002 = arith.constant 0 : i32
      %dma_wait3A_1003 = tpu.memref_slice %arg10[%dma_wait3A_995, %dma_wait3A_1002] : memref<32x128xf32, #tpu.memory_space<vmem>> -> memref<1x64xf32, #tpu.memory_space<vmem>>
      %dma_wait3A_1004 = tpu.memref_squeeze %dma_wait3A_1003 : memref<1x64xf32, #tpu.memory_space<vmem>> -> memref<64xf32, #tpu.memory_space<vmem>>
      %dma_wait3A_1005 = arith.constant 0 : i32
      %dma_wait3A_1006 = tpu.memref_slice %arg5[%squeeze3A_31, %dma_wait3A_1005] : memref<1000000x64xf32, #tpu.memory_space<hbm>> -> memref<1x64xf32, #tpu.memory_space<hbm>>
      %dma_wait3A_1007 = tpu.memref_squeeze %dma_wait3A_1006 : memref<1x64xf32, #tpu.memory_space<hbm>> -> memref<64xf32, #tpu.memory_space<hbm>>
      tpu.wait_dma2 semaphore(%arg13 : memref<!tpu.dma_semaphore, #tpu.memory_space<semaphore_mem>>) src(%dma_wait3A_1007 : memref<64xf32, #tpu.memory_space<hbm>>) dst(%dma_wait3A_1004 : memref<64xf32, #tpu.memory_space<vmem>>)
      %dma_wait3A_1008 = arith.constant 1 : i32
      %dma_wait3A_1009 = arith.constant 0 : i32
      %dma_wait3A_1010 = tpu.memref_slice %arg9[%dma_wait3A_1008, %dma_wait3A_1009] : memref<32x128xf32, #tpu.memory_space<vmem>> -> memref<1x64xf32, #tpu.memory_space<vmem>>
      %dma_wait3A_1011 = tpu.memref_squeeze %dma_wait3A_1010 : memref<1x64xf32, #tpu.memory_space<vmem>> -> memref<64xf32, #tpu.memory_space<vmem>>
      %dma_wait3A_1012 = arith.constant 0 : i32
      %dma_wait3A_1013 = tpu.memref_slice %arg4[%squeeze3A_46, %dma_wait3A_1012] : memref<1000000x64xf32, #tpu.memory_space<hbm>> -> memref<1x64xf32, #tpu.memory_space<hbm>>
      %dma_wait3A_1014 = tpu.memref_squeeze %dma_wait3A_1013 : memref<1x64xf32, #tpu.memory_space<hbm>> -> memref<64xf32, #tpu.memory_space<hbm>>
      %dma_wait3A_1015 = arith.constant 0 : i32
      %dma_wait3A_1016 = tpu.memref_slice %arg9[%dma_wait3A_1008, %dma_wait3A_1015] : memref<32x128xf32, #tpu.memory_space<vmem>> -> memref<1x64xf32, #tpu.memory_space<vmem>>
      %dma_wait3A_1017 = tpu.memref_squeeze %dma_wait3A_1016 : memref<1x64xf32, #tpu.memory_space<vmem>> -> memref<64xf32, #tpu.memory_space<vmem>>
      %dma_wait3A_1018 = arith.constant 0 : i32
      %dma_wait3A_1019 = tpu.memref_slice %arg4[%squeeze3A_46, %dma_wait3A_1018] : memref<1000000x64xf32, #tpu.memory_space<hbm>> -> memref<1x64xf32, #tpu.memory_space<hbm>>
      %dma_wait3A_1020 = tpu.memref_squeeze %dma_wait3A_1019 : memref<1x64xf32, #tpu.memory_space<hbm>> -> memref<64xf32, #tpu.memory_space<hbm>>
      tpu.wait_dma2 semaphore(%arg12 : memref<!tpu.dma_semaphore, #tpu.memory_space<semaphore_mem>>) src(%dma_wait3A_1020 : memref<64xf32, #tpu.memory_space<hbm>>) dst(%dma_wait3A_1017 : memref<64xf32, #tpu.memory_space<vmem>>)
      %dma_wait3A_1021 = arith.constant 1 : i32
      %dma_wait3A_1022 = arith.constant 0 : i32
      %dma_wait3A_1023 = tpu.memref_slice %arg10[%dma_wait3A_1021, %dma_wait3A_1022] : memref<32x128xf32, #tpu.memory_space<vmem>> -> memref<1x64xf32, #tpu.memory_space<vmem>>
      %dma_wait3A_1024 = tpu.memref_squeeze %dma_wait3A_1023 : memref<1x64xf32, #tpu.memory_space<vmem>> -> memref<64xf32, #tpu.memory_space<vmem>>
      %dma_wait3A_1025 = arith.constant 0 : i32
      %dma_wait3A_1026 = tpu.memref_slice %arg5[%squeeze3A_61, %dma_wait3A_1025] : memref<1000000x64xf32, #tpu.memory_space<hbm>> -> memref<1x64xf32, #tpu.memory_space<hbm>>
      %dma_wait3A_1027 = tpu.memref_squeeze %dma_wait3A_1026 : memref<1x64xf32, #tpu.memory_space<hbm>> -> memref<64xf32, #tpu.memory_space<hbm>>
      %dma_wait3A_1028 = arith.constant 0 : i32
      %dma_wait3A_1029 = tpu.memref_slice %arg10[%dma_wait3A_1021, %dma_wait3A_1028] : memref<32x128xf32, #tpu.memory_space<vmem>> -> memref<1x64xf32, #tpu.memory_space<vmem>>
      %dma_wait3A_1030 = tpu.memref_squeeze %dma_wait3A_1029 : memref<1x64xf32, #tpu.memory_space<vmem>> -> memref<64xf32, #tpu.memory_space<vmem>>
      %dma_wait3A_1031 = arith.constant 0 : i32
      %dma_wait3A_1032 = tpu.memref_slice %arg5[%squeeze3A_61, %dma_wait3A_1031] : memref<1000000x64xf32, #tpu.memory_space<hbm>> -> memref<1x64xf32, #tpu.memory_space<hbm>>
      %dma_wait3A_1033 = tpu.memref_squeeze %dma_wait3A_1032 : memref<1x64xf32, #tpu.memory_space<hbm>> -> memref<64xf32, #tpu.memory_space<hbm>>
      tpu.wait_dma2 semaphore(%arg13 : memref<!tpu.dma_semaphore, #tpu.memory_space<semaphore_mem>>) src(%dma_wait3A_1033 : memref<64xf32, #tpu.memory_space<hbm>>) dst(%dma_wait3A_1030 : memref<64xf32, #tpu.memory_space<vmem>>)
      %dma_wait3A_1034 = arith.constant 2 : i32
      %dma_wait3A_1035 = arith.constant 0 : i32
      %dma_wait3A_1036 = tpu.memref_slice %arg9[%dma_wait3A_1034, %dma_wait3A_1035] : memref<32x128xf32, #tpu.memory_space<vmem>> -> memref<1x64xf32, #tpu.memory_space<vmem>>
      %dma_wait3A_1037 = tpu.memref_squeeze %dma_wait3A_1036 : memref<1x64xf32, #tpu.memory_space<vmem>> -> memref<64xf32, #tpu.memory_space<vmem>>
      %dma_wait3A_1038 = arith.constant 0 : i32
      %dma_wait3A_1039 = tpu.memref_slice %arg4[%squeeze3A_76, %dma_wait3A_1038] : memref<1000000x64xf32, #tpu.memory_space<hbm>> -> memref<1x64xf32, #tpu.memory_space<hbm>>
      %dma_wait3A_1040 = tpu.memref_squeeze %dma_wait3A_1039 : memref<1x64xf32, #tpu.memory_space<hbm>> -> memref<64xf32, #tpu.memory_space<hbm>>
      %dma_wait3A_1041 = arith.constant 0 : i32
      %dma_wait3A_1042 = tpu.memref_slice %arg9[%dma_wait3A_1034, %dma_wait3A_1041] : memref<32x128xf32, #tpu.memory_space<vmem>> -> memref<1x64xf32, #tpu.memory_space<vmem>>
      %dma_wait3A_1043 = tpu.memref_squeeze %dma_wait3A_1042 : memref<1x64xf32, #tpu.memory_space<vmem>> -> memref<64xf32, #tpu.memory_space<vmem>>
      %dma_wait3A_1044 = arith.constant 0 : i32
      %dma_wait3A_1045 = tpu.memref_slice %arg4[%squeeze3A_76, %dma_wait3A_1044] : memref<1000000x64xf32, #tpu.memory_space<hbm>> -> memref<1x64xf32, #tpu.memory_space<hbm>>
      %dma_wait3A_1046 = tpu.memref_squeeze %dma_wait3A_1045 : memref<1x64xf32, #tpu.memory_space<hbm>> -> memref<64xf32, #tpu.memory_space<hbm>>
      tpu.wait_dma2 semaphore(%arg12 : memref<!tpu.dma_semaphore, #tpu.memory_space<semaphore_mem>>) src(%dma_wait3A_1046 : memref<64xf32, #tpu.memory_space<hbm>>) dst(%dma_wait3A_1043 : memref<64xf32, #tpu.memory_space<vmem>>)
      %dma_wait3A_1047 = arith.constant 2 : i32
      %dma_wait3A_1048 = arith.constant 0 : i32
      %dma_wait3A_1049 = tpu.memref_slice %arg10[%dma_wait3A_1047, %dma_wait3A_1048] : memref<32x128xf32, #tpu.memory_space<vmem>> -> memref<1x64xf32, #tpu.memory_space<vmem>>
      %dma_wait3A_1050 = tpu.memref_squeeze %dma_wait3A_1049 : memref<1x64xf32, #tpu.memory_space<vmem>> -> memref<64xf32, #tpu.memory_space<vmem>>
      %dma_wait3A_1051 = arith.constant 0 : i32
      %dma_wait3A_1052 = tpu.memref_slice %arg5[%squeeze3A_91, %dma_wait3A_1051] : memref<1000000x64xf32, #tpu.memory_space<hbm>> -> memref<1x64xf32, #tpu.memory_space<hbm>>
      %dma_wait3A_1053 = tpu.memref_squeeze %dma_wait3A_1052 : memref<1x64xf32, #tpu.memory_space<hbm>> -> memref<64xf32, #tpu.memory_space<hbm>>
      %dma_wait3A_1054 = arith.constant 0 : i32
      %dma_wait3A_1055 = tpu.memref_slice %arg10[%dma_wait3A_1047, %dma_wait3A_1054] : memref<32x128xf32, #tpu.memory_space<vmem>> -> memref<1x64xf32, #tpu.memory_space<vmem>>
      %dma_wait3A_1056 = tpu.memref_squeeze %dma_wait3A_1055 : memref<1x64xf32, #tpu.memory_space<vmem>> -> memref<64xf32, #tpu.memory_space<vmem>>
      %dma_wait3A_1057 = arith.constant 0 : i32
      %dma_wait3A_1058 = tpu.memref_slice %arg5[%squeeze3A_91, %dma_wait3A_1057] : memref<1000000x64xf32, #tpu.memory_space<hbm>> -> memref<1x64xf32, #tpu.memory_space<hbm>>
      %dma_wait3A_1059 = tpu.memref_squeeze %dma_wait3A_1058 : memref<1x64xf32, #tpu.memory_space<hbm>> -> memref<64xf32, #tpu.memory_space<hbm>>
      tpu.wait_dma2 semaphore(%arg13 : memref<!tpu.dma_semaphore, #tpu.memory_space<semaphore_mem>>) src(%dma_wait3A_1059 : memref<64xf32, #tpu.memory_space<hbm>>) dst(%dma_wait3A_1056 : memref<64xf32, #tpu.memory_space<vmem>>)
      %dma_wait3A_1060 = arith.constant 3 : i32
      %dma_wait3A_1061 = arith.constant 0 : i32
      %dma_wait3A_1062 = tpu.memref_slice %arg9[%dma_wait3A_1060, %dma_wait3A_1061] : memref<32x128xf32, #tpu.memory_space<vmem>> -> memref<1x64xf32, #tpu.memory_space<vmem>>
      %dma_wait3A_1063 = tpu.memref_squeeze %dma_wait3A_1062 : memref<1x64xf32, #tpu.memory_space<vmem>> -> memref<64xf32, #tpu.memory_space<vmem>>
      %dma_wait3A_1064 = arith.constant 0 : i32
      %dma_wait3A_1065 = tpu.memref_slice %arg4[%squeeze3A_106, %dma_wait3A_1064] : memref<1000000x64xf32, #tpu.memory_space<hbm>> -> memref<1x64xf32, #tpu.memory_space<hbm>>
      %dma_wait3A_1066 = tpu.memref_squeeze %dma_wait3A_1065 : memref<1x64xf32, #tpu.memory_space<hbm>> -> memref<64xf32, #tpu.memory_space<hbm>>
      %dma_wait3A_1067 = arith.constant 0 : i32
      %dma_wait3A_1068 = tpu.memref_slice %arg9[%dma_wait3A_1060, %dma_wait3A_1067] : memref<32x128xf32, #tpu.memory_space<vmem>> -> memref<1x64xf32, #tpu.memory_space<vmem>>
      %dma_wait3A_1069 = tpu.memref_squeeze %dma_wait3A_1068 : memref<1x64xf32, #tpu.memory_space<vmem>> -> memref<64xf32, #tpu.memory_space<vmem>>
      %dma_wait3A_1070 = arith.constant 0 : i32
      %dma_wait3A_1071 = tpu.memref_slice %arg4[%squeeze3A_106, %dma_wait3A_1070] : memref<1000000x64xf32, #tpu.memory_space<hbm>> -> memref<1x64xf32, #tpu.memory_space<hbm>>
      %dma_wait3A_1072 = tpu.memref_squeeze %dma_wait3A_1071 : memref<1x64xf32, #tpu.memory_space<hbm>> -> memref<64xf32, #tpu.memory_space<hbm>>
      tpu.wait_dma2 semaphore(%arg12 : memref<!tpu.dma_semaphore, #tpu.memory_space<semaphore_mem>>) src(%dma_wait3A_1072 : memref<64xf32, #tpu.memory_space<hbm>>) dst(%dma_wait3A_1069 : memref<64xf32, #tpu.memory_space<vmem>>)
      %dma_wait3A_1073 = arith.constant 3 : i32
      %dma_wait3A_1074 = arith.constant 0 : i32
      %dma_wait3A_1075 = tpu.memref_slice %arg10[%dma_wait3A_1073, %dma_wait3A_1074] : memref<32x128xf32, #tpu.memory_space<vmem>> -> memref<1x64xf32, #tpu.memory_space<vmem>>
      %dma_wait3A_1076 = tpu.memref_squeeze %dma_wait3A_1075 : memref<1x64xf32, #tpu.memory_space<vmem>> -> memref<64xf32, #tpu.memory_space<vmem>>
      %dma_wait3A_1077 = arith.constant 0 : i32
      %dma_wait3A_1078 = tpu.memref_slice %arg5[%squeeze3A_121, %dma_wait3A_1077] : memref<1000000x64xf32, #tpu.memory_space<hbm>> -> memref<1x64xf32, #tpu.memory_space<hbm>>
      %dma_wait3A_1079 = tpu.memref_squeeze %dma_wait3A_1078 : memref<1x64xf32, #tpu.memory_space<hbm>> -> memref<64xf32, #tpu.memory_space<hbm>>
      %dma_wait3A_1080 = arith.constant 0 : i32
      %dma_wait3A_1081 = tpu.memref_slice %arg10[%dma_wait3A_1073, %dma_wait3A_1080] : memref<32x128xf32, #tpu.memory_space<vmem>> -> memref<1x64xf32, #tpu.memory_space<vmem>>
      %dma_wait3A_1082 = tpu.memref_squeeze %dma_wait3A_1081 : memref<1x64xf32, #tpu.memory_space<vmem>> -> memref<64xf32, #tpu.memory_space<vmem>>
      %dma_wait3A_1083 = arith.constant 0 : i32
      %dma_wait3A_1084 = tpu.memref_slice %arg5[%squeeze3A_121, %dma_wait3A_1083] : memref<1000000x64xf32, #tpu.memory_space<hbm>> -> memref<1x64xf32, #tpu.memory_space<hbm>>
      %dma_wait3A_1085 = tpu.memref_squeeze %dma_wait3A_1084 : memref<1x64xf32, #tpu.memory_space<hbm>> -> memref<64xf32, #tpu.memory_space<hbm>>
      tpu.wait_dma2 semaphore(%arg13 : memref<!tpu.dma_semaphore, #tpu.memory_space<semaphore_mem>>) src(%dma_wait3A_1085 : memref<64xf32, #tpu.memory_space<hbm>>) dst(%dma_wait3A_1082 : memref<64xf32, #tpu.memory_space<vmem>>)
      %dma_wait3A_1086 = arith.constant 4 : i32
      %dma_wait3A_1087 = arith.constant 0 : i32
      %dma_wait3A_1088 = tpu.memref_slice %arg9[%dma_wait3A_1086, %dma_wait3A_1087] : memref<32x128xf32, #tpu.memory_space<vmem>> -> memref<1x64xf32, #tpu.memory_space<vmem>>
      %dma_wait3A_1089 = tpu.memref_squeeze %dma_wait3A_1088 : memref<1x64xf32, #tpu.memory_space<vmem>> -> memref<64xf32, #tpu.memory_space<vmem>>
      %dma_wait3A_1090 = arith.constant 0 : i32
      %dma_wait3A_1091 = tpu.memref_slice %arg4[%squeeze3A_136, %dma_wait3A_1090] : memref<1000000x64xf32, #tpu.memory_space<hbm>> -> memref<1x64xf32, #tpu.memory_space<hbm>>
      %dma_wait3A_1092 = tpu.memref_squeeze %dma_wait3A_1091 : memref<1x64xf32, #tpu.memory_space<hbm>> -> memref<64xf32, #tpu.memory_space<hbm>>
      %dma_wait3A_1093 = arith.constant 0 : i32
      %dma_wait3A_1094 = tpu.memref_slice %arg9[%dma_wait3A_1086, %dma_wait3A_1093] : memref<32x128xf32, #tpu.memory_space<vmem>> -> memref<1x64xf32, #tpu.memory_space<vmem>>
      %dma_wait3A_1095 = tpu.memref_squeeze %dma_wait3A_1094 : memref<1x64xf32, #tpu.memory_space<vmem>> -> memref<64xf32, #tpu.memory_space<vmem>>
      %dma_wait3A_1096 = arith.constant 0 : i32
      %dma_wait3A_1097 = tpu.memref_slice %arg4[%squeeze3A_136, %dma_wait3A_1096] : memref<1000000x64xf32, #tpu.memory_space<hbm>> -> memref<1x64xf32, #tpu.memory_space<hbm>>
      %dma_wait3A_1098 = tpu.memref_squeeze %dma_wait3A_1097 : memref<1x64xf32, #tpu.memory_space<hbm>> -> memref<64xf32, #tpu.memory_space<hbm>>
      tpu.wait_dma2 semaphore(%arg12 : memref<!tpu.dma_semaphore, #tpu.memory_space<semaphore_mem>>) src(%dma_wait3A_1098 : memref<64xf32, #tpu.memory_space<hbm>>) dst(%dma_wait3A_1095 : memref<64xf32, #tpu.memory_space<vmem>>)
      %dma_wait3A_1099 = arith.constant 4 : i32
      %dma_wait3A_1100 = arith.constant 0 : i32
      %dma_wait3A_1101 = tpu.memref_slice %arg10[%dma_wait3A_1099, %dma_wait3A_1100] : memref<32x128xf32, #tpu.memory_space<vmem>> -> memref<1x64xf32, #tpu.memory_space<vmem>>
      %dma_wait3A_1102 = tpu.memref_squeeze %dma_wait3A_1101 : memref<1x64xf32, #tpu.memory_space<vmem>> -> memref<64xf32, #tpu.memory_space<vmem>>
      %dma_wait3A_1103 = arith.constant 0 : i32
      %dma_wait3A_1104 = tpu.memref_slice %arg5[%squeeze3A_151, %dma_wait3A_1103] : memref<1000000x64xf32, #tpu.memory_space<hbm>> -> memref<1x64xf32, #tpu.memory_space<hbm>>
      %dma_wait3A_1105 = tpu.memref_squeeze %dma_wait3A_1104 : memref<1x64xf32, #tpu.memory_space<hbm>> -> memref<64xf32, #tpu.memory_space<hbm>>
      %dma_wait3A_1106 = arith.constant 0 : i32
      %dma_wait3A_1107 = tpu.memref_slice %arg10[%dma_wait3A_1099, %dma_wait3A_1106] : memref<32x128xf32, #tpu.memory_space<vmem>> -> memref<1x64xf32, #tpu.memory_space<vmem>>
      %dma_wait3A_1108 = tpu.memref_squeeze %dma_wait3A_1107 : memref<1x64xf32, #tpu.memory_space<vmem>> -> memref<64xf32, #tpu.memory_space<vmem>>
      %dma_wait3A_1109 = arith.constant 0 : i32
      %dma_wait3A_1110 = tpu.memref_slice %arg5[%squeeze3A_151, %dma_wait3A_1109] : memref<1000000x64xf32, #tpu.memory_space<hbm>> -> memref<1x64xf32, #tpu.memory_space<hbm>>
      %dma_wait3A_1111 = tpu.memref_squeeze %dma_wait3A_1110 : memref<1x64xf32, #tpu.memory_space<hbm>> -> memref<64xf32, #tpu.memory_space<hbm>>
      tpu.wait_dma2 semaphore(%arg13 : memref<!tpu.dma_semaphore, #tpu.memory_space<semaphore_mem>>) src(%dma_wait3A_1111 : memref<64xf32, #tpu.memory_space<hbm>>) dst(%dma_wait3A_1108 : memref<64xf32, #tpu.memory_space<vmem>>)
      %dma_wait3A_1112 = arith.constant 5 : i32
      %dma_wait3A_1113 = arith.constant 0 : i32
      %dma_wait3A_1114 = tpu.memref_slice %arg9[%dma_wait3A_1112, %dma_wait3A_1113] : memref<32x128xf32, #tpu.memory_space<vmem>> -> memref<1x64xf32, #tpu.memory_space<vmem>>
      %dma_wait3A_1115 = tpu.memref_squeeze %dma_wait3A_1114 : memref<1x64xf32, #tpu.memory_space<vmem>> -> memref<64xf32, #tpu.memory_space<vmem>>
      %dma_wait3A_1116 = arith.constant 0 : i32
      %dma_wait3A_1117 = tpu.memref_slice %arg4[%squeeze3A_166, %dma_wait3A_1116] : memref<1000000x64xf32, #tpu.memory_space<hbm>> -> memref<1x64xf32, #tpu.memory_space<hbm>>
      %dma_wait3A_1118 = tpu.memref_squeeze %dma_wait3A_1117 : memref<1x64xf32, #tpu.memory_space<hbm>> -> memref<64xf32, #tpu.memory_space<hbm>>
      %dma_wait3A_1119 = arith.constant 0 : i32
      %dma_wait3A_1120 = tpu.memref_slice %arg9[%dma_wait3A_1112, %dma_wait3A_1119] : memref<32x128xf32, #tpu.memory_space<vmem>> -> memref<1x64xf32, #tpu.memory_space<vmem>>
      %dma_wait3A_1121 = tpu.memref_squeeze %dma_wait3A_1120 : memref<1x64xf32, #tpu.memory_space<vmem>> -> memref<64xf32, #tpu.memory_space<vmem>>
      %dma_wait3A_1122 = arith.constant 0 : i32
      %dma_wait3A_1123 = tpu.memref_slice %arg4[%squeeze3A_166, %dma_wait3A_1122] : memref<1000000x64xf32, #tpu.memory_space<hbm>> -> memref<1x64xf32, #tpu.memory_space<hbm>>
      %dma_wait3A_1124 = tpu.memref_squeeze %dma_wait3A_1123 : memref<1x64xf32, #tpu.memory_space<hbm>> -> memref<64xf32, #tpu.memory_space<hbm>>
      tpu.wait_dma2 semaphore(%arg12 : memref<!tpu.dma_semaphore, #tpu.memory_space<semaphore_mem>>) src(%dma_wait3A_1124 : memref<64xf32, #tpu.memory_space<hbm>>) dst(%dma_wait3A_1121 : memref<64xf32, #tpu.memory_space<vmem>>)
      %dma_wait3A_1125 = arith.constant 5 : i32
      %dma_wait3A_1126 = arith.constant 0 : i32
      %dma_wait3A_1127 = tpu.memref_slice %arg10[%dma_wait3A_1125, %dma_wait3A_1126] : memref<32x128xf32, #tpu.memory_space<vmem>> -> memref<1x64xf32, #tpu.memory_space<vmem>>
      %dma_wait3A_1128 = tpu.memref_squeeze %dma_wait3A_1127 : memref<1x64xf32, #tpu.memory_space<vmem>> -> memref<64xf32, #tpu.memory_space<vmem>>
      %dma_wait3A_1129 = arith.constant 0 : i32
      %dma_wait3A_1130 = tpu.memref_slice %arg5[%squeeze3A_181, %dma_wait3A_1129] : memref<1000000x64xf32, #tpu.memory_space<hbm>> -> memref<1x64xf32, #tpu.memory_space<hbm>>
      %dma_wait3A_1131 = tpu.memref_squeeze %dma_wait3A_1130 : memref<1x64xf32, #tpu.memory_space<hbm>> -> memref<64xf32, #tpu.memory_space<hbm>>
      %dma_wait3A_1132 = arith.constant 0 : i32
      %dma_wait3A_1133 = tpu.memref_slice %arg10[%dma_wait3A_1125, %dma_wait3A_1132] : memref<32x128xf32, #tpu.memory_space<vmem>> -> memref<1x64xf32, #tpu.memory_space<vmem>>
      %dma_wait3A_1134 = tpu.memref_squeeze %dma_wait3A_1133 : memref<1x64xf32, #tpu.memory_space<vmem>> -> memref<64xf32, #tpu.memory_space<vmem>>
      %dma_wait3A_1135 = arith.constant 0 : i32
      %dma_wait3A_1136 = tpu.memref_slice %arg5[%squeeze3A_181, %dma_wait3A_1135] : memref<1000000x64xf32, #tpu.memory_space<hbm>> -> memref<1x64xf32, #tpu.memory_space<hbm>>
      %dma_wait3A_1137 = tpu.memref_squeeze %dma_wait3A_1136 : memref<1x64xf32, #tpu.memory_space<hbm>> -> memref<64xf32, #tpu.memory_space<hbm>>
      tpu.wait_dma2 semaphore(%arg13 : memref<!tpu.dma_semaphore, #tpu.memory_space<semaphore_mem>>) src(%dma_wait3A_1137 : memref<64xf32, #tpu.memory_space<hbm>>) dst(%dma_wait3A_1134 : memref<64xf32, #tpu.memory_space<vmem>>)
      %dma_wait3A_1138 = arith.constant 6 : i32
      %dma_wait3A_1139 = arith.constant 0 : i32
      %dma_wait3A_1140 = tpu.memref_slice %arg9[%dma_wait3A_1138, %dma_wait3A_1139] : memref<32x128xf32, #tpu.memory_space<vmem>> -> memref<1x64xf32, #tpu.memory_space<vmem>>
      %dma_wait3A_1141 = tpu.memref_squeeze %dma_wait3A_1140 : memref<1x64xf32, #tpu.memory_space<vmem>> -> memref<64xf32, #tpu.memory_space<vmem>>
      %dma_wait3A_1142 = arith.constant 0 : i32
      %dma_wait3A_1143 = tpu.memref_slice %arg4[%squeeze3A_196, %dma_wait3A_1142] : memref<1000000x64xf32, #tpu.memory_space<hbm>> -> memref<1x64xf32, #tpu.memory_space<hbm>>
      %dma_wait3A_1144 = tpu.memref_squeeze %dma_wait3A_1143 : memref<1x64xf32, #tpu.memory_space<hbm>> -> memref<64xf32, #tpu.memory_space<hbm>>
      %dma_wait3A_1145 = arith.constant 0 : i32
      %dma_wait3A_1146 = tpu.memref_slice %arg9[%dma_wait3A_1138, %dma_wait3A_1145] : memref<32x128xf32, #tpu.memory_space<vmem>> -> memref<1x64xf32, #tpu.memory_space<vmem>>
      %dma_wait3A_1147 = tpu.memref_squeeze %dma_wait3A_1146 : memref<1x64xf32, #tpu.memory_space<vmem>> -> memref<64xf32, #tpu.memory_space<vmem>>
      %dma_wait3A_1148 = arith.constant 0 : i32
      %dma_wait3A_1149 = tpu.memref_slice %arg4[%squeeze3A_196, %dma_wait3A_1148] : memref<1000000x64xf32, #tpu.memory_space<hbm>> -> memref<1x64xf32, #tpu.memory_space<hbm>>
      %dma_wait3A_1150 = tpu.memref_squeeze %dma_wait3A_1149 : memref<1x64xf32, #tpu.memory_space<hbm>> -> memref<64xf32, #tpu.memory_space<hbm>>
      tpu.wait_dma2 semaphore(%arg12 : memref<!tpu.dma_semaphore, #tpu.memory_space<semaphore_mem>>) src(%dma_wait3A_1150 : memref<64xf32, #tpu.memory_space<hbm>>) dst(%dma_wait3A_1147 : memref<64xf32, #tpu.memory_space<vmem>>)
      %dma_wait3A_1151 = arith.constant 6 : i32
      %dma_wait3A_1152 = arith.constant 0 : i32
      %dma_wait3A_1153 = tpu.memref_slice %arg10[%dma_wait3A_1151, %dma_wait3A_1152] : memref<32x128xf32, #tpu.memory_space<vmem>> -> memref<1x64xf32, #tpu.memory_space<vmem>>
      %dma_wait3A_1154 = tpu.memref_squeeze %dma_wait3A_1153 : memref<1x64xf32, #tpu.memory_space<vmem>> -> memref<64xf32, #tpu.memory_space<vmem>>
      %dma_wait3A_1155 = arith.constant 0 : i32
      %dma_wait3A_1156 = tpu.memref_slice %arg5[%squeeze3A_211, %dma_wait3A_1155] : memref<1000000x64xf32, #tpu.memory_space<hbm>> -> memref<1x64xf32, #tpu.memory_space<hbm>>
      %dma_wait3A_1157 = tpu.memref_squeeze %dma_wait3A_1156 : memref<1x64xf32, #tpu.memory_space<hbm>> -> memref<64xf32, #tpu.memory_space<hbm>>
      %dma_wait3A_1158 = arith.constant 0 : i32
      %dma_wait3A_1159 = tpu.memref_slice %arg10[%dma_wait3A_1151, %dma_wait3A_1158] : memref<32x128xf32, #tpu.memory_space<vmem>> -> memref<1x64xf32, #tpu.memory_space<vmem>>
      %dma_wait3A_1160 = tpu.memref_squeeze %dma_wait3A_1159 : memref<1x64xf32, #tpu.memory_space<vmem>> -> memref<64xf32, #tpu.memory_space<vmem>>
      %dma_wait3A_1161 = arith.constant 0 : i32
      %dma_wait3A_1162 = tpu.memref_slice %arg5[%squeeze3A_211, %dma_wait3A_1161] : memref<1000000x64xf32, #tpu.memory_space<hbm>> -> memref<1x64xf32, #tpu.memory_space<hbm>>
      %dma_wait3A_1163 = tpu.memref_squeeze %dma_wait3A_1162 : memref<1x64xf32, #tpu.memory_space<hbm>> -> memref<64xf32, #tpu.memory_space<hbm>>
      tpu.wait_dma2 semaphore(%arg13 : memref<!tpu.dma_semaphore, #tpu.memory_space<semaphore_mem>>) src(%dma_wait3A_1163 : memref<64xf32, #tpu.memory_space<hbm>>) dst(%dma_wait3A_1160 : memref<64xf32, #tpu.memory_space<vmem>>)
      %dma_wait3A_1164 = arith.constant 7 : i32
      %dma_wait3A_1165 = arith.constant 0 : i32
      %dma_wait3A_1166 = tpu.memref_slice %arg9[%dma_wait3A_1164, %dma_wait3A_1165] : memref<32x128xf32, #tpu.memory_space<vmem>> -> memref<1x64xf32, #tpu.memory_space<vmem>>
      %dma_wait3A_1167 = tpu.memref_squeeze %dma_wait3A_1166 : memref<1x64xf32, #tpu.memory_space<vmem>> -> memref<64xf32, #tpu.memory_space<vmem>>
      %dma_wait3A_1168 = arith.constant 0 : i32
      %dma_wait3A_1169 = tpu.memref_slice %arg4[%squeeze3A_226, %dma_wait3A_1168] : memref<1000000x64xf32, #tpu.memory_space<hbm>> -> memref<1x64xf32, #tpu.memory_space<hbm>>
      %dma_wait3A_1170 = tpu.memref_squeeze %dma_wait3A_1169 : memref<1x64xf32, #tpu.memory_space<hbm>> -> memref<64xf32, #tpu.memory_space<hbm>>
      %dma_wait3A_1171 = arith.constant 0 : i32
      %dma_wait3A_1172 = tpu.memref_slice %arg9[%dma_wait3A_1164, %dma_wait3A_1171] : memref<32x128xf32, #tpu.memory_space<vmem>> -> memref<1x64xf32, #tpu.memory_space<vmem>>
      %dma_wait3A_1173 = tpu.memref_squeeze %dma_wait3A_1172 : memref<1x64xf32, #tpu.memory_space<vmem>> -> memref<64xf32, #tpu.memory_space<vmem>>
      %dma_wait3A_1174 = arith.constant 0 : i32
      %dma_wait3A_1175 = tpu.memref_slice %arg4[%squeeze3A_226, %dma_wait3A_1174] : memref<1000000x64xf32, #tpu.memory_space<hbm>> -> memref<1x64xf32, #tpu.memory_space<hbm>>
      %dma_wait3A_1176 = tpu.memref_squeeze %dma_wait3A_1175 : memref<1x64xf32, #tpu.memory_space<hbm>> -> memref<64xf32, #tpu.memory_space<hbm>>
      tpu.wait_dma2 semaphore(%arg12 : memref<!tpu.dma_semaphore, #tpu.memory_space<semaphore_mem>>) src(%dma_wait3A_1176 : memref<64xf32, #tpu.memory_space<hbm>>) dst(%dma_wait3A_1173 : memref<64xf32, #tpu.memory_space<vmem>>)
      %dma_wait3A_1177 = arith.constant 7 : i32
      %dma_wait3A_1178 = arith.constant 0 : i32
      %dma_wait3A_1179 = tpu.memref_slice %arg10[%dma_wait3A_1177, %dma_wait3A_1178] : memref<32x128xf32, #tpu.memory_space<vmem>> -> memref<1x64xf32, #tpu.memory_space<vmem>>
      %dma_wait3A_1180 = tpu.memref_squeeze %dma_wait3A_1179 : memref<1x64xf32, #tpu.memory_space<vmem>> -> memref<64xf32, #tpu.memory_space<vmem>>
      %dma_wait3A_1181 = arith.constant 0 : i32
      %dma_wait3A_1182 = tpu.memref_slice %arg5[%squeeze3A_241, %dma_wait3A_1181] : memref<1000000x64xf32, #tpu.memory_space<hbm>> -> memref<1x64xf32, #tpu.memory_space<hbm>>
      %dma_wait3A_1183 = tpu.memref_squeeze %dma_wait3A_1182 : memref<1x64xf32, #tpu.memory_space<hbm>> -> memref<64xf32, #tpu.memory_space<hbm>>
      %dma_wait3A_1184 = arith.constant 0 : i32
      %dma_wait3A_1185 = tpu.memref_slice %arg10[%dma_wait3A_1177, %dma_wait3A_1184] : memref<32x128xf32, #tpu.memory_space<vmem>> -> memref<1x64xf32, #tpu.memory_space<vmem>>
      %dma_wait3A_1186 = tpu.memref_squeeze %dma_wait3A_1185 : memref<1x64xf32, #tpu.memory_space<vmem>> -> memref<64xf32, #tpu.memory_space<vmem>>
      %dma_wait3A_1187 = arith.constant 0 : i32
      %dma_wait3A_1188 = tpu.memref_slice %arg5[%squeeze3A_241, %dma_wait3A_1187] : memref<1000000x64xf32, #tpu.memory_space<hbm>> -> memref<1x64xf32, #tpu.memory_space<hbm>>
      %dma_wait3A_1189 = tpu.memref_squeeze %dma_wait3A_1188 : memref<1x64xf32, #tpu.memory_space<hbm>> -> memref<64xf32, #tpu.memory_space<hbm>>
      tpu.wait_dma2 semaphore(%arg13 : memref<!tpu.dma_semaphore, #tpu.memory_space<semaphore_mem>>) src(%dma_wait3A_1189 : memref<64xf32, #tpu.memory_space<hbm>>) dst(%dma_wait3A_1186 : memref<64xf32, #tpu.memory_space<vmem>>)
      %dma_wait3A_1190 = arith.constant 8 : i32
      %dma_wait3A_1191 = arith.constant 0 : i32
      %dma_wait3A_1192 = tpu.memref_slice %arg9[%dma_wait3A_1190, %dma_wait3A_1191] : memref<32x128xf32, #tpu.memory_space<vmem>> -> memref<1x64xf32, #tpu.memory_space<vmem>>
      %dma_wait3A_1193 = tpu.memref_squeeze %dma_wait3A_1192 : memref<1x64xf32, #tpu.memory_space<vmem>> -> memref<64xf32, #tpu.memory_space<vmem>>
      %dma_wait3A_1194 = arith.constant 0 : i32
      %dma_wait3A_1195 = tpu.memref_slice %arg4[%squeeze3A_256, %dma_wait3A_1194] : memref<1000000x64xf32, #tpu.memory_space<hbm>> -> memref<1x64xf32, #tpu.memory_space<hbm>>
      %dma_wait3A_1196 = tpu.memref_squeeze %dma_wait3A_1195 : memref<1x64xf32, #tpu.memory_space<hbm>> -> memref<64xf32, #tpu.memory_space<hbm>>
      %dma_wait3A_1197 = arith.constant 0 : i32
      %dma_wait3A_1198 = tpu.memref_slice %arg9[%dma_wait3A_1190, %dma_wait3A_1197] : memref<32x128xf32, #tpu.memory_space<vmem>> -> memref<1x64xf32, #tpu.memory_space<vmem>>
      %dma_wait3A_1199 = tpu.memref_squeeze %dma_wait3A_1198 : memref<1x64xf32, #tpu.memory_space<vmem>> -> memref<64xf32, #tpu.memory_space<vmem>>
      %dma_wait3A_1200 = arith.constant 0 : i32
      %dma_wait3A_1201 = tpu.memref_slice %arg4[%squeeze3A_256, %dma_wait3A_1200] : memref<1000000x64xf32, #tpu.memory_space<hbm>> -> memref<1x64xf32, #tpu.memory_space<hbm>>
      %dma_wait3A_1202 = tpu.memref_squeeze %dma_wait3A_1201 : memref<1x64xf32, #tpu.memory_space<hbm>> -> memref<64xf32, #tpu.memory_space<hbm>>
      tpu.wait_dma2 semaphore(%arg12 : memref<!tpu.dma_semaphore, #tpu.memory_space<semaphore_mem>>) src(%dma_wait3A_1202 : memref<64xf32, #tpu.memory_space<hbm>>) dst(%dma_wait3A_1199 : memref<64xf32, #tpu.memory_space<vmem>>)
      %dma_wait3A_1203 = arith.constant 8 : i32
      %dma_wait3A_1204 = arith.constant 0 : i32
      %dma_wait3A_1205 = tpu.memref_slice %arg10[%dma_wait3A_1203, %dma_wait3A_1204] : memref<32x128xf32, #tpu.memory_space<vmem>> -> memref<1x64xf32, #tpu.memory_space<vmem>>
      %dma_wait3A_1206 = tpu.memref_squeeze %dma_wait3A_1205 : memref<1x64xf32, #tpu.memory_space<vmem>> -> memref<64xf32, #tpu.memory_space<vmem>>
      %dma_wait3A_1207 = arith.constant 0 : i32
      %dma_wait3A_1208 = tpu.memref_slice %arg5[%squeeze3A_271, %dma_wait3A_1207] : memref<1000000x64xf32, #tpu.memory_space<hbm>> -> memref<1x64xf32, #tpu.memory_space<hbm>>
      %dma_wait3A_1209 = tpu.memref_squeeze %dma_wait3A_1208 : memref<1x64xf32, #tpu.memory_space<hbm>> -> memref<64xf32, #tpu.memory_space<hbm>>
      %dma_wait3A_1210 = arith.constant 0 : i32
      %dma_wait3A_1211 = tpu.memref_slice %arg10[%dma_wait3A_1203, %dma_wait3A_1210] : memref<32x128xf32, #tpu.memory_space<vmem>> -> memref<1x64xf32, #tpu.memory_space<vmem>>
      %dma_wait3A_1212 = tpu.memref_squeeze %dma_wait3A_1211 : memref<1x64xf32, #tpu.memory_space<vmem>> -> memref<64xf32, #tpu.memory_space<vmem>>
      %dma_wait3A_1213 = arith.constant 0 : i32
      %dma_wait3A_1214 = tpu.memref_slice %arg5[%squeeze3A_271, %dma_wait3A_1213] : memref<1000000x64xf32, #tpu.memory_space<hbm>> -> memref<1x64xf32, #tpu.memory_space<hbm>>
      %dma_wait3A_1215 = tpu.memref_squeeze %dma_wait3A_1214 : memref<1x64xf32, #tpu.memory_space<hbm>> -> memref<64xf32, #tpu.memory_space<hbm>>
      tpu.wait_dma2 semaphore(%arg13 : memref<!tpu.dma_semaphore, #tpu.memory_space<semaphore_mem>>) src(%dma_wait3A_1215 : memref<64xf32, #tpu.memory_space<hbm>>) dst(%dma_wait3A_1212 : memref<64xf32, #tpu.memory_space<vmem>>)
      %dma_wait3A_1216 = arith.constant 9 : i32
      %dma_wait3A_1217 = arith.constant 0 : i32
      %dma_wait3A_1218 = tpu.memref_slice %arg9[%dma_wait3A_1216, %dma_wait3A_1217] : memref<32x128xf32, #tpu.memory_space<vmem>> -> memref<1x64xf32, #tpu.memory_space<vmem>>
      %dma_wait3A_1219 = tpu.memref_squeeze %dma_wait3A_1218 : memref<1x64xf32, #tpu.memory_space<vmem>> -> memref<64xf32, #tpu.memory_space<vmem>>
      %dma_wait3A_1220 = arith.constant 0 : i32
      %dma_wait3A_1221 = tpu.memref_slice %arg4[%squeeze3A_286, %dma_wait3A_1220] : memref<1000000x64xf32, #tpu.memory_space<hbm>> -> memref<1x64xf32, #tpu.memory_space<hbm>>
      %dma_wait3A_1222 = tpu.memref_squeeze %dma_wait3A_1221 : memref<1x64xf32, #tpu.memory_space<hbm>> -> memref<64xf32, #tpu.memory_space<hbm>>
      %dma_wait3A_1223 = arith.constant 0 : i32
      %dma_wait3A_1224 = tpu.memref_slice %arg9[%dma_wait3A_1216, %dma_wait3A_1223] : memref<32x128xf32, #tpu.memory_space<vmem>> -> memref<1x64xf32, #tpu.memory_space<vmem>>
      %dma_wait3A_1225 = tpu.memref_squeeze %dma_wait3A_1224 : memref<1x64xf32, #tpu.memory_space<vmem>> -> memref<64xf32, #tpu.memory_space<vmem>>
      %dma_wait3A_1226 = arith.constant 0 : i32
      %dma_wait3A_1227 = tpu.memref_slice %arg4[%squeeze3A_286, %dma_wait3A_1226] : memref<1000000x64xf32, #tpu.memory_space<hbm>> -> memref<1x64xf32, #tpu.memory_space<hbm>>
      %dma_wait3A_1228 = tpu.memref_squeeze %dma_wait3A_1227 : memref<1x64xf32, #tpu.memory_space<hbm>> -> memref<64xf32, #tpu.memory_space<hbm>>
      tpu.wait_dma2 semaphore(%arg12 : memref<!tpu.dma_semaphore, #tpu.memory_space<semaphore_mem>>) src(%dma_wait3A_1228 : memref<64xf32, #tpu.memory_space<hbm>>) dst(%dma_wait3A_1225 : memref<64xf32, #tpu.memory_space<vmem>>)
      %dma_wait3A_1229 = arith.constant 9 : i32
      %dma_wait3A_1230 = arith.constant 0 : i32
      %dma_wait3A_1231 = tpu.memref_slice %arg10[%dma_wait3A_1229, %dma_wait3A_1230] : memref<32x128xf32, #tpu.memory_space<vmem>> -> memref<1x64xf32, #tpu.memory_space<vmem>>
      %dma_wait3A_1232 = tpu.memref_squeeze %dma_wait3A_1231 : memref<1x64xf32, #tpu.memory_space<vmem>> -> memref<64xf32, #tpu.memory_space<vmem>>
      %dma_wait3A_1233 = arith.constant 0 : i32
      %dma_wait3A_1234 = tpu.memref_slice %arg5[%squeeze3A_301, %dma_wait3A_1233] : memref<1000000x64xf32, #tpu.memory_space<hbm>> -> memref<1x64xf32, #tpu.memory_space<hbm>>
      %dma_wait3A_1235 = tpu.memref_squeeze %dma_wait3A_1234 : memref<1x64xf32, #tpu.memory_space<hbm>> -> memref<64xf32, #tpu.memory_space<hbm>>
      %dma_wait3A_1236 = arith.constant 0 : i32
      %dma_wait3A_1237 = tpu.memref_slice %arg10[%dma_wait3A_1229, %dma_wait3A_1236] : memref<32x128xf32, #tpu.memory_space<vmem>> -> memref<1x64xf32, #tpu.memory_space<vmem>>
      %dma_wait3A_1238 = tpu.memref_squeeze %dma_wait3A_1237 : memref<1x64xf32, #tpu.memory_space<vmem>> -> memref<64xf32, #tpu.memory_space<vmem>>
      %dma_wait3A_1239 = arith.constant 0 : i32
      %dma_wait3A_1240 = tpu.memref_slice %arg5[%squeeze3A_301, %dma_wait3A_1239] : memref<1000000x64xf32, #tpu.memory_space<hbm>> -> memref<1x64xf32, #tpu.memory_space<hbm>>
      %dma_wait3A_1241 = tpu.memref_squeeze %dma_wait3A_1240 : memref<1x64xf32, #tpu.memory_space<hbm>> -> memref<64xf32, #tpu.memory_space<hbm>>
      tpu.wait_dma2 semaphore(%arg13 : memref<!tpu.dma_semaphore, #tpu.memory_space<semaphore_mem>>) src(%dma_wait3A_1241 : memref<64xf32, #tpu.memory_space<hbm>>) dst(%dma_wait3A_1238 : memref<64xf32, #tpu.memory_space<vmem>>)
      %dma_wait3A_1242 = arith.constant 10 : i32
      %dma_wait3A_1243 = arith.constant 0 : i32
      %dma_wait3A_1244 = tpu.memref_slice %arg9[%dma_wait3A_1242, %dma_wait3A_1243] : memref<32x128xf32, #tpu.memory_space<vmem>> -> memref<1x64xf32, #tpu.memory_space<vmem>>
      %dma_wait3A_1245 = tpu.memref_squeeze %dma_wait3A_1244 : memref<1x64xf32, #tpu.memory_space<vmem>> -> memref<64xf32, #tpu.memory_space<vmem>>
      %dma_wait3A_1246 = arith.constant 0 : i32
      %dma_wait3A_1247 = tpu.memref_slice %arg4[%squeeze3A_316, %dma_wait3A_1246] : memref<1000000x64xf32, #tpu.memory_space<hbm>> -> memref<1x64xf32, #tpu.memory_space<hbm>>
      %dma_wait3A_1248 = tpu.memref_squeeze %dma_wait3A_1247 : memref<1x64xf32, #tpu.memory_space<hbm>> -> memref<64xf32, #tpu.memory_space<hbm>>
      %dma_wait3A_1249 = arith.constant 0 : i32
      %dma_wait3A_1250 = tpu.memref_slice %arg9[%dma_wait3A_1242, %dma_wait3A_1249] : memref<32x128xf32, #tpu.memory_space<vmem>> -> memref<1x64xf32, #tpu.memory_space<vmem>>
      %dma_wait3A_1251 = tpu.memref_squeeze %dma_wait3A_1250 : memref<1x64xf32, #tpu.memory_space<vmem>> -> memref<64xf32, #tpu.memory_space<vmem>>
      %dma_wait3A_1252 = arith.constant 0 : i32
      %dma_wait3A_1253 = tpu.memref_slice %arg4[%squeeze3A_316, %dma_wait3A_1252] : memref<1000000x64xf32, #tpu.memory_space<hbm>> -> memref<1x64xf32, #tpu.memory_space<hbm>>
      %dma_wait3A_1254 = tpu.memref_squeeze %dma_wait3A_1253 : memref<1x64xf32, #tpu.memory_space<hbm>> -> memref<64xf32, #tpu.memory_space<hbm>>
      tpu.wait_dma2 semaphore(%arg12 : memref<!tpu.dma_semaphore, #tpu.memory_space<semaphore_mem>>) src(%dma_wait3A_1254 : memref<64xf32, #tpu.memory_space<hbm>>) dst(%dma_wait3A_1251 : memref<64xf32, #tpu.memory_space<vmem>>)
      %dma_wait3A_1255 = arith.constant 10 : i32
      %dma_wait3A_1256 = arith.constant 0 : i32
      %dma_wait3A_1257 = tpu.memref_slice %arg10[%dma_wait3A_1255, %dma_wait3A_1256] : memref<32x128xf32, #tpu.memory_space<vmem>> -> memref<1x64xf32, #tpu.memory_space<vmem>>
      %dma_wait3A_1258 = tpu.memref_squeeze %dma_wait3A_1257 : memref<1x64xf32, #tpu.memory_space<vmem>> -> memref<64xf32, #tpu.memory_space<vmem>>
      %dma_wait3A_1259 = arith.constant 0 : i32
      %dma_wait3A_1260 = tpu.memref_slice %arg5[%squeeze3A_331, %dma_wait3A_1259] : memref<1000000x64xf32, #tpu.memory_space<hbm>> -> memref<1x64xf32, #tpu.memory_space<hbm>>
      %dma_wait3A_1261 = tpu.memref_squeeze %dma_wait3A_1260 : memref<1x64xf32, #tpu.memory_space<hbm>> -> memref<64xf32, #tpu.memory_space<hbm>>
      %dma_wait3A_1262 = arith.constant 0 : i32
      %dma_wait3A_1263 = tpu.memref_slice %arg10[%dma_wait3A_1255, %dma_wait3A_1262] : memref<32x128xf32, #tpu.memory_space<vmem>> -> memref<1x64xf32, #tpu.memory_space<vmem>>
      %dma_wait3A_1264 = tpu.memref_squeeze %dma_wait3A_1263 : memref<1x64xf32, #tpu.memory_space<vmem>> -> memref<64xf32, #tpu.memory_space<vmem>>
      %dma_wait3A_1265 = arith.constant 0 : i32
      %dma_wait3A_1266 = tpu.memref_slice %arg5[%squeeze3A_331, %dma_wait3A_1265] : memref<1000000x64xf32, #tpu.memory_space<hbm>> -> memref<1x64xf32, #tpu.memory_space<hbm>>
      %dma_wait3A_1267 = tpu.memref_squeeze %dma_wait3A_1266 : memref<1x64xf32, #tpu.memory_space<hbm>> -> memref<64xf32, #tpu.memory_space<hbm>>
      tpu.wait_dma2 semaphore(%arg13 : memref<!tpu.dma_semaphore, #tpu.memory_space<semaphore_mem>>) src(%dma_wait3A_1267 : memref<64xf32, #tpu.memory_space<hbm>>) dst(%dma_wait3A_1264 : memref<64xf32, #tpu.memory_space<vmem>>)
      %dma_wait3A_1268 = arith.constant 11 : i32
      %dma_wait3A_1269 = arith.constant 0 : i32
      %dma_wait3A_1270 = tpu.memref_slice %arg9[%dma_wait3A_1268, %dma_wait3A_1269] : memref<32x128xf32, #tpu.memory_space<vmem>> -> memref<1x64xf32, #tpu.memory_space<vmem>>
      %dma_wait3A_1271 = tpu.memref_squeeze %dma_wait3A_1270 : memref<1x64xf32, #tpu.memory_space<vmem>> -> memref<64xf32, #tpu.memory_space<vmem>>
      %dma_wait3A_1272 = arith.constant 0 : i32
      %dma_wait3A_1273 = tpu.memref_slice %arg4[%squeeze3A_346, %dma_wait3A_1272] : memref<1000000x64xf32, #tpu.memory_space<hbm>> -> memref<1x64xf32, #tpu.memory_space<hbm>>
      %dma_wait3A_1274 = tpu.memref_squeeze %dma_wait3A_1273 : memref<1x64xf32, #tpu.memory_space<hbm>> -> memref<64xf32, #tpu.memory_space<hbm>>
      %dma_wait3A_1275 = arith.constant 0 : i32
      %dma_wait3A_1276 = tpu.memref_slice %arg9[%dma_wait3A_1268, %dma_wait3A_1275] : memref<32x128xf32, #tpu.memory_space<vmem>> -> memref<1x64xf32, #tpu.memory_space<vmem>>
      %dma_wait3A_1277 = tpu.memref_squeeze %dma_wait3A_1276 : memref<1x64xf32, #tpu.memory_space<vmem>> -> memref<64xf32, #tpu.memory_space<vmem>>
      %dma_wait3A_1278 = arith.constant 0 : i32
      %dma_wait3A_1279 = tpu.memref_slice %arg4[%squeeze3A_346, %dma_wait3A_1278] : memref<1000000x64xf32, #tpu.memory_space<hbm>> -> memref<1x64xf32, #tpu.memory_space<hbm>>
      %dma_wait3A_1280 = tpu.memref_squeeze %dma_wait3A_1279 : memref<1x64xf32, #tpu.memory_space<hbm>> -> memref<64xf32, #tpu.memory_space<hbm>>
      tpu.wait_dma2 semaphore(%arg12 : memref<!tpu.dma_semaphore, #tpu.memory_space<semaphore_mem>>) src(%dma_wait3A_1280 : memref<64xf32, #tpu.memory_space<hbm>>) dst(%dma_wait3A_1277 : memref<64xf32, #tpu.memory_space<vmem>>)
      %dma_wait3A_1281 = arith.constant 11 : i32
      %dma_wait3A_1282 = arith.constant 0 : i32
      %dma_wait3A_1283 = tpu.memref_slice %arg10[%dma_wait3A_1281, %dma_wait3A_1282] : memref<32x128xf32, #tpu.memory_space<vmem>> -> memref<1x64xf32, #tpu.memory_space<vmem>>
      %dma_wait3A_1284 = tpu.memref_squeeze %dma_wait3A_1283 : memref<1x64xf32, #tpu.memory_space<vmem>> -> memref<64xf32, #tpu.memory_space<vmem>>
      %dma_wait3A_1285 = arith.constant 0 : i32
      %dma_wait3A_1286 = tpu.memref_slice %arg5[%squeeze3A_361, %dma_wait3A_1285] : memref<1000000x64xf32, #tpu.memory_space<hbm>> -> memref<1x64xf32, #tpu.memory_space<hbm>>
      %dma_wait3A_1287 = tpu.memref_squeeze %dma_wait3A_1286 : memref<1x64xf32, #tpu.memory_space<hbm>> -> memref<64xf32, #tpu.memory_space<hbm>>
      %dma_wait3A_1288 = arith.constant 0 : i32
      %dma_wait3A_1289 = tpu.memref_slice %arg10[%dma_wait3A_1281, %dma_wait3A_1288] : memref<32x128xf32, #tpu.memory_space<vmem>> -> memref<1x64xf32, #tpu.memory_space<vmem>>
      %dma_wait3A_1290 = tpu.memref_squeeze %dma_wait3A_1289 : memref<1x64xf32, #tpu.memory_space<vmem>> -> memref<64xf32, #tpu.memory_space<vmem>>
      %dma_wait3A_1291 = arith.constant 0 : i32
      %dma_wait3A_1292 = tpu.memref_slice %arg5[%squeeze3A_361, %dma_wait3A_1291] : memref<1000000x64xf32, #tpu.memory_space<hbm>> -> memref<1x64xf32, #tpu.memory_space<hbm>>
      %dma_wait3A_1293 = tpu.memref_squeeze %dma_wait3A_1292 : memref<1x64xf32, #tpu.memory_space<hbm>> -> memref<64xf32, #tpu.memory_space<hbm>>
      tpu.wait_dma2 semaphore(%arg13 : memref<!tpu.dma_semaphore, #tpu.memory_space<semaphore_mem>>) src(%dma_wait3A_1293 : memref<64xf32, #tpu.memory_space<hbm>>) dst(%dma_wait3A_1290 : memref<64xf32, #tpu.memory_space<vmem>>)
      %dma_wait3A_1294 = arith.constant 12 : i32
      %dma_wait3A_1295 = arith.constant 0 : i32
      %dma_wait3A_1296 = tpu.memref_slice %arg9[%dma_wait3A_1294, %dma_wait3A_1295] : memref<32x128xf32, #tpu.memory_space<vmem>> -> memref<1x64xf32, #tpu.memory_space<vmem>>
      %dma_wait3A_1297 = tpu.memref_squeeze %dma_wait3A_1296 : memref<1x64xf32, #tpu.memory_space<vmem>> -> memref<64xf32, #tpu.memory_space<vmem>>
      %dma_wait3A_1298 = arith.constant 0 : i32
      %dma_wait3A_1299 = tpu.memref_slice %arg4[%squeeze3A_376, %dma_wait3A_1298] : memref<1000000x64xf32, #tpu.memory_space<hbm>> -> memref<1x64xf32, #tpu.memory_space<hbm>>
      %dma_wait3A_1300 = tpu.memref_squeeze %dma_wait3A_1299 : memref<1x64xf32, #tpu.memory_space<hbm>> -> memref<64xf32, #tpu.memory_space<hbm>>
      %dma_wait3A_1301 = arith.constant 0 : i32
      %dma_wait3A_1302 = tpu.memref_slice %arg9[%dma_wait3A_1294, %dma_wait3A_1301] : memref<32x128xf32, #tpu.memory_space<vmem>> -> memref<1x64xf32, #tpu.memory_space<vmem>>
      %dma_wait3A_1303 = tpu.memref_squeeze %dma_wait3A_1302 : memref<1x64xf32, #tpu.memory_space<vmem>> -> memref<64xf32, #tpu.memory_space<vmem>>
      %dma_wait3A_1304 = arith.constant 0 : i32
      %dma_wait3A_1305 = tpu.memref_slice %arg4[%squeeze3A_376, %dma_wait3A_1304] : memref<1000000x64xf32, #tpu.memory_space<hbm>> -> memref<1x64xf32, #tpu.memory_space<hbm>>
      %dma_wait3A_1306 = tpu.memref_squeeze %dma_wait3A_1305 : memref<1x64xf32, #tpu.memory_space<hbm>> -> memref<64xf32, #tpu.memory_space<hbm>>
      tpu.wait_dma2 semaphore(%arg12 : memref<!tpu.dma_semaphore, #tpu.memory_space<semaphore_mem>>) src(%dma_wait3A_1306 : memref<64xf32, #tpu.memory_space<hbm>>) dst(%dma_wait3A_1303 : memref<64xf32, #tpu.memory_space<vmem>>)
      %dma_wait3A_1307 = arith.constant 12 : i32
      %dma_wait3A_1308 = arith.constant 0 : i32
      %dma_wait3A_1309 = tpu.memref_slice %arg10[%dma_wait3A_1307, %dma_wait3A_1308] : memref<32x128xf32, #tpu.memory_space<vmem>> -> memref<1x64xf32, #tpu.memory_space<vmem>>
      %dma_wait3A_1310 = tpu.memref_squeeze %dma_wait3A_1309 : memref<1x64xf32, #tpu.memory_space<vmem>> -> memref<64xf32, #tpu.memory_space<vmem>>
      %dma_wait3A_1311 = arith.constant 0 : i32
      %dma_wait3A_1312 = tpu.memref_slice %arg5[%squeeze3A_391, %dma_wait3A_1311] : memref<1000000x64xf32, #tpu.memory_space<hbm>> -> memref<1x64xf32, #tpu.memory_space<hbm>>
      %dma_wait3A_1313 = tpu.memref_squeeze %dma_wait3A_1312 : memref<1x64xf32, #tpu.memory_space<hbm>> -> memref<64xf32, #tpu.memory_space<hbm>>
      %dma_wait3A_1314 = arith.constant 0 : i32
      %dma_wait3A_1315 = tpu.memref_slice %arg10[%dma_wait3A_1307, %dma_wait3A_1314] : memref<32x128xf32, #tpu.memory_space<vmem>> -> memref<1x64xf32, #tpu.memory_space<vmem>>
      %dma_wait3A_1316 = tpu.memref_squeeze %dma_wait3A_1315 : memref<1x64xf32, #tpu.memory_space<vmem>> -> memref<64xf32, #tpu.memory_space<vmem>>
      %dma_wait3A_1317 = arith.constant 0 : i32
      %dma_wait3A_1318 = tpu.memref_slice %arg5[%squeeze3A_391, %dma_wait3A_1317] : memref<1000000x64xf32, #tpu.memory_space<hbm>> -> memref<1x64xf32, #tpu.memory_space<hbm>>
      %dma_wait3A_1319 = tpu.memref_squeeze %dma_wait3A_1318 : memref<1x64xf32, #tpu.memory_space<hbm>> -> memref<64xf32, #tpu.memory_space<hbm>>
      tpu.wait_dma2 semaphore(%arg13 : memref<!tpu.dma_semaphore, #tpu.memory_space<semaphore_mem>>) src(%dma_wait3A_1319 : memref<64xf32, #tpu.memory_space<hbm>>) dst(%dma_wait3A_1316 : memref<64xf32, #tpu.memory_space<vmem>>)
      %dma_wait3A_1320 = arith.constant 13 : i32
      %dma_wait3A_1321 = arith.constant 0 : i32
      %dma_wait3A_1322 = tpu.memref_slice %arg9[%dma_wait3A_1320, %dma_wait3A_1321] : memref<32x128xf32, #tpu.memory_space<vmem>> -> memref<1x64xf32, #tpu.memory_space<vmem>>
      %dma_wait3A_1323 = tpu.memref_squeeze %dma_wait3A_1322 : memref<1x64xf32, #tpu.memory_space<vmem>> -> memref<64xf32, #tpu.memory_space<vmem>>
      %dma_wait3A_1324 = arith.constant 0 : i32
      %dma_wait3A_1325 = tpu.memref_slice %arg4[%squeeze3A_406, %dma_wait3A_1324] : memref<1000000x64xf32, #tpu.memory_space<hbm>> -> memref<1x64xf32, #tpu.memory_space<hbm>>
      %dma_wait3A_1326 = tpu.memref_squeeze %dma_wait3A_1325 : memref<1x64xf32, #tpu.memory_space<hbm>> -> memref<64xf32, #tpu.memory_space<hbm>>
      %dma_wait3A_1327 = arith.constant 0 : i32
      %dma_wait3A_1328 = tpu.memref_slice %arg9[%dma_wait3A_1320, %dma_wait3A_1327] : memref<32x128xf32, #tpu.memory_space<vmem>> -> memref<1x64xf32, #tpu.memory_space<vmem>>
      %dma_wait3A_1329 = tpu.memref_squeeze %dma_wait3A_1328 : memref<1x64xf32, #tpu.memory_space<vmem>> -> memref<64xf32, #tpu.memory_space<vmem>>
      %dma_wait3A_1330 = arith.constant 0 : i32
      %dma_wait3A_1331 = tpu.memref_slice %arg4[%squeeze3A_406, %dma_wait3A_1330] : memref<1000000x64xf32, #tpu.memory_space<hbm>> -> memref<1x64xf32, #tpu.memory_space<hbm>>
      %dma_wait3A_1332 = tpu.memref_squeeze %dma_wait3A_1331 : memref<1x64xf32, #tpu.memory_space<hbm>> -> memref<64xf32, #tpu.memory_space<hbm>>
      tpu.wait_dma2 semaphore(%arg12 : memref<!tpu.dma_semaphore, #tpu.memory_space<semaphore_mem>>) src(%dma_wait3A_1332 : memref<64xf32, #tpu.memory_space<hbm>>) dst(%dma_wait3A_1329 : memref<64xf32, #tpu.memory_space<vmem>>)
      %dma_wait3A_1333 = arith.constant 13 : i32
      %dma_wait3A_1334 = arith.constant 0 : i32
      %dma_wait3A_1335 = tpu.memref_slice %arg10[%dma_wait3A_1333, %dma_wait3A_1334] : memref<32x128xf32, #tpu.memory_space<vmem>> -> memref<1x64xf32, #tpu.memory_space<vmem>>
      %dma_wait3A_1336 = tpu.memref_squeeze %dma_wait3A_1335 : memref<1x64xf32, #tpu.memory_space<vmem>> -> memref<64xf32, #tpu.memory_space<vmem>>
      %dma_wait3A_1337 = arith.constant 0 : i32
      %dma_wait3A_1338 = tpu.memref_slice %arg5[%squeeze3A_421, %dma_wait3A_1337] : memref<1000000x64xf32, #tpu.memory_space<hbm>> -> memref<1x64xf32, #tpu.memory_space<hbm>>
      %dma_wait3A_1339 = tpu.memref_squeeze %dma_wait3A_1338 : memref<1x64xf32, #tpu.memory_space<hbm>> -> memref<64xf32, #tpu.memory_space<hbm>>
      %dma_wait3A_1340 = arith.constant 0 : i32
      %dma_wait3A_1341 = tpu.memref_slice %arg10[%dma_wait3A_1333, %dma_wait3A_1340] : memref<32x128xf32, #tpu.memory_space<vmem>> -> memref<1x64xf32, #tpu.memory_space<vmem>>
      %dma_wait3A_1342 = tpu.memref_squeeze %dma_wait3A_1341 : memref<1x64xf32, #tpu.memory_space<vmem>> -> memref<64xf32, #tpu.memory_space<vmem>>
      %dma_wait3A_1343 = arith.constant 0 : i32
      %dma_wait3A_1344 = tpu.memref_slice %arg5[%squeeze3A_421, %dma_wait3A_1343] : memref<1000000x64xf32, #tpu.memory_space<hbm>> -> memref<1x64xf32, #tpu.memory_space<hbm>>
      %dma_wait3A_1345 = tpu.memref_squeeze %dma_wait3A_1344 : memref<1x64xf32, #tpu.memory_space<hbm>> -> memref<64xf32, #tpu.memory_space<hbm>>
      tpu.wait_dma2 semaphore(%arg13 : memref<!tpu.dma_semaphore, #tpu.memory_space<semaphore_mem>>) src(%dma_wait3A_1345 : memref<64xf32, #tpu.memory_space<hbm>>) dst(%dma_wait3A_1342 : memref<64xf32, #tpu.memory_space<vmem>>)
      %dma_wait3A_1346 = arith.constant 14 : i32
      %dma_wait3A_1347 = arith.constant 0 : i32
      %dma_wait3A_1348 = tpu.memref_slice %arg9[%dma_wait3A_1346, %dma_wait3A_1347] : memref<32x128xf32, #tpu.memory_space<vmem>> -> memref<1x64xf32, #tpu.memory_space<vmem>>
      %dma_wait3A_1349 = tpu.memref_squeeze %dma_wait3A_1348 : memref<1x64xf32, #tpu.memory_space<vmem>> -> memref<64xf32, #tpu.memory_space<vmem>>
      %dma_wait3A_1350 = arith.constant 0 : i32
      %dma_wait3A_1351 = tpu.memref_slice %arg4[%squeeze3A_436, %dma_wait3A_1350] : memref<1000000x64xf32, #tpu.memory_space<hbm>> -> memref<1x64xf32, #tpu.memory_space<hbm>>
      %dma_wait3A_1352 = tpu.memref_squeeze %dma_wait3A_1351 : memref<1x64xf32, #tpu.memory_space<hbm>> -> memref<64xf32, #tpu.memory_space<hbm>>
      %dma_wait3A_1353 = arith.constant 0 : i32
      %dma_wait3A_1354 = tpu.memref_slice %arg9[%dma_wait3A_1346, %dma_wait3A_1353] : memref<32x128xf32, #tpu.memory_space<vmem>> -> memref<1x64xf32, #tpu.memory_space<vmem>>
      %dma_wait3A_1355 = tpu.memref_squeeze %dma_wait3A_1354 : memref<1x64xf32, #tpu.memory_space<vmem>> -> memref<64xf32, #tpu.memory_space<vmem>>
      %dma_wait3A_1356 = arith.constant 0 : i32
      %dma_wait3A_1357 = tpu.memref_slice %arg4[%squeeze3A_436, %dma_wait3A_1356] : memref<1000000x64xf32, #tpu.memory_space<hbm>> -> memref<1x64xf32, #tpu.memory_space<hbm>>
      %dma_wait3A_1358 = tpu.memref_squeeze %dma_wait3A_1357 : memref<1x64xf32, #tpu.memory_space<hbm>> -> memref<64xf32, #tpu.memory_space<hbm>>
      tpu.wait_dma2 semaphore(%arg12 : memref<!tpu.dma_semaphore, #tpu.memory_space<semaphore_mem>>) src(%dma_wait3A_1358 : memref<64xf32, #tpu.memory_space<hbm>>) dst(%dma_wait3A_1355 : memref<64xf32, #tpu.memory_space<vmem>>)
      %dma_wait3A_1359 = arith.constant 14 : i32
      %dma_wait3A_1360 = arith.constant 0 : i32
      %dma_wait3A_1361 = tpu.memref_slice %arg10[%dma_wait3A_1359, %dma_wait3A_1360] : memref<32x128xf32, #tpu.memory_space<vmem>> -> memref<1x64xf32, #tpu.memory_space<vmem>>
      %dma_wait3A_1362 = tpu.memref_squeeze %dma_wait3A_1361 : memref<1x64xf32, #tpu.memory_space<vmem>> -> memref<64xf32, #tpu.memory_space<vmem>>
      %dma_wait3A_1363 = arith.constant 0 : i32
      %dma_wait3A_1364 = tpu.memref_slice %arg5[%squeeze3A_451, %dma_wait3A_1363] : memref<1000000x64xf32, #tpu.memory_space<hbm>> -> memref<1x64xf32, #tpu.memory_space<hbm>>
      %dma_wait3A_1365 = tpu.memref_squeeze %dma_wait3A_1364 : memref<1x64xf32, #tpu.memory_space<hbm>> -> memref<64xf32, #tpu.memory_space<hbm>>
      %dma_wait3A_1366 = arith.constant 0 : i32
      %dma_wait3A_1367 = tpu.memref_slice %arg10[%dma_wait3A_1359, %dma_wait3A_1366] : memref<32x128xf32, #tpu.memory_space<vmem>> -> memref<1x64xf32, #tpu.memory_space<vmem>>
      %dma_wait3A_1368 = tpu.memref_squeeze %dma_wait3A_1367 : memref<1x64xf32, #tpu.memory_space<vmem>> -> memref<64xf32, #tpu.memory_space<vmem>>
      %dma_wait3A_1369 = arith.constant 0 : i32
      %dma_wait3A_1370 = tpu.memref_slice %arg5[%squeeze3A_451, %dma_wait3A_1369] : memref<1000000x64xf32, #tpu.memory_space<hbm>> -> memref<1x64xf32, #tpu.memory_space<hbm>>
      %dma_wait3A_1371 = tpu.memref_squeeze %dma_wait3A_1370 : memref<1x64xf32, #tpu.memory_space<hbm>> -> memref<64xf32, #tpu.memory_space<hbm>>
      tpu.wait_dma2 semaphore(%arg13 : memref<!tpu.dma_semaphore, #tpu.memory_space<semaphore_mem>>) src(%dma_wait3A_1371 : memref<64xf32, #tpu.memory_space<hbm>>) dst(%dma_wait3A_1368 : memref<64xf32, #tpu.memory_space<vmem>>)
      %dma_wait3A_1372 = arith.constant 15 : i32
      %dma_wait3A_1373 = arith.constant 0 : i32
      %dma_wait3A_1374 = tpu.memref_slice %arg9[%dma_wait3A_1372, %dma_wait3A_1373] : memref<32x128xf32, #tpu.memory_space<vmem>> -> memref<1x64xf32, #tpu.memory_space<vmem>>
      %dma_wait3A_1375 = tpu.memref_squeeze %dma_wait3A_1374 : memref<1x64xf32, #tpu.memory_space<vmem>> -> memref<64xf32, #tpu.memory_space<vmem>>
      %dma_wait3A_1376 = arith.constant 0 : i32
      %dma_wait3A_1377 = tpu.memref_slice %arg4[%squeeze3A_466, %dma_wait3A_1376] : memref<1000000x64xf32, #tpu.memory_space<hbm>> -> memref<1x64xf32, #tpu.memory_space<hbm>>
      %dma_wait3A_1378 = tpu.memref_squeeze %dma_wait3A_1377 : memref<1x64xf32, #tpu.memory_space<hbm>> -> memref<64xf32, #tpu.memory_space<hbm>>
      %dma_wait3A_1379 = arith.constant 0 : i32
      %dma_wait3A_1380 = tpu.memref_slice %arg9[%dma_wait3A_1372, %dma_wait3A_1379] : memref<32x128xf32, #tpu.memory_space<vmem>> -> memref<1x64xf32, #tpu.memory_space<vmem>>
      %dma_wait3A_1381 = tpu.memref_squeeze %dma_wait3A_1380 : memref<1x64xf32, #tpu.memory_space<vmem>> -> memref<64xf32, #tpu.memory_space<vmem>>
      %dma_wait3A_1382 = arith.constant 0 : i32
      %dma_wait3A_1383 = tpu.memref_slice %arg4[%squeeze3A_466, %dma_wait3A_1382] : memref<1000000x64xf32, #tpu.memory_space<hbm>> -> memref<1x64xf32, #tpu.memory_space<hbm>>
      %dma_wait3A_1384 = tpu.memref_squeeze %dma_wait3A_1383 : memref<1x64xf32, #tpu.memory_space<hbm>> -> memref<64xf32, #tpu.memory_space<hbm>>
      tpu.wait_dma2 semaphore(%arg12 : memref<!tpu.dma_semaphore, #tpu.memory_space<semaphore_mem>>) src(%dma_wait3A_1384 : memref<64xf32, #tpu.memory_space<hbm>>) dst(%dma_wait3A_1381 : memref<64xf32, #tpu.memory_space<vmem>>)
      %dma_wait3A_1385 = arith.constant 15 : i32
      %dma_wait3A_1386 = arith.constant 0 : i32
      %dma_wait3A_1387 = tpu.memref_slice %arg10[%dma_wait3A_1385, %dma_wait3A_1386] : memref<32x128xf32, #tpu.memory_space<vmem>> -> memref<1x64xf32, #tpu.memory_space<vmem>>
      %dma_wait3A_1388 = tpu.memref_squeeze %dma_wait3A_1387 : memref<1x64xf32, #tpu.memory_space<vmem>> -> memref<64xf32, #tpu.memory_space<vmem>>
      %dma_wait3A_1389 = arith.constant 0 : i32
      %dma_wait3A_1390 = tpu.memref_slice %arg5[%squeeze3A_481, %dma_wait3A_1389] : memref<1000000x64xf32, #tpu.memory_space<hbm>> -> memref<1x64xf32, #tpu.memory_space<hbm>>
      %dma_wait3A_1391 = tpu.memref_squeeze %dma_wait3A_1390 : memref<1x64xf32, #tpu.memory_space<hbm>> -> memref<64xf32, #tpu.memory_space<hbm>>
      %dma_wait3A_1392 = arith.constant 0 : i32
      %dma_wait3A_1393 = tpu.memref_slice %arg10[%dma_wait3A_1385, %dma_wait3A_1392] : memref<32x128xf32, #tpu.memory_space<vmem>> -> memref<1x64xf32, #tpu.memory_space<vmem>>
      %dma_wait3A_1394 = tpu.memref_squeeze %dma_wait3A_1393 : memref<1x64xf32, #tpu.memory_space<vmem>> -> memref<64xf32, #tpu.memory_space<vmem>>
      %dma_wait3A_1395 = arith.constant 0 : i32
      %dma_wait3A_1396 = tpu.memref_slice %arg5[%squeeze3A_481, %dma_wait3A_1395] : memref<1000000x64xf32, #tpu.memory_space<hbm>> -> memref<1x64xf32, #tpu.memory_space<hbm>>
      %dma_wait3A_1397 = tpu.memref_squeeze %dma_wait3A_1396 : memref<1x64xf32, #tpu.memory_space<hbm>> -> memref<64xf32, #tpu.memory_space<hbm>>
      tpu.wait_dma2 semaphore(%arg13 : memref<!tpu.dma_semaphore, #tpu.memory_space<semaphore_mem>>) src(%dma_wait3A_1397 : memref<64xf32, #tpu.memory_space<hbm>>) dst(%dma_wait3A_1394 : memref<64xf32, #tpu.memory_space<vmem>>)
      %dma_wait3A_1398 = arith.constant 16 : i32
      %dma_wait3A_1399 = arith.constant 0 : i32
      %dma_wait3A_1400 = tpu.memref_slice %arg9[%dma_wait3A_1398, %dma_wait3A_1399] : memref<32x128xf32, #tpu.memory_space<vmem>> -> memref<1x64xf32, #tpu.memory_space<vmem>>
      %dma_wait3A_1401 = tpu.memref_squeeze %dma_wait3A_1400 : memref<1x64xf32, #tpu.memory_space<vmem>> -> memref<64xf32, #tpu.memory_space<vmem>>
      %dma_wait3A_1402 = arith.constant 0 : i32
      %dma_wait3A_1403 = tpu.memref_slice %arg4[%squeeze3A_504, %dma_wait3A_1402] : memref<1000000x64xf32, #tpu.memory_space<hbm>> -> memref<1x64xf32, #tpu.memory_space<hbm>>
      %dma_wait3A_1404 = tpu.memref_squeeze %dma_wait3A_1403 : memref<1x64xf32, #tpu.memory_space<hbm>> -> memref<64xf32, #tpu.memory_space<hbm>>
      %dma_wait3A_1405 = arith.constant 0 : i32
      %dma_wait3A_1406 = tpu.memref_slice %arg9[%dma_wait3A_1398, %dma_wait3A_1405] : memref<32x128xf32, #tpu.memory_space<vmem>> -> memref<1x64xf32, #tpu.memory_space<vmem>>
      %dma_wait3A_1407 = tpu.memref_squeeze %dma_wait3A_1406 : memref<1x64xf32, #tpu.memory_space<vmem>> -> memref<64xf32, #tpu.memory_space<vmem>>
      %dma_wait3A_1408 = arith.constant 0 : i32
      %dma_wait3A_1409 = tpu.memref_slice %arg4[%squeeze3A_504, %dma_wait3A_1408] : memref<1000000x64xf32, #tpu.memory_space<hbm>> -> memref<1x64xf32, #tpu.memory_space<hbm>>
      %dma_wait3A_1410 = tpu.memref_squeeze %dma_wait3A_1409 : memref<1x64xf32, #tpu.memory_space<hbm>> -> memref<64xf32, #tpu.memory_space<hbm>>
      tpu.wait_dma2 semaphore(%arg12 : memref<!tpu.dma_semaphore, #tpu.memory_space<semaphore_mem>>) src(%dma_wait3A_1410 : memref<64xf32, #tpu.memory_space<hbm>>) dst(%dma_wait3A_1407 : memref<64xf32, #tpu.memory_space<vmem>>)
      %dma_wait3A_1411 = arith.constant 16 : i32
      %dma_wait3A_1412 = arith.constant 0 : i32
      %dma_wait3A_1413 = tpu.memref_slice %arg10[%dma_wait3A_1411, %dma_wait3A_1412] : memref<32x128xf32, #tpu.memory_space<vmem>> -> memref<1x64xf32, #tpu.memory_space<vmem>>
      %dma_wait3A_1414 = tpu.memref_squeeze %dma_wait3A_1413 : memref<1x64xf32, #tpu.memory_space<vmem>> -> memref<64xf32, #tpu.memory_space<vmem>>
      %dma_wait3A_1415 = arith.constant 0 : i32
      %dma_wait3A_1416 = tpu.memref_slice %arg5[%squeeze3A_519, %dma_wait3A_1415] : memref<1000000x64xf32, #tpu.memory_space<hbm>> -> memref<1x64xf32, #tpu.memory_space<hbm>>
      %dma_wait3A_1417 = tpu.memref_squeeze %dma_wait3A_1416 : memref<1x64xf32, #tpu.memory_space<hbm>> -> memref<64xf32, #tpu.memory_space<hbm>>
      %dma_wait3A_1418 = arith.constant 0 : i32
      %dma_wait3A_1419 = tpu.memref_slice %arg10[%dma_wait3A_1411, %dma_wait3A_1418] : memref<32x128xf32, #tpu.memory_space<vmem>> -> memref<1x64xf32, #tpu.memory_space<vmem>>
      %dma_wait3A_1420 = tpu.memref_squeeze %dma_wait3A_1419 : memref<1x64xf32, #tpu.memory_space<vmem>> -> memref<64xf32, #tpu.memory_space<vmem>>
      %dma_wait3A_1421 = arith.constant 0 : i32
      %dma_wait3A_1422 = tpu.memref_slice %arg5[%squeeze3A_519, %dma_wait3A_1421] : memref<1000000x64xf32, #tpu.memory_space<hbm>> -> memref<1x64xf32, #tpu.memory_space<hbm>>
      %dma_wait3A_1423 = tpu.memref_squeeze %dma_wait3A_1422 : memref<1x64xf32, #tpu.memory_space<hbm>> -> memref<64xf32, #tpu.memory_space<hbm>>
      tpu.wait_dma2 semaphore(%arg13 : memref<!tpu.dma_semaphore, #tpu.memory_space<semaphore_mem>>) src(%dma_wait3A_1423 : memref<64xf32, #tpu.memory_space<hbm>>) dst(%dma_wait3A_1420 : memref<64xf32, #tpu.memory_space<vmem>>)
      %dma_wait3A_1424 = arith.constant 17 : i32
      %dma_wait3A_1425 = arith.constant 0 : i32
      %dma_wait3A_1426 = tpu.memref_slice %arg9[%dma_wait3A_1424, %dma_wait3A_1425] : memref<32x128xf32, #tpu.memory_space<vmem>> -> memref<1x64xf32, #tpu.memory_space<vmem>>
      %dma_wait3A_1427 = tpu.memref_squeeze %dma_wait3A_1426 : memref<1x64xf32, #tpu.memory_space<vmem>> -> memref<64xf32, #tpu.memory_space<vmem>>
      %dma_wait3A_1428 = arith.constant 0 : i32
      %dma_wait3A_1429 = tpu.memref_slice %arg4[%squeeze3A_534, %dma_wait3A_1428] : memref<1000000x64xf32, #tpu.memory_space<hbm>> -> memref<1x64xf32, #tpu.memory_space<hbm>>
      %dma_wait3A_1430 = tpu.memref_squeeze %dma_wait3A_1429 : memref<1x64xf32, #tpu.memory_space<hbm>> -> memref<64xf32, #tpu.memory_space<hbm>>
      %dma_wait3A_1431 = arith.constant 0 : i32
      %dma_wait3A_1432 = tpu.memref_slice %arg9[%dma_wait3A_1424, %dma_wait3A_1431] : memref<32x128xf32, #tpu.memory_space<vmem>> -> memref<1x64xf32, #tpu.memory_space<vmem>>
      %dma_wait3A_1433 = tpu.memref_squeeze %dma_wait3A_1432 : memref<1x64xf32, #tpu.memory_space<vmem>> -> memref<64xf32, #tpu.memory_space<vmem>>
      %dma_wait3A_1434 = arith.constant 0 : i32
      %dma_wait3A_1435 = tpu.memref_slice %arg4[%squeeze3A_534, %dma_wait3A_1434] : memref<1000000x64xf32, #tpu.memory_space<hbm>> -> memref<1x64xf32, #tpu.memory_space<hbm>>
      %dma_wait3A_1436 = tpu.memref_squeeze %dma_wait3A_1435 : memref<1x64xf32, #tpu.memory_space<hbm>> -> memref<64xf32, #tpu.memory_space<hbm>>
      tpu.wait_dma2 semaphore(%arg12 : memref<!tpu.dma_semaphore, #tpu.memory_space<semaphore_mem>>) src(%dma_wait3A_1436 : memref<64xf32, #tpu.memory_space<hbm>>) dst(%dma_wait3A_1433 : memref<64xf32, #tpu.memory_space<vmem>>)
      %dma_wait3A_1437 = arith.constant 17 : i32
      %dma_wait3A_1438 = arith.constant 0 : i32
      %dma_wait3A_1439 = tpu.memref_slice %arg10[%dma_wait3A_1437, %dma_wait3A_1438] : memref<32x128xf32, #tpu.memory_space<vmem>> -> memref<1x64xf32, #tpu.memory_space<vmem>>
      %dma_wait3A_1440 = tpu.memref_squeeze %dma_wait3A_1439 : memref<1x64xf32, #tpu.memory_space<vmem>> -> memref<64xf32, #tpu.memory_space<vmem>>
      %dma_wait3A_1441 = arith.constant 0 : i32
      %dma_wait3A_1442 = tpu.memref_slice %arg5[%squeeze3A_549, %dma_wait3A_1441] : memref<1000000x64xf32, #tpu.memory_space<hbm>> -> memref<1x64xf32, #tpu.memory_space<hbm>>
      %dma_wait3A_1443 = tpu.memref_squeeze %dma_wait3A_1442 : memref<1x64xf32, #tpu.memory_space<hbm>> -> memref<64xf32, #tpu.memory_space<hbm>>
      %dma_wait3A_1444 = arith.constant 0 : i32
      %dma_wait3A_1445 = tpu.memref_slice %arg10[%dma_wait3A_1437, %dma_wait3A_1444] : memref<32x128xf32, #tpu.memory_space<vmem>> -> memref<1x64xf32, #tpu.memory_space<vmem>>
      %dma_wait3A_1446 = tpu.memref_squeeze %dma_wait3A_1445 : memref<1x64xf32, #tpu.memory_space<vmem>> -> memref<64xf32, #tpu.memory_space<vmem>>
      %dma_wait3A_1447 = arith.constant 0 : i32
      %dma_wait3A_1448 = tpu.memref_slice %arg5[%squeeze3A_549, %dma_wait3A_1447] : memref<1000000x64xf32, #tpu.memory_space<hbm>> -> memref<1x64xf32, #tpu.memory_space<hbm>>
      %dma_wait3A_1449 = tpu.memref_squeeze %dma_wait3A_1448 : memref<1x64xf32, #tpu.memory_space<hbm>> -> memref<64xf32, #tpu.memory_space<hbm>>
      tpu.wait_dma2 semaphore(%arg13 : memref<!tpu.dma_semaphore, #tpu.memory_space<semaphore_mem>>) src(%dma_wait3A_1449 : memref<64xf32, #tpu.memory_space<hbm>>) dst(%dma_wait3A_1446 : memref<64xf32, #tpu.memory_space<vmem>>)
      %dma_wait3A_1450 = arith.constant 18 : i32
      %dma_wait3A_1451 = arith.constant 0 : i32
      %dma_wait3A_1452 = tpu.memref_slice %arg9[%dma_wait3A_1450, %dma_wait3A_1451] : memref<32x128xf32, #tpu.memory_space<vmem>> -> memref<1x64xf32, #tpu.memory_space<vmem>>
      %dma_wait3A_1453 = tpu.memref_squeeze %dma_wait3A_1452 : memref<1x64xf32, #tpu.memory_space<vmem>> -> memref<64xf32, #tpu.memory_space<vmem>>
      %dma_wait3A_1454 = arith.constant 0 : i32
      %dma_wait3A_1455 = tpu.memref_slice %arg4[%squeeze3A_564, %dma_wait3A_1454] : memref<1000000x64xf32, #tpu.memory_space<hbm>> -> memref<1x64xf32, #tpu.memory_space<hbm>>
      %dma_wait3A_1456 = tpu.memref_squeeze %dma_wait3A_1455 : memref<1x64xf32, #tpu.memory_space<hbm>> -> memref<64xf32, #tpu.memory_space<hbm>>
      %dma_wait3A_1457 = arith.constant 0 : i32
      %dma_wait3A_1458 = tpu.memref_slice %arg9[%dma_wait3A_1450, %dma_wait3A_1457] : memref<32x128xf32, #tpu.memory_space<vmem>> -> memref<1x64xf32, #tpu.memory_space<vmem>>
      %dma_wait3A_1459 = tpu.memref_squeeze %dma_wait3A_1458 : memref<1x64xf32, #tpu.memory_space<vmem>> -> memref<64xf32, #tpu.memory_space<vmem>>
      %dma_wait3A_1460 = arith.constant 0 : i32
      %dma_wait3A_1461 = tpu.memref_slice %arg4[%squeeze3A_564, %dma_wait3A_1460] : memref<1000000x64xf32, #tpu.memory_space<hbm>> -> memref<1x64xf32, #tpu.memory_space<hbm>>
      %dma_wait3A_1462 = tpu.memref_squeeze %dma_wait3A_1461 : memref<1x64xf32, #tpu.memory_space<hbm>> -> memref<64xf32, #tpu.memory_space<hbm>>
      tpu.wait_dma2 semaphore(%arg12 : memref<!tpu.dma_semaphore, #tpu.memory_space<semaphore_mem>>) src(%dma_wait3A_1462 : memref<64xf32, #tpu.memory_space<hbm>>) dst(%dma_wait3A_1459 : memref<64xf32, #tpu.memory_space<vmem>>)
      %dma_wait3A_1463 = arith.constant 18 : i32
      %dma_wait3A_1464 = arith.constant 0 : i32
      %dma_wait3A_1465 = tpu.memref_slice %arg10[%dma_wait3A_1463, %dma_wait3A_1464] : memref<32x128xf32, #tpu.memory_space<vmem>> -> memref<1x64xf32, #tpu.memory_space<vmem>>
      %dma_wait3A_1466 = tpu.memref_squeeze %dma_wait3A_1465 : memref<1x64xf32, #tpu.memory_space<vmem>> -> memref<64xf32, #tpu.memory_space<vmem>>
      %dma_wait3A_1467 = arith.constant 0 : i32
      %dma_wait3A_1468 = tpu.memref_slice %arg5[%squeeze3A_579, %dma_wait3A_1467] : memref<1000000x64xf32, #tpu.memory_space<hbm>> -> memref<1x64xf32, #tpu.memory_space<hbm>>
      %dma_wait3A_1469 = tpu.memref_squeeze %dma_wait3A_1468 : memref<1x64xf32, #tpu.memory_space<hbm>> -> memref<64xf32, #tpu.memory_space<hbm>>
      %dma_wait3A_1470 = arith.constant 0 : i32
      %dma_wait3A_1471 = tpu.memref_slice %arg10[%dma_wait3A_1463, %dma_wait3A_1470] : memref<32x128xf32, #tpu.memory_space<vmem>> -> memref<1x64xf32, #tpu.memory_space<vmem>>
      %dma_wait3A_1472 = tpu.memref_squeeze %dma_wait3A_1471 : memref<1x64xf32, #tpu.memory_space<vmem>> -> memref<64xf32, #tpu.memory_space<vmem>>
      %dma_wait3A_1473 = arith.constant 0 : i32
      %dma_wait3A_1474 = tpu.memref_slice %arg5[%squeeze3A_579, %dma_wait3A_1473] : memref<1000000x64xf32, #tpu.memory_space<hbm>> -> memref<1x64xf32, #tpu.memory_space<hbm>>
      %dma_wait3A_1475 = tpu.memref_squeeze %dma_wait3A_1474 : memref<1x64xf32, #tpu.memory_space<hbm>> -> memref<64xf32, #tpu.memory_space<hbm>>
      tpu.wait_dma2 semaphore(%arg13 : memref<!tpu.dma_semaphore, #tpu.memory_space<semaphore_mem>>) src(%dma_wait3A_1475 : memref<64xf32, #tpu.memory_space<hbm>>) dst(%dma_wait3A_1472 : memref<64xf32, #tpu.memory_space<vmem>>)
      %dma_wait3A_1476 = arith.constant 19 : i32
      %dma_wait3A_1477 = arith.constant 0 : i32
      %dma_wait3A_1478 = tpu.memref_slice %arg9[%dma_wait3A_1476, %dma_wait3A_1477] : memref<32x128xf32, #tpu.memory_space<vmem>> -> memref<1x64xf32, #tpu.memory_space<vmem>>
      %dma_wait3A_1479 = tpu.memref_squeeze %dma_wait3A_1478 : memref<1x64xf32, #tpu.memory_space<vmem>> -> memref<64xf32, #tpu.memory_space<vmem>>
      %dma_wait3A_1480 = arith.constant 0 : i32
      %dma_wait3A_1481 = tpu.memref_slice %arg4[%squeeze3A_594, %dma_wait3A_1480] : memref<1000000x64xf32, #tpu.memory_space<hbm>> -> memref<1x64xf32, #tpu.memory_space<hbm>>
      %dma_wait3A_1482 = tpu.memref_squeeze %dma_wait3A_1481 : memref<1x64xf32, #tpu.memory_space<hbm>> -> memref<64xf32, #tpu.memory_space<hbm>>
      %dma_wait3A_1483 = arith.constant 0 : i32
      %dma_wait3A_1484 = tpu.memref_slice %arg9[%dma_wait3A_1476, %dma_wait3A_1483] : memref<32x128xf32, #tpu.memory_space<vmem>> -> memref<1x64xf32, #tpu.memory_space<vmem>>
      %dma_wait3A_1485 = tpu.memref_squeeze %dma_wait3A_1484 : memref<1x64xf32, #tpu.memory_space<vmem>> -> memref<64xf32, #tpu.memory_space<vmem>>
      %dma_wait3A_1486 = arith.constant 0 : i32
      %dma_wait3A_1487 = tpu.memref_slice %arg4[%squeeze3A_594, %dma_wait3A_1486] : memref<1000000x64xf32, #tpu.memory_space<hbm>> -> memref<1x64xf32, #tpu.memory_space<hbm>>
      %dma_wait3A_1488 = tpu.memref_squeeze %dma_wait3A_1487 : memref<1x64xf32, #tpu.memory_space<hbm>> -> memref<64xf32, #tpu.memory_space<hbm>>
      tpu.wait_dma2 semaphore(%arg12 : memref<!tpu.dma_semaphore, #tpu.memory_space<semaphore_mem>>) src(%dma_wait3A_1488 : memref<64xf32, #tpu.memory_space<hbm>>) dst(%dma_wait3A_1485 : memref<64xf32, #tpu.memory_space<vmem>>)
      %dma_wait3A_1489 = arith.constant 19 : i32
      %dma_wait3A_1490 = arith.constant 0 : i32
      %dma_wait3A_1491 = tpu.memref_slice %arg10[%dma_wait3A_1489, %dma_wait3A_1490] : memref<32x128xf32, #tpu.memory_space<vmem>> -> memref<1x64xf32, #tpu.memory_space<vmem>>
      %dma_wait3A_1492 = tpu.memref_squeeze %dma_wait3A_1491 : memref<1x64xf32, #tpu.memory_space<vmem>> -> memref<64xf32, #tpu.memory_space<vmem>>
      %dma_wait3A_1493 = arith.constant 0 : i32
      %dma_wait3A_1494 = tpu.memref_slice %arg5[%squeeze3A_609, %dma_wait3A_1493] : memref<1000000x64xf32, #tpu.memory_space<hbm>> -> memref<1x64xf32, #tpu.memory_space<hbm>>
      %dma_wait3A_1495 = tpu.memref_squeeze %dma_wait3A_1494 : memref<1x64xf32, #tpu.memory_space<hbm>> -> memref<64xf32, #tpu.memory_space<hbm>>
      %dma_wait3A_1496 = arith.constant 0 : i32
      %dma_wait3A_1497 = tpu.memref_slice %arg10[%dma_wait3A_1489, %dma_wait3A_1496] : memref<32x128xf32, #tpu.memory_space<vmem>> -> memref<1x64xf32, #tpu.memory_space<vmem>>
      %dma_wait3A_1498 = tpu.memref_squeeze %dma_wait3A_1497 : memref<1x64xf32, #tpu.memory_space<vmem>> -> memref<64xf32, #tpu.memory_space<vmem>>
      %dma_wait3A_1499 = arith.constant 0 : i32
      %dma_wait3A_1500 = tpu.memref_slice %arg5[%squeeze3A_609, %dma_wait3A_1499] : memref<1000000x64xf32, #tpu.memory_space<hbm>> -> memref<1x64xf32, #tpu.memory_space<hbm>>
      %dma_wait3A_1501 = tpu.memref_squeeze %dma_wait3A_1500 : memref<1x64xf32, #tpu.memory_space<hbm>> -> memref<64xf32, #tpu.memory_space<hbm>>
      tpu.wait_dma2 semaphore(%arg13 : memref<!tpu.dma_semaphore, #tpu.memory_space<semaphore_mem>>) src(%dma_wait3A_1501 : memref<64xf32, #tpu.memory_space<hbm>>) dst(%dma_wait3A_1498 : memref<64xf32, #tpu.memory_space<vmem>>)
      %dma_wait3A_1502 = arith.constant 20 : i32
      %dma_wait3A_1503 = arith.constant 0 : i32
      %dma_wait3A_1504 = tpu.memref_slice %arg9[%dma_wait3A_1502, %dma_wait3A_1503] : memref<32x128xf32, #tpu.memory_space<vmem>> -> memref<1x64xf32, #tpu.memory_space<vmem>>
      %dma_wait3A_1505 = tpu.memref_squeeze %dma_wait3A_1504 : memref<1x64xf32, #tpu.memory_space<vmem>> -> memref<64xf32, #tpu.memory_space<vmem>>
      %dma_wait3A_1506 = arith.constant 0 : i32
      %dma_wait3A_1507 = tpu.memref_slice %arg4[%squeeze3A_624, %dma_wait3A_1506] : memref<1000000x64xf32, #tpu.memory_space<hbm>> -> memref<1x64xf32, #tpu.memory_space<hbm>>
      %dma_wait3A_1508 = tpu.memref_squeeze %dma_wait3A_1507 : memref<1x64xf32, #tpu.memory_space<hbm>> -> memref<64xf32, #tpu.memory_space<hbm>>
      %dma_wait3A_1509 = arith.constant 0 : i32
      %dma_wait3A_1510 = tpu.memref_slice %arg9[%dma_wait3A_1502, %dma_wait3A_1509] : memref<32x128xf32, #tpu.memory_space<vmem>> -> memref<1x64xf32, #tpu.memory_space<vmem>>
      %dma_wait3A_1511 = tpu.memref_squeeze %dma_wait3A_1510 : memref<1x64xf32, #tpu.memory_space<vmem>> -> memref<64xf32, #tpu.memory_space<vmem>>
      %dma_wait3A_1512 = arith.constant 0 : i32
      %dma_wait3A_1513 = tpu.memref_slice %arg4[%squeeze3A_624, %dma_wait3A_1512] : memref<1000000x64xf32, #tpu.memory_space<hbm>> -> memref<1x64xf32, #tpu.memory_space<hbm>>
      %dma_wait3A_1514 = tpu.memref_squeeze %dma_wait3A_1513 : memref<1x64xf32, #tpu.memory_space<hbm>> -> memref<64xf32, #tpu.memory_space<hbm>>
      tpu.wait_dma2 semaphore(%arg12 : memref<!tpu.dma_semaphore, #tpu.memory_space<semaphore_mem>>) src(%dma_wait3A_1514 : memref<64xf32, #tpu.memory_space<hbm>>) dst(%dma_wait3A_1511 : memref<64xf32, #tpu.memory_space<vmem>>)
      %dma_wait3A_1515 = arith.constant 20 : i32
      %dma_wait3A_1516 = arith.constant 0 : i32
      %dma_wait3A_1517 = tpu.memref_slice %arg10[%dma_wait3A_1515, %dma_wait3A_1516] : memref<32x128xf32, #tpu.memory_space<vmem>> -> memref<1x64xf32, #tpu.memory_space<vmem>>
      %dma_wait3A_1518 = tpu.memref_squeeze %dma_wait3A_1517 : memref<1x64xf32, #tpu.memory_space<vmem>> -> memref<64xf32, #tpu.memory_space<vmem>>
      %dma_wait3A_1519 = arith.constant 0 : i32
      %dma_wait3A_1520 = tpu.memref_slice %arg5[%squeeze3A_639, %dma_wait3A_1519] : memref<1000000x64xf32, #tpu.memory_space<hbm>> -> memref<1x64xf32, #tpu.memory_space<hbm>>
      %dma_wait3A_1521 = tpu.memref_squeeze %dma_wait3A_1520 : memref<1x64xf32, #tpu.memory_space<hbm>> -> memref<64xf32, #tpu.memory_space<hbm>>
      %dma_wait3A_1522 = arith.constant 0 : i32
      %dma_wait3A_1523 = tpu.memref_slice %arg10[%dma_wait3A_1515, %dma_wait3A_1522] : memref<32x128xf32, #tpu.memory_space<vmem>> -> memref<1x64xf32, #tpu.memory_space<vmem>>
      %dma_wait3A_1524 = tpu.memref_squeeze %dma_wait3A_1523 : memref<1x64xf32, #tpu.memory_space<vmem>> -> memref<64xf32, #tpu.memory_space<vmem>>
      %dma_wait3A_1525 = arith.constant 0 : i32
      %dma_wait3A_1526 = tpu.memref_slice %arg5[%squeeze3A_639, %dma_wait3A_1525] : memref<1000000x64xf32, #tpu.memory_space<hbm>> -> memref<1x64xf32, #tpu.memory_space<hbm>>
      %dma_wait3A_1527 = tpu.memref_squeeze %dma_wait3A_1526 : memref<1x64xf32, #tpu.memory_space<hbm>> -> memref<64xf32, #tpu.memory_space<hbm>>
      tpu.wait_dma2 semaphore(%arg13 : memref<!tpu.dma_semaphore, #tpu.memory_space<semaphore_mem>>) src(%dma_wait3A_1527 : memref<64xf32, #tpu.memory_space<hbm>>) dst(%dma_wait3A_1524 : memref<64xf32, #tpu.memory_space<vmem>>)
      %dma_wait3A_1528 = arith.constant 21 : i32
      %dma_wait3A_1529 = arith.constant 0 : i32
      %dma_wait3A_1530 = tpu.memref_slice %arg9[%dma_wait3A_1528, %dma_wait3A_1529] : memref<32x128xf32, #tpu.memory_space<vmem>> -> memref<1x64xf32, #tpu.memory_space<vmem>>
      %dma_wait3A_1531 = tpu.memref_squeeze %dma_wait3A_1530 : memref<1x64xf32, #tpu.memory_space<vmem>> -> memref<64xf32, #tpu.memory_space<vmem>>
      %dma_wait3A_1532 = arith.constant 0 : i32
      %dma_wait3A_1533 = tpu.memref_slice %arg4[%squeeze3A_654, %dma_wait3A_1532] : memref<1000000x64xf32, #tpu.memory_space<hbm>> -> memref<1x64xf32, #tpu.memory_space<hbm>>
      %dma_wait3A_1534 = tpu.memref_squeeze %dma_wait3A_1533 : memref<1x64xf32, #tpu.memory_space<hbm>> -> memref<64xf32, #tpu.memory_space<hbm>>
      %dma_wait3A_1535 = arith.constant 0 : i32
      %dma_wait3A_1536 = tpu.memref_slice %arg9[%dma_wait3A_1528, %dma_wait3A_1535] : memref<32x128xf32, #tpu.memory_space<vmem>> -> memref<1x64xf32, #tpu.memory_space<vmem>>
      %dma_wait3A_1537 = tpu.memref_squeeze %dma_wait3A_1536 : memref<1x64xf32, #tpu.memory_space<vmem>> -> memref<64xf32, #tpu.memory_space<vmem>>
      %dma_wait3A_1538 = arith.constant 0 : i32
      %dma_wait3A_1539 = tpu.memref_slice %arg4[%squeeze3A_654, %dma_wait3A_1538] : memref<1000000x64xf32, #tpu.memory_space<hbm>> -> memref<1x64xf32, #tpu.memory_space<hbm>>
      %dma_wait3A_1540 = tpu.memref_squeeze %dma_wait3A_1539 : memref<1x64xf32, #tpu.memory_space<hbm>> -> memref<64xf32, #tpu.memory_space<hbm>>
      tpu.wait_dma2 semaphore(%arg12 : memref<!tpu.dma_semaphore, #tpu.memory_space<semaphore_mem>>) src(%dma_wait3A_1540 : memref<64xf32, #tpu.memory_space<hbm>>) dst(%dma_wait3A_1537 : memref<64xf32, #tpu.memory_space<vmem>>)
      %dma_wait3A_1541 = arith.constant 21 : i32
      %dma_wait3A_1542 = arith.constant 0 : i32
      %dma_wait3A_1543 = tpu.memref_slice %arg10[%dma_wait3A_1541, %dma_wait3A_1542] : memref<32x128xf32, #tpu.memory_space<vmem>> -> memref<1x64xf32, #tpu.memory_space<vmem>>
      %dma_wait3A_1544 = tpu.memref_squeeze %dma_wait3A_1543 : memref<1x64xf32, #tpu.memory_space<vmem>> -> memref<64xf32, #tpu.memory_space<vmem>>
      %dma_wait3A_1545 = arith.constant 0 : i32
      %dma_wait3A_1546 = tpu.memref_slice %arg5[%squeeze3A_669, %dma_wait3A_1545] : memref<1000000x64xf32, #tpu.memory_space<hbm>> -> memref<1x64xf32, #tpu.memory_space<hbm>>
      %dma_wait3A_1547 = tpu.memref_squeeze %dma_wait3A_1546 : memref<1x64xf32, #tpu.memory_space<hbm>> -> memref<64xf32, #tpu.memory_space<hbm>>
      %dma_wait3A_1548 = arith.constant 0 : i32
      %dma_wait3A_1549 = tpu.memref_slice %arg10[%dma_wait3A_1541, %dma_wait3A_1548] : memref<32x128xf32, #tpu.memory_space<vmem>> -> memref<1x64xf32, #tpu.memory_space<vmem>>
      %dma_wait3A_1550 = tpu.memref_squeeze %dma_wait3A_1549 : memref<1x64xf32, #tpu.memory_space<vmem>> -> memref<64xf32, #tpu.memory_space<vmem>>
      %dma_wait3A_1551 = arith.constant 0 : i32
      %dma_wait3A_1552 = tpu.memref_slice %arg5[%squeeze3A_669, %dma_wait3A_1551] : memref<1000000x64xf32, #tpu.memory_space<hbm>> -> memref<1x64xf32, #tpu.memory_space<hbm>>
      %dma_wait3A_1553 = tpu.memref_squeeze %dma_wait3A_1552 : memref<1x64xf32, #tpu.memory_space<hbm>> -> memref<64xf32, #tpu.memory_space<hbm>>
      tpu.wait_dma2 semaphore(%arg13 : memref<!tpu.dma_semaphore, #tpu.memory_space<semaphore_mem>>) src(%dma_wait3A_1553 : memref<64xf32, #tpu.memory_space<hbm>>) dst(%dma_wait3A_1550 : memref<64xf32, #tpu.memory_space<vmem>>)
      %dma_wait3A_1554 = arith.constant 22 : i32
      %dma_wait3A_1555 = arith.constant 0 : i32
      %dma_wait3A_1556 = tpu.memref_slice %arg9[%dma_wait3A_1554, %dma_wait3A_1555] : memref<32x128xf32, #tpu.memory_space<vmem>> -> memref<1x64xf32, #tpu.memory_space<vmem>>
      %dma_wait3A_1557 = tpu.memref_squeeze %dma_wait3A_1556 : memref<1x64xf32, #tpu.memory_space<vmem>> -> memref<64xf32, #tpu.memory_space<vmem>>
      %dma_wait3A_1558 = arith.constant 0 : i32
      %dma_wait3A_1559 = tpu.memref_slice %arg4[%squeeze3A_684, %dma_wait3A_1558] : memref<1000000x64xf32, #tpu.memory_space<hbm>> -> memref<1x64xf32, #tpu.memory_space<hbm>>
      %dma_wait3A_1560 = tpu.memref_squeeze %dma_wait3A_1559 : memref<1x64xf32, #tpu.memory_space<hbm>> -> memref<64xf32, #tpu.memory_space<hbm>>
      %dma_wait3A_1561 = arith.constant 0 : i32
      %dma_wait3A_1562 = tpu.memref_slice %arg9[%dma_wait3A_1554, %dma_wait3A_1561] : memref<32x128xf32, #tpu.memory_space<vmem>> -> memref<1x64xf32, #tpu.memory_space<vmem>>
      %dma_wait3A_1563 = tpu.memref_squeeze %dma_wait3A_1562 : memref<1x64xf32, #tpu.memory_space<vmem>> -> memref<64xf32, #tpu.memory_space<vmem>>
      %dma_wait3A_1564 = arith.constant 0 : i32
      %dma_wait3A_1565 = tpu.memref_slice %arg4[%squeeze3A_684, %dma_wait3A_1564] : memref<1000000x64xf32, #tpu.memory_space<hbm>> -> memref<1x64xf32, #tpu.memory_space<hbm>>
      %dma_wait3A_1566 = tpu.memref_squeeze %dma_wait3A_1565 : memref<1x64xf32, #tpu.memory_space<hbm>> -> memref<64xf32, #tpu.memory_space<hbm>>
      tpu.wait_dma2 semaphore(%arg12 : memref<!tpu.dma_semaphore, #tpu.memory_space<semaphore_mem>>) src(%dma_wait3A_1566 : memref<64xf32, #tpu.memory_space<hbm>>) dst(%dma_wait3A_1563 : memref<64xf32, #tpu.memory_space<vmem>>)
      %dma_wait3A_1567 = arith.constant 22 : i32
      %dma_wait3A_1568 = arith.constant 0 : i32
      %dma_wait3A_1569 = tpu.memref_slice %arg10[%dma_wait3A_1567, %dma_wait3A_1568] : memref<32x128xf32, #tpu.memory_space<vmem>> -> memref<1x64xf32, #tpu.memory_space<vmem>>
      %dma_wait3A_1570 = tpu.memref_squeeze %dma_wait3A_1569 : memref<1x64xf32, #tpu.memory_space<vmem>> -> memref<64xf32, #tpu.memory_space<vmem>>
      %dma_wait3A_1571 = arith.constant 0 : i32
      %dma_wait3A_1572 = tpu.memref_slice %arg5[%squeeze3A_699, %dma_wait3A_1571] : memref<1000000x64xf32, #tpu.memory_space<hbm>> -> memref<1x64xf32, #tpu.memory_space<hbm>>
      %dma_wait3A_1573 = tpu.memref_squeeze %dma_wait3A_1572 : memref<1x64xf32, #tpu.memory_space<hbm>> -> memref<64xf32, #tpu.memory_space<hbm>>
      %dma_wait3A_1574 = arith.constant 0 : i32
      %dma_wait3A_1575 = tpu.memref_slice %arg10[%dma_wait3A_1567, %dma_wait3A_1574] : memref<32x128xf32, #tpu.memory_space<vmem>> -> memref<1x64xf32, #tpu.memory_space<vmem>>
      %dma_wait3A_1576 = tpu.memref_squeeze %dma_wait3A_1575 : memref<1x64xf32, #tpu.memory_space<vmem>> -> memref<64xf32, #tpu.memory_space<vmem>>
      %dma_wait3A_1577 = arith.constant 0 : i32
      %dma_wait3A_1578 = tpu.memref_slice %arg5[%squeeze3A_699, %dma_wait3A_1577] : memref<1000000x64xf32, #tpu.memory_space<hbm>> -> memref<1x64xf32, #tpu.memory_space<hbm>>
      %dma_wait3A_1579 = tpu.memref_squeeze %dma_wait3A_1578 : memref<1x64xf32, #tpu.memory_space<hbm>> -> memref<64xf32, #tpu.memory_space<hbm>>
      tpu.wait_dma2 semaphore(%arg13 : memref<!tpu.dma_semaphore, #tpu.memory_space<semaphore_mem>>) src(%dma_wait3A_1579 : memref<64xf32, #tpu.memory_space<hbm>>) dst(%dma_wait3A_1576 : memref<64xf32, #tpu.memory_space<vmem>>)
      %dma_wait3A_1580 = arith.constant 23 : i32
      %dma_wait3A_1581 = arith.constant 0 : i32
      %dma_wait3A_1582 = tpu.memref_slice %arg9[%dma_wait3A_1580, %dma_wait3A_1581] : memref<32x128xf32, #tpu.memory_space<vmem>> -> memref<1x64xf32, #tpu.memory_space<vmem>>
      %dma_wait3A_1583 = tpu.memref_squeeze %dma_wait3A_1582 : memref<1x64xf32, #tpu.memory_space<vmem>> -> memref<64xf32, #tpu.memory_space<vmem>>
      %dma_wait3A_1584 = arith.constant 0 : i32
      %dma_wait3A_1585 = tpu.memref_slice %arg4[%squeeze3A_714, %dma_wait3A_1584] : memref<1000000x64xf32, #tpu.memory_space<hbm>> -> memref<1x64xf32, #tpu.memory_space<hbm>>
      %dma_wait3A_1586 = tpu.memref_squeeze %dma_wait3A_1585 : memref<1x64xf32, #tpu.memory_space<hbm>> -> memref<64xf32, #tpu.memory_space<hbm>>
      %dma_wait3A_1587 = arith.constant 0 : i32
      %dma_wait3A_1588 = tpu.memref_slice %arg9[%dma_wait3A_1580, %dma_wait3A_1587] : memref<32x128xf32, #tpu.memory_space<vmem>> -> memref<1x64xf32, #tpu.memory_space<vmem>>
      %dma_wait3A_1589 = tpu.memref_squeeze %dma_wait3A_1588 : memref<1x64xf32, #tpu.memory_space<vmem>> -> memref<64xf32, #tpu.memory_space<vmem>>
      %dma_wait3A_1590 = arith.constant 0 : i32
      %dma_wait3A_1591 = tpu.memref_slice %arg4[%squeeze3A_714, %dma_wait3A_1590] : memref<1000000x64xf32, #tpu.memory_space<hbm>> -> memref<1x64xf32, #tpu.memory_space<hbm>>
      %dma_wait3A_1592 = tpu.memref_squeeze %dma_wait3A_1591 : memref<1x64xf32, #tpu.memory_space<hbm>> -> memref<64xf32, #tpu.memory_space<hbm>>
      tpu.wait_dma2 semaphore(%arg12 : memref<!tpu.dma_semaphore, #tpu.memory_space<semaphore_mem>>) src(%dma_wait3A_1592 : memref<64xf32, #tpu.memory_space<hbm>>) dst(%dma_wait3A_1589 : memref<64xf32, #tpu.memory_space<vmem>>)
      %dma_wait3A_1593 = arith.constant 23 : i32
      %dma_wait3A_1594 = arith.constant 0 : i32
      %dma_wait3A_1595 = tpu.memref_slice %arg10[%dma_wait3A_1593, %dma_wait3A_1594] : memref<32x128xf32, #tpu.memory_space<vmem>> -> memref<1x64xf32, #tpu.memory_space<vmem>>
      %dma_wait3A_1596 = tpu.memref_squeeze %dma_wait3A_1595 : memref<1x64xf32, #tpu.memory_space<vmem>> -> memref<64xf32, #tpu.memory_space<vmem>>
      %dma_wait3A_1597 = arith.constant 0 : i32
      %dma_wait3A_1598 = tpu.memref_slice %arg5[%squeeze3A_729, %dma_wait3A_1597] : memref<1000000x64xf32, #tpu.memory_space<hbm>> -> memref<1x64xf32, #tpu.memory_space<hbm>>
      %dma_wait3A_1599 = tpu.memref_squeeze %dma_wait3A_1598 : memref<1x64xf32, #tpu.memory_space<hbm>> -> memref<64xf32, #tpu.memory_space<hbm>>
      %dma_wait3A_1600 = arith.constant 0 : i32
      %dma_wait3A_1601 = tpu.memref_slice %arg10[%dma_wait3A_1593, %dma_wait3A_1600] : memref<32x128xf32, #tpu.memory_space<vmem>> -> memref<1x64xf32, #tpu.memory_space<vmem>>
      %dma_wait3A_1602 = tpu.memref_squeeze %dma_wait3A_1601 : memref<1x64xf32, #tpu.memory_space<vmem>> -> memref<64xf32, #tpu.memory_space<vmem>>
      %dma_wait3A_1603 = arith.constant 0 : i32
      %dma_wait3A_1604 = tpu.memref_slice %arg5[%squeeze3A_729, %dma_wait3A_1603] : memref<1000000x64xf32, #tpu.memory_space<hbm>> -> memref<1x64xf32, #tpu.memory_space<hbm>>
      %dma_wait3A_1605 = tpu.memref_squeeze %dma_wait3A_1604 : memref<1x64xf32, #tpu.memory_space<hbm>> -> memref<64xf32, #tpu.memory_space<hbm>>
      tpu.wait_dma2 semaphore(%arg13 : memref<!tpu.dma_semaphore, #tpu.memory_space<semaphore_mem>>) src(%dma_wait3A_1605 : memref<64xf32, #tpu.memory_space<hbm>>) dst(%dma_wait3A_1602 : memref<64xf32, #tpu.memory_space<vmem>>)
      %dma_wait3A_1606 = arith.constant 24 : i32
      %dma_wait3A_1607 = arith.constant 0 : i32
      %dma_wait3A_1608 = tpu.memref_slice %arg9[%dma_wait3A_1606, %dma_wait3A_1607] : memref<32x128xf32, #tpu.memory_space<vmem>> -> memref<1x64xf32, #tpu.memory_space<vmem>>
      %dma_wait3A_1609 = tpu.memref_squeeze %dma_wait3A_1608 : memref<1x64xf32, #tpu.memory_space<vmem>> -> memref<64xf32, #tpu.memory_space<vmem>>
      %dma_wait3A_1610 = arith.constant 0 : i32
      %dma_wait3A_1611 = tpu.memref_slice %arg4[%squeeze3A_744, %dma_wait3A_1610] : memref<1000000x64xf32, #tpu.memory_space<hbm>> -> memref<1x64xf32, #tpu.memory_space<hbm>>
      %dma_wait3A_1612 = tpu.memref_squeeze %dma_wait3A_1611 : memref<1x64xf32, #tpu.memory_space<hbm>> -> memref<64xf32, #tpu.memory_space<hbm>>
      %dma_wait3A_1613 = arith.constant 0 : i32
      %dma_wait3A_1614 = tpu.memref_slice %arg9[%dma_wait3A_1606, %dma_wait3A_1613] : memref<32x128xf32, #tpu.memory_space<vmem>> -> memref<1x64xf32, #tpu.memory_space<vmem>>
      %dma_wait3A_1615 = tpu.memref_squeeze %dma_wait3A_1614 : memref<1x64xf32, #tpu.memory_space<vmem>> -> memref<64xf32, #tpu.memory_space<vmem>>
      %dma_wait3A_1616 = arith.constant 0 : i32
      %dma_wait3A_1617 = tpu.memref_slice %arg4[%squeeze3A_744, %dma_wait3A_1616] : memref<1000000x64xf32, #tpu.memory_space<hbm>> -> memref<1x64xf32, #tpu.memory_space<hbm>>
      %dma_wait3A_1618 = tpu.memref_squeeze %dma_wait3A_1617 : memref<1x64xf32, #tpu.memory_space<hbm>> -> memref<64xf32, #tpu.memory_space<hbm>>
      tpu.wait_dma2 semaphore(%arg12 : memref<!tpu.dma_semaphore, #tpu.memory_space<semaphore_mem>>) src(%dma_wait3A_1618 : memref<64xf32, #tpu.memory_space<hbm>>) dst(%dma_wait3A_1615 : memref<64xf32, #tpu.memory_space<vmem>>)
      %dma_wait3A_1619 = arith.constant 24 : i32
      %dma_wait3A_1620 = arith.constant 0 : i32
      %dma_wait3A_1621 = tpu.memref_slice %arg10[%dma_wait3A_1619, %dma_wait3A_1620] : memref<32x128xf32, #tpu.memory_space<vmem>> -> memref<1x64xf32, #tpu.memory_space<vmem>>
      %dma_wait3A_1622 = tpu.memref_squeeze %dma_wait3A_1621 : memref<1x64xf32, #tpu.memory_space<vmem>> -> memref<64xf32, #tpu.memory_space<vmem>>
      %dma_wait3A_1623 = arith.constant 0 : i32
      %dma_wait3A_1624 = tpu.memref_slice %arg5[%squeeze3A_759, %dma_wait3A_1623] : memref<1000000x64xf32, #tpu.memory_space<hbm>> -> memref<1x64xf32, #tpu.memory_space<hbm>>
      %dma_wait3A_1625 = tpu.memref_squeeze %dma_wait3A_1624 : memref<1x64xf32, #tpu.memory_space<hbm>> -> memref<64xf32, #tpu.memory_space<hbm>>
      %dma_wait3A_1626 = arith.constant 0 : i32
      %dma_wait3A_1627 = tpu.memref_slice %arg10[%dma_wait3A_1619, %dma_wait3A_1626] : memref<32x128xf32, #tpu.memory_space<vmem>> -> memref<1x64xf32, #tpu.memory_space<vmem>>
      %dma_wait3A_1628 = tpu.memref_squeeze %dma_wait3A_1627 : memref<1x64xf32, #tpu.memory_space<vmem>> -> memref<64xf32, #tpu.memory_space<vmem>>
      %dma_wait3A_1629 = arith.constant 0 : i32
      %dma_wait3A_1630 = tpu.memref_slice %arg5[%squeeze3A_759, %dma_wait3A_1629] : memref<1000000x64xf32, #tpu.memory_space<hbm>> -> memref<1x64xf32, #tpu.memory_space<hbm>>
      %dma_wait3A_1631 = tpu.memref_squeeze %dma_wait3A_1630 : memref<1x64xf32, #tpu.memory_space<hbm>> -> memref<64xf32, #tpu.memory_space<hbm>>
      tpu.wait_dma2 semaphore(%arg13 : memref<!tpu.dma_semaphore, #tpu.memory_space<semaphore_mem>>) src(%dma_wait3A_1631 : memref<64xf32, #tpu.memory_space<hbm>>) dst(%dma_wait3A_1628 : memref<64xf32, #tpu.memory_space<vmem>>)
      %dma_wait3A_1632 = arith.constant 25 : i32
      %dma_wait3A_1633 = arith.constant 0 : i32
      %dma_wait3A_1634 = tpu.memref_slice %arg9[%dma_wait3A_1632, %dma_wait3A_1633] : memref<32x128xf32, #tpu.memory_space<vmem>> -> memref<1x64xf32, #tpu.memory_space<vmem>>
      %dma_wait3A_1635 = tpu.memref_squeeze %dma_wait3A_1634 : memref<1x64xf32, #tpu.memory_space<vmem>> -> memref<64xf32, #tpu.memory_space<vmem>>
      %dma_wait3A_1636 = arith.constant 0 : i32
      %dma_wait3A_1637 = tpu.memref_slice %arg4[%squeeze3A_774, %dma_wait3A_1636] : memref<1000000x64xf32, #tpu.memory_space<hbm>> -> memref<1x64xf32, #tpu.memory_space<hbm>>
      %dma_wait3A_1638 = tpu.memref_squeeze %dma_wait3A_1637 : memref<1x64xf32, #tpu.memory_space<hbm>> -> memref<64xf32, #tpu.memory_space<hbm>>
      %dma_wait3A_1639 = arith.constant 0 : i32
      %dma_wait3A_1640 = tpu.memref_slice %arg9[%dma_wait3A_1632, %dma_wait3A_1639] : memref<32x128xf32, #tpu.memory_space<vmem>> -> memref<1x64xf32, #tpu.memory_space<vmem>>
      %dma_wait3A_1641 = tpu.memref_squeeze %dma_wait3A_1640 : memref<1x64xf32, #tpu.memory_space<vmem>> -> memref<64xf32, #tpu.memory_space<vmem>>
      %dma_wait3A_1642 = arith.constant 0 : i32
      %dma_wait3A_1643 = tpu.memref_slice %arg4[%squeeze3A_774, %dma_wait3A_1642] : memref<1000000x64xf32, #tpu.memory_space<hbm>> -> memref<1x64xf32, #tpu.memory_space<hbm>>
      %dma_wait3A_1644 = tpu.memref_squeeze %dma_wait3A_1643 : memref<1x64xf32, #tpu.memory_space<hbm>> -> memref<64xf32, #tpu.memory_space<hbm>>
      tpu.wait_dma2 semaphore(%arg12 : memref<!tpu.dma_semaphore, #tpu.memory_space<semaphore_mem>>) src(%dma_wait3A_1644 : memref<64xf32, #tpu.memory_space<hbm>>) dst(%dma_wait3A_1641 : memref<64xf32, #tpu.memory_space<vmem>>)
      %dma_wait3A_1645 = arith.constant 25 : i32
      %dma_wait3A_1646 = arith.constant 0 : i32
      %dma_wait3A_1647 = tpu.memref_slice %arg10[%dma_wait3A_1645, %dma_wait3A_1646] : memref<32x128xf32, #tpu.memory_space<vmem>> -> memref<1x64xf32, #tpu.memory_space<vmem>>
      %dma_wait3A_1648 = tpu.memref_squeeze %dma_wait3A_1647 : memref<1x64xf32, #tpu.memory_space<vmem>> -> memref<64xf32, #tpu.memory_space<vmem>>
      %dma_wait3A_1649 = arith.constant 0 : i32
      %dma_wait3A_1650 = tpu.memref_slice %arg5[%squeeze3A_789, %dma_wait3A_1649] : memref<1000000x64xf32, #tpu.memory_space<hbm>> -> memref<1x64xf32, #tpu.memory_space<hbm>>
      %dma_wait3A_1651 = tpu.memref_squeeze %dma_wait3A_1650 : memref<1x64xf32, #tpu.memory_space<hbm>> -> memref<64xf32, #tpu.memory_space<hbm>>
      %dma_wait3A_1652 = arith.constant 0 : i32
      %dma_wait3A_1653 = tpu.memref_slice %arg10[%dma_wait3A_1645, %dma_wait3A_1652] : memref<32x128xf32, #tpu.memory_space<vmem>> -> memref<1x64xf32, #tpu.memory_space<vmem>>
      %dma_wait3A_1654 = tpu.memref_squeeze %dma_wait3A_1653 : memref<1x64xf32, #tpu.memory_space<vmem>> -> memref<64xf32, #tpu.memory_space<vmem>>
      %dma_wait3A_1655 = arith.constant 0 : i32
      %dma_wait3A_1656 = tpu.memref_slice %arg5[%squeeze3A_789, %dma_wait3A_1655] : memref<1000000x64xf32, #tpu.memory_space<hbm>> -> memref<1x64xf32, #tpu.memory_space<hbm>>
      %dma_wait3A_1657 = tpu.memref_squeeze %dma_wait3A_1656 : memref<1x64xf32, #tpu.memory_space<hbm>> -> memref<64xf32, #tpu.memory_space<hbm>>
      tpu.wait_dma2 semaphore(%arg13 : memref<!tpu.dma_semaphore, #tpu.memory_space<semaphore_mem>>) src(%dma_wait3A_1657 : memref<64xf32, #tpu.memory_space<hbm>>) dst(%dma_wait3A_1654 : memref<64xf32, #tpu.memory_space<vmem>>)
      %dma_wait3A_1658 = arith.constant 26 : i32
      %dma_wait3A_1659 = arith.constant 0 : i32
      %dma_wait3A_1660 = tpu.memref_slice %arg9[%dma_wait3A_1658, %dma_wait3A_1659] : memref<32x128xf32, #tpu.memory_space<vmem>> -> memref<1x64xf32, #tpu.memory_space<vmem>>
      %dma_wait3A_1661 = tpu.memref_squeeze %dma_wait3A_1660 : memref<1x64xf32, #tpu.memory_space<vmem>> -> memref<64xf32, #tpu.memory_space<vmem>>
      %dma_wait3A_1662 = arith.constant 0 : i32
      %dma_wait3A_1663 = tpu.memref_slice %arg4[%squeeze3A_804, %dma_wait3A_1662] : memref<1000000x64xf32, #tpu.memory_space<hbm>> -> memref<1x64xf32, #tpu.memory_space<hbm>>
      %dma_wait3A_1664 = tpu.memref_squeeze %dma_wait3A_1663 : memref<1x64xf32, #tpu.memory_space<hbm>> -> memref<64xf32, #tpu.memory_space<hbm>>
      %dma_wait3A_1665 = arith.constant 0 : i32
      %dma_wait3A_1666 = tpu.memref_slice %arg9[%dma_wait3A_1658, %dma_wait3A_1665] : memref<32x128xf32, #tpu.memory_space<vmem>> -> memref<1x64xf32, #tpu.memory_space<vmem>>
      %dma_wait3A_1667 = tpu.memref_squeeze %dma_wait3A_1666 : memref<1x64xf32, #tpu.memory_space<vmem>> -> memref<64xf32, #tpu.memory_space<vmem>>
      %dma_wait3A_1668 = arith.constant 0 : i32
      %dma_wait3A_1669 = tpu.memref_slice %arg4[%squeeze3A_804, %dma_wait3A_1668] : memref<1000000x64xf32, #tpu.memory_space<hbm>> -> memref<1x64xf32, #tpu.memory_space<hbm>>
      %dma_wait3A_1670 = tpu.memref_squeeze %dma_wait3A_1669 : memref<1x64xf32, #tpu.memory_space<hbm>> -> memref<64xf32, #tpu.memory_space<hbm>>
      tpu.wait_dma2 semaphore(%arg12 : memref<!tpu.dma_semaphore, #tpu.memory_space<semaphore_mem>>) src(%dma_wait3A_1670 : memref<64xf32, #tpu.memory_space<hbm>>) dst(%dma_wait3A_1667 : memref<64xf32, #tpu.memory_space<vmem>>)
      %dma_wait3A_1671 = arith.constant 26 : i32
      %dma_wait3A_1672 = arith.constant 0 : i32
      %dma_wait3A_1673 = tpu.memref_slice %arg10[%dma_wait3A_1671, %dma_wait3A_1672] : memref<32x128xf32, #tpu.memory_space<vmem>> -> memref<1x64xf32, #tpu.memory_space<vmem>>
      %dma_wait3A_1674 = tpu.memref_squeeze %dma_wait3A_1673 : memref<1x64xf32, #tpu.memory_space<vmem>> -> memref<64xf32, #tpu.memory_space<vmem>>
      %dma_wait3A_1675 = arith.constant 0 : i32
      %dma_wait3A_1676 = tpu.memref_slice %arg5[%squeeze3A_819, %dma_wait3A_1675] : memref<1000000x64xf32, #tpu.memory_space<hbm>> -> memref<1x64xf32, #tpu.memory_space<hbm>>
      %dma_wait3A_1677 = tpu.memref_squeeze %dma_wait3A_1676 : memref<1x64xf32, #tpu.memory_space<hbm>> -> memref<64xf32, #tpu.memory_space<hbm>>
      %dma_wait3A_1678 = arith.constant 0 : i32
      %dma_wait3A_1679 = tpu.memref_slice %arg10[%dma_wait3A_1671, %dma_wait3A_1678] : memref<32x128xf32, #tpu.memory_space<vmem>> -> memref<1x64xf32, #tpu.memory_space<vmem>>
      %dma_wait3A_1680 = tpu.memref_squeeze %dma_wait3A_1679 : memref<1x64xf32, #tpu.memory_space<vmem>> -> memref<64xf32, #tpu.memory_space<vmem>>
      %dma_wait3A_1681 = arith.constant 0 : i32
      %dma_wait3A_1682 = tpu.memref_slice %arg5[%squeeze3A_819, %dma_wait3A_1681] : memref<1000000x64xf32, #tpu.memory_space<hbm>> -> memref<1x64xf32, #tpu.memory_space<hbm>>
      %dma_wait3A_1683 = tpu.memref_squeeze %dma_wait3A_1682 : memref<1x64xf32, #tpu.memory_space<hbm>> -> memref<64xf32, #tpu.memory_space<hbm>>
      tpu.wait_dma2 semaphore(%arg13 : memref<!tpu.dma_semaphore, #tpu.memory_space<semaphore_mem>>) src(%dma_wait3A_1683 : memref<64xf32, #tpu.memory_space<hbm>>) dst(%dma_wait3A_1680 : memref<64xf32, #tpu.memory_space<vmem>>)
      %dma_wait3A_1684 = arith.constant 27 : i32
      %dma_wait3A_1685 = arith.constant 0 : i32
      %dma_wait3A_1686 = tpu.memref_slice %arg9[%dma_wait3A_1684, %dma_wait3A_1685] : memref<32x128xf32, #tpu.memory_space<vmem>> -> memref<1x64xf32, #tpu.memory_space<vmem>>
      %dma_wait3A_1687 = tpu.memref_squeeze %dma_wait3A_1686 : memref<1x64xf32, #tpu.memory_space<vmem>> -> memref<64xf32, #tpu.memory_space<vmem>>
      %dma_wait3A_1688 = arith.constant 0 : i32
      %dma_wait3A_1689 = tpu.memref_slice %arg4[%squeeze3A_834, %dma_wait3A_1688] : memref<1000000x64xf32, #tpu.memory_space<hbm>> -> memref<1x64xf32, #tpu.memory_space<hbm>>
      %dma_wait3A_1690 = tpu.memref_squeeze %dma_wait3A_1689 : memref<1x64xf32, #tpu.memory_space<hbm>> -> memref<64xf32, #tpu.memory_space<hbm>>
      %dma_wait3A_1691 = arith.constant 0 : i32
      %dma_wait3A_1692 = tpu.memref_slice %arg9[%dma_wait3A_1684, %dma_wait3A_1691] : memref<32x128xf32, #tpu.memory_space<vmem>> -> memref<1x64xf32, #tpu.memory_space<vmem>>
      %dma_wait3A_1693 = tpu.memref_squeeze %dma_wait3A_1692 : memref<1x64xf32, #tpu.memory_space<vmem>> -> memref<64xf32, #tpu.memory_space<vmem>>
      %dma_wait3A_1694 = arith.constant 0 : i32
      %dma_wait3A_1695 = tpu.memref_slice %arg4[%squeeze3A_834, %dma_wait3A_1694] : memref<1000000x64xf32, #tpu.memory_space<hbm>> -> memref<1x64xf32, #tpu.memory_space<hbm>>
      %dma_wait3A_1696 = tpu.memref_squeeze %dma_wait3A_1695 : memref<1x64xf32, #tpu.memory_space<hbm>> -> memref<64xf32, #tpu.memory_space<hbm>>
      tpu.wait_dma2 semaphore(%arg12 : memref<!tpu.dma_semaphore, #tpu.memory_space<semaphore_mem>>) src(%dma_wait3A_1696 : memref<64xf32, #tpu.memory_space<hbm>>) dst(%dma_wait3A_1693 : memref<64xf32, #tpu.memory_space<vmem>>)
      %dma_wait3A_1697 = arith.constant 27 : i32
      %dma_wait3A_1698 = arith.constant 0 : i32
      %dma_wait3A_1699 = tpu.memref_slice %arg10[%dma_wait3A_1697, %dma_wait3A_1698] : memref<32x128xf32, #tpu.memory_space<vmem>> -> memref<1x64xf32, #tpu.memory_space<vmem>>
      %dma_wait3A_1700 = tpu.memref_squeeze %dma_wait3A_1699 : memref<1x64xf32, #tpu.memory_space<vmem>> -> memref<64xf32, #tpu.memory_space<vmem>>
      %dma_wait3A_1701 = arith.constant 0 : i32
      %dma_wait3A_1702 = tpu.memref_slice %arg5[%squeeze3A_849, %dma_wait3A_1701] : memref<1000000x64xf32, #tpu.memory_space<hbm>> -> memref<1x64xf32, #tpu.memory_space<hbm>>
      %dma_wait3A_1703 = tpu.memref_squeeze %dma_wait3A_1702 : memref<1x64xf32, #tpu.memory_space<hbm>> -> memref<64xf32, #tpu.memory_space<hbm>>
      %dma_wait3A_1704 = arith.constant 0 : i32
      %dma_wait3A_1705 = tpu.memref_slice %arg10[%dma_wait3A_1697, %dma_wait3A_1704] : memref<32x128xf32, #tpu.memory_space<vmem>> -> memref<1x64xf32, #tpu.memory_space<vmem>>
      %dma_wait3A_1706 = tpu.memref_squeeze %dma_wait3A_1705 : memref<1x64xf32, #tpu.memory_space<vmem>> -> memref<64xf32, #tpu.memory_space<vmem>>
      %dma_wait3A_1707 = arith.constant 0 : i32
      %dma_wait3A_1708 = tpu.memref_slice %arg5[%squeeze3A_849, %dma_wait3A_1707] : memref<1000000x64xf32, #tpu.memory_space<hbm>> -> memref<1x64xf32, #tpu.memory_space<hbm>>
      %dma_wait3A_1709 = tpu.memref_squeeze %dma_wait3A_1708 : memref<1x64xf32, #tpu.memory_space<hbm>> -> memref<64xf32, #tpu.memory_space<hbm>>
      tpu.wait_dma2 semaphore(%arg13 : memref<!tpu.dma_semaphore, #tpu.memory_space<semaphore_mem>>) src(%dma_wait3A_1709 : memref<64xf32, #tpu.memory_space<hbm>>) dst(%dma_wait3A_1706 : memref<64xf32, #tpu.memory_space<vmem>>)
      %dma_wait3A_1710 = arith.constant 28 : i32
      %dma_wait3A_1711 = arith.constant 0 : i32
      %dma_wait3A_1712 = tpu.memref_slice %arg9[%dma_wait3A_1710, %dma_wait3A_1711] : memref<32x128xf32, #tpu.memory_space<vmem>> -> memref<1x64xf32, #tpu.memory_space<vmem>>
      %dma_wait3A_1713 = tpu.memref_squeeze %dma_wait3A_1712 : memref<1x64xf32, #tpu.memory_space<vmem>> -> memref<64xf32, #tpu.memory_space<vmem>>
      %dma_wait3A_1714 = arith.constant 0 : i32
      %dma_wait3A_1715 = tpu.memref_slice %arg4[%squeeze3A_864, %dma_wait3A_1714] : memref<1000000x64xf32, #tpu.memory_space<hbm>> -> memref<1x64xf32, #tpu.memory_space<hbm>>
      %dma_wait3A_1716 = tpu.memref_squeeze %dma_wait3A_1715 : memref<1x64xf32, #tpu.memory_space<hbm>> -> memref<64xf32, #tpu.memory_space<hbm>>
      %dma_wait3A_1717 = arith.constant 0 : i32
      %dma_wait3A_1718 = tpu.memref_slice %arg9[%dma_wait3A_1710, %dma_wait3A_1717] : memref<32x128xf32, #tpu.memory_space<vmem>> -> memref<1x64xf32, #tpu.memory_space<vmem>>
      %dma_wait3A_1719 = tpu.memref_squeeze %dma_wait3A_1718 : memref<1x64xf32, #tpu.memory_space<vmem>> -> memref<64xf32, #tpu.memory_space<vmem>>
      %dma_wait3A_1720 = arith.constant 0 : i32
      %dma_wait3A_1721 = tpu.memref_slice %arg4[%squeeze3A_864, %dma_wait3A_1720] : memref<1000000x64xf32, #tpu.memory_space<hbm>> -> memref<1x64xf32, #tpu.memory_space<hbm>>
      %dma_wait3A_1722 = tpu.memref_squeeze %dma_wait3A_1721 : memref<1x64xf32, #tpu.memory_space<hbm>> -> memref<64xf32, #tpu.memory_space<hbm>>
      tpu.wait_dma2 semaphore(%arg12 : memref<!tpu.dma_semaphore, #tpu.memory_space<semaphore_mem>>) src(%dma_wait3A_1722 : memref<64xf32, #tpu.memory_space<hbm>>) dst(%dma_wait3A_1719 : memref<64xf32, #tpu.memory_space<vmem>>)
      %dma_wait3A_1723 = arith.constant 28 : i32
      %dma_wait3A_1724 = arith.constant 0 : i32
      %dma_wait3A_1725 = tpu.memref_slice %arg10[%dma_wait3A_1723, %dma_wait3A_1724] : memref<32x128xf32, #tpu.memory_space<vmem>> -> memref<1x64xf32, #tpu.memory_space<vmem>>
      %dma_wait3A_1726 = tpu.memref_squeeze %dma_wait3A_1725 : memref<1x64xf32, #tpu.memory_space<vmem>> -> memref<64xf32, #tpu.memory_space<vmem>>
      %dma_wait3A_1727 = arith.constant 0 : i32
      %dma_wait3A_1728 = tpu.memref_slice %arg5[%squeeze3A_879, %dma_wait3A_1727] : memref<1000000x64xf32, #tpu.memory_space<hbm>> -> memref<1x64xf32, #tpu.memory_space<hbm>>
      %dma_wait3A_1729 = tpu.memref_squeeze %dma_wait3A_1728 : memref<1x64xf32, #tpu.memory_space<hbm>> -> memref<64xf32, #tpu.memory_space<hbm>>
      %dma_wait3A_1730 = arith.constant 0 : i32
      %dma_wait3A_1731 = tpu.memref_slice %arg10[%dma_wait3A_1723, %dma_wait3A_1730] : memref<32x128xf32, #tpu.memory_space<vmem>> -> memref<1x64xf32, #tpu.memory_space<vmem>>
      %dma_wait3A_1732 = tpu.memref_squeeze %dma_wait3A_1731 : memref<1x64xf32, #tpu.memory_space<vmem>> -> memref<64xf32, #tpu.memory_space<vmem>>
      %dma_wait3A_1733 = arith.constant 0 : i32
      %dma_wait3A_1734 = tpu.memref_slice %arg5[%squeeze3A_879, %dma_wait3A_1733] : memref<1000000x64xf32, #tpu.memory_space<hbm>> -> memref<1x64xf32, #tpu.memory_space<hbm>>
      %dma_wait3A_1735 = tpu.memref_squeeze %dma_wait3A_1734 : memref<1x64xf32, #tpu.memory_space<hbm>> -> memref<64xf32, #tpu.memory_space<hbm>>
      tpu.wait_dma2 semaphore(%arg13 : memref<!tpu.dma_semaphore, #tpu.memory_space<semaphore_mem>>) src(%dma_wait3A_1735 : memref<64xf32, #tpu.memory_space<hbm>>) dst(%dma_wait3A_1732 : memref<64xf32, #tpu.memory_space<vmem>>)
      %dma_wait3A_1736 = arith.constant 29 : i32
      %dma_wait3A_1737 = arith.constant 0 : i32
      %dma_wait3A_1738 = tpu.memref_slice %arg9[%dma_wait3A_1736, %dma_wait3A_1737] : memref<32x128xf32, #tpu.memory_space<vmem>> -> memref<1x64xf32, #tpu.memory_space<vmem>>
      %dma_wait3A_1739 = tpu.memref_squeeze %dma_wait3A_1738 : memref<1x64xf32, #tpu.memory_space<vmem>> -> memref<64xf32, #tpu.memory_space<vmem>>
      %dma_wait3A_1740 = arith.constant 0 : i32
      %dma_wait3A_1741 = tpu.memref_slice %arg4[%squeeze3A_894, %dma_wait3A_1740] : memref<1000000x64xf32, #tpu.memory_space<hbm>> -> memref<1x64xf32, #tpu.memory_space<hbm>>
      %dma_wait3A_1742 = tpu.memref_squeeze %dma_wait3A_1741 : memref<1x64xf32, #tpu.memory_space<hbm>> -> memref<64xf32, #tpu.memory_space<hbm>>
      %dma_wait3A_1743 = arith.constant 0 : i32
      %dma_wait3A_1744 = tpu.memref_slice %arg9[%dma_wait3A_1736, %dma_wait3A_1743] : memref<32x128xf32, #tpu.memory_space<vmem>> -> memref<1x64xf32, #tpu.memory_space<vmem>>
      %dma_wait3A_1745 = tpu.memref_squeeze %dma_wait3A_1744 : memref<1x64xf32, #tpu.memory_space<vmem>> -> memref<64xf32, #tpu.memory_space<vmem>>
      %dma_wait3A_1746 = arith.constant 0 : i32
      %dma_wait3A_1747 = tpu.memref_slice %arg4[%squeeze3A_894, %dma_wait3A_1746] : memref<1000000x64xf32, #tpu.memory_space<hbm>> -> memref<1x64xf32, #tpu.memory_space<hbm>>
      %dma_wait3A_1748 = tpu.memref_squeeze %dma_wait3A_1747 : memref<1x64xf32, #tpu.memory_space<hbm>> -> memref<64xf32, #tpu.memory_space<hbm>>
      tpu.wait_dma2 semaphore(%arg12 : memref<!tpu.dma_semaphore, #tpu.memory_space<semaphore_mem>>) src(%dma_wait3A_1748 : memref<64xf32, #tpu.memory_space<hbm>>) dst(%dma_wait3A_1745 : memref<64xf32, #tpu.memory_space<vmem>>)
      %dma_wait3A_1749 = arith.constant 29 : i32
      %dma_wait3A_1750 = arith.constant 0 : i32
      %dma_wait3A_1751 = tpu.memref_slice %arg10[%dma_wait3A_1749, %dma_wait3A_1750] : memref<32x128xf32, #tpu.memory_space<vmem>> -> memref<1x64xf32, #tpu.memory_space<vmem>>
      %dma_wait3A_1752 = tpu.memref_squeeze %dma_wait3A_1751 : memref<1x64xf32, #tpu.memory_space<vmem>> -> memref<64xf32, #tpu.memory_space<vmem>>
      %dma_wait3A_1753 = arith.constant 0 : i32
      %dma_wait3A_1754 = tpu.memref_slice %arg5[%squeeze3A_909, %dma_wait3A_1753] : memref<1000000x64xf32, #tpu.memory_space<hbm>> -> memref<1x64xf32, #tpu.memory_space<hbm>>
      %dma_wait3A_1755 = tpu.memref_squeeze %dma_wait3A_1754 : memref<1x64xf32, #tpu.memory_space<hbm>> -> memref<64xf32, #tpu.memory_space<hbm>>
      %dma_wait3A_1756 = arith.constant 0 : i32
      %dma_wait3A_1757 = tpu.memref_slice %arg10[%dma_wait3A_1749, %dma_wait3A_1756] : memref<32x128xf32, #tpu.memory_space<vmem>> -> memref<1x64xf32, #tpu.memory_space<vmem>>
      %dma_wait3A_1758 = tpu.memref_squeeze %dma_wait3A_1757 : memref<1x64xf32, #tpu.memory_space<vmem>> -> memref<64xf32, #tpu.memory_space<vmem>>
      %dma_wait3A_1759 = arith.constant 0 : i32
      %dma_wait3A_1760 = tpu.memref_slice %arg5[%squeeze3A_909, %dma_wait3A_1759] : memref<1000000x64xf32, #tpu.memory_space<hbm>> -> memref<1x64xf32, #tpu.memory_space<hbm>>
      %dma_wait3A_1761 = tpu.memref_squeeze %dma_wait3A_1760 : memref<1x64xf32, #tpu.memory_space<hbm>> -> memref<64xf32, #tpu.memory_space<hbm>>
      tpu.wait_dma2 semaphore(%arg13 : memref<!tpu.dma_semaphore, #tpu.memory_space<semaphore_mem>>) src(%dma_wait3A_1761 : memref<64xf32, #tpu.memory_space<hbm>>) dst(%dma_wait3A_1758 : memref<64xf32, #tpu.memory_space<vmem>>)
      %dma_wait3A_1762 = arith.constant 30 : i32
      %dma_wait3A_1763 = arith.constant 0 : i32
      %dma_wait3A_1764 = tpu.memref_slice %arg9[%dma_wait3A_1762, %dma_wait3A_1763] : memref<32x128xf32, #tpu.memory_space<vmem>> -> memref<1x64xf32, #tpu.memory_space<vmem>>
      %dma_wait3A_1765 = tpu.memref_squeeze %dma_wait3A_1764 : memref<1x64xf32, #tpu.memory_space<vmem>> -> memref<64xf32, #tpu.memory_space<vmem>>
      %dma_wait3A_1766 = arith.constant 0 : i32
      %dma_wait3A_1767 = tpu.memref_slice %arg4[%squeeze3A_924, %dma_wait3A_1766] : memref<1000000x64xf32, #tpu.memory_space<hbm>> -> memref<1x64xf32, #tpu.memory_space<hbm>>
      %dma_wait3A_1768 = tpu.memref_squeeze %dma_wait3A_1767 : memref<1x64xf32, #tpu.memory_space<hbm>> -> memref<64xf32, #tpu.memory_space<hbm>>
      %dma_wait3A_1769 = arith.constant 0 : i32
      %dma_wait3A_1770 = tpu.memref_slice %arg9[%dma_wait3A_1762, %dma_wait3A_1769] : memref<32x128xf32, #tpu.memory_space<vmem>> -> memref<1x64xf32, #tpu.memory_space<vmem>>
      %dma_wait3A_1771 = tpu.memref_squeeze %dma_wait3A_1770 : memref<1x64xf32, #tpu.memory_space<vmem>> -> memref<64xf32, #tpu.memory_space<vmem>>
      %dma_wait3A_1772 = arith.constant 0 : i32
      %dma_wait3A_1773 = tpu.memref_slice %arg4[%squeeze3A_924, %dma_wait3A_1772] : memref<1000000x64xf32, #tpu.memory_space<hbm>> -> memref<1x64xf32, #tpu.memory_space<hbm>>
      %dma_wait3A_1774 = tpu.memref_squeeze %dma_wait3A_1773 : memref<1x64xf32, #tpu.memory_space<hbm>> -> memref<64xf32, #tpu.memory_space<hbm>>
      tpu.wait_dma2 semaphore(%arg12 : memref<!tpu.dma_semaphore, #tpu.memory_space<semaphore_mem>>) src(%dma_wait3A_1774 : memref<64xf32, #tpu.memory_space<hbm>>) dst(%dma_wait3A_1771 : memref<64xf32, #tpu.memory_space<vmem>>)
      %dma_wait3A_1775 = arith.constant 30 : i32
      %dma_wait3A_1776 = arith.constant 0 : i32
      %dma_wait3A_1777 = tpu.memref_slice %arg10[%dma_wait3A_1775, %dma_wait3A_1776] : memref<32x128xf32, #tpu.memory_space<vmem>> -> memref<1x64xf32, #tpu.memory_space<vmem>>
      %dma_wait3A_1778 = tpu.memref_squeeze %dma_wait3A_1777 : memref<1x64xf32, #tpu.memory_space<vmem>> -> memref<64xf32, #tpu.memory_space<vmem>>
      %dma_wait3A_1779 = arith.constant 0 : i32
      %dma_wait3A_1780 = tpu.memref_slice %arg5[%squeeze3A_939, %dma_wait3A_1779] : memref<1000000x64xf32, #tpu.memory_space<hbm>> -> memref<1x64xf32, #tpu.memory_space<hbm>>
      %dma_wait3A_1781 = tpu.memref_squeeze %dma_wait3A_1780 : memref<1x64xf32, #tpu.memory_space<hbm>> -> memref<64xf32, #tpu.memory_space<hbm>>
      %dma_wait3A_1782 = arith.constant 0 : i32
      %dma_wait3A_1783 = tpu.memref_slice %arg10[%dma_wait3A_1775, %dma_wait3A_1782] : memref<32x128xf32, #tpu.memory_space<vmem>> -> memref<1x64xf32, #tpu.memory_space<vmem>>
      %dma_wait3A_1784 = tpu.memref_squeeze %dma_wait3A_1783 : memref<1x64xf32, #tpu.memory_space<vmem>> -> memref<64xf32, #tpu.memory_space<vmem>>
      %dma_wait3A_1785 = arith.constant 0 : i32
      %dma_wait3A_1786 = tpu.memref_slice %arg5[%squeeze3A_939, %dma_wait3A_1785] : memref<1000000x64xf32, #tpu.memory_space<hbm>> -> memref<1x64xf32, #tpu.memory_space<hbm>>
      %dma_wait3A_1787 = tpu.memref_squeeze %dma_wait3A_1786 : memref<1x64xf32, #tpu.memory_space<hbm>> -> memref<64xf32, #tpu.memory_space<hbm>>
      tpu.wait_dma2 semaphore(%arg13 : memref<!tpu.dma_semaphore, #tpu.memory_space<semaphore_mem>>) src(%dma_wait3A_1787 : memref<64xf32, #tpu.memory_space<hbm>>) dst(%dma_wait3A_1784 : memref<64xf32, #tpu.memory_space<vmem>>)
      %dma_wait3A_1788 = arith.constant 31 : i32
      %dma_wait3A_1789 = arith.constant 0 : i32
      %dma_wait3A_1790 = tpu.memref_slice %arg9[%dma_wait3A_1788, %dma_wait3A_1789] : memref<32x128xf32, #tpu.memory_space<vmem>> -> memref<1x64xf32, #tpu.memory_space<vmem>>
      %dma_wait3A_1791 = tpu.memref_squeeze %dma_wait3A_1790 : memref<1x64xf32, #tpu.memory_space<vmem>> -> memref<64xf32, #tpu.memory_space<vmem>>
      %dma_wait3A_1792 = arith.constant 0 : i32
      %dma_wait3A_1793 = tpu.memref_slice %arg4[%squeeze3A_954, %dma_wait3A_1792] : memref<1000000x64xf32, #tpu.memory_space<hbm>> -> memref<1x64xf32, #tpu.memory_space<hbm>>
      %dma_wait3A_1794 = tpu.memref_squeeze %dma_wait3A_1793 : memref<1x64xf32, #tpu.memory_space<hbm>> -> memref<64xf32, #tpu.memory_space<hbm>>
      %dma_wait3A_1795 = arith.constant 0 : i32
      %dma_wait3A_1796 = tpu.memref_slice %arg9[%dma_wait3A_1788, %dma_wait3A_1795] : memref<32x128xf32, #tpu.memory_space<vmem>> -> memref<1x64xf32, #tpu.memory_space<vmem>>
      %dma_wait3A_1797 = tpu.memref_squeeze %dma_wait3A_1796 : memref<1x64xf32, #tpu.memory_space<vmem>> -> memref<64xf32, #tpu.memory_space<vmem>>
      %dma_wait3A_1798 = arith.constant 0 : i32
      %dma_wait3A_1799 = tpu.memref_slice %arg4[%squeeze3A_954, %dma_wait3A_1798] : memref<1000000x64xf32, #tpu.memory_space<hbm>> -> memref<1x64xf32, #tpu.memory_space<hbm>>
      %dma_wait3A_1800 = tpu.memref_squeeze %dma_wait3A_1799 : memref<1x64xf32, #tpu.memory_space<hbm>> -> memref<64xf32, #tpu.memory_space<hbm>>
      tpu.wait_dma2 semaphore(%arg12 : memref<!tpu.dma_semaphore, #tpu.memory_space<semaphore_mem>>) src(%dma_wait3A_1800 : memref<64xf32, #tpu.memory_space<hbm>>) dst(%dma_wait3A_1797 : memref<64xf32, #tpu.memory_space<vmem>>)
      %dma_wait3A_1801 = arith.constant 31 : i32
      %dma_wait3A_1802 = arith.constant 0 : i32
      %dma_wait3A_1803 = tpu.memref_slice %arg10[%dma_wait3A_1801, %dma_wait3A_1802] : memref<32x128xf32, #tpu.memory_space<vmem>> -> memref<1x64xf32, #tpu.memory_space<vmem>>
      %dma_wait3A_1804 = tpu.memref_squeeze %dma_wait3A_1803 : memref<1x64xf32, #tpu.memory_space<vmem>> -> memref<64xf32, #tpu.memory_space<vmem>>
      %dma_wait3A_1805 = arith.constant 0 : i32
      %dma_wait3A_1806 = tpu.memref_slice %arg5[%squeeze3A_969, %dma_wait3A_1805] : memref<1000000x64xf32, #tpu.memory_space<hbm>> -> memref<1x64xf32, #tpu.memory_space<hbm>>
      %dma_wait3A_1807 = tpu.memref_squeeze %dma_wait3A_1806 : memref<1x64xf32, #tpu.memory_space<hbm>> -> memref<64xf32, #tpu.memory_space<hbm>>
      %dma_wait3A_1808 = arith.constant 0 : i32
      %dma_wait3A_1809 = tpu.memref_slice %arg10[%dma_wait3A_1801, %dma_wait3A_1808] : memref<32x128xf32, #tpu.memory_space<vmem>> -> memref<1x64xf32, #tpu.memory_space<vmem>>
      %dma_wait3A_1810 = tpu.memref_squeeze %dma_wait3A_1809 : memref<1x64xf32, #tpu.memory_space<vmem>> -> memref<64xf32, #tpu.memory_space<vmem>>
      %dma_wait3A_1811 = arith.constant 0 : i32
      %dma_wait3A_1812 = tpu.memref_slice %arg5[%squeeze3A_969, %dma_wait3A_1811] : memref<1000000x64xf32, #tpu.memory_space<hbm>> -> memref<1x64xf32, #tpu.memory_space<hbm>>
      %dma_wait3A_1813 = tpu.memref_squeeze %dma_wait3A_1812 : memref<1x64xf32, #tpu.memory_space<hbm>> -> memref<64xf32, #tpu.memory_space<hbm>>
      tpu.wait_dma2 semaphore(%arg13 : memref<!tpu.dma_semaphore, #tpu.memory_space<semaphore_mem>>) src(%dma_wait3A_1813 : memref<64xf32, #tpu.memory_space<hbm>>) dst(%dma_wait3A_1810 : memref<64xf32, #tpu.memory_space<vmem>>)
      %broadcast_in_dim3A = arith.constant 0.000000e+00 : f32
      %broadcast_in_dim3A_1814 = vector.broadcast %broadcast_in_dim3A : f32 to vector<16xf32>
      %broadcast_in_dim3A_1815 = arith.constant 0.000000e+00 : f32
      %broadcast_in_dim3A_1816 = vector.broadcast %broadcast_in_dim3A_1815 : f32 to vector<16xf32>
      %get3A_1817 = arith.constant 0 : i32
      %get3A_1818 = arith.index_cast %get3A_1817 : i32 to index
      %get3A_1819 = arith.constant 0 : index
      %get3A_1820 = tpu.vector_load %arg9[%get3A_1818, %get3A_1819] {strides = array<i32>} : memref<32x128xf32, #tpu.memory_space<vmem>>, vector<16xf32>,
      %get3A_1821 = arith.constant 0 : i32
      %get3A_1822 = arith.index_cast %get3A_1821 : i32 to index
      %get3A_1823 = arith.constant 0 : index
      %get3A_1824 = tpu.vector_load %arg10[%get3A_1822, %get3A_1823] {strides = array<i32>} : memref<32x128xf32, #tpu.memory_space<vmem>>, vector<16xf32>,
      %mul3A_1825 = arith.mulf %get3A_1820, %get3A_1824 : vector<16xf32>
      %add3A_1826 = arith.addf %broadcast_in_dim3A_1816, %mul3A_1825 : vector<16xf32>
      %get3A_1827 = arith.constant 0 : i32
      %get3A_1828 = arith.index_cast %get3A_1827 : i32 to index
      %get3A_1829 = arith.constant 16 : index
      %get3A_1830 = tpu.vector_load %arg9[%get3A_1828, %get3A_1829] {strides = array<i32>} : memref<32x128xf32, #tpu.memory_space<vmem>>, vector<16xf32>,
      %get3A_1831 = arith.constant 0 : i32
      %get3A_1832 = arith.index_cast %get3A_1831 : i32 to index
      %get3A_1833 = arith.constant 16 : index
      %get3A_1834 = tpu.vector_load %arg10[%get3A_1832, %get3A_1833] {strides = array<i32>} : memref<32x128xf32, #tpu.memory_space<vmem>>, vector<16xf32>,
      %mul3A_1835 = arith.mulf %get3A_1830, %get3A_1834 : vector<16xf32>
      %add3A_1836 = arith.addf %add3A_1826, %mul3A_1835 : vector<16xf32>
      %get3A_1837 = arith.constant 0 : i32
      %get3A_1838 = arith.index_cast %get3A_1837 : i32 to index
      %get3A_1839 = arith.constant 32 : index
      %get3A_1840 = tpu.vector_load %arg9[%get3A_1838, %get3A_1839] {strides = array<i32>} : memref<32x128xf32, #tpu.memory_space<vmem>>, vector<16xf32>,
      %get3A_1841 = arith.constant 0 : i32
      %get3A_1842 = arith.index_cast %get3A_1841 : i32 to index
      %get3A_1843 = arith.constant 32 : index
      %get3A_1844 = tpu.vector_load %arg10[%get3A_1842, %get3A_1843] {strides = array<i32>} : memref<32x128xf32, #tpu.memory_space<vmem>>, vector<16xf32>,
      %mul3A_1845 = arith.mulf %get3A_1840, %get3A_1844 : vector<16xf32>
      %add3A_1846 = arith.addf %add3A_1836, %mul3A_1845 : vector<16xf32>
      %get3A_1847 = arith.constant 0 : i32
      %get3A_1848 = arith.index_cast %get3A_1847 : i32 to index
      %get3A_1849 = arith.constant 48 : index
      %get3A_1850 = tpu.vector_load %arg9[%get3A_1848, %get3A_1849] {strides = array<i32>} : memref<32x128xf32, #tpu.memory_space<vmem>>, vector<16xf32>,
      %get3A_1851 = arith.constant 0 : i32
      %get3A_1852 = arith.index_cast %get3A_1851 : i32 to index
      %get3A_1853 = arith.constant 48 : index
      %get3A_1854 = tpu.vector_load %arg10[%get3A_1852, %get3A_1853] {strides = array<i32>} : memref<32x128xf32, #tpu.memory_space<vmem>>, vector<16xf32>,
      %mul3A_1855 = arith.mulf %get3A_1850, %get3A_1854 : vector<16xf32>
      %add3A_1856 = arith.addf %add3A_1846, %mul3A_1855 : vector<16xf32>
      %reduce_sum3A = arith.constant true
      %reduce_sum3A_1857 = vector.broadcast %reduce_sum3A : i1 to vector<16xi1>
      %reduce_sum3A_1858 = tpu.scan <sum>, %add3A_1856 masked %reduce_sum3A_1857 : vector<16xf32>, vector<16xi1> -> vector<16xf32>
      %reduce_sum3A_1859 = vector.extract %reduce_sum3A_1858[15] : f32 from vector<16xf32>
      %eq3A = arith.constant 0 : i32
      %eq3A_1860 = vector.broadcast %eq3A : i32 to vector<16xi32>
      %eq3A_1861 = arith.cmpi eq, %iota3A, %eq3A_1860 : vector<16xi32>
      %broadcast_in_dim3A_1862 = vector.broadcast %reduce_sum3A_1859 : f32 to vector<16xf32>
      %select_n3A = arith.select %eq3A_1861, %broadcast_in_dim3A_1862, %broadcast_in_dim3A_1814 : vector<16xi1>, vector<16xf32>
      %broadcast_in_dim3A_1863 = arith.constant 0.000000e+00 : f32
      %broadcast_in_dim3A_1864 = vector.broadcast %broadcast_in_dim3A_1863 : f32 to vector<16xf32>
      %get3A_1865 = arith.constant 1 : i32
      %get3A_1866 = arith.index_cast %get3A_1865 : i32 to index
      %get3A_1867 = arith.constant 0 : index
      %get3A_1868 = tpu.vector_load %arg9[%get3A_1866, %get3A_1867] {strides = array<i32>} : memref<32x128xf32, #tpu.memory_space<vmem>>, vector<16xf32>,
      %get3A_1869 = arith.constant 1 : i32
      %get3A_1870 = arith.index_cast %get3A_1869 : i32 to index
      %get3A_1871 = arith.constant 0 : index
      %get3A_1872 = tpu.vector_load %arg10[%get3A_1870, %get3A_1871] {strides = array<i32>} : memref<32x128xf32, #tpu.memory_space<vmem>>, vector<16xf32>,
      %mul3A_1873 = arith.mulf %get3A_1868, %get3A_1872 : vector<16xf32>
      %add3A_1874 = arith.addf %broadcast_in_dim3A_1864, %mul3A_1873 : vector<16xf32>
      %get3A_1875 = arith.constant 1 : i32
      %get3A_1876 = arith.index_cast %get3A_1875 : i32 to index
      %get3A_1877 = arith.constant 16 : index
      %get3A_1878 = tpu.vector_load %arg9[%get3A_1876, %get3A_1877] {strides = array<i32>} : memref<32x128xf32, #tpu.memory_space<vmem>>, vector<16xf32>,
      %get3A_1879 = arith.constant 1 : i32
      %get3A_1880 = arith.index_cast %get3A_1879 : i32 to index
      %get3A_1881 = arith.constant 16 : index
      %get3A_1882 = tpu.vector_load %arg10[%get3A_1880, %get3A_1881] {strides = array<i32>} : memref<32x128xf32, #tpu.memory_space<vmem>>, vector<16xf32>,
      %mul3A_1883 = arith.mulf %get3A_1878, %get3A_1882 : vector<16xf32>
      %add3A_1884 = arith.addf %add3A_1874, %mul3A_1883 : vector<16xf32>
      %get3A_1885 = arith.constant 1 : i32
      %get3A_1886 = arith.index_cast %get3A_1885 : i32 to index
      %get3A_1887 = arith.constant 32 : index
      %get3A_1888 = tpu.vector_load %arg9[%get3A_1886, %get3A_1887] {strides = array<i32>} : memref<32x128xf32, #tpu.memory_space<vmem>>, vector<16xf32>,
      %get3A_1889 = arith.constant 1 : i32
      %get3A_1890 = arith.index_cast %get3A_1889 : i32 to index
      %get3A_1891 = arith.constant 32 : index
      %get3A_1892 = tpu.vector_load %arg10[%get3A_1890, %get3A_1891] {strides = array<i32>} : memref<32x128xf32, #tpu.memory_space<vmem>>, vector<16xf32>,
      %mul3A_1893 = arith.mulf %get3A_1888, %get3A_1892 : vector<16xf32>
      %add3A_1894 = arith.addf %add3A_1884, %mul3A_1893 : vector<16xf32>
      %get3A_1895 = arith.constant 1 : i32
      %get3A_1896 = arith.index_cast %get3A_1895 : i32 to index
      %get3A_1897 = arith.constant 48 : index
      %get3A_1898 = tpu.vector_load %arg9[%get3A_1896, %get3A_1897] {strides = array<i32>} : memref<32x128xf32, #tpu.memory_space<vmem>>, vector<16xf32>,
      %get3A_1899 = arith.constant 1 : i32
      %get3A_1900 = arith.index_cast %get3A_1899 : i32 to index
      %get3A_1901 = arith.constant 48 : index
      %get3A_1902 = tpu.vector_load %arg10[%get3A_1900, %get3A_1901] {strides = array<i32>} : memref<32x128xf32, #tpu.memory_space<vmem>>, vector<16xf32>,
      %mul3A_1903 = arith.mulf %get3A_1898, %get3A_1902 : vector<16xf32>
      %add3A_1904 = arith.addf %add3A_1894, %mul3A_1903 : vector<16xf32>
      %reduce_sum3A_1905 = arith.constant true
      %reduce_sum3A_1906 = vector.broadcast %reduce_sum3A_1905 : i1 to vector<16xi1>
      %reduce_sum3A_1907 = tpu.scan <sum>, %add3A_1904 masked %reduce_sum3A_1906 : vector<16xf32>, vector<16xi1> -> vector<16xf32>
      %reduce_sum3A_1908 = vector.extract %reduce_sum3A_1907[15] : f32 from vector<16xf32>
      %eq3A_1909 = arith.constant 1 : i32
      %eq3A_1910 = vector.broadcast %eq3A_1909 : i32 to vector<16xi32>
      %eq3A_1911 = arith.cmpi eq, %iota3A, %eq3A_1910 : vector<16xi32>
      %broadcast_in_dim3A_1912 = vector.broadcast %reduce_sum3A_1908 : f32 to vector<16xf32>
      %select_n3A_1913 = arith.select %eq3A_1911, %broadcast_in_dim3A_1912, %select_n3A : vector<16xi1>, vector<16xf32>
      %broadcast_in_dim3A_1914 = arith.constant 0.000000e+00 : f32
      %broadcast_in_dim3A_1915 = vector.broadcast %broadcast_in_dim3A_1914 : f32 to vector<16xf32>
      %get3A_1916 = arith.constant 2 : i32
      %get3A_1917 = arith.index_cast %get3A_1916 : i32 to index
      %get3A_1918 = arith.constant 0 : index
      %get3A_1919 = tpu.vector_load %arg9[%get3A_1917, %get3A_1918] {strides = array<i32>} : memref<32x128xf32, #tpu.memory_space<vmem>>, vector<16xf32>,
      %get3A_1920 = arith.constant 2 : i32
      %get3A_1921 = arith.index_cast %get3A_1920 : i32 to index
      %get3A_1922 = arith.constant 0 : index
      %get3A_1923 = tpu.vector_load %arg10[%get3A_1921, %get3A_1922] {strides = array<i32>} : memref<32x128xf32, #tpu.memory_space<vmem>>, vector<16xf32>,
      %mul3A_1924 = arith.mulf %get3A_1919, %get3A_1923 : vector<16xf32>
      %add3A_1925 = arith.addf %broadcast_in_dim3A_1915, %mul3A_1924 : vector<16xf32>
      %get3A_1926 = arith.constant 2 : i32
      %get3A_1927 = arith.index_cast %get3A_1926 : i32 to index
      %get3A_1928 = arith.constant 16 : index
      %get3A_1929 = tpu.vector_load %arg9[%get3A_1927, %get3A_1928] {strides = array<i32>} : memref<32x128xf32, #tpu.memory_space<vmem>>, vector<16xf32>,
      %get3A_1930 = arith.constant 2 : i32
      %get3A_1931 = arith.index_cast %get3A_1930 : i32 to index
      %get3A_1932 = arith.constant 16 : index
      %get3A_1933 = tpu.vector_load %arg10[%get3A_1931, %get3A_1932] {strides = array<i32>} : memref<32x128xf32, #tpu.memory_space<vmem>>, vector<16xf32>,
      %mul3A_1934 = arith.mulf %get3A_1929, %get3A_1933 : vector<16xf32>
      %add3A_1935 = arith.addf %add3A_1925, %mul3A_1934 : vector<16xf32>
      %get3A_1936 = arith.constant 2 : i32
      %get3A_1937 = arith.index_cast %get3A_1936 : i32 to index
      %get3A_1938 = arith.constant 32 : index
      %get3A_1939 = tpu.vector_load %arg9[%get3A_1937, %get3A_1938] {strides = array<i32>} : memref<32x128xf32, #tpu.memory_space<vmem>>, vector<16xf32>,
      %get3A_1940 = arith.constant 2 : i32
      %get3A_1941 = arith.index_cast %get3A_1940 : i32 to index
      %get3A_1942 = arith.constant 32 : index
      %get3A_1943 = tpu.vector_load %arg10[%get3A_1941, %get3A_1942] {strides = array<i32>} : memref<32x128xf32, #tpu.memory_space<vmem>>, vector<16xf32>,
      %mul3A_1944 = arith.mulf %get3A_1939, %get3A_1943 : vector<16xf32>
      %add3A_1945 = arith.addf %add3A_1935, %mul3A_1944 : vector<16xf32>
      %get3A_1946 = arith.constant 2 : i32
      %get3A_1947 = arith.index_cast %get3A_1946 : i32 to index
      %get3A_1948 = arith.constant 48 : index
      %get3A_1949 = tpu.vector_load %arg9[%get3A_1947, %get3A_1948] {strides = array<i32>} : memref<32x128xf32, #tpu.memory_space<vmem>>, vector<16xf32>,
      %get3A_1950 = arith.constant 2 : i32
      %get3A_1951 = arith.index_cast %get3A_1950 : i32 to index
      %get3A_1952 = arith.constant 48 : index
      %get3A_1953 = tpu.vector_load %arg10[%get3A_1951, %get3A_1952] {strides = array<i32>} : memref<32x128xf32, #tpu.memory_space<vmem>>, vector<16xf32>,
      %mul3A_1954 = arith.mulf %get3A_1949, %get3A_1953 : vector<16xf32>
      %add3A_1955 = arith.addf %add3A_1945, %mul3A_1954 : vector<16xf32>
      %reduce_sum3A_1956 = arith.constant true
      %reduce_sum3A_1957 = vector.broadcast %reduce_sum3A_1956 : i1 to vector<16xi1>
      %reduce_sum3A_1958 = tpu.scan <sum>, %add3A_1955 masked %reduce_sum3A_1957 : vector<16xf32>, vector<16xi1> -> vector<16xf32>
      %reduce_sum3A_1959 = vector.extract %reduce_sum3A_1958[15] : f32 from vector<16xf32>
      %eq3A_1960 = arith.constant 2 : i32
      %eq3A_1961 = vector.broadcast %eq3A_1960 : i32 to vector<16xi32>
      %eq3A_1962 = arith.cmpi eq, %iota3A, %eq3A_1961 : vector<16xi32>
      %broadcast_in_dim3A_1963 = vector.broadcast %reduce_sum3A_1959 : f32 to vector<16xf32>
      %select_n3A_1964 = arith.select %eq3A_1962, %broadcast_in_dim3A_1963, %select_n3A_1913 : vector<16xi1>, vector<16xf32>
      %broadcast_in_dim3A_1965 = arith.constant 0.000000e+00 : f32
      %broadcast_in_dim3A_1966 = vector.broadcast %broadcast_in_dim3A_1965 : f32 to vector<16xf32>
      %get3A_1967 = arith.constant 3 : i32
      %get3A_1968 = arith.index_cast %get3A_1967 : i32 to index
      %get3A_1969 = arith.constant 0 : index
      %get3A_1970 = tpu.vector_load %arg9[%get3A_1968, %get3A_1969] {strides = array<i32>} : memref<32x128xf32, #tpu.memory_space<vmem>>, vector<16xf32>,
      %get3A_1971 = arith.constant 3 : i32
      %get3A_1972 = arith.index_cast %get3A_1971 : i32 to index
      %get3A_1973 = arith.constant 0 : index
      %get3A_1974 = tpu.vector_load %arg10[%get3A_1972, %get3A_1973] {strides = array<i32>} : memref<32x128xf32, #tpu.memory_space<vmem>>, vector<16xf32>,
      %mul3A_1975 = arith.mulf %get3A_1970, %get3A_1974 : vector<16xf32>
      %add3A_1976 = arith.addf %broadcast_in_dim3A_1966, %mul3A_1975 : vector<16xf32>
      %get3A_1977 = arith.constant 3 : i32
      %get3A_1978 = arith.index_cast %get3A_1977 : i32 to index
      %get3A_1979 = arith.constant 16 : index
      %get3A_1980 = tpu.vector_load %arg9[%get3A_1978, %get3A_1979] {strides = array<i32>} : memref<32x128xf32, #tpu.memory_space<vmem>>, vector<16xf32>,
      %get3A_1981 = arith.constant 3 : i32
      %get3A_1982 = arith.index_cast %get3A_1981 : i32 to index
      %get3A_1983 = arith.constant 16 : index
      %get3A_1984 = tpu.vector_load %arg10[%get3A_1982, %get3A_1983] {strides = array<i32>} : memref<32x128xf32, #tpu.memory_space<vmem>>, vector<16xf32>,
      %mul3A_1985 = arith.mulf %get3A_1980, %get3A_1984 : vector<16xf32>
      %add3A_1986 = arith.addf %add3A_1976, %mul3A_1985 : vector<16xf32>
      %get3A_1987 = arith.constant 3 : i32
      %get3A_1988 = arith.index_cast %get3A_1987 : i32 to index
      %get3A_1989 = arith.constant 32 : index
      %get3A_1990 = tpu.vector_load %arg9[%get3A_1988, %get3A_1989] {strides = array<i32>} : memref<32x128xf32, #tpu.memory_space<vmem>>, vector<16xf32>,
      %get3A_1991 = arith.constant 3 : i32
      %get3A_1992 = arith.index_cast %get3A_1991 : i32 to index
      %get3A_1993 = arith.constant 32 : index
      %get3A_1994 = tpu.vector_load %arg10[%get3A_1992, %get3A_1993] {strides = array<i32>} : memref<32x128xf32, #tpu.memory_space<vmem>>, vector<16xf32>,
      %mul3A_1995 = arith.mulf %get3A_1990, %get3A_1994 : vector<16xf32>
      %add3A_1996 = arith.addf %add3A_1986, %mul3A_1995 : vector<16xf32>
      %get3A_1997 = arith.constant 3 : i32
      %get3A_1998 = arith.index_cast %get3A_1997 : i32 to index
      %get3A_1999 = arith.constant 48 : index
      %get3A_2000 = tpu.vector_load %arg9[%get3A_1998, %get3A_1999] {strides = array<i32>} : memref<32x128xf32, #tpu.memory_space<vmem>>, vector<16xf32>,
      %get3A_2001 = arith.constant 3 : i32
      %get3A_2002 = arith.index_cast %get3A_2001 : i32 to index
      %get3A_2003 = arith.constant 48 : index
      %get3A_2004 = tpu.vector_load %arg10[%get3A_2002, %get3A_2003] {strides = array<i32>} : memref<32x128xf32, #tpu.memory_space<vmem>>, vector<16xf32>,
      %mul3A_2005 = arith.mulf %get3A_2000, %get3A_2004 : vector<16xf32>
      %add3A_2006 = arith.addf %add3A_1996, %mul3A_2005 : vector<16xf32>
      %reduce_sum3A_2007 = arith.constant true
      %reduce_sum3A_2008 = vector.broadcast %reduce_sum3A_2007 : i1 to vector<16xi1>
      %reduce_sum3A_2009 = tpu.scan <sum>, %add3A_2006 masked %reduce_sum3A_2008 : vector<16xf32>, vector<16xi1> -> vector<16xf32>
      %reduce_sum3A_2010 = vector.extract %reduce_sum3A_2009[15] : f32 from vector<16xf32>
      %eq3A_2011 = arith.constant 3 : i32
      %eq3A_2012 = vector.broadcast %eq3A_2011 : i32 to vector<16xi32>
      %eq3A_2013 = arith.cmpi eq, %iota3A, %eq3A_2012 : vector<16xi32>
      %broadcast_in_dim3A_2014 = vector.broadcast %reduce_sum3A_2010 : f32 to vector<16xf32>
      %select_n3A_2015 = arith.select %eq3A_2013, %broadcast_in_dim3A_2014, %select_n3A_1964 : vector<16xi1>, vector<16xf32>
      %broadcast_in_dim3A_2016 = arith.constant 0.000000e+00 : f32
      %broadcast_in_dim3A_2017 = vector.broadcast %broadcast_in_dim3A_2016 : f32 to vector<16xf32>
      %get3A_2018 = arith.constant 4 : i32
      %get3A_2019 = arith.index_cast %get3A_2018 : i32 to index
      %get3A_2020 = arith.constant 0 : index
      %get3A_2021 = tpu.vector_load %arg9[%get3A_2019, %get3A_2020] {strides = array<i32>} : memref<32x128xf32, #tpu.memory_space<vmem>>, vector<16xf32>,
      %get3A_2022 = arith.constant 4 : i32
      %get3A_2023 = arith.index_cast %get3A_2022 : i32 to index
      %get3A_2024 = arith.constant 0 : index
      %get3A_2025 = tpu.vector_load %arg10[%get3A_2023, %get3A_2024] {strides = array<i32>} : memref<32x128xf32, #tpu.memory_space<vmem>>, vector<16xf32>,
      %mul3A_2026 = arith.mulf %get3A_2021, %get3A_2025 : vector<16xf32>
      %add3A_2027 = arith.addf %broadcast_in_dim3A_2017, %mul3A_2026 : vector<16xf32>
      %get3A_2028 = arith.constant 4 : i32
      %get3A_2029 = arith.index_cast %get3A_2028 : i32 to index
      %get3A_2030 = arith.constant 16 : index
      %get3A_2031 = tpu.vector_load %arg9[%get3A_2029, %get3A_2030] {strides = array<i32>} : memref<32x128xf32, #tpu.memory_space<vmem>>, vector<16xf32>,
      %get3A_2032 = arith.constant 4 : i32
      %get3A_2033 = arith.index_cast %get3A_2032 : i32 to index
      %get3A_2034 = arith.constant 16 : index
      %get3A_2035 = tpu.vector_load %arg10[%get3A_2033, %get3A_2034] {strides = array<i32>} : memref<32x128xf32, #tpu.memory_space<vmem>>, vector<16xf32>,
      %mul3A_2036 = arith.mulf %get3A_2031, %get3A_2035 : vector<16xf32>
      %add3A_2037 = arith.addf %add3A_2027, %mul3A_2036 : vector<16xf32>
      %get3A_2038 = arith.constant 4 : i32
      %get3A_2039 = arith.index_cast %get3A_2038 : i32 to index
      %get3A_2040 = arith.constant 32 : index
      %get3A_2041 = tpu.vector_load %arg9[%get3A_2039, %get3A_2040] {strides = array<i32>} : memref<32x128xf32, #tpu.memory_space<vmem>>, vector<16xf32>,
      %get3A_2042 = arith.constant 4 : i32
      %get3A_2043 = arith.index_cast %get3A_2042 : i32 to index
      %get3A_2044 = arith.constant 32 : index
      %get3A_2045 = tpu.vector_load %arg10[%get3A_2043, %get3A_2044] {strides = array<i32>} : memref<32x128xf32, #tpu.memory_space<vmem>>, vector<16xf32>,
      %mul3A_2046 = arith.mulf %get3A_2041, %get3A_2045 : vector<16xf32>
      %add3A_2047 = arith.addf %add3A_2037, %mul3A_2046 : vector<16xf32>
      %get3A_2048 = arith.constant 4 : i32
      %get3A_2049 = arith.index_cast %get3A_2048 : i32 to index
      %get3A_2050 = arith.constant 48 : index
      %get3A_2051 = tpu.vector_load %arg9[%get3A_2049, %get3A_2050] {strides = array<i32>} : memref<32x128xf32, #tpu.memory_space<vmem>>, vector<16xf32>,
      %get3A_2052 = arith.constant 4 : i32
      %get3A_2053 = arith.index_cast %get3A_2052 : i32 to index
      %get3A_2054 = arith.constant 48 : index
      %get3A_2055 = tpu.vector_load %arg10[%get3A_2053, %get3A_2054] {strides = array<i32>} : memref<32x128xf32, #tpu.memory_space<vmem>>, vector<16xf32>,
      %mul3A_2056 = arith.mulf %get3A_2051, %get3A_2055 : vector<16xf32>
      %add3A_2057 = arith.addf %add3A_2047, %mul3A_2056 : vector<16xf32>
      %reduce_sum3A_2058 = arith.constant true
      %reduce_sum3A_2059 = vector.broadcast %reduce_sum3A_2058 : i1 to vector<16xi1>
      %reduce_sum3A_2060 = tpu.scan <sum>, %add3A_2057 masked %reduce_sum3A_2059 : vector<16xf32>, vector<16xi1> -> vector<16xf32>
      %reduce_sum3A_2061 = vector.extract %reduce_sum3A_2060[15] : f32 from vector<16xf32>
      %eq3A_2062 = arith.constant 4 : i32
      %eq3A_2063 = vector.broadcast %eq3A_2062 : i32 to vector<16xi32>
      %eq3A_2064 = arith.cmpi eq, %iota3A, %eq3A_2063 : vector<16xi32>
      %broadcast_in_dim3A_2065 = vector.broadcast %reduce_sum3A_2061 : f32 to vector<16xf32>
      %select_n3A_2066 = arith.select %eq3A_2064, %broadcast_in_dim3A_2065, %select_n3A_2015 : vector<16xi1>, vector<16xf32>
      %broadcast_in_dim3A_2067 = arith.constant 0.000000e+00 : f32
      %broadcast_in_dim3A_2068 = vector.broadcast %broadcast_in_dim3A_2067 : f32 to vector<16xf32>
      %get3A_2069 = arith.constant 5 : i32
      %get3A_2070 = arith.index_cast %get3A_2069 : i32 to index
      %get3A_2071 = arith.constant 0 : index
      %get3A_2072 = tpu.vector_load %arg9[%get3A_2070, %get3A_2071] {strides = array<i32>} : memref<32x128xf32, #tpu.memory_space<vmem>>, vector<16xf32>,
      %get3A_2073 = arith.constant 5 : i32
      %get3A_2074 = arith.index_cast %get3A_2073 : i32 to index
      %get3A_2075 = arith.constant 0 : index
      %get3A_2076 = tpu.vector_load %arg10[%get3A_2074, %get3A_2075] {strides = array<i32>} : memref<32x128xf32, #tpu.memory_space<vmem>>, vector<16xf32>,
      %mul3A_2077 = arith.mulf %get3A_2072, %get3A_2076 : vector<16xf32>
      %add3A_2078 = arith.addf %broadcast_in_dim3A_2068, %mul3A_2077 : vector<16xf32>
      %get3A_2079 = arith.constant 5 : i32
      %get3A_2080 = arith.index_cast %get3A_2079 : i32 to index
      %get3A_2081 = arith.constant 16 : index
      %get3A_2082 = tpu.vector_load %arg9[%get3A_2080, %get3A_2081] {strides = array<i32>} : memref<32x128xf32, #tpu.memory_space<vmem>>, vector<16xf32>,
      %get3A_2083 = arith.constant 5 : i32
      %get3A_2084 = arith.index_cast %get3A_2083 : i32 to index
      %get3A_2085 = arith.constant 16 : index
      %get3A_2086 = tpu.vector_load %arg10[%get3A_2084, %get3A_2085] {strides = array<i32>} : memref<32x128xf32, #tpu.memory_space<vmem>>, vector<16xf32>,
      %mul3A_2087 = arith.mulf %get3A_2082, %get3A_2086 : vector<16xf32>
      %add3A_2088 = arith.addf %add3A_2078, %mul3A_2087 : vector<16xf32>
      %get3A_2089 = arith.constant 5 : i32
      %get3A_2090 = arith.index_cast %get3A_2089 : i32 to index
      %get3A_2091 = arith.constant 32 : index
      %get3A_2092 = tpu.vector_load %arg9[%get3A_2090, %get3A_2091] {strides = array<i32>} : memref<32x128xf32, #tpu.memory_space<vmem>>, vector<16xf32>,
      %get3A_2093 = arith.constant 5 : i32
      %get3A_2094 = arith.index_cast %get3A_2093 : i32 to index
      %get3A_2095 = arith.constant 32 : index
      %get3A_2096 = tpu.vector_load %arg10[%get3A_2094, %get3A_2095] {strides = array<i32>} : memref<32x128xf32, #tpu.memory_space<vmem>>, vector<16xf32>,
      %mul3A_2097 = arith.mulf %get3A_2092, %get3A_2096 : vector<16xf32>
      %add3A_2098 = arith.addf %add3A_2088, %mul3A_2097 : vector<16xf32>
      %get3A_2099 = arith.constant 5 : i32
      %get3A_2100 = arith.index_cast %get3A_2099 : i32 to index
      %get3A_2101 = arith.constant 48 : index
      %get3A_2102 = tpu.vector_load %arg9[%get3A_2100, %get3A_2101] {strides = array<i32>} : memref<32x128xf32, #tpu.memory_space<vmem>>, vector<16xf32>,
      %get3A_2103 = arith.constant 5 : i32
      %get3A_2104 = arith.index_cast %get3A_2103 : i32 to index
      %get3A_2105 = arith.constant 48 : index
      %get3A_2106 = tpu.vector_load %arg10[%get3A_2104, %get3A_2105] {strides = array<i32>} : memref<32x128xf32, #tpu.memory_space<vmem>>, vector<16xf32>,
      %mul3A_2107 = arith.mulf %get3A_2102, %get3A_2106 : vector<16xf32>
      %add3A_2108 = arith.addf %add3A_2098, %mul3A_2107 : vector<16xf32>
      %reduce_sum3A_2109 = arith.constant true
      %reduce_sum3A_2110 = vector.broadcast %reduce_sum3A_2109 : i1 to vector<16xi1>
      %reduce_sum3A_2111 = tpu.scan <sum>, %add3A_2108 masked %reduce_sum3A_2110 : vector<16xf32>, vector<16xi1> -> vector<16xf32>
      %reduce_sum3A_2112 = vector.extract %reduce_sum3A_2111[15] : f32 from vector<16xf32>
      %eq3A_2113 = arith.constant 5 : i32
      %eq3A_2114 = vector.broadcast %eq3A_2113 : i32 to vector<16xi32>
      %eq3A_2115 = arith.cmpi eq, %iota3A, %eq3A_2114 : vector<16xi32>
      %broadcast_in_dim3A_2116 = vector.broadcast %reduce_sum3A_2112 : f32 to vector<16xf32>
      %select_n3A_2117 = arith.select %eq3A_2115, %broadcast_in_dim3A_2116, %select_n3A_2066 : vector<16xi1>, vector<16xf32>
      %broadcast_in_dim3A_2118 = arith.constant 0.000000e+00 : f32
      %broadcast_in_dim3A_2119 = vector.broadcast %broadcast_in_dim3A_2118 : f32 to vector<16xf32>
      %get3A_2120 = arith.constant 6 : i32
      %get3A_2121 = arith.index_cast %get3A_2120 : i32 to index
      %get3A_2122 = arith.constant 0 : index
      %get3A_2123 = tpu.vector_load %arg9[%get3A_2121, %get3A_2122] {strides = array<i32>} : memref<32x128xf32, #tpu.memory_space<vmem>>, vector<16xf32>,
      %get3A_2124 = arith.constant 6 : i32
      %get3A_2125 = arith.index_cast %get3A_2124 : i32 to index
      %get3A_2126 = arith.constant 0 : index
      %get3A_2127 = tpu.vector_load %arg10[%get3A_2125, %get3A_2126] {strides = array<i32>} : memref<32x128xf32, #tpu.memory_space<vmem>>, vector<16xf32>,
      %mul3A_2128 = arith.mulf %get3A_2123, %get3A_2127 : vector<16xf32>
      %add3A_2129 = arith.addf %broadcast_in_dim3A_2119, %mul3A_2128 : vector<16xf32>
      %get3A_2130 = arith.constant 6 : i32
      %get3A_2131 = arith.index_cast %get3A_2130 : i32 to index
      %get3A_2132 = arith.constant 16 : index
      %get3A_2133 = tpu.vector_load %arg9[%get3A_2131, %get3A_2132] {strides = array<i32>} : memref<32x128xf32, #tpu.memory_space<vmem>>, vector<16xf32>,
      %get3A_2134 = arith.constant 6 : i32
      %get3A_2135 = arith.index_cast %get3A_2134 : i32 to index
      %get3A_2136 = arith.constant 16 : index
      %get3A_2137 = tpu.vector_load %arg10[%get3A_2135, %get3A_2136] {strides = array<i32>} : memref<32x128xf32, #tpu.memory_space<vmem>>, vector<16xf32>,
      %mul3A_2138 = arith.mulf %get3A_2133, %get3A_2137 : vector<16xf32>
      %add3A_2139 = arith.addf %add3A_2129, %mul3A_2138 : vector<16xf32>
      %get3A_2140 = arith.constant 6 : i32
      %get3A_2141 = arith.index_cast %get3A_2140 : i32 to index
      %get3A_2142 = arith.constant 32 : index
      %get3A_2143 = tpu.vector_load %arg9[%get3A_2141, %get3A_2142] {strides = array<i32>} : memref<32x128xf32, #tpu.memory_space<vmem>>, vector<16xf32>,
      %get3A_2144 = arith.constant 6 : i32
      %get3A_2145 = arith.index_cast %get3A_2144 : i32 to index
      %get3A_2146 = arith.constant 32 : index
      %get3A_2147 = tpu.vector_load %arg10[%get3A_2145, %get3A_2146] {strides = array<i32>} : memref<32x128xf32, #tpu.memory_space<vmem>>, vector<16xf32>,
      %mul3A_2148 = arith.mulf %get3A_2143, %get3A_2147 : vector<16xf32>
      %add3A_2149 = arith.addf %add3A_2139, %mul3A_2148 : vector<16xf32>
      %get3A_2150 = arith.constant 6 : i32
      %get3A_2151 = arith.index_cast %get3A_2150 : i32 to index
      %get3A_2152 = arith.constant 48 : index
      %get3A_2153 = tpu.vector_load %arg9[%get3A_2151, %get3A_2152] {strides = array<i32>} : memref<32x128xf32, #tpu.memory_space<vmem>>, vector<16xf32>,
      %get3A_2154 = arith.constant 6 : i32
      %get3A_2155 = arith.index_cast %get3A_2154 : i32 to index
      %get3A_2156 = arith.constant 48 : index
      %get3A_2157 = tpu.vector_load %arg10[%get3A_2155, %get3A_2156] {strides = array<i32>} : memref<32x128xf32, #tpu.memory_space<vmem>>, vector<16xf32>,
      %mul3A_2158 = arith.mulf %get3A_2153, %get3A_2157 : vector<16xf32>
      %add3A_2159 = arith.addf %add3A_2149, %mul3A_2158 : vector<16xf32>
      %reduce_sum3A_2160 = arith.constant true
      %reduce_sum3A_2161 = vector.broadcast %reduce_sum3A_2160 : i1 to vector<16xi1>
      %reduce_sum3A_2162 = tpu.scan <sum>, %add3A_2159 masked %reduce_sum3A_2161 : vector<16xf32>, vector<16xi1> -> vector<16xf32>
      %reduce_sum3A_2163 = vector.extract %reduce_sum3A_2162[15] : f32 from vector<16xf32>
      %eq3A_2164 = arith.constant 6 : i32
      %eq3A_2165 = vector.broadcast %eq3A_2164 : i32 to vector<16xi32>
      %eq3A_2166 = arith.cmpi eq, %iota3A, %eq3A_2165 : vector<16xi32>
      %broadcast_in_dim3A_2167 = vector.broadcast %reduce_sum3A_2163 : f32 to vector<16xf32>
      %select_n3A_2168 = arith.select %eq3A_2166, %broadcast_in_dim3A_2167, %select_n3A_2117 : vector<16xi1>, vector<16xf32>
      %broadcast_in_dim3A_2169 = arith.constant 0.000000e+00 : f32
      %broadcast_in_dim3A_2170 = vector.broadcast %broadcast_in_dim3A_2169 : f32 to vector<16xf32>
      %get3A_2171 = arith.constant 7 : i32
      %get3A_2172 = arith.index_cast %get3A_2171 : i32 to index
      %get3A_2173 = arith.constant 0 : index
      %get3A_2174 = tpu.vector_load %arg9[%get3A_2172, %get3A_2173] {strides = array<i32>} : memref<32x128xf32, #tpu.memory_space<vmem>>, vector<16xf32>,
      %get3A_2175 = arith.constant 7 : i32
      %get3A_2176 = arith.index_cast %get3A_2175 : i32 to index
      %get3A_2177 = arith.constant 0 : index
      %get3A_2178 = tpu.vector_load %arg10[%get3A_2176, %get3A_2177] {strides = array<i32>} : memref<32x128xf32, #tpu.memory_space<vmem>>, vector<16xf32>,
      %mul3A_2179 = arith.mulf %get3A_2174, %get3A_2178 : vector<16xf32>
      %add3A_2180 = arith.addf %broadcast_in_dim3A_2170, %mul3A_2179 : vector<16xf32>
      %get3A_2181 = arith.constant 7 : i32
      %get3A_2182 = arith.index_cast %get3A_2181 : i32 to index
      %get3A_2183 = arith.constant 16 : index
      %get3A_2184 = tpu.vector_load %arg9[%get3A_2182, %get3A_2183] {strides = array<i32>} : memref<32x128xf32, #tpu.memory_space<vmem>>, vector<16xf32>,
      %get3A_2185 = arith.constant 7 : i32
      %get3A_2186 = arith.index_cast %get3A_2185 : i32 to index
      %get3A_2187 = arith.constant 16 : index
      %get3A_2188 = tpu.vector_load %arg10[%get3A_2186, %get3A_2187] {strides = array<i32>} : memref<32x128xf32, #tpu.memory_space<vmem>>, vector<16xf32>,
      %mul3A_2189 = arith.mulf %get3A_2184, %get3A_2188 : vector<16xf32>
      %add3A_2190 = arith.addf %add3A_2180, %mul3A_2189 : vector<16xf32>
      %get3A_2191 = arith.constant 7 : i32
      %get3A_2192 = arith.index_cast %get3A_2191 : i32 to index
      %get3A_2193 = arith.constant 32 : index
      %get3A_2194 = tpu.vector_load %arg9[%get3A_2192, %get3A_2193] {strides = array<i32>} : memref<32x128xf32, #tpu.memory_space<vmem>>, vector<16xf32>,
      %get3A_2195 = arith.constant 7 : i32
      %get3A_2196 = arith.index_cast %get3A_2195 : i32 to index
      %get3A_2197 = arith.constant 32 : index
      %get3A_2198 = tpu.vector_load %arg10[%get3A_2196, %get3A_2197] {strides = array<i32>} : memref<32x128xf32, #tpu.memory_space<vmem>>, vector<16xf32>,
      %mul3A_2199 = arith.mulf %get3A_2194, %get3A_2198 : vector<16xf32>
      %add3A_2200 = arith.addf %add3A_2190, %mul3A_2199 : vector<16xf32>
      %get3A_2201 = arith.constant 7 : i32
      %get3A_2202 = arith.index_cast %get3A_2201 : i32 to index
      %get3A_2203 = arith.constant 48 : index
      %get3A_2204 = tpu.vector_load %arg9[%get3A_2202, %get3A_2203] {strides = array<i32>} : memref<32x128xf32, #tpu.memory_space<vmem>>, vector<16xf32>,
      %get3A_2205 = arith.constant 7 : i32
      %get3A_2206 = arith.index_cast %get3A_2205 : i32 to index
      %get3A_2207 = arith.constant 48 : index
      %get3A_2208 = tpu.vector_load %arg10[%get3A_2206, %get3A_2207] {strides = array<i32>} : memref<32x128xf32, #tpu.memory_space<vmem>>, vector<16xf32>,
      %mul3A_2209 = arith.mulf %get3A_2204, %get3A_2208 : vector<16xf32>
      %add3A_2210 = arith.addf %add3A_2200, %mul3A_2209 : vector<16xf32>
      %reduce_sum3A_2211 = arith.constant true
      %reduce_sum3A_2212 = vector.broadcast %reduce_sum3A_2211 : i1 to vector<16xi1>
      %reduce_sum3A_2213 = tpu.scan <sum>, %add3A_2210 masked %reduce_sum3A_2212 : vector<16xf32>, vector<16xi1> -> vector<16xf32>
      %reduce_sum3A_2214 = vector.extract %reduce_sum3A_2213[15] : f32 from vector<16xf32>
      %eq3A_2215 = arith.constant 7 : i32
      %eq3A_2216 = vector.broadcast %eq3A_2215 : i32 to vector<16xi32>
      %eq3A_2217 = arith.cmpi eq, %iota3A, %eq3A_2216 : vector<16xi32>
      %broadcast_in_dim3A_2218 = vector.broadcast %reduce_sum3A_2214 : f32 to vector<16xf32>
      %select_n3A_2219 = arith.select %eq3A_2217, %broadcast_in_dim3A_2218, %select_n3A_2168 : vector<16xi1>, vector<16xf32>
      %broadcast_in_dim3A_2220 = arith.constant 0.000000e+00 : f32
      %broadcast_in_dim3A_2221 = vector.broadcast %broadcast_in_dim3A_2220 : f32 to vector<16xf32>
      %get3A_2222 = arith.constant 8 : i32
      %get3A_2223 = arith.index_cast %get3A_2222 : i32 to index
      %get3A_2224 = arith.constant 0 : index
      %get3A_2225 = tpu.vector_load %arg9[%get3A_2223, %get3A_2224] {strides = array<i32>} : memref<32x128xf32, #tpu.memory_space<vmem>>, vector<16xf32>,
      %get3A_2226 = arith.constant 8 : i32
      %get3A_2227 = arith.index_cast %get3A_2226 : i32 to index
      %get3A_2228 = arith.constant 0 : index
      %get3A_2229 = tpu.vector_load %arg10[%get3A_2227, %get3A_2228] {strides = array<i32>} : memref<32x128xf32, #tpu.memory_space<vmem>>, vector<16xf32>,
      %mul3A_2230 = arith.mulf %get3A_2225, %get3A_2229 : vector<16xf32>
      %add3A_2231 = arith.addf %broadcast_in_dim3A_2221, %mul3A_2230 : vector<16xf32>
      %get3A_2232 = arith.constant 8 : i32
      %get3A_2233 = arith.index_cast %get3A_2232 : i32 to index
      %get3A_2234 = arith.constant 16 : index
      %get3A_2235 = tpu.vector_load %arg9[%get3A_2233, %get3A_2234] {strides = array<i32>} : memref<32x128xf32, #tpu.memory_space<vmem>>, vector<16xf32>,
      %get3A_2236 = arith.constant 8 : i32
      %get3A_2237 = arith.index_cast %get3A_2236 : i32 to index
      %get3A_2238 = arith.constant 16 : index
      %get3A_2239 = tpu.vector_load %arg10[%get3A_2237, %get3A_2238] {strides = array<i32>} : memref<32x128xf32, #tpu.memory_space<vmem>>, vector<16xf32>,
      %mul3A_2240 = arith.mulf %get3A_2235, %get3A_2239 : vector<16xf32>
      %add3A_2241 = arith.addf %add3A_2231, %mul3A_2240 : vector<16xf32>
      %get3A_2242 = arith.constant 8 : i32
      %get3A_2243 = arith.index_cast %get3A_2242 : i32 to index
      %get3A_2244 = arith.constant 32 : index
      %get3A_2245 = tpu.vector_load %arg9[%get3A_2243, %get3A_2244] {strides = array<i32>} : memref<32x128xf32, #tpu.memory_space<vmem>>, vector<16xf32>,
      %get3A_2246 = arith.constant 8 : i32
      %get3A_2247 = arith.index_cast %get3A_2246 : i32 to index
      %get3A_2248 = arith.constant 32 : index
      %get3A_2249 = tpu.vector_load %arg10[%get3A_2247, %get3A_2248] {strides = array<i32>} : memref<32x128xf32, #tpu.memory_space<vmem>>, vector<16xf32>,
      %mul3A_2250 = arith.mulf %get3A_2245, %get3A_2249 : vector<16xf32>
      %add3A_2251 = arith.addf %add3A_2241, %mul3A_2250 : vector<16xf32>
      %get3A_2252 = arith.constant 8 : i32
      %get3A_2253 = arith.index_cast %get3A_2252 : i32 to index
      %get3A_2254 = arith.constant 48 : index
      %get3A_2255 = tpu.vector_load %arg9[%get3A_2253, %get3A_2254] {strides = array<i32>} : memref<32x128xf32, #tpu.memory_space<vmem>>, vector<16xf32>,
      %get3A_2256 = arith.constant 8 : i32
      %get3A_2257 = arith.index_cast %get3A_2256 : i32 to index
      %get3A_2258 = arith.constant 48 : index
      %get3A_2259 = tpu.vector_load %arg10[%get3A_2257, %get3A_2258] {strides = array<i32>} : memref<32x128xf32, #tpu.memory_space<vmem>>, vector<16xf32>,
      %mul3A_2260 = arith.mulf %get3A_2255, %get3A_2259 : vector<16xf32>
      %add3A_2261 = arith.addf %add3A_2251, %mul3A_2260 : vector<16xf32>
      %reduce_sum3A_2262 = arith.constant true
      %reduce_sum3A_2263 = vector.broadcast %reduce_sum3A_2262 : i1 to vector<16xi1>
      %reduce_sum3A_2264 = tpu.scan <sum>, %add3A_2261 masked %reduce_sum3A_2263 : vector<16xf32>, vector<16xi1> -> vector<16xf32>
      %reduce_sum3A_2265 = vector.extract %reduce_sum3A_2264[15] : f32 from vector<16xf32>
      %eq3A_2266 = arith.constant 8 : i32
      %eq3A_2267 = vector.broadcast %eq3A_2266 : i32 to vector<16xi32>
      %eq3A_2268 = arith.cmpi eq, %iota3A, %eq3A_2267 : vector<16xi32>
      %broadcast_in_dim3A_2269 = vector.broadcast %reduce_sum3A_2265 : f32 to vector<16xf32>
      %select_n3A_2270 = arith.select %eq3A_2268, %broadcast_in_dim3A_2269, %select_n3A_2219 : vector<16xi1>, vector<16xf32>
      %broadcast_in_dim3A_2271 = arith.constant 0.000000e+00 : f32
      %broadcast_in_dim3A_2272 = vector.broadcast %broadcast_in_dim3A_2271 : f32 to vector<16xf32>
      %get3A_2273 = arith.constant 9 : i32
      %get3A_2274 = arith.index_cast %get3A_2273 : i32 to index
      %get3A_2275 = arith.constant 0 : index
      %get3A_2276 = tpu.vector_load %arg9[%get3A_2274, %get3A_2275] {strides = array<i32>} : memref<32x128xf32, #tpu.memory_space<vmem>>, vector<16xf32>,
      %get3A_2277 = arith.constant 9 : i32
      %get3A_2278 = arith.index_cast %get3A_2277 : i32 to index
      %get3A_2279 = arith.constant 0 : index
      %get3A_2280 = tpu.vector_load %arg10[%get3A_2278, %get3A_2279] {strides = array<i32>} : memref<32x128xf32, #tpu.memory_space<vmem>>, vector<16xf32>,
      %mul3A_2281 = arith.mulf %get3A_2276, %get3A_2280 : vector<16xf32>
      %add3A_2282 = arith.addf %broadcast_in_dim3A_2272, %mul3A_2281 : vector<16xf32>
      %get3A_2283 = arith.constant 9 : i32
      %get3A_2284 = arith.index_cast %get3A_2283 : i32 to index
      %get3A_2285 = arith.constant 16 : index
      %get3A_2286 = tpu.vector_load %arg9[%get3A_2284, %get3A_2285] {strides = array<i32>} : memref<32x128xf32, #tpu.memory_space<vmem>>, vector<16xf32>,
      %get3A_2287 = arith.constant 9 : i32
      %get3A_2288 = arith.index_cast %get3A_2287 : i32 to index
      %get3A_2289 = arith.constant 16 : index
      %get3A_2290 = tpu.vector_load %arg10[%get3A_2288, %get3A_2289] {strides = array<i32>} : memref<32x128xf32, #tpu.memory_space<vmem>>, vector<16xf32>,
      %mul3A_2291 = arith.mulf %get3A_2286, %get3A_2290 : vector<16xf32>
      %add3A_2292 = arith.addf %add3A_2282, %mul3A_2291 : vector<16xf32>
      %get3A_2293 = arith.constant 9 : i32
      %get3A_2294 = arith.index_cast %get3A_2293 : i32 to index
      %get3A_2295 = arith.constant 32 : index
      %get3A_2296 = tpu.vector_load %arg9[%get3A_2294, %get3A_2295] {strides = array<i32>} : memref<32x128xf32, #tpu.memory_space<vmem>>, vector<16xf32>,
      %get3A_2297 = arith.constant 9 : i32
      %get3A_2298 = arith.index_cast %get3A_2297 : i32 to index
      %get3A_2299 = arith.constant 32 : index
      %get3A_2300 = tpu.vector_load %arg10[%get3A_2298, %get3A_2299] {strides = array<i32>} : memref<32x128xf32, #tpu.memory_space<vmem>>, vector<16xf32>,
      %mul3A_2301 = arith.mulf %get3A_2296, %get3A_2300 : vector<16xf32>
      %add3A_2302 = arith.addf %add3A_2292, %mul3A_2301 : vector<16xf32>
      %get3A_2303 = arith.constant 9 : i32
      %get3A_2304 = arith.index_cast %get3A_2303 : i32 to index
      %get3A_2305 = arith.constant 48 : index
      %get3A_2306 = tpu.vector_load %arg9[%get3A_2304, %get3A_2305] {strides = array<i32>} : memref<32x128xf32, #tpu.memory_space<vmem>>, vector<16xf32>,
      %get3A_2307 = arith.constant 9 : i32
      %get3A_2308 = arith.index_cast %get3A_2307 : i32 to index
      %get3A_2309 = arith.constant 48 : index
      %get3A_2310 = tpu.vector_load %arg10[%get3A_2308, %get3A_2309] {strides = array<i32>} : memref<32x128xf32, #tpu.memory_space<vmem>>, vector<16xf32>,
      %mul3A_2311 = arith.mulf %get3A_2306, %get3A_2310 : vector<16xf32>
      %add3A_2312 = arith.addf %add3A_2302, %mul3A_2311 : vector<16xf32>
      %reduce_sum3A_2313 = arith.constant true
      %reduce_sum3A_2314 = vector.broadcast %reduce_sum3A_2313 : i1 to vector<16xi1>
      %reduce_sum3A_2315 = tpu.scan <sum>, %add3A_2312 masked %reduce_sum3A_2314 : vector<16xf32>, vector<16xi1> -> vector<16xf32>
      %reduce_sum3A_2316 = vector.extract %reduce_sum3A_2315[15] : f32 from vector<16xf32>
      %eq3A_2317 = arith.constant 9 : i32
      %eq3A_2318 = vector.broadcast %eq3A_2317 : i32 to vector<16xi32>
      %eq3A_2319 = arith.cmpi eq, %iota3A, %eq3A_2318 : vector<16xi32>
      %broadcast_in_dim3A_2320 = vector.broadcast %reduce_sum3A_2316 : f32 to vector<16xf32>
      %select_n3A_2321 = arith.select %eq3A_2319, %broadcast_in_dim3A_2320, %select_n3A_2270 : vector<16xi1>, vector<16xf32>
      %broadcast_in_dim3A_2322 = arith.constant 0.000000e+00 : f32
      %broadcast_in_dim3A_2323 = vector.broadcast %broadcast_in_dim3A_2322 : f32 to vector<16xf32>
      %get3A_2324 = arith.constant 10 : i32
      %get3A_2325 = arith.index_cast %get3A_2324 : i32 to index
      %get3A_2326 = arith.constant 0 : index
      %get3A_2327 = tpu.vector_load %arg9[%get3A_2325, %get3A_2326] {strides = array<i32>} : memref<32x128xf32, #tpu.memory_space<vmem>>, vector<16xf32>,
      %get3A_2328 = arith.constant 10 : i32
      %get3A_2329 = arith.index_cast %get3A_2328 : i32 to index
      %get3A_2330 = arith.constant 0 : index
      %get3A_2331 = tpu.vector_load %arg10[%get3A_2329, %get3A_2330] {strides = array<i32>} : memref<32x128xf32, #tpu.memory_space<vmem>>, vector<16xf32>,
      %mul3A_2332 = arith.mulf %get3A_2327, %get3A_2331 : vector<16xf32>
      %add3A_2333 = arith.addf %broadcast_in_dim3A_2323, %mul3A_2332 : vector<16xf32>
      %get3A_2334 = arith.constant 10 : i32
      %get3A_2335 = arith.index_cast %get3A_2334 : i32 to index
      %get3A_2336 = arith.constant 16 : index
      %get3A_2337 = tpu.vector_load %arg9[%get3A_2335, %get3A_2336] {strides = array<i32>} : memref<32x128xf32, #tpu.memory_space<vmem>>, vector<16xf32>,
      %get3A_2338 = arith.constant 10 : i32
      %get3A_2339 = arith.index_cast %get3A_2338 : i32 to index
      %get3A_2340 = arith.constant 16 : index
      %get3A_2341 = tpu.vector_load %arg10[%get3A_2339, %get3A_2340] {strides = array<i32>} : memref<32x128xf32, #tpu.memory_space<vmem>>, vector<16xf32>,
      %mul3A_2342 = arith.mulf %get3A_2337, %get3A_2341 : vector<16xf32>
      %add3A_2343 = arith.addf %add3A_2333, %mul3A_2342 : vector<16xf32>
      %get3A_2344 = arith.constant 10 : i32
      %get3A_2345 = arith.index_cast %get3A_2344 : i32 to index
      %get3A_2346 = arith.constant 32 : index
      %get3A_2347 = tpu.vector_load %arg9[%get3A_2345, %get3A_2346] {strides = array<i32>} : memref<32x128xf32, #tpu.memory_space<vmem>>, vector<16xf32>,
      %get3A_2348 = arith.constant 10 : i32
      %get3A_2349 = arith.index_cast %get3A_2348 : i32 to index
      %get3A_2350 = arith.constant 32 : index
      %get3A_2351 = tpu.vector_load %arg10[%get3A_2349, %get3A_2350] {strides = array<i32>} : memref<32x128xf32, #tpu.memory_space<vmem>>, vector<16xf32>,
      %mul3A_2352 = arith.mulf %get3A_2347, %get3A_2351 : vector<16xf32>
      %add3A_2353 = arith.addf %add3A_2343, %mul3A_2352 : vector<16xf32>
      %get3A_2354 = arith.constant 10 : i32
      %get3A_2355 = arith.index_cast %get3A_2354 : i32 to index
      %get3A_2356 = arith.constant 48 : index
      %get3A_2357 = tpu.vector_load %arg9[%get3A_2355, %get3A_2356] {strides = array<i32>} : memref<32x128xf32, #tpu.memory_space<vmem>>, vector<16xf32>,
      %get3A_2358 = arith.constant 10 : i32
      %get3A_2359 = arith.index_cast %get3A_2358 : i32 to index
      %get3A_2360 = arith.constant 48 : index
      %get3A_2361 = tpu.vector_load %arg10[%get3A_2359, %get3A_2360] {strides = array<i32>} : memref<32x128xf32, #tpu.memory_space<vmem>>, vector<16xf32>,
      %mul3A_2362 = arith.mulf %get3A_2357, %get3A_2361 : vector<16xf32>
      %add3A_2363 = arith.addf %add3A_2353, %mul3A_2362 : vector<16xf32>
      %reduce_sum3A_2364 = arith.constant true
      %reduce_sum3A_2365 = vector.broadcast %reduce_sum3A_2364 : i1 to vector<16xi1>
      %reduce_sum3A_2366 = tpu.scan <sum>, %add3A_2363 masked %reduce_sum3A_2365 : vector<16xf32>, vector<16xi1> -> vector<16xf32>
      %reduce_sum3A_2367 = vector.extract %reduce_sum3A_2366[15] : f32 from vector<16xf32>
      %eq3A_2368 = arith.constant 10 : i32
      %eq3A_2369 = vector.broadcast %eq3A_2368 : i32 to vector<16xi32>
      %eq3A_2370 = arith.cmpi eq, %iota3A, %eq3A_2369 : vector<16xi32>
      %broadcast_in_dim3A_2371 = vector.broadcast %reduce_sum3A_2367 : f32 to vector<16xf32>
      %select_n3A_2372 = arith.select %eq3A_2370, %broadcast_in_dim3A_2371, %select_n3A_2321 : vector<16xi1>, vector<16xf32>
      %broadcast_in_dim3A_2373 = arith.constant 0.000000e+00 : f32
      %broadcast_in_dim3A_2374 = vector.broadcast %broadcast_in_dim3A_2373 : f32 to vector<16xf32>
      %get3A_2375 = arith.constant 11 : i32
      %get3A_2376 = arith.index_cast %get3A_2375 : i32 to index
      %get3A_2377 = arith.constant 0 : index
      %get3A_2378 = tpu.vector_load %arg9[%get3A_2376, %get3A_2377] {strides = array<i32>} : memref<32x128xf32, #tpu.memory_space<vmem>>, vector<16xf32>,
      %get3A_2379 = arith.constant 11 : i32
      %get3A_2380 = arith.index_cast %get3A_2379 : i32 to index
      %get3A_2381 = arith.constant 0 : index
      %get3A_2382 = tpu.vector_load %arg10[%get3A_2380, %get3A_2381] {strides = array<i32>} : memref<32x128xf32, #tpu.memory_space<vmem>>, vector<16xf32>,
      %mul3A_2383 = arith.mulf %get3A_2378, %get3A_2382 : vector<16xf32>
      %add3A_2384 = arith.addf %broadcast_in_dim3A_2374, %mul3A_2383 : vector<16xf32>
      %get3A_2385 = arith.constant 11 : i32
      %get3A_2386 = arith.index_cast %get3A_2385 : i32 to index
      %get3A_2387 = arith.constant 16 : index
      %get3A_2388 = tpu.vector_load %arg9[%get3A_2386, %get3A_2387] {strides = array<i32>} : memref<32x128xf32, #tpu.memory_space<vmem>>, vector<16xf32>,
      %get3A_2389 = arith.constant 11 : i32
      %get3A_2390 = arith.index_cast %get3A_2389 : i32 to index
      %get3A_2391 = arith.constant 16 : index
      %get3A_2392 = tpu.vector_load %arg10[%get3A_2390, %get3A_2391] {strides = array<i32>} : memref<32x128xf32, #tpu.memory_space<vmem>>, vector<16xf32>,
      %mul3A_2393 = arith.mulf %get3A_2388, %get3A_2392 : vector<16xf32>
      %add3A_2394 = arith.addf %add3A_2384, %mul3A_2393 : vector<16xf32>
      %get3A_2395 = arith.constant 11 : i32
      %get3A_2396 = arith.index_cast %get3A_2395 : i32 to index
      %get3A_2397 = arith.constant 32 : index
      %get3A_2398 = tpu.vector_load %arg9[%get3A_2396, %get3A_2397] {strides = array<i32>} : memref<32x128xf32, #tpu.memory_space<vmem>>, vector<16xf32>,
      %get3A_2399 = arith.constant 11 : i32
      %get3A_2400 = arith.index_cast %get3A_2399 : i32 to index
      %get3A_2401 = arith.constant 32 : index
      %get3A_2402 = tpu.vector_load %arg10[%get3A_2400, %get3A_2401] {strides = array<i32>} : memref<32x128xf32, #tpu.memory_space<vmem>>, vector<16xf32>,
      %mul3A_2403 = arith.mulf %get3A_2398, %get3A_2402 : vector<16xf32>
      %add3A_2404 = arith.addf %add3A_2394, %mul3A_2403 : vector<16xf32>
      %get3A_2405 = arith.constant 11 : i32
      %get3A_2406 = arith.index_cast %get3A_2405 : i32 to index
      %get3A_2407 = arith.constant 48 : index
      %get3A_2408 = tpu.vector_load %arg9[%get3A_2406, %get3A_2407] {strides = array<i32>} : memref<32x128xf32, #tpu.memory_space<vmem>>, vector<16xf32>,
      %get3A_2409 = arith.constant 11 : i32
      %get3A_2410 = arith.index_cast %get3A_2409 : i32 to index
      %get3A_2411 = arith.constant 48 : index
      %get3A_2412 = tpu.vector_load %arg10[%get3A_2410, %get3A_2411] {strides = array<i32>} : memref<32x128xf32, #tpu.memory_space<vmem>>, vector<16xf32>,
      %mul3A_2413 = arith.mulf %get3A_2408, %get3A_2412 : vector<16xf32>
      %add3A_2414 = arith.addf %add3A_2404, %mul3A_2413 : vector<16xf32>
      %reduce_sum3A_2415 = arith.constant true
      %reduce_sum3A_2416 = vector.broadcast %reduce_sum3A_2415 : i1 to vector<16xi1>
      %reduce_sum3A_2417 = tpu.scan <sum>, %add3A_2414 masked %reduce_sum3A_2416 : vector<16xf32>, vector<16xi1> -> vector<16xf32>
      %reduce_sum3A_2418 = vector.extract %reduce_sum3A_2417[15] : f32 from vector<16xf32>
      %eq3A_2419 = arith.constant 11 : i32
      %eq3A_2420 = vector.broadcast %eq3A_2419 : i32 to vector<16xi32>
      %eq3A_2421 = arith.cmpi eq, %iota3A, %eq3A_2420 : vector<16xi32>
      %broadcast_in_dim3A_2422 = vector.broadcast %reduce_sum3A_2418 : f32 to vector<16xf32>
      %select_n3A_2423 = arith.select %eq3A_2421, %broadcast_in_dim3A_2422, %select_n3A_2372 : vector<16xi1>, vector<16xf32>
      %broadcast_in_dim3A_2424 = arith.constant 0.000000e+00 : f32
      %broadcast_in_dim3A_2425 = vector.broadcast %broadcast_in_dim3A_2424 : f32 to vector<16xf32>
      %get3A_2426 = arith.constant 12 : i32
      %get3A_2427 = arith.index_cast %get3A_2426 : i32 to index
      %get3A_2428 = arith.constant 0 : index
      %get3A_2429 = tpu.vector_load %arg9[%get3A_2427, %get3A_2428] {strides = array<i32>} : memref<32x128xf32, #tpu.memory_space<vmem>>, vector<16xf32>,
      %get3A_2430 = arith.constant 12 : i32
      %get3A_2431 = arith.index_cast %get3A_2430 : i32 to index
      %get3A_2432 = arith.constant 0 : index
      %get3A_2433 = tpu.vector_load %arg10[%get3A_2431, %get3A_2432] {strides = array<i32>} : memref<32x128xf32, #tpu.memory_space<vmem>>, vector<16xf32>,
      %mul3A_2434 = arith.mulf %get3A_2429, %get3A_2433 : vector<16xf32>
      %add3A_2435 = arith.addf %broadcast_in_dim3A_2425, %mul3A_2434 : vector<16xf32>
      %get3A_2436 = arith.constant 12 : i32
      %get3A_2437 = arith.index_cast %get3A_2436 : i32 to index
      %get3A_2438 = arith.constant 16 : index
      %get3A_2439 = tpu.vector_load %arg9[%get3A_2437, %get3A_2438] {strides = array<i32>} : memref<32x128xf32, #tpu.memory_space<vmem>>, vector<16xf32>,
      %get3A_2440 = arith.constant 12 : i32
      %get3A_2441 = arith.index_cast %get3A_2440 : i32 to index
      %get3A_2442 = arith.constant 16 : index
      %get3A_2443 = tpu.vector_load %arg10[%get3A_2441, %get3A_2442] {strides = array<i32>} : memref<32x128xf32, #tpu.memory_space<vmem>>, vector<16xf32>,
      %mul3A_2444 = arith.mulf %get3A_2439, %get3A_2443 : vector<16xf32>
      %add3A_2445 = arith.addf %add3A_2435, %mul3A_2444 : vector<16xf32>
      %get3A_2446 = arith.constant 12 : i32
      %get3A_2447 = arith.index_cast %get3A_2446 : i32 to index
      %get3A_2448 = arith.constant 32 : index
      %get3A_2449 = tpu.vector_load %arg9[%get3A_2447, %get3A_2448] {strides = array<i32>} : memref<32x128xf32, #tpu.memory_space<vmem>>, vector<16xf32>,
      %get3A_2450 = arith.constant 12 : i32
      %get3A_2451 = arith.index_cast %get3A_2450 : i32 to index
      %get3A_2452 = arith.constant 32 : index
      %get3A_2453 = tpu.vector_load %arg10[%get3A_2451, %get3A_2452] {strides = array<i32>} : memref<32x128xf32, #tpu.memory_space<vmem>>, vector<16xf32>,
      %mul3A_2454 = arith.mulf %get3A_2449, %get3A_2453 : vector<16xf32>
      %add3A_2455 = arith.addf %add3A_2445, %mul3A_2454 : vector<16xf32>
      %get3A_2456 = arith.constant 12 : i32
      %get3A_2457 = arith.index_cast %get3A_2456 : i32 to index
      %get3A_2458 = arith.constant 48 : index
      %get3A_2459 = tpu.vector_load %arg9[%get3A_2457, %get3A_2458] {strides = array<i32>} : memref<32x128xf32, #tpu.memory_space<vmem>>, vector<16xf32>,
      %get3A_2460 = arith.constant 12 : i32
      %get3A_2461 = arith.index_cast %get3A_2460 : i32 to index
      %get3A_2462 = arith.constant 48 : index
      %get3A_2463 = tpu.vector_load %arg10[%get3A_2461, %get3A_2462] {strides = array<i32>} : memref<32x128xf32, #tpu.memory_space<vmem>>, vector<16xf32>,
      %mul3A_2464 = arith.mulf %get3A_2459, %get3A_2463 : vector<16xf32>
      %add3A_2465 = arith.addf %add3A_2455, %mul3A_2464 : vector<16xf32>
      %reduce_sum3A_2466 = arith.constant true
      %reduce_sum3A_2467 = vector.broadcast %reduce_sum3A_2466 : i1 to vector<16xi1>
      %reduce_sum3A_2468 = tpu.scan <sum>, %add3A_2465 masked %reduce_sum3A_2467 : vector<16xf32>, vector<16xi1> -> vector<16xf32>
      %reduce_sum3A_2469 = vector.extract %reduce_sum3A_2468[15] : f32 from vector<16xf32>
      %eq3A_2470 = arith.constant 12 : i32
      %eq3A_2471 = vector.broadcast %eq3A_2470 : i32 to vector<16xi32>
      %eq3A_2472 = arith.cmpi eq, %iota3A, %eq3A_2471 : vector<16xi32>
      %broadcast_in_dim3A_2473 = vector.broadcast %reduce_sum3A_2469 : f32 to vector<16xf32>
      %select_n3A_2474 = arith.select %eq3A_2472, %broadcast_in_dim3A_2473, %select_n3A_2423 : vector<16xi1>, vector<16xf32>
      %broadcast_in_dim3A_2475 = arith.constant 0.000000e+00 : f32
      %broadcast_in_dim3A_2476 = vector.broadcast %broadcast_in_dim3A_2475 : f32 to vector<16xf32>
      %get3A_2477 = arith.constant 13 : i32
      %get3A_2478 = arith.index_cast %get3A_2477 : i32 to index
      %get3A_2479 = arith.constant 0 : index
      %get3A_2480 = tpu.vector_load %arg9[%get3A_2478, %get3A_2479] {strides = array<i32>} : memref<32x128xf32, #tpu.memory_space<vmem>>, vector<16xf32>,
      %get3A_2481 = arith.constant 13 : i32
      %get3A_2482 = arith.index_cast %get3A_2481 : i32 to index
      %get3A_2483 = arith.constant 0 : index
      %get3A_2484 = tpu.vector_load %arg10[%get3A_2482, %get3A_2483] {strides = array<i32>} : memref<32x128xf32, #tpu.memory_space<vmem>>, vector<16xf32>,
      %mul3A_2485 = arith.mulf %get3A_2480, %get3A_2484 : vector<16xf32>
      %add3A_2486 = arith.addf %broadcast_in_dim3A_2476, %mul3A_2485 : vector<16xf32>
      %get3A_2487 = arith.constant 13 : i32
      %get3A_2488 = arith.index_cast %get3A_2487 : i32 to index
      %get3A_2489 = arith.constant 16 : index
      %get3A_2490 = tpu.vector_load %arg9[%get3A_2488, %get3A_2489] {strides = array<i32>} : memref<32x128xf32, #tpu.memory_space<vmem>>, vector<16xf32>,
      %get3A_2491 = arith.constant 13 : i32
      %get3A_2492 = arith.index_cast %get3A_2491 : i32 to index
      %get3A_2493 = arith.constant 16 : index
      %get3A_2494 = tpu.vector_load %arg10[%get3A_2492, %get3A_2493] {strides = array<i32>} : memref<32x128xf32, #tpu.memory_space<vmem>>, vector<16xf32>,
      %mul3A_2495 = arith.mulf %get3A_2490, %get3A_2494 : vector<16xf32>
      %add3A_2496 = arith.addf %add3A_2486, %mul3A_2495 : vector<16xf32>
      %get3A_2497 = arith.constant 13 : i32
      %get3A_2498 = arith.index_cast %get3A_2497 : i32 to index
      %get3A_2499 = arith.constant 32 : index
      %get3A_2500 = tpu.vector_load %arg9[%get3A_2498, %get3A_2499] {strides = array<i32>} : memref<32x128xf32, #tpu.memory_space<vmem>>, vector<16xf32>,
      %get3A_2501 = arith.constant 13 : i32
      %get3A_2502 = arith.index_cast %get3A_2501 : i32 to index
      %get3A_2503 = arith.constant 32 : index
      %get3A_2504 = tpu.vector_load %arg10[%get3A_2502, %get3A_2503] {strides = array<i32>} : memref<32x128xf32, #tpu.memory_space<vmem>>, vector<16xf32>,
      %mul3A_2505 = arith.mulf %get3A_2500, %get3A_2504 : vector<16xf32>
      %add3A_2506 = arith.addf %add3A_2496, %mul3A_2505 : vector<16xf32>
      %get3A_2507 = arith.constant 13 : i32
      %get3A_2508 = arith.index_cast %get3A_2507 : i32 to index
      %get3A_2509 = arith.constant 48 : index
      %get3A_2510 = tpu.vector_load %arg9[%get3A_2508, %get3A_2509] {strides = array<i32>} : memref<32x128xf32, #tpu.memory_space<vmem>>, vector<16xf32>,
      %get3A_2511 = arith.constant 13 : i32
      %get3A_2512 = arith.index_cast %get3A_2511 : i32 to index
      %get3A_2513 = arith.constant 48 : index
      %get3A_2514 = tpu.vector_load %arg10[%get3A_2512, %get3A_2513] {strides = array<i32>} : memref<32x128xf32, #tpu.memory_space<vmem>>, vector<16xf32>,
      %mul3A_2515 = arith.mulf %get3A_2510, %get3A_2514 : vector<16xf32>
      %add3A_2516 = arith.addf %add3A_2506, %mul3A_2515 : vector<16xf32>
      %reduce_sum3A_2517 = arith.constant true
      %reduce_sum3A_2518 = vector.broadcast %reduce_sum3A_2517 : i1 to vector<16xi1>
      %reduce_sum3A_2519 = tpu.scan <sum>, %add3A_2516 masked %reduce_sum3A_2518 : vector<16xf32>, vector<16xi1> -> vector<16xf32>
      %reduce_sum3A_2520 = vector.extract %reduce_sum3A_2519[15] : f32 from vector<16xf32>
      %eq3A_2521 = arith.constant 13 : i32
      %eq3A_2522 = vector.broadcast %eq3A_2521 : i32 to vector<16xi32>
      %eq3A_2523 = arith.cmpi eq, %iota3A, %eq3A_2522 : vector<16xi32>
      %broadcast_in_dim3A_2524 = vector.broadcast %reduce_sum3A_2520 : f32 to vector<16xf32>
      %select_n3A_2525 = arith.select %eq3A_2523, %broadcast_in_dim3A_2524, %select_n3A_2474 : vector<16xi1>, vector<16xf32>
      %broadcast_in_dim3A_2526 = arith.constant 0.000000e+00 : f32
      %broadcast_in_dim3A_2527 = vector.broadcast %broadcast_in_dim3A_2526 : f32 to vector<16xf32>
      %get3A_2528 = arith.constant 14 : i32
      %get3A_2529 = arith.index_cast %get3A_2528 : i32 to index
      %get3A_2530 = arith.constant 0 : index
      %get3A_2531 = tpu.vector_load %arg9[%get3A_2529, %get3A_2530] {strides = array<i32>} : memref<32x128xf32, #tpu.memory_space<vmem>>, vector<16xf32>,
      %get3A_2532 = arith.constant 14 : i32
      %get3A_2533 = arith.index_cast %get3A_2532 : i32 to index
      %get3A_2534 = arith.constant 0 : index
      %get3A_2535 = tpu.vector_load %arg10[%get3A_2533, %get3A_2534] {strides = array<i32>} : memref<32x128xf32, #tpu.memory_space<vmem>>, vector<16xf32>,
      %mul3A_2536 = arith.mulf %get3A_2531, %get3A_2535 : vector<16xf32>
      %add3A_2537 = arith.addf %broadcast_in_dim3A_2527, %mul3A_2536 : vector<16xf32>
      %get3A_2538 = arith.constant 14 : i32
      %get3A_2539 = arith.index_cast %get3A_2538 : i32 to index
      %get3A_2540 = arith.constant 16 : index
      %get3A_2541 = tpu.vector_load %arg9[%get3A_2539, %get3A_2540] {strides = array<i32>} : memref<32x128xf32, #tpu.memory_space<vmem>>, vector<16xf32>,
      %get3A_2542 = arith.constant 14 : i32
      %get3A_2543 = arith.index_cast %get3A_2542 : i32 to index
      %get3A_2544 = arith.constant 16 : index
      %get3A_2545 = tpu.vector_load %arg10[%get3A_2543, %get3A_2544] {strides = array<i32>} : memref<32x128xf32, #tpu.memory_space<vmem>>, vector<16xf32>,
      %mul3A_2546 = arith.mulf %get3A_2541, %get3A_2545 : vector<16xf32>
      %add3A_2547 = arith.addf %add3A_2537, %mul3A_2546 : vector<16xf32>
      %get3A_2548 = arith.constant 14 : i32
      %get3A_2549 = arith.index_cast %get3A_2548 : i32 to index
      %get3A_2550 = arith.constant 32 : index
      %get3A_2551 = tpu.vector_load %arg9[%get3A_2549, %get3A_2550] {strides = array<i32>} : memref<32x128xf32, #tpu.memory_space<vmem>>, vector<16xf32>,
      %get3A_2552 = arith.constant 14 : i32
      %get3A_2553 = arith.index_cast %get3A_2552 : i32 to index
      %get3A_2554 = arith.constant 32 : index
      %get3A_2555 = tpu.vector_load %arg10[%get3A_2553, %get3A_2554] {strides = array<i32>} : memref<32x128xf32, #tpu.memory_space<vmem>>, vector<16xf32>,
      %mul3A_2556 = arith.mulf %get3A_2551, %get3A_2555 : vector<16xf32>
      %add3A_2557 = arith.addf %add3A_2547, %mul3A_2556 : vector<16xf32>
      %get3A_2558 = arith.constant 14 : i32
      %get3A_2559 = arith.index_cast %get3A_2558 : i32 to index
      %get3A_2560 = arith.constant 48 : index
      %get3A_2561 = tpu.vector_load %arg9[%get3A_2559, %get3A_2560] {strides = array<i32>} : memref<32x128xf32, #tpu.memory_space<vmem>>, vector<16xf32>,
      %get3A_2562 = arith.constant 14 : i32
      %get3A_2563 = arith.index_cast %get3A_2562 : i32 to index
      %get3A_2564 = arith.constant 48 : index
      %get3A_2565 = tpu.vector_load %arg10[%get3A_2563, %get3A_2564] {strides = array<i32>} : memref<32x128xf32, #tpu.memory_space<vmem>>, vector<16xf32>,
      %mul3A_2566 = arith.mulf %get3A_2561, %get3A_2565 : vector<16xf32>
      %add3A_2567 = arith.addf %add3A_2557, %mul3A_2566 : vector<16xf32>
      %reduce_sum3A_2568 = arith.constant true
      %reduce_sum3A_2569 = vector.broadcast %reduce_sum3A_2568 : i1 to vector<16xi1>
      %reduce_sum3A_2570 = tpu.scan <sum>, %add3A_2567 masked %reduce_sum3A_2569 : vector<16xf32>, vector<16xi1> -> vector<16xf32>
      %reduce_sum3A_2571 = vector.extract %reduce_sum3A_2570[15] : f32 from vector<16xf32>
      %eq3A_2572 = arith.constant 14 : i32
      %eq3A_2573 = vector.broadcast %eq3A_2572 : i32 to vector<16xi32>
      %eq3A_2574 = arith.cmpi eq, %iota3A, %eq3A_2573 : vector<16xi32>
      %broadcast_in_dim3A_2575 = vector.broadcast %reduce_sum3A_2571 : f32 to vector<16xf32>
      %select_n3A_2576 = arith.select %eq3A_2574, %broadcast_in_dim3A_2575, %select_n3A_2525 : vector<16xi1>, vector<16xf32>
      %broadcast_in_dim3A_2577 = arith.constant 0.000000e+00 : f32
      %broadcast_in_dim3A_2578 = vector.broadcast %broadcast_in_dim3A_2577 : f32 to vector<16xf32>
      %get3A_2579 = arith.constant 15 : i32
      %get3A_2580 = arith.index_cast %get3A_2579 : i32 to index
      %get3A_2581 = arith.constant 0 : index
      %get3A_2582 = tpu.vector_load %arg9[%get3A_2580, %get3A_2581] {strides = array<i32>} : memref<32x128xf32, #tpu.memory_space<vmem>>, vector<16xf32>,
      %get3A_2583 = arith.constant 15 : i32
      %get3A_2584 = arith.index_cast %get3A_2583 : i32 to index
      %get3A_2585 = arith.constant 0 : index
      %get3A_2586 = tpu.vector_load %arg10[%get3A_2584, %get3A_2585] {strides = array<i32>} : memref<32x128xf32, #tpu.memory_space<vmem>>, vector<16xf32>,
      %mul3A_2587 = arith.mulf %get3A_2582, %get3A_2586 : vector<16xf32>
      %add3A_2588 = arith.addf %broadcast_in_dim3A_2578, %mul3A_2587 : vector<16xf32>
      %get3A_2589 = arith.constant 15 : i32
      %get3A_2590 = arith.index_cast %get3A_2589 : i32 to index
      %get3A_2591 = arith.constant 16 : index
      %get3A_2592 = tpu.vector_load %arg9[%get3A_2590, %get3A_2591] {strides = array<i32>} : memref<32x128xf32, #tpu.memory_space<vmem>>, vector<16xf32>,
      %get3A_2593 = arith.constant 15 : i32
      %get3A_2594 = arith.index_cast %get3A_2593 : i32 to index
      %get3A_2595 = arith.constant 16 : index
      %get3A_2596 = tpu.vector_load %arg10[%get3A_2594, %get3A_2595] {strides = array<i32>} : memref<32x128xf32, #tpu.memory_space<vmem>>, vector<16xf32>,
      %mul3A_2597 = arith.mulf %get3A_2592, %get3A_2596 : vector<16xf32>
      %add3A_2598 = arith.addf %add3A_2588, %mul3A_2597 : vector<16xf32>
      %get3A_2599 = arith.constant 15 : i32
      %get3A_2600 = arith.index_cast %get3A_2599 : i32 to index
      %get3A_2601 = arith.constant 32 : index
      %get3A_2602 = tpu.vector_load %arg9[%get3A_2600, %get3A_2601] {strides = array<i32>} : memref<32x128xf32, #tpu.memory_space<vmem>>, vector<16xf32>,
      %get3A_2603 = arith.constant 15 : i32
      %get3A_2604 = arith.index_cast %get3A_2603 : i32 to index
      %get3A_2605 = arith.constant 32 : index
      %get3A_2606 = tpu.vector_load %arg10[%get3A_2604, %get3A_2605] {strides = array<i32>} : memref<32x128xf32, #tpu.memory_space<vmem>>, vector<16xf32>,
      %mul3A_2607 = arith.mulf %get3A_2602, %get3A_2606 : vector<16xf32>
      %add3A_2608 = arith.addf %add3A_2598, %mul3A_2607 : vector<16xf32>
      %get3A_2609 = arith.constant 15 : i32
      %get3A_2610 = arith.index_cast %get3A_2609 : i32 to index
      %get3A_2611 = arith.constant 48 : index
      %get3A_2612 = tpu.vector_load %arg9[%get3A_2610, %get3A_2611] {strides = array<i32>} : memref<32x128xf32, #tpu.memory_space<vmem>>, vector<16xf32>,
      %get3A_2613 = arith.constant 15 : i32
      %get3A_2614 = arith.index_cast %get3A_2613 : i32 to index
      %get3A_2615 = arith.constant 48 : index
      %get3A_2616 = tpu.vector_load %arg10[%get3A_2614, %get3A_2615] {strides = array<i32>} : memref<32x128xf32, #tpu.memory_space<vmem>>, vector<16xf32>,
      %mul3A_2617 = arith.mulf %get3A_2612, %get3A_2616 : vector<16xf32>
      %add3A_2618 = arith.addf %add3A_2608, %mul3A_2617 : vector<16xf32>
      %reduce_sum3A_2619 = arith.constant true
      %reduce_sum3A_2620 = vector.broadcast %reduce_sum3A_2619 : i1 to vector<16xi1>
      %reduce_sum3A_2621 = tpu.scan <sum>, %add3A_2618 masked %reduce_sum3A_2620 : vector<16xf32>, vector<16xi1> -> vector<16xf32>
      %reduce_sum3A_2622 = vector.extract %reduce_sum3A_2621[15] : f32 from vector<16xf32>
      %eq3A_2623 = arith.constant 15 : i32
      %eq3A_2624 = vector.broadcast %eq3A_2623 : i32 to vector<16xi32>
      %eq3A_2625 = arith.cmpi eq, %iota3A, %eq3A_2624 : vector<16xi32>
      %broadcast_in_dim3A_2626 = vector.broadcast %reduce_sum3A_2622 : f32 to vector<16xf32>
      %select_n3A_2627 = arith.select %eq3A_2625, %broadcast_in_dim3A_2626, %select_n3A_2576 : vector<16xi1>, vector<16xf32>
      %add3A_2628 = arith.constant 0 : i32
      %add3A_2629 = arith.addi %mul3A_10, %add3A_2628 : i32
      %swap3A = arith.index_cast %add3A_2629 : i32 to index
      %swap3A_2630 = tpu.vector_load %arg11[%swap3A] {strides = array<i32>} : memref<512xf32, #tpu.memory_space<vmem>>, vector<16xf32>,
      tpu.vector_store %arg11[%swap3A], %select_n3A_2627 {strides = array<i32>} : memref<512xf32, #tpu.memory_space<vmem>>, vector<16xf32>,
      %broadcast_in_dim3A_2631 = arith.constant 0.000000e+00 : f32
      %broadcast_in_dim3A_2632 = vector.broadcast %broadcast_in_dim3A_2631 : f32 to vector<16xf32>
      %broadcast_in_dim3A_2633 = arith.constant 0.000000e+00 : f32
      %broadcast_in_dim3A_2634 = vector.broadcast %broadcast_in_dim3A_2633 : f32 to vector<16xf32>
      %get3A_2635 = arith.constant 16 : i32
      %get3A_2636 = arith.index_cast %get3A_2635 : i32 to index
      %get3A_2637 = arith.constant 0 : index
      %get3A_2638 = tpu.vector_load %arg9[%get3A_2636, %get3A_2637] {strides = array<i32>} : memref<32x128xf32, #tpu.memory_space<vmem>>, vector<16xf32>,
      %get3A_2639 = arith.constant 16 : i32
      %get3A_2640 = arith.index_cast %get3A_2639 : i32 to index
      %get3A_2641 = arith.constant 0 : index
      %get3A_2642 = tpu.vector_load %arg10[%get3A_2640, %get3A_2641] {strides = array<i32>} : memref<32x128xf32, #tpu.memory_space<vmem>>, vector<16xf32>,
      %mul3A_2643 = arith.mulf %get3A_2638, %get3A_2642 : vector<16xf32>
      %add3A_2644 = arith.addf %broadcast_in_dim3A_2634, %mul3A_2643 : vector<16xf32>
      %get3A_2645 = arith.constant 16 : i32
      %get3A_2646 = arith.index_cast %get3A_2645 : i32 to index
      %get3A_2647 = arith.constant 16 : index
      %get3A_2648 = tpu.vector_load %arg9[%get3A_2646, %get3A_2647] {strides = array<i32>} : memref<32x128xf32, #tpu.memory_space<vmem>>, vector<16xf32>,
      %get3A_2649 = arith.constant 16 : i32
      %get3A_2650 = arith.index_cast %get3A_2649 : i32 to index
      %get3A_2651 = arith.constant 16 : index
      %get3A_2652 = tpu.vector_load %arg10[%get3A_2650, %get3A_2651] {strides = array<i32>} : memref<32x128xf32, #tpu.memory_space<vmem>>, vector<16xf32>,
      %mul3A_2653 = arith.mulf %get3A_2648, %get3A_2652 : vector<16xf32>
      %add3A_2654 = arith.addf %add3A_2644, %mul3A_2653 : vector<16xf32>
      %get3A_2655 = arith.constant 16 : i32
      %get3A_2656 = arith.index_cast %get3A_2655 : i32 to index
      %get3A_2657 = arith.constant 32 : index
      %get3A_2658 = tpu.vector_load %arg9[%get3A_2656, %get3A_2657] {strides = array<i32>} : memref<32x128xf32, #tpu.memory_space<vmem>>, vector<16xf32>,
      %get3A_2659 = arith.constant 16 : i32
      %get3A_2660 = arith.index_cast %get3A_2659 : i32 to index
      %get3A_2661 = arith.constant 32 : index
      %get3A_2662 = tpu.vector_load %arg10[%get3A_2660, %get3A_2661] {strides = array<i32>} : memref<32x128xf32, #tpu.memory_space<vmem>>, vector<16xf32>,
      %mul3A_2663 = arith.mulf %get3A_2658, %get3A_2662 : vector<16xf32>
      %add3A_2664 = arith.addf %add3A_2654, %mul3A_2663 : vector<16xf32>
      %get3A_2665 = arith.constant 16 : i32
      %get3A_2666 = arith.index_cast %get3A_2665 : i32 to index
      %get3A_2667 = arith.constant 48 : index
      %get3A_2668 = tpu.vector_load %arg9[%get3A_2666, %get3A_2667] {strides = array<i32>} : memref<32x128xf32, #tpu.memory_space<vmem>>, vector<16xf32>,
      %get3A_2669 = arith.constant 16 : i32
      %get3A_2670 = arith.index_cast %get3A_2669 : i32 to index
      %get3A_2671 = arith.constant 48 : index
      %get3A_2672 = tpu.vector_load %arg10[%get3A_2670, %get3A_2671] {strides = array<i32>} : memref<32x128xf32, #tpu.memory_space<vmem>>, vector<16xf32>,
      %mul3A_2673 = arith.mulf %get3A_2668, %get3A_2672 : vector<16xf32>
      %add3A_2674 = arith.addf %add3A_2664, %mul3A_2673 : vector<16xf32>
      %reduce_sum3A_2675 = arith.constant true
      %reduce_sum3A_2676 = vector.broadcast %reduce_sum3A_2675 : i1 to vector<16xi1>
      %reduce_sum3A_2677 = tpu.scan <sum>, %add3A_2674 masked %reduce_sum3A_2676 : vector<16xf32>, vector<16xi1> -> vector<16xf32>
      %reduce_sum3A_2678 = vector.extract %reduce_sum3A_2677[15] : f32 from vector<16xf32>
      %eq3A_2679 = arith.constant 0 : i32
      %eq3A_2680 = vector.broadcast %eq3A_2679 : i32 to vector<16xi32>
      %eq3A_2681 = arith.cmpi eq, %iota3A, %eq3A_2680 : vector<16xi32>
      %broadcast_in_dim3A_2682 = vector.broadcast %reduce_sum3A_2678 : f32 to vector<16xf32>
      %select_n3A_2683 = arith.select %eq3A_2681, %broadcast_in_dim3A_2682, %broadcast_in_dim3A_2632 : vector<16xi1>, vector<16xf32>
      %broadcast_in_dim3A_2684 = arith.constant 0.000000e+00 : f32
      %broadcast_in_dim3A_2685 = vector.broadcast %broadcast_in_dim3A_2684 : f32 to vector<16xf32>
      %get3A_2686 = arith.constant 17 : i32
      %get3A_2687 = arith.index_cast %get3A_2686 : i32 to index
      %get3A_2688 = arith.constant 0 : index
      %get3A_2689 = tpu.vector_load %arg9[%get3A_2687, %get3A_2688] {strides = array<i32>} : memref<32x128xf32, #tpu.memory_space<vmem>>, vector<16xf32>,
      %get3A_2690 = arith.constant 17 : i32
      %get3A_2691 = arith.index_cast %get3A_2690 : i32 to index
      %get3A_2692 = arith.constant 0 : index
      %get3A_2693 = tpu.vector_load %arg10[%get3A_2691, %get3A_2692] {strides = array<i32>} : memref<32x128xf32, #tpu.memory_space<vmem>>, vector<16xf32>,
      %mul3A_2694 = arith.mulf %get3A_2689, %get3A_2693 : vector<16xf32>
      %add3A_2695 = arith.addf %broadcast_in_dim3A_2685, %mul3A_2694 : vector<16xf32>
      %get3A_2696 = arith.constant 17 : i32
      %get3A_2697 = arith.index_cast %get3A_2696 : i32 to index
      %get3A_2698 = arith.constant 16 : index
      %get3A_2699 = tpu.vector_load %arg9[%get3A_2697, %get3A_2698] {strides = array<i32>} : memref<32x128xf32, #tpu.memory_space<vmem>>, vector<16xf32>,
      %get3A_2700 = arith.constant 17 : i32
      %get3A_2701 = arith.index_cast %get3A_2700 : i32 to index
      %get3A_2702 = arith.constant 16 : index
      %get3A_2703 = tpu.vector_load %arg10[%get3A_2701, %get3A_2702] {strides = array<i32>} : memref<32x128xf32, #tpu.memory_space<vmem>>, vector<16xf32>,
      %mul3A_2704 = arith.mulf %get3A_2699, %get3A_2703 : vector<16xf32>
      %add3A_2705 = arith.addf %add3A_2695, %mul3A_2704 : vector<16xf32>
      %get3A_2706 = arith.constant 17 : i32
      %get3A_2707 = arith.index_cast %get3A_2706 : i32 to index
      %get3A_2708 = arith.constant 32 : index
      %get3A_2709 = tpu.vector_load %arg9[%get3A_2707, %get3A_2708] {strides = array<i32>} : memref<32x128xf32, #tpu.memory_space<vmem>>, vector<16xf32>,
      %get3A_2710 = arith.constant 17 : i32
      %get3A_2711 = arith.index_cast %get3A_2710 : i32 to index
      %get3A_2712 = arith.constant 32 : index
      %get3A_2713 = tpu.vector_load %arg10[%get3A_2711, %get3A_2712] {strides = array<i32>} : memref<32x128xf32, #tpu.memory_space<vmem>>, vector<16xf32>,
      %mul3A_2714 = arith.mulf %get3A_2709, %get3A_2713 : vector<16xf32>
      %add3A_2715 = arith.addf %add3A_2705, %mul3A_2714 : vector<16xf32>
      %get3A_2716 = arith.constant 17 : i32
      %get3A_2717 = arith.index_cast %get3A_2716 : i32 to index
      %get3A_2718 = arith.constant 48 : index
      %get3A_2719 = tpu.vector_load %arg9[%get3A_2717, %get3A_2718] {strides = array<i32>} : memref<32x128xf32, #tpu.memory_space<vmem>>, vector<16xf32>,
      %get3A_2720 = arith.constant 17 : i32
      %get3A_2721 = arith.index_cast %get3A_2720 : i32 to index
      %get3A_2722 = arith.constant 48 : index
      %get3A_2723 = tpu.vector_load %arg10[%get3A_2721, %get3A_2722] {strides = array<i32>} : memref<32x128xf32, #tpu.memory_space<vmem>>, vector<16xf32>,
      %mul3A_2724 = arith.mulf %get3A_2719, %get3A_2723 : vector<16xf32>
      %add3A_2725 = arith.addf %add3A_2715, %mul3A_2724 : vector<16xf32>
      %reduce_sum3A_2726 = arith.constant true
      %reduce_sum3A_2727 = vector.broadcast %reduce_sum3A_2726 : i1 to vector<16xi1>
      %reduce_sum3A_2728 = tpu.scan <sum>, %add3A_2725 masked %reduce_sum3A_2727 : vector<16xf32>, vector<16xi1> -> vector<16xf32>
      %reduce_sum3A_2729 = vector.extract %reduce_sum3A_2728[15] : f32 from vector<16xf32>
      %eq3A_2730 = arith.constant 1 : i32
      %eq3A_2731 = vector.broadcast %eq3A_2730 : i32 to vector<16xi32>
      %eq3A_2732 = arith.cmpi eq, %iota3A, %eq3A_2731 : vector<16xi32>
      %broadcast_in_dim3A_2733 = vector.broadcast %reduce_sum3A_2729 : f32 to vector<16xf32>
      %select_n3A_2734 = arith.select %eq3A_2732, %broadcast_in_dim3A_2733, %select_n3A_2683 : vector<16xi1>, vector<16xf32>
      %broadcast_in_dim3A_2735 = arith.constant 0.000000e+00 : f32
      %broadcast_in_dim3A_2736 = vector.broadcast %broadcast_in_dim3A_2735 : f32 to vector<16xf32>
      %get3A_2737 = arith.constant 18 : i32
      %get3A_2738 = arith.index_cast %get3A_2737 : i32 to index
      %get3A_2739 = arith.constant 0 : index
      %get3A_2740 = tpu.vector_load %arg9[%get3A_2738, %get3A_2739] {strides = array<i32>} : memref<32x128xf32, #tpu.memory_space<vmem>>, vector<16xf32>,
      %get3A_2741 = arith.constant 18 : i32
      %get3A_2742 = arith.index_cast %get3A_2741 : i32 to index
      %get3A_2743 = arith.constant 0 : index
      %get3A_2744 = tpu.vector_load %arg10[%get3A_2742, %get3A_2743] {strides = array<i32>} : memref<32x128xf32, #tpu.memory_space<vmem>>, vector<16xf32>,
      %mul3A_2745 = arith.mulf %get3A_2740, %get3A_2744 : vector<16xf32>
      %add3A_2746 = arith.addf %broadcast_in_dim3A_2736, %mul3A_2745 : vector<16xf32>
      %get3A_2747 = arith.constant 18 : i32
      %get3A_2748 = arith.index_cast %get3A_2747 : i32 to index
      %get3A_2749 = arith.constant 16 : index
      %get3A_2750 = tpu.vector_load %arg9[%get3A_2748, %get3A_2749] {strides = array<i32>} : memref<32x128xf32, #tpu.memory_space<vmem>>, vector<16xf32>,
      %get3A_2751 = arith.constant 18 : i32
      %get3A_2752 = arith.index_cast %get3A_2751 : i32 to index
      %get3A_2753 = arith.constant 16 : index
      %get3A_2754 = tpu.vector_load %arg10[%get3A_2752, %get3A_2753] {strides = array<i32>} : memref<32x128xf32, #tpu.memory_space<vmem>>, vector<16xf32>,
      %mul3A_2755 = arith.mulf %get3A_2750, %get3A_2754 : vector<16xf32>
      %add3A_2756 = arith.addf %add3A_2746, %mul3A_2755 : vector<16xf32>
      %get3A_2757 = arith.constant 18 : i32
      %get3A_2758 = arith.index_cast %get3A_2757 : i32 to index
      %get3A_2759 = arith.constant 32 : index
      %get3A_2760 = tpu.vector_load %arg9[%get3A_2758, %get3A_2759] {strides = array<i32>} : memref<32x128xf32, #tpu.memory_space<vmem>>, vector<16xf32>,
      %get3A_2761 = arith.constant 18 : i32
      %get3A_2762 = arith.index_cast %get3A_2761 : i32 to index
      %get3A_2763 = arith.constant 32 : index
      %get3A_2764 = tpu.vector_load %arg10[%get3A_2762, %get3A_2763] {strides = array<i32>} : memref<32x128xf32, #tpu.memory_space<vmem>>, vector<16xf32>,
      %mul3A_2765 = arith.mulf %get3A_2760, %get3A_2764 : vector<16xf32>
      %add3A_2766 = arith.addf %add3A_2756, %mul3A_2765 : vector<16xf32>
      %get3A_2767 = arith.constant 18 : i32
      %get3A_2768 = arith.index_cast %get3A_2767 : i32 to index
      %get3A_2769 = arith.constant 48 : index
      %get3A_2770 = tpu.vector_load %arg9[%get3A_2768, %get3A_2769] {strides = array<i32>} : memref<32x128xf32, #tpu.memory_space<vmem>>, vector<16xf32>,
      %get3A_2771 = arith.constant 18 : i32
      %get3A_2772 = arith.index_cast %get3A_2771 : i32 to index
      %get3A_2773 = arith.constant 48 : index
      %get3A_2774 = tpu.vector_load %arg10[%get3A_2772, %get3A_2773] {strides = array<i32>} : memref<32x128xf32, #tpu.memory_space<vmem>>, vector<16xf32>,
      %mul3A_2775 = arith.mulf %get3A_2770, %get3A_2774 : vector<16xf32>
      %add3A_2776 = arith.addf %add3A_2766, %mul3A_2775 : vector<16xf32>
      %reduce_sum3A_2777 = arith.constant true
      %reduce_sum3A_2778 = vector.broadcast %reduce_sum3A_2777 : i1 to vector<16xi1>
      %reduce_sum3A_2779 = tpu.scan <sum>, %add3A_2776 masked %reduce_sum3A_2778 : vector<16xf32>, vector<16xi1> -> vector<16xf32>
      %reduce_sum3A_2780 = vector.extract %reduce_sum3A_2779[15] : f32 from vector<16xf32>
      %eq3A_2781 = arith.constant 2 : i32
      %eq3A_2782 = vector.broadcast %eq3A_2781 : i32 to vector<16xi32>
      %eq3A_2783 = arith.cmpi eq, %iota3A, %eq3A_2782 : vector<16xi32>
      %broadcast_in_dim3A_2784 = vector.broadcast %reduce_sum3A_2780 : f32 to vector<16xf32>
      %select_n3A_2785 = arith.select %eq3A_2783, %broadcast_in_dim3A_2784, %select_n3A_2734 : vector<16xi1>, vector<16xf32>
      %broadcast_in_dim3A_2786 = arith.constant 0.000000e+00 : f32
      %broadcast_in_dim3A_2787 = vector.broadcast %broadcast_in_dim3A_2786 : f32 to vector<16xf32>
      %get3A_2788 = arith.constant 19 : i32
      %get3A_2789 = arith.index_cast %get3A_2788 : i32 to index
      %get3A_2790 = arith.constant 0 : index
      %get3A_2791 = tpu.vector_load %arg9[%get3A_2789, %get3A_2790] {strides = array<i32>} : memref<32x128xf32, #tpu.memory_space<vmem>>, vector<16xf32>,
      %get3A_2792 = arith.constant 19 : i32
      %get3A_2793 = arith.index_cast %get3A_2792 : i32 to index
      %get3A_2794 = arith.constant 0 : index
      %get3A_2795 = tpu.vector_load %arg10[%get3A_2793, %get3A_2794] {strides = array<i32>} : memref<32x128xf32, #tpu.memory_space<vmem>>, vector<16xf32>,
      %mul3A_2796 = arith.mulf %get3A_2791, %get3A_2795 : vector<16xf32>
      %add3A_2797 = arith.addf %broadcast_in_dim3A_2787, %mul3A_2796 : vector<16xf32>
      %get3A_2798 = arith.constant 19 : i32
      %get3A_2799 = arith.index_cast %get3A_2798 : i32 to index
      %get3A_2800 = arith.constant 16 : index
      %get3A_2801 = tpu.vector_load %arg9[%get3A_2799, %get3A_2800] {strides = array<i32>} : memref<32x128xf32, #tpu.memory_space<vmem>>, vector<16xf32>,
      %get3A_2802 = arith.constant 19 : i32
      %get3A_2803 = arith.index_cast %get3A_2802 : i32 to index
      %get3A_2804 = arith.constant 16 : index
      %get3A_2805 = tpu.vector_load %arg10[%get3A_2803, %get3A_2804] {strides = array<i32>} : memref<32x128xf32, #tpu.memory_space<vmem>>, vector<16xf32>,
      %mul3A_2806 = arith.mulf %get3A_2801, %get3A_2805 : vector<16xf32>
      %add3A_2807 = arith.addf %add3A_2797, %mul3A_2806 : vector<16xf32>
      %get3A_2808 = arith.constant 19 : i32
      %get3A_2809 = arith.index_cast %get3A_2808 : i32 to index
      %get3A_2810 = arith.constant 32 : index
      %get3A_2811 = tpu.vector_load %arg9[%get3A_2809, %get3A_2810] {strides = array<i32>} : memref<32x128xf32, #tpu.memory_space<vmem>>, vector<16xf32>,
      %get3A_2812 = arith.constant 19 : i32
      %get3A_2813 = arith.index_cast %get3A_2812 : i32 to index
      %get3A_2814 = arith.constant 32 : index
      %get3A_2815 = tpu.vector_load %arg10[%get3A_2813, %get3A_2814] {strides = array<i32>} : memref<32x128xf32, #tpu.memory_space<vmem>>, vector<16xf32>,
      %mul3A_2816 = arith.mulf %get3A_2811, %get3A_2815 : vector<16xf32>
      %add3A_2817 = arith.addf %add3A_2807, %mul3A_2816 : vector<16xf32>
      %get3A_2818 = arith.constant 19 : i32
      %get3A_2819 = arith.index_cast %get3A_2818 : i32 to index
      %get3A_2820 = arith.constant 48 : index
      %get3A_2821 = tpu.vector_load %arg9[%get3A_2819, %get3A_2820] {strides = array<i32>} : memref<32x128xf32, #tpu.memory_space<vmem>>, vector<16xf32>,
      %get3A_2822 = arith.constant 19 : i32
      %get3A_2823 = arith.index_cast %get3A_2822 : i32 to index
      %get3A_2824 = arith.constant 48 : index
      %get3A_2825 = tpu.vector_load %arg10[%get3A_2823, %get3A_2824] {strides = array<i32>} : memref<32x128xf32, #tpu.memory_space<vmem>>, vector<16xf32>,
      %mul3A_2826 = arith.mulf %get3A_2821, %get3A_2825 : vector<16xf32>
      %add3A_2827 = arith.addf %add3A_2817, %mul3A_2826 : vector<16xf32>
      %reduce_sum3A_2828 = arith.constant true
      %reduce_sum3A_2829 = vector.broadcast %reduce_sum3A_2828 : i1 to vector<16xi1>
      %reduce_sum3A_2830 = tpu.scan <sum>, %add3A_2827 masked %reduce_sum3A_2829 : vector<16xf32>, vector<16xi1> -> vector<16xf32>
      %reduce_sum3A_2831 = vector.extract %reduce_sum3A_2830[15] : f32 from vector<16xf32>
      %eq3A_2832 = arith.constant 3 : i32
      %eq3A_2833 = vector.broadcast %eq3A_2832 : i32 to vector<16xi32>
      %eq3A_2834 = arith.cmpi eq, %iota3A, %eq3A_2833 : vector<16xi32>
      %broadcast_in_dim3A_2835 = vector.broadcast %reduce_sum3A_2831 : f32 to vector<16xf32>
      %select_n3A_2836 = arith.select %eq3A_2834, %broadcast_in_dim3A_2835, %select_n3A_2785 : vector<16xi1>, vector<16xf32>
      %broadcast_in_dim3A_2837 = arith.constant 0.000000e+00 : f32
      %broadcast_in_dim3A_2838 = vector.broadcast %broadcast_in_dim3A_2837 : f32 to vector<16xf32>
      %get3A_2839 = arith.constant 20 : i32
      %get3A_2840 = arith.index_cast %get3A_2839 : i32 to index
      %get3A_2841 = arith.constant 0 : index
      %get3A_2842 = tpu.vector_load %arg9[%get3A_2840, %get3A_2841] {strides = array<i32>} : memref<32x128xf32, #tpu.memory_space<vmem>>, vector<16xf32>,
      %get3A_2843 = arith.constant 20 : i32
      %get3A_2844 = arith.index_cast %get3A_2843 : i32 to index
      %get3A_2845 = arith.constant 0 : index
      %get3A_2846 = tpu.vector_load %arg10[%get3A_2844, %get3A_2845] {strides = array<i32>} : memref<32x128xf32, #tpu.memory_space<vmem>>, vector<16xf32>,
      %mul3A_2847 = arith.mulf %get3A_2842, %get3A_2846 : vector<16xf32>
      %add3A_2848 = arith.addf %broadcast_in_dim3A_2838, %mul3A_2847 : vector<16xf32>
      %get3A_2849 = arith.constant 20 : i32
      %get3A_2850 = arith.index_cast %get3A_2849 : i32 to index
      %get3A_2851 = arith.constant 16 : index
      %get3A_2852 = tpu.vector_load %arg9[%get3A_2850, %get3A_2851] {strides = array<i32>} : memref<32x128xf32, #tpu.memory_space<vmem>>, vector<16xf32>,
      %get3A_2853 = arith.constant 20 : i32
      %get3A_2854 = arith.index_cast %get3A_2853 : i32 to index
      %get3A_2855 = arith.constant 16 : index
      %get3A_2856 = tpu.vector_load %arg10[%get3A_2854, %get3A_2855] {strides = array<i32>} : memref<32x128xf32, #tpu.memory_space<vmem>>, vector<16xf32>,
      %mul3A_2857 = arith.mulf %get3A_2852, %get3A_2856 : vector<16xf32>
      %add3A_2858 = arith.addf %add3A_2848, %mul3A_2857 : vector<16xf32>
      %get3A_2859 = arith.constant 20 : i32
      %get3A_2860 = arith.index_cast %get3A_2859 : i32 to index
      %get3A_2861 = arith.constant 32 : index
      %get3A_2862 = tpu.vector_load %arg9[%get3A_2860, %get3A_2861] {strides = array<i32>} : memref<32x128xf32, #tpu.memory_space<vmem>>, vector<16xf32>,
      %get3A_2863 = arith.constant 20 : i32
      %get3A_2864 = arith.index_cast %get3A_2863 : i32 to index
      %get3A_2865 = arith.constant 32 : index
      %get3A_2866 = tpu.vector_load %arg10[%get3A_2864, %get3A_2865] {strides = array<i32>} : memref<32x128xf32, #tpu.memory_space<vmem>>, vector<16xf32>,
      %mul3A_2867 = arith.mulf %get3A_2862, %get3A_2866 : vector<16xf32>
      %add3A_2868 = arith.addf %add3A_2858, %mul3A_2867 : vector<16xf32>
      %get3A_2869 = arith.constant 20 : i32
      %get3A_2870 = arith.index_cast %get3A_2869 : i32 to index
      %get3A_2871 = arith.constant 48 : index
      %get3A_2872 = tpu.vector_load %arg9[%get3A_2870, %get3A_2871] {strides = array<i32>} : memref<32x128xf32, #tpu.memory_space<vmem>>, vector<16xf32>,
      %get3A_2873 = arith.constant 20 : i32
      %get3A_2874 = arith.index_cast %get3A_2873 : i32 to index
      %get3A_2875 = arith.constant 48 : index
      %get3A_2876 = tpu.vector_load %arg10[%get3A_2874, %get3A_2875] {strides = array<i32>} : memref<32x128xf32, #tpu.memory_space<vmem>>, vector<16xf32>,
      %mul3A_2877 = arith.mulf %get3A_2872, %get3A_2876 : vector<16xf32>
      %add3A_2878 = arith.addf %add3A_2868, %mul3A_2877 : vector<16xf32>
      %reduce_sum3A_2879 = arith.constant true
      %reduce_sum3A_2880 = vector.broadcast %reduce_sum3A_2879 : i1 to vector<16xi1>
      %reduce_sum3A_2881 = tpu.scan <sum>, %add3A_2878 masked %reduce_sum3A_2880 : vector<16xf32>, vector<16xi1> -> vector<16xf32>
      %reduce_sum3A_2882 = vector.extract %reduce_sum3A_2881[15] : f32 from vector<16xf32>
      %eq3A_2883 = arith.constant 4 : i32
      %eq3A_2884 = vector.broadcast %eq3A_2883 : i32 to vector<16xi32>
      %eq3A_2885 = arith.cmpi eq, %iota3A, %eq3A_2884 : vector<16xi32>
      %broadcast_in_dim3A_2886 = vector.broadcast %reduce_sum3A_2882 : f32 to vector<16xf32>
      %select_n3A_2887 = arith.select %eq3A_2885, %broadcast_in_dim3A_2886, %select_n3A_2836 : vector<16xi1>, vector<16xf32>
      %broadcast_in_dim3A_2888 = arith.constant 0.000000e+00 : f32
      %broadcast_in_dim3A_2889 = vector.broadcast %broadcast_in_dim3A_2888 : f32 to vector<16xf32>
      %get3A_2890 = arith.constant 21 : i32
      %get3A_2891 = arith.index_cast %get3A_2890 : i32 to index
      %get3A_2892 = arith.constant 0 : index
      %get3A_2893 = tpu.vector_load %arg9[%get3A_2891, %get3A_2892] {strides = array<i32>} : memref<32x128xf32, #tpu.memory_space<vmem>>, vector<16xf32>,
      %get3A_2894 = arith.constant 21 : i32
      %get3A_2895 = arith.index_cast %get3A_2894 : i32 to index
      %get3A_2896 = arith.constant 0 : index
      %get3A_2897 = tpu.vector_load %arg10[%get3A_2895, %get3A_2896] {strides = array<i32>} : memref<32x128xf32, #tpu.memory_space<vmem>>, vector<16xf32>,
      %mul3A_2898 = arith.mulf %get3A_2893, %get3A_2897 : vector<16xf32>
      %add3A_2899 = arith.addf %broadcast_in_dim3A_2889, %mul3A_2898 : vector<16xf32>
      %get3A_2900 = arith.constant 21 : i32
      %get3A_2901 = arith.index_cast %get3A_2900 : i32 to index
      %get3A_2902 = arith.constant 16 : index
      %get3A_2903 = tpu.vector_load %arg9[%get3A_2901, %get3A_2902] {strides = array<i32>} : memref<32x128xf32, #tpu.memory_space<vmem>>, vector<16xf32>,
      %get3A_2904 = arith.constant 21 : i32
      %get3A_2905 = arith.index_cast %get3A_2904 : i32 to index
      %get3A_2906 = arith.constant 16 : index
      %get3A_2907 = tpu.vector_load %arg10[%get3A_2905, %get3A_2906] {strides = array<i32>} : memref<32x128xf32, #tpu.memory_space<vmem>>, vector<16xf32>,
      %mul3A_2908 = arith.mulf %get3A_2903, %get3A_2907 : vector<16xf32>
      %add3A_2909 = arith.addf %add3A_2899, %mul3A_2908 : vector<16xf32>
      %get3A_2910 = arith.constant 21 : i32
      %get3A_2911 = arith.index_cast %get3A_2910 : i32 to index
      %get3A_2912 = arith.constant 32 : index
      %get3A_2913 = tpu.vector_load %arg9[%get3A_2911, %get3A_2912] {strides = array<i32>} : memref<32x128xf32, #tpu.memory_space<vmem>>, vector<16xf32>,
      %get3A_2914 = arith.constant 21 : i32
      %get3A_2915 = arith.index_cast %get3A_2914 : i32 to index
      %get3A_2916 = arith.constant 32 : index
      %get3A_2917 = tpu.vector_load %arg10[%get3A_2915, %get3A_2916] {strides = array<i32>} : memref<32x128xf32, #tpu.memory_space<vmem>>, vector<16xf32>,
      %mul3A_2918 = arith.mulf %get3A_2913, %get3A_2917 : vector<16xf32>
      %add3A_2919 = arith.addf %add3A_2909, %mul3A_2918 : vector<16xf32>
      %get3A_2920 = arith.constant 21 : i32
      %get3A_2921 = arith.index_cast %get3A_2920 : i32 to index
      %get3A_2922 = arith.constant 48 : index
      %get3A_2923 = tpu.vector_load %arg9[%get3A_2921, %get3A_2922] {strides = array<i32>} : memref<32x128xf32, #tpu.memory_space<vmem>>, vector<16xf32>,
      %get3A_2924 = arith.constant 21 : i32
      %get3A_2925 = arith.index_cast %get3A_2924 : i32 to index
      %get3A_2926 = arith.constant 48 : index
      %get3A_2927 = tpu.vector_load %arg10[%get3A_2925, %get3A_2926] {strides = array<i32>} : memref<32x128xf32, #tpu.memory_space<vmem>>, vector<16xf32>,
      %mul3A_2928 = arith.mulf %get3A_2923, %get3A_2927 : vector<16xf32>
      %add3A_2929 = arith.addf %add3A_2919, %mul3A_2928 : vector<16xf32>
      %reduce_sum3A_2930 = arith.constant true
      %reduce_sum3A_2931 = vector.broadcast %reduce_sum3A_2930 : i1 to vector<16xi1>
      %reduce_sum3A_2932 = tpu.scan <sum>, %add3A_2929 masked %reduce_sum3A_2931 : vector<16xf32>, vector<16xi1> -> vector<16xf32>
      %reduce_sum3A_2933 = vector.extract %reduce_sum3A_2932[15] : f32 from vector<16xf32>
      %eq3A_2934 = arith.constant 5 : i32
      %eq3A_2935 = vector.broadcast %eq3A_2934 : i32 to vector<16xi32>
      %eq3A_2936 = arith.cmpi eq, %iota3A, %eq3A_2935 : vector<16xi32>
      %broadcast_in_dim3A_2937 = vector.broadcast %reduce_sum3A_2933 : f32 to vector<16xf32>
      %select_n3A_2938 = arith.select %eq3A_2936, %broadcast_in_dim3A_2937, %select_n3A_2887 : vector<16xi1>, vector<16xf32>
      %broadcast_in_dim3A_2939 = arith.constant 0.000000e+00 : f32
      %broadcast_in_dim3A_2940 = vector.broadcast %broadcast_in_dim3A_2939 : f32 to vector<16xf32>
      %get3A_2941 = arith.constant 22 : i32
      %get3A_2942 = arith.index_cast %get3A_2941 : i32 to index
      %get3A_2943 = arith.constant 0 : index
      %get3A_2944 = tpu.vector_load %arg9[%get3A_2942, %get3A_2943] {strides = array<i32>} : memref<32x128xf32, #tpu.memory_space<vmem>>, vector<16xf32>,
      %get3A_2945 = arith.constant 22 : i32
      %get3A_2946 = arith.index_cast %get3A_2945 : i32 to index
      %get3A_2947 = arith.constant 0 : index
      %get3A_2948 = tpu.vector_load %arg10[%get3A_2946, %get3A_2947] {strides = array<i32>} : memref<32x128xf32, #tpu.memory_space<vmem>>, vector<16xf32>,
      %mul3A_2949 = arith.mulf %get3A_2944, %get3A_2948 : vector<16xf32>
      %add3A_2950 = arith.addf %broadcast_in_dim3A_2940, %mul3A_2949 : vector<16xf32>
      %get3A_2951 = arith.constant 22 : i32
      %get3A_2952 = arith.index_cast %get3A_2951 : i32 to index
      %get3A_2953 = arith.constant 16 : index
      %get3A_2954 = tpu.vector_load %arg9[%get3A_2952, %get3A_2953] {strides = array<i32>} : memref<32x128xf32, #tpu.memory_space<vmem>>, vector<16xf32>,
      %get3A_2955 = arith.constant 22 : i32
      %get3A_2956 = arith.index_cast %get3A_2955 : i32 to index
      %get3A_2957 = arith.constant 16 : index
      %get3A_2958 = tpu.vector_load %arg10[%get3A_2956, %get3A_2957] {strides = array<i32>} : memref<32x128xf32, #tpu.memory_space<vmem>>, vector<16xf32>,
      %mul3A_2959 = arith.mulf %get3A_2954, %get3A_2958 : vector<16xf32>
      %add3A_2960 = arith.addf %add3A_2950, %mul3A_2959 : vector<16xf32>
      %get3A_2961 = arith.constant 22 : i32
      %get3A_2962 = arith.index_cast %get3A_2961 : i32 to index
      %get3A_2963 = arith.constant 32 : index
      %get3A_2964 = tpu.vector_load %arg9[%get3A_2962, %get3A_2963] {strides = array<i32>} : memref<32x128xf32, #tpu.memory_space<vmem>>, vector<16xf32>,
      %get3A_2965 = arith.constant 22 : i32
      %get3A_2966 = arith.index_cast %get3A_2965 : i32 to index
      %get3A_2967 = arith.constant 32 : index
      %get3A_2968 = tpu.vector_load %arg10[%get3A_2966, %get3A_2967] {strides = array<i32>} : memref<32x128xf32, #tpu.memory_space<vmem>>, vector<16xf32>,
      %mul3A_2969 = arith.mulf %get3A_2964, %get3A_2968 : vector<16xf32>
      %add3A_2970 = arith.addf %add3A_2960, %mul3A_2969 : vector<16xf32>
      %get3A_2971 = arith.constant 22 : i32
      %get3A_2972 = arith.index_cast %get3A_2971 : i32 to index
      %get3A_2973 = arith.constant 48 : index
      %get3A_2974 = tpu.vector_load %arg9[%get3A_2972, %get3A_2973] {strides = array<i32>} : memref<32x128xf32, #tpu.memory_space<vmem>>, vector<16xf32>,
      %get3A_2975 = arith.constant 22 : i32
      %get3A_2976 = arith.index_cast %get3A_2975 : i32 to index
      %get3A_2977 = arith.constant 48 : index
      %get3A_2978 = tpu.vector_load %arg10[%get3A_2976, %get3A_2977] {strides = array<i32>} : memref<32x128xf32, #tpu.memory_space<vmem>>, vector<16xf32>,
      %mul3A_2979 = arith.mulf %get3A_2974, %get3A_2978 : vector<16xf32>
      %add3A_2980 = arith.addf %add3A_2970, %mul3A_2979 : vector<16xf32>
      %reduce_sum3A_2981 = arith.constant true
      %reduce_sum3A_2982 = vector.broadcast %reduce_sum3A_2981 : i1 to vector<16xi1>
      %reduce_sum3A_2983 = tpu.scan <sum>, %add3A_2980 masked %reduce_sum3A_2982 : vector<16xf32>, vector<16xi1> -> vector<16xf32>
      %reduce_sum3A_2984 = vector.extract %reduce_sum3A_2983[15] : f32 from vector<16xf32>
      %eq3A_2985 = arith.constant 6 : i32
      %eq3A_2986 = vector.broadcast %eq3A_2985 : i32 to vector<16xi32>
      %eq3A_2987 = arith.cmpi eq, %iota3A, %eq3A_2986 : vector<16xi32>
      %broadcast_in_dim3A_2988 = vector.broadcast %reduce_sum3A_2984 : f32 to vector<16xf32>
      %select_n3A_2989 = arith.select %eq3A_2987, %broadcast_in_dim3A_2988, %select_n3A_2938 : vector<16xi1>, vector<16xf32>
      %broadcast_in_dim3A_2990 = arith.constant 0.000000e+00 : f32
      %broadcast_in_dim3A_2991 = vector.broadcast %broadcast_in_dim3A_2990 : f32 to vector<16xf32>
      %get3A_2992 = arith.constant 23 : i32
      %get3A_2993 = arith.index_cast %get3A_2992 : i32 to index
      %get3A_2994 = arith.constant 0 : index
      %get3A_2995 = tpu.vector_load %arg9[%get3A_2993, %get3A_2994] {strides = array<i32>} : memref<32x128xf32, #tpu.memory_space<vmem>>, vector<16xf32>,
      %get3A_2996 = arith.constant 23 : i32
      %get3A_2997 = arith.index_cast %get3A_2996 : i32 to index
      %get3A_2998 = arith.constant 0 : index
      %get3A_2999 = tpu.vector_load %arg10[%get3A_2997, %get3A_2998] {strides = array<i32>} : memref<32x128xf32, #tpu.memory_space<vmem>>, vector<16xf32>,
      %mul3A_3000 = arith.mulf %get3A_2995, %get3A_2999 : vector<16xf32>
      %add3A_3001 = arith.addf %broadcast_in_dim3A_2991, %mul3A_3000 : vector<16xf32>
      %get3A_3002 = arith.constant 23 : i32
      %get3A_3003 = arith.index_cast %get3A_3002 : i32 to index
      %get3A_3004 = arith.constant 16 : index
      %get3A_3005 = tpu.vector_load %arg9[%get3A_3003, %get3A_3004] {strides = array<i32>} : memref<32x128xf32, #tpu.memory_space<vmem>>, vector<16xf32>,
      %get3A_3006 = arith.constant 23 : i32
      %get3A_3007 = arith.index_cast %get3A_3006 : i32 to index
      %get3A_3008 = arith.constant 16 : index
      %get3A_3009 = tpu.vector_load %arg10[%get3A_3007, %get3A_3008] {strides = array<i32>} : memref<32x128xf32, #tpu.memory_space<vmem>>, vector<16xf32>,
      %mul3A_3010 = arith.mulf %get3A_3005, %get3A_3009 : vector<16xf32>
      %add3A_3011 = arith.addf %add3A_3001, %mul3A_3010 : vector<16xf32>
      %get3A_3012 = arith.constant 23 : i32
      %get3A_3013 = arith.index_cast %get3A_3012 : i32 to index
      %get3A_3014 = arith.constant 32 : index
      %get3A_3015 = tpu.vector_load %arg9[%get3A_3013, %get3A_3014] {strides = array<i32>} : memref<32x128xf32, #tpu.memory_space<vmem>>, vector<16xf32>,
      %get3A_3016 = arith.constant 23 : i32
      %get3A_3017 = arith.index_cast %get3A_3016 : i32 to index
      %get3A_3018 = arith.constant 32 : index
      %get3A_3019 = tpu.vector_load %arg10[%get3A_3017, %get3A_3018] {strides = array<i32>} : memref<32x128xf32, #tpu.memory_space<vmem>>, vector<16xf32>,
      %mul3A_3020 = arith.mulf %get3A_3015, %get3A_3019 : vector<16xf32>
      %add3A_3021 = arith.addf %add3A_3011, %mul3A_3020 : vector<16xf32>
      %get3A_3022 = arith.constant 23 : i32
      %get3A_3023 = arith.index_cast %get3A_3022 : i32 to index
      %get3A_3024 = arith.constant 48 : index
      %get3A_3025 = tpu.vector_load %arg9[%get3A_3023, %get3A_3024] {strides = array<i32>} : memref<32x128xf32, #tpu.memory_space<vmem>>, vector<16xf32>,
      %get3A_3026 = arith.constant 23 : i32
      %get3A_3027 = arith.index_cast %get3A_3026 : i32 to index
      %get3A_3028 = arith.constant 48 : index
      %get3A_3029 = tpu.vector_load %arg10[%get3A_3027, %get3A_3028] {strides = array<i32>} : memref<32x128xf32, #tpu.memory_space<vmem>>, vector<16xf32>,
      %mul3A_3030 = arith.mulf %get3A_3025, %get3A_3029 : vector<16xf32>
      %add3A_3031 = arith.addf %add3A_3021, %mul3A_3030 : vector<16xf32>
      %reduce_sum3A_3032 = arith.constant true
      %reduce_sum3A_3033 = vector.broadcast %reduce_sum3A_3032 : i1 to vector<16xi1>
      %reduce_sum3A_3034 = tpu.scan <sum>, %add3A_3031 masked %reduce_sum3A_3033 : vector<16xf32>, vector<16xi1> -> vector<16xf32>
      %reduce_sum3A_3035 = vector.extract %reduce_sum3A_3034[15] : f32 from vector<16xf32>
      %eq3A_3036 = arith.constant 7 : i32
      %eq3A_3037 = vector.broadcast %eq3A_3036 : i32 to vector<16xi32>
      %eq3A_3038 = arith.cmpi eq, %iota3A, %eq3A_3037 : vector<16xi32>
      %broadcast_in_dim3A_3039 = vector.broadcast %reduce_sum3A_3035 : f32 to vector<16xf32>
      %select_n3A_3040 = arith.select %eq3A_3038, %broadcast_in_dim3A_3039, %select_n3A_2989 : vector<16xi1>, vector<16xf32>
      %broadcast_in_dim3A_3041 = arith.constant 0.000000e+00 : f32
      %broadcast_in_dim3A_3042 = vector.broadcast %broadcast_in_dim3A_3041 : f32 to vector<16xf32>
      %get3A_3043 = arith.constant 24 : i32
      %get3A_3044 = arith.index_cast %get3A_3043 : i32 to index
      %get3A_3045 = arith.constant 0 : index
      %get3A_3046 = tpu.vector_load %arg9[%get3A_3044, %get3A_3045] {strides = array<i32>} : memref<32x128xf32, #tpu.memory_space<vmem>>, vector<16xf32>,
      %get3A_3047 = arith.constant 24 : i32
      %get3A_3048 = arith.index_cast %get3A_3047 : i32 to index
      %get3A_3049 = arith.constant 0 : index
      %get3A_3050 = tpu.vector_load %arg10[%get3A_3048, %get3A_3049] {strides = array<i32>} : memref<32x128xf32, #tpu.memory_space<vmem>>, vector<16xf32>,
      %mul3A_3051 = arith.mulf %get3A_3046, %get3A_3050 : vector<16xf32>
      %add3A_3052 = arith.addf %broadcast_in_dim3A_3042, %mul3A_3051 : vector<16xf32>
      %get3A_3053 = arith.constant 24 : i32
      %get3A_3054 = arith.index_cast %get3A_3053 : i32 to index
      %get3A_3055 = arith.constant 16 : index
      %get3A_3056 = tpu.vector_load %arg9[%get3A_3054, %get3A_3055] {strides = array<i32>} : memref<32x128xf32, #tpu.memory_space<vmem>>, vector<16xf32>,
      %get3A_3057 = arith.constant 24 : i32
      %get3A_3058 = arith.index_cast %get3A_3057 : i32 to index
      %get3A_3059 = arith.constant 16 : index
      %get3A_3060 = tpu.vector_load %arg10[%get3A_3058, %get3A_3059] {strides = array<i32>} : memref<32x128xf32, #tpu.memory_space<vmem>>, vector<16xf32>,
      %mul3A_3061 = arith.mulf %get3A_3056, %get3A_3060 : vector<16xf32>
      %add3A_3062 = arith.addf %add3A_3052, %mul3A_3061 : vector<16xf32>
      %get3A_3063 = arith.constant 24 : i32
      %get3A_3064 = arith.index_cast %get3A_3063 : i32 to index
      %get3A_3065 = arith.constant 32 : index
      %get3A_3066 = tpu.vector_load %arg9[%get3A_3064, %get3A_3065] {strides = array<i32>} : memref<32x128xf32, #tpu.memory_space<vmem>>, vector<16xf32>,
      %get3A_3067 = arith.constant 24 : i32
      %get3A_3068 = arith.index_cast %get3A_3067 : i32 to index
      %get3A_3069 = arith.constant 32 : index
      %get3A_3070 = tpu.vector_load %arg10[%get3A_3068, %get3A_3069] {strides = array<i32>} : memref<32x128xf32, #tpu.memory_space<vmem>>, vector<16xf32>,
      %mul3A_3071 = arith.mulf %get3A_3066, %get3A_3070 : vector<16xf32>
      %add3A_3072 = arith.addf %add3A_3062, %mul3A_3071 : vector<16xf32>
      %get3A_3073 = arith.constant 24 : i32
      %get3A_3074 = arith.index_cast %get3A_3073 : i32 to index
      %get3A_3075 = arith.constant 48 : index
      %get3A_3076 = tpu.vector_load %arg9[%get3A_3074, %get3A_3075] {strides = array<i32>} : memref<32x128xf32, #tpu.memory_space<vmem>>, vector<16xf32>,
      %get3A_3077 = arith.constant 24 : i32
      %get3A_3078 = arith.index_cast %get3A_3077 : i32 to index
      %get3A_3079 = arith.constant 48 : index
      %get3A_3080 = tpu.vector_load %arg10[%get3A_3078, %get3A_3079] {strides = array<i32>} : memref<32x128xf32, #tpu.memory_space<vmem>>, vector<16xf32>,
      %mul3A_3081 = arith.mulf %get3A_3076, %get3A_3080 : vector<16xf32>
      %add3A_3082 = arith.addf %add3A_3072, %mul3A_3081 : vector<16xf32>
      %reduce_sum3A_3083 = arith.constant true
      %reduce_sum3A_3084 = vector.broadcast %reduce_sum3A_3083 : i1 to vector<16xi1>
      %reduce_sum3A_3085 = tpu.scan <sum>, %add3A_3082 masked %reduce_sum3A_3084 : vector<16xf32>, vector<16xi1> -> vector<16xf32>
      %reduce_sum3A_3086 = vector.extract %reduce_sum3A_3085[15] : f32 from vector<16xf32>
      %eq3A_3087 = arith.constant 8 : i32
      %eq3A_3088 = vector.broadcast %eq3A_3087 : i32 to vector<16xi32>
      %eq3A_3089 = arith.cmpi eq, %iota3A, %eq3A_3088 : vector<16xi32>
      %broadcast_in_dim3A_3090 = vector.broadcast %reduce_sum3A_3086 : f32 to vector<16xf32>
      %select_n3A_3091 = arith.select %eq3A_3089, %broadcast_in_dim3A_3090, %select_n3A_3040 : vector<16xi1>, vector<16xf32>
      %broadcast_in_dim3A_3092 = arith.constant 0.000000e+00 : f32
      %broadcast_in_dim3A_3093 = vector.broadcast %broadcast_in_dim3A_3092 : f32 to vector<16xf32>
      %get3A_3094 = arith.constant 25 : i32
      %get3A_3095 = arith.index_cast %get3A_3094 : i32 to index
      %get3A_3096 = arith.constant 0 : index
      %get3A_3097 = tpu.vector_load %arg9[%get3A_3095, %get3A_3096] {strides = array<i32>} : memref<32x128xf32, #tpu.memory_space<vmem>>, vector<16xf32>,
      %get3A_3098 = arith.constant 25 : i32
      %get3A_3099 = arith.index_cast %get3A_3098 : i32 to index
      %get3A_3100 = arith.constant 0 : index
      %get3A_3101 = tpu.vector_load %arg10[%get3A_3099, %get3A_3100] {strides = array<i32>} : memref<32x128xf32, #tpu.memory_space<vmem>>, vector<16xf32>,
      %mul3A_3102 = arith.mulf %get3A_3097, %get3A_3101 : vector<16xf32>
      %add3A_3103 = arith.addf %broadcast_in_dim3A_3093, %mul3A_3102 : vector<16xf32>
      %get3A_3104 = arith.constant 25 : i32
      %get3A_3105 = arith.index_cast %get3A_3104 : i32 to index
      %get3A_3106 = arith.constant 16 : index
      %get3A_3107 = tpu.vector_load %arg9[%get3A_3105, %get3A_3106] {strides = array<i32>} : memref<32x128xf32, #tpu.memory_space<vmem>>, vector<16xf32>,
      %get3A_3108 = arith.constant 25 : i32
      %get3A_3109 = arith.index_cast %get3A_3108 : i32 to index
      %get3A_3110 = arith.constant 16 : index
      %get3A_3111 = tpu.vector_load %arg10[%get3A_3109, %get3A_3110] {strides = array<i32>} : memref<32x128xf32, #tpu.memory_space<vmem>>, vector<16xf32>,
      %mul3A_3112 = arith.mulf %get3A_3107, %get3A_3111 : vector<16xf32>
      %add3A_3113 = arith.addf %add3A_3103, %mul3A_3112 : vector<16xf32>
      %get3A_3114 = arith.constant 25 : i32
      %get3A_3115 = arith.index_cast %get3A_3114 : i32 to index
      %get3A_3116 = arith.constant 32 : index
      %get3A_3117 = tpu.vector_load %arg9[%get3A_3115, %get3A_3116] {strides = array<i32>} : memref<32x128xf32, #tpu.memory_space<vmem>>, vector<16xf32>,
      %get3A_3118 = arith.constant 25 : i32
      %get3A_3119 = arith.index_cast %get3A_3118 : i32 to index
      %get3A_3120 = arith.constant 32 : index
      %get3A_3121 = tpu.vector_load %arg10[%get3A_3119, %get3A_3120] {strides = array<i32>} : memref<32x128xf32, #tpu.memory_space<vmem>>, vector<16xf32>,
      %mul3A_3122 = arith.mulf %get3A_3117, %get3A_3121 : vector<16xf32>
      %add3A_3123 = arith.addf %add3A_3113, %mul3A_3122 : vector<16xf32>
      %get3A_3124 = arith.constant 25 : i32
      %get3A_3125 = arith.index_cast %get3A_3124 : i32 to index
      %get3A_3126 = arith.constant 48 : index
      %get3A_3127 = tpu.vector_load %arg9[%get3A_3125, %get3A_3126] {strides = array<i32>} : memref<32x128xf32, #tpu.memory_space<vmem>>, vector<16xf32>,
      %get3A_3128 = arith.constant 25 : i32
      %get3A_3129 = arith.index_cast %get3A_3128 : i32 to index
      %get3A_3130 = arith.constant 48 : index
      %get3A_3131 = tpu.vector_load %arg10[%get3A_3129, %get3A_3130] {strides = array<i32>} : memref<32x128xf32, #tpu.memory_space<vmem>>, vector<16xf32>,
      %mul3A_3132 = arith.mulf %get3A_3127, %get3A_3131 : vector<16xf32>
      %add3A_3133 = arith.addf %add3A_3123, %mul3A_3132 : vector<16xf32>
      %reduce_sum3A_3134 = arith.constant true
      %reduce_sum3A_3135 = vector.broadcast %reduce_sum3A_3134 : i1 to vector<16xi1>
      %reduce_sum3A_3136 = tpu.scan <sum>, %add3A_3133 masked %reduce_sum3A_3135 : vector<16xf32>, vector<16xi1> -> vector<16xf32>
      %reduce_sum3A_3137 = vector.extract %reduce_sum3A_3136[15] : f32 from vector<16xf32>
      %eq3A_3138 = arith.constant 9 : i32
      %eq3A_3139 = vector.broadcast %eq3A_3138 : i32 to vector<16xi32>
      %eq3A_3140 = arith.cmpi eq, %iota3A, %eq3A_3139 : vector<16xi32>
      %broadcast_in_dim3A_3141 = vector.broadcast %reduce_sum3A_3137 : f32 to vector<16xf32>
      %select_n3A_3142 = arith.select %eq3A_3140, %broadcast_in_dim3A_3141, %select_n3A_3091 : vector<16xi1>, vector<16xf32>
      %broadcast_in_dim3A_3143 = arith.constant 0.000000e+00 : f32
      %broadcast_in_dim3A_3144 = vector.broadcast %broadcast_in_dim3A_3143 : f32 to vector<16xf32>
      %get3A_3145 = arith.constant 26 : i32
      %get3A_3146 = arith.index_cast %get3A_3145 : i32 to index
      %get3A_3147 = arith.constant 0 : index
      %get3A_3148 = tpu.vector_load %arg9[%get3A_3146, %get3A_3147] {strides = array<i32>} : memref<32x128xf32, #tpu.memory_space<vmem>>, vector<16xf32>,
      %get3A_3149 = arith.constant 26 : i32
      %get3A_3150 = arith.index_cast %get3A_3149 : i32 to index
      %get3A_3151 = arith.constant 0 : index
      %get3A_3152 = tpu.vector_load %arg10[%get3A_3150, %get3A_3151] {strides = array<i32>} : memref<32x128xf32, #tpu.memory_space<vmem>>, vector<16xf32>,
      %mul3A_3153 = arith.mulf %get3A_3148, %get3A_3152 : vector<16xf32>
      %add3A_3154 = arith.addf %broadcast_in_dim3A_3144, %mul3A_3153 : vector<16xf32>
      %get3A_3155 = arith.constant 26 : i32
      %get3A_3156 = arith.index_cast %get3A_3155 : i32 to index
      %get3A_3157 = arith.constant 16 : index
      %get3A_3158 = tpu.vector_load %arg9[%get3A_3156, %get3A_3157] {strides = array<i32>} : memref<32x128xf32, #tpu.memory_space<vmem>>, vector<16xf32>,
      %get3A_3159 = arith.constant 26 : i32
      %get3A_3160 = arith.index_cast %get3A_3159 : i32 to index
      %get3A_3161 = arith.constant 16 : index
      %get3A_3162 = tpu.vector_load %arg10[%get3A_3160, %get3A_3161] {strides = array<i32>} : memref<32x128xf32, #tpu.memory_space<vmem>>, vector<16xf32>,
      %mul3A_3163 = arith.mulf %get3A_3158, %get3A_3162 : vector<16xf32>
      %add3A_3164 = arith.addf %add3A_3154, %mul3A_3163 : vector<16xf32>
      %get3A_3165 = arith.constant 26 : i32
      %get3A_3166 = arith.index_cast %get3A_3165 : i32 to index
      %get3A_3167 = arith.constant 32 : index
      %get3A_3168 = tpu.vector_load %arg9[%get3A_3166, %get3A_3167] {strides = array<i32>} : memref<32x128xf32, #tpu.memory_space<vmem>>, vector<16xf32>,
      %get3A_3169 = arith.constant 26 : i32
      %get3A_3170 = arith.index_cast %get3A_3169 : i32 to index
      %get3A_3171 = arith.constant 32 : index
      %get3A_3172 = tpu.vector_load %arg10[%get3A_3170, %get3A_3171] {strides = array<i32>} : memref<32x128xf32, #tpu.memory_space<vmem>>, vector<16xf32>,
      %mul3A_3173 = arith.mulf %get3A_3168, %get3A_3172 : vector<16xf32>
      %add3A_3174 = arith.addf %add3A_3164, %mul3A_3173 : vector<16xf32>
      %get3A_3175 = arith.constant 26 : i32
      %get3A_3176 = arith.index_cast %get3A_3175 : i32 to index
      %get3A_3177 = arith.constant 48 : index
      %get3A_3178 = tpu.vector_load %arg9[%get3A_3176, %get3A_3177] {strides = array<i32>} : memref<32x128xf32, #tpu.memory_space<vmem>>, vector<16xf32>,
      %get3A_3179 = arith.constant 26 : i32
      %get3A_3180 = arith.index_cast %get3A_3179 : i32 to index
      %get3A_3181 = arith.constant 48 : index
      %get3A_3182 = tpu.vector_load %arg10[%get3A_3180, %get3A_3181] {strides = array<i32>} : memref<32x128xf32, #tpu.memory_space<vmem>>, vector<16xf32>,
      %mul3A_3183 = arith.mulf %get3A_3178, %get3A_3182 : vector<16xf32>
      %add3A_3184 = arith.addf %add3A_3174, %mul3A_3183 : vector<16xf32>
      %reduce_sum3A_3185 = arith.constant true
      %reduce_sum3A_3186 = vector.broadcast %reduce_sum3A_3185 : i1 to vector<16xi1>
      %reduce_sum3A_3187 = tpu.scan <sum>, %add3A_3184 masked %reduce_sum3A_3186 : vector<16xf32>, vector<16xi1> -> vector<16xf32>
      %reduce_sum3A_3188 = vector.extract %reduce_sum3A_3187[15] : f32 from vector<16xf32>
      %eq3A_3189 = arith.constant 10 : i32
      %eq3A_3190 = vector.broadcast %eq3A_3189 : i32 to vector<16xi32>
      %eq3A_3191 = arith.cmpi eq, %iota3A, %eq3A_3190 : vector<16xi32>
      %broadcast_in_dim3A_3192 = vector.broadcast %reduce_sum3A_3188 : f32 to vector<16xf32>
      %select_n3A_3193 = arith.select %eq3A_3191, %broadcast_in_dim3A_3192, %select_n3A_3142 : vector<16xi1>, vector<16xf32>
      %broadcast_in_dim3A_3194 = arith.constant 0.000000e+00 : f32
      %broadcast_in_dim3A_3195 = vector.broadcast %broadcast_in_dim3A_3194 : f32 to vector<16xf32>
      %get3A_3196 = arith.constant 27 : i32
      %get3A_3197 = arith.index_cast %get3A_3196 : i32 to index
      %get3A_3198 = arith.constant 0 : index
      %get3A_3199 = tpu.vector_load %arg9[%get3A_3197, %get3A_3198] {strides = array<i32>} : memref<32x128xf32, #tpu.memory_space<vmem>>, vector<16xf32>,
      %get3A_3200 = arith.constant 27 : i32
      %get3A_3201 = arith.index_cast %get3A_3200 : i32 to index
      %get3A_3202 = arith.constant 0 : index
      %get3A_3203 = tpu.vector_load %arg10[%get3A_3201, %get3A_3202] {strides = array<i32>} : memref<32x128xf32, #tpu.memory_space<vmem>>, vector<16xf32>,
      %mul3A_3204 = arith.mulf %get3A_3199, %get3A_3203 : vector<16xf32>
      %add3A_3205 = arith.addf %broadcast_in_dim3A_3195, %mul3A_3204 : vector<16xf32>
      %get3A_3206 = arith.constant 27 : i32
      %get3A_3207 = arith.index_cast %get3A_3206 : i32 to index
      %get3A_3208 = arith.constant 16 : index
      %get3A_3209 = tpu.vector_load %arg9[%get3A_3207, %get3A_3208] {strides = array<i32>} : memref<32x128xf32, #tpu.memory_space<vmem>>, vector<16xf32>,
      %get3A_3210 = arith.constant 27 : i32
      %get3A_3211 = arith.index_cast %get3A_3210 : i32 to index
      %get3A_3212 = arith.constant 16 : index
      %get3A_3213 = tpu.vector_load %arg10[%get3A_3211, %get3A_3212] {strides = array<i32>} : memref<32x128xf32, #tpu.memory_space<vmem>>, vector<16xf32>,
      %mul3A_3214 = arith.mulf %get3A_3209, %get3A_3213 : vector<16xf32>
      %add3A_3215 = arith.addf %add3A_3205, %mul3A_3214 : vector<16xf32>
      %get3A_3216 = arith.constant 27 : i32
      %get3A_3217 = arith.index_cast %get3A_3216 : i32 to index
      %get3A_3218 = arith.constant 32 : index
      %get3A_3219 = tpu.vector_load %arg9[%get3A_3217, %get3A_3218] {strides = array<i32>} : memref<32x128xf32, #tpu.memory_space<vmem>>, vector<16xf32>,
      %get3A_3220 = arith.constant 27 : i32
      %get3A_3221 = arith.index_cast %get3A_3220 : i32 to index
      %get3A_3222 = arith.constant 32 : index
      %get3A_3223 = tpu.vector_load %arg10[%get3A_3221, %get3A_3222] {strides = array<i32>} : memref<32x128xf32, #tpu.memory_space<vmem>>, vector<16xf32>,
      %mul3A_3224 = arith.mulf %get3A_3219, %get3A_3223 : vector<16xf32>
      %add3A_3225 = arith.addf %add3A_3215, %mul3A_3224 : vector<16xf32>
      %get3A_3226 = arith.constant 27 : i32
      %get3A_3227 = arith.index_cast %get3A_3226 : i32 to index
      %get3A_3228 = arith.constant 48 : index
      %get3A_3229 = tpu.vector_load %arg9[%get3A_3227, %get3A_3228] {strides = array<i32>} : memref<32x128xf32, #tpu.memory_space<vmem>>, vector<16xf32>,
      %get3A_3230 = arith.constant 27 : i32
      %get3A_3231 = arith.index_cast %get3A_3230 : i32 to index
      %get3A_3232 = arith.constant 48 : index
      %get3A_3233 = tpu.vector_load %arg10[%get3A_3231, %get3A_3232] {strides = array<i32>} : memref<32x128xf32, #tpu.memory_space<vmem>>, vector<16xf32>,
      %mul3A_3234 = arith.mulf %get3A_3229, %get3A_3233 : vector<16xf32>
      %add3A_3235 = arith.addf %add3A_3225, %mul3A_3234 : vector<16xf32>
      %reduce_sum3A_3236 = arith.constant true
      %reduce_sum3A_3237 = vector.broadcast %reduce_sum3A_3236 : i1 to vector<16xi1>
      %reduce_sum3A_3238 = tpu.scan <sum>, %add3A_3235 masked %reduce_sum3A_3237 : vector<16xf32>, vector<16xi1> -> vector<16xf32>
      %reduce_sum3A_3239 = vector.extract %reduce_sum3A_3238[15] : f32 from vector<16xf32>
      %eq3A_3240 = arith.constant 11 : i32
      %eq3A_3241 = vector.broadcast %eq3A_3240 : i32 to vector<16xi32>
      %eq3A_3242 = arith.cmpi eq, %iota3A, %eq3A_3241 : vector<16xi32>
      %broadcast_in_dim3A_3243 = vector.broadcast %reduce_sum3A_3239 : f32 to vector<16xf32>
      %select_n3A_3244 = arith.select %eq3A_3242, %broadcast_in_dim3A_3243, %select_n3A_3193 : vector<16xi1>, vector<16xf32>
      %broadcast_in_dim3A_3245 = arith.constant 0.000000e+00 : f32
      %broadcast_in_dim3A_3246 = vector.broadcast %broadcast_in_dim3A_3245 : f32 to vector<16xf32>
      %get3A_3247 = arith.constant 28 : i32
      %get3A_3248 = arith.index_cast %get3A_3247 : i32 to index
      %get3A_3249 = arith.constant 0 : index
      %get3A_3250 = tpu.vector_load %arg9[%get3A_3248, %get3A_3249] {strides = array<i32>} : memref<32x128xf32, #tpu.memory_space<vmem>>, vector<16xf32>,
      %get3A_3251 = arith.constant 28 : i32
      %get3A_3252 = arith.index_cast %get3A_3251 : i32 to index
      %get3A_3253 = arith.constant 0 : index
      %get3A_3254 = tpu.vector_load %arg10[%get3A_3252, %get3A_3253] {strides = array<i32>} : memref<32x128xf32, #tpu.memory_space<vmem>>, vector<16xf32>,
      %mul3A_3255 = arith.mulf %get3A_3250, %get3A_3254 : vector<16xf32>
      %add3A_3256 = arith.addf %broadcast_in_dim3A_3246, %mul3A_3255 : vector<16xf32>
      %get3A_3257 = arith.constant 28 : i32
      %get3A_3258 = arith.index_cast %get3A_3257 : i32 to index
      %get3A_3259 = arith.constant 16 : index
      %get3A_3260 = tpu.vector_load %arg9[%get3A_3258, %get3A_3259] {strides = array<i32>} : memref<32x128xf32, #tpu.memory_space<vmem>>, vector<16xf32>,
      %get3A_3261 = arith.constant 28 : i32
      %get3A_3262 = arith.index_cast %get3A_3261 : i32 to index
      %get3A_3263 = arith.constant 16 : index
      %get3A_3264 = tpu.vector_load %arg10[%get3A_3262, %get3A_3263] {strides = array<i32>} : memref<32x128xf32, #tpu.memory_space<vmem>>, vector<16xf32>,
      %mul3A_3265 = arith.mulf %get3A_3260, %get3A_3264 : vector<16xf32>
      %add3A_3266 = arith.addf %add3A_3256, %mul3A_3265 : vector<16xf32>
      %get3A_3267 = arith.constant 28 : i32
      %get3A_3268 = arith.index_cast %get3A_3267 : i32 to index
      %get3A_3269 = arith.constant 32 : index
      %get3A_3270 = tpu.vector_load %arg9[%get3A_3268, %get3A_3269] {strides = array<i32>} : memref<32x128xf32, #tpu.memory_space<vmem>>, vector<16xf32>,
      %get3A_3271 = arith.constant 28 : i32
      %get3A_3272 = arith.index_cast %get3A_3271 : i32 to index
      %get3A_3273 = arith.constant 32 : index
      %get3A_3274 = tpu.vector_load %arg10[%get3A_3272, %get3A_3273] {strides = array<i32>} : memref<32x128xf32, #tpu.memory_space<vmem>>, vector<16xf32>,
      %mul3A_3275 = arith.mulf %get3A_3270, %get3A_3274 : vector<16xf32>
      %add3A_3276 = arith.addf %add3A_3266, %mul3A_3275 : vector<16xf32>
      %get3A_3277 = arith.constant 28 : i32
      %get3A_3278 = arith.index_cast %get3A_3277 : i32 to index
      %get3A_3279 = arith.constant 48 : index
      %get3A_3280 = tpu.vector_load %arg9[%get3A_3278, %get3A_3279] {strides = array<i32>} : memref<32x128xf32, #tpu.memory_space<vmem>>, vector<16xf32>,
      %get3A_3281 = arith.constant 28 : i32
      %get3A_3282 = arith.index_cast %get3A_3281 : i32 to index
      %get3A_3283 = arith.constant 48 : index
      %get3A_3284 = tpu.vector_load %arg10[%get3A_3282, %get3A_3283] {strides = array<i32>} : memref<32x128xf32, #tpu.memory_space<vmem>>, vector<16xf32>,
      %mul3A_3285 = arith.mulf %get3A_3280, %get3A_3284 : vector<16xf32>
      %add3A_3286 = arith.addf %add3A_3276, %mul3A_3285 : vector<16xf32>
      %reduce_sum3A_3287 = arith.constant true
      %reduce_sum3A_3288 = vector.broadcast %reduce_sum3A_3287 : i1 to vector<16xi1>
      %reduce_sum3A_3289 = tpu.scan <sum>, %add3A_3286 masked %reduce_sum3A_3288 : vector<16xf32>, vector<16xi1> -> vector<16xf32>
      %reduce_sum3A_3290 = vector.extract %reduce_sum3A_3289[15] : f32 from vector<16xf32>
      %eq3A_3291 = arith.constant 12 : i32
      %eq3A_3292 = vector.broadcast %eq3A_3291 : i32 to vector<16xi32>
      %eq3A_3293 = arith.cmpi eq, %iota3A, %eq3A_3292 : vector<16xi32>
      %broadcast_in_dim3A_3294 = vector.broadcast %reduce_sum3A_3290 : f32 to vector<16xf32>
      %select_n3A_3295 = arith.select %eq3A_3293, %broadcast_in_dim3A_3294, %select_n3A_3244 : vector<16xi1>, vector<16xf32>
      %broadcast_in_dim3A_3296 = arith.constant 0.000000e+00 : f32
      %broadcast_in_dim3A_3297 = vector.broadcast %broadcast_in_dim3A_3296 : f32 to vector<16xf32>
      %get3A_3298 = arith.constant 29 : i32
      %get3A_3299 = arith.index_cast %get3A_3298 : i32 to index
      %get3A_3300 = arith.constant 0 : index
      %get3A_3301 = tpu.vector_load %arg9[%get3A_3299, %get3A_3300] {strides = array<i32>} : memref<32x128xf32, #tpu.memory_space<vmem>>, vector<16xf32>,
      %get3A_3302 = arith.constant 29 : i32
      %get3A_3303 = arith.index_cast %get3A_3302 : i32 to index
      %get3A_3304 = arith.constant 0 : index
      %get3A_3305 = tpu.vector_load %arg10[%get3A_3303, %get3A_3304] {strides = array<i32>} : memref<32x128xf32, #tpu.memory_space<vmem>>, vector<16xf32>,
      %mul3A_3306 = arith.mulf %get3A_3301, %get3A_3305 : vector<16xf32>
      %add3A_3307 = arith.addf %broadcast_in_dim3A_3297, %mul3A_3306 : vector<16xf32>
      %get3A_3308 = arith.constant 29 : i32
      %get3A_3309 = arith.index_cast %get3A_3308 : i32 to index
      %get3A_3310 = arith.constant 16 : index
      %get3A_3311 = tpu.vector_load %arg9[%get3A_3309, %get3A_3310] {strides = array<i32>} : memref<32x128xf32, #tpu.memory_space<vmem>>, vector<16xf32>,
      %get3A_3312 = arith.constant 29 : i32
      %get3A_3313 = arith.index_cast %get3A_3312 : i32 to index
      %get3A_3314 = arith.constant 16 : index
      %get3A_3315 = tpu.vector_load %arg10[%get3A_3313, %get3A_3314] {strides = array<i32>} : memref<32x128xf32, #tpu.memory_space<vmem>>, vector<16xf32>,
      %mul3A_3316 = arith.mulf %get3A_3311, %get3A_3315 : vector<16xf32>
      %add3A_3317 = arith.addf %add3A_3307, %mul3A_3316 : vector<16xf32>
      %get3A_3318 = arith.constant 29 : i32
      %get3A_3319 = arith.index_cast %get3A_3318 : i32 to index
      %get3A_3320 = arith.constant 32 : index
      %get3A_3321 = tpu.vector_load %arg9[%get3A_3319, %get3A_3320] {strides = array<i32>} : memref<32x128xf32, #tpu.memory_space<vmem>>, vector<16xf32>,
      %get3A_3322 = arith.constant 29 : i32
      %get3A_3323 = arith.index_cast %get3A_3322 : i32 to index
      %get3A_3324 = arith.constant 32 : index
      %get3A_3325 = tpu.vector_load %arg10[%get3A_3323, %get3A_3324] {strides = array<i32>} : memref<32x128xf32, #tpu.memory_space<vmem>>, vector<16xf32>,
      %mul3A_3326 = arith.mulf %get3A_3321, %get3A_3325 : vector<16xf32>
      %add3A_3327 = arith.addf %add3A_3317, %mul3A_3326 : vector<16xf32>
      %get3A_3328 = arith.constant 29 : i32
      %get3A_3329 = arith.index_cast %get3A_3328 : i32 to index
      %get3A_3330 = arith.constant 48 : index
      %get3A_3331 = tpu.vector_load %arg9[%get3A_3329, %get3A_3330] {strides = array<i32>} : memref<32x128xf32, #tpu.memory_space<vmem>>, vector<16xf32>,
      %get3A_3332 = arith.constant 29 : i32
      %get3A_3333 = arith.index_cast %get3A_3332 : i32 to index
      %get3A_3334 = arith.constant 48 : index
      %get3A_3335 = tpu.vector_load %arg10[%get3A_3333, %get3A_3334] {strides = array<i32>} : memref<32x128xf32, #tpu.memory_space<vmem>>, vector<16xf32>,
      %mul3A_3336 = arith.mulf %get3A_3331, %get3A_3335 : vector<16xf32>
      %add3A_3337 = arith.addf %add3A_3327, %mul3A_3336 : vector<16xf32>
      %reduce_sum3A_3338 = arith.constant true
      %reduce_sum3A_3339 = vector.broadcast %reduce_sum3A_3338 : i1 to vector<16xi1>
      %reduce_sum3A_3340 = tpu.scan <sum>, %add3A_3337 masked %reduce_sum3A_3339 : vector<16xf32>, vector<16xi1> -> vector<16xf32>
      %reduce_sum3A_3341 = vector.extract %reduce_sum3A_3340[15] : f32 from vector<16xf32>
      %eq3A_3342 = arith.constant 13 : i32
      %eq3A_3343 = vector.broadcast %eq3A_3342 : i32 to vector<16xi32>
      %eq3A_3344 = arith.cmpi eq, %iota3A, %eq3A_3343 : vector<16xi32>
      %broadcast_in_dim3A_3345 = vector.broadcast %reduce_sum3A_3341 : f32 to vector<16xf32>
      %select_n3A_3346 = arith.select %eq3A_3344, %broadcast_in_dim3A_3345, %select_n3A_3295 : vector<16xi1>, vector<16xf32>
      %broadcast_in_dim3A_3347 = arith.constant 0.000000e+00 : f32
      %broadcast_in_dim3A_3348 = vector.broadcast %broadcast_in_dim3A_3347 : f32 to vector<16xf32>
      %get3A_3349 = arith.constant 30 : i32
      %get3A_3350 = arith.index_cast %get3A_3349 : i32 to index
      %get3A_3351 = arith.constant 0 : index
      %get3A_3352 = tpu.vector_load %arg9[%get3A_3350, %get3A_3351] {strides = array<i32>} : memref<32x128xf32, #tpu.memory_space<vmem>>, vector<16xf32>,
      %get3A_3353 = arith.constant 30 : i32
      %get3A_3354 = arith.index_cast %get3A_3353 : i32 to index
      %get3A_3355 = arith.constant 0 : index
      %get3A_3356 = tpu.vector_load %arg10[%get3A_3354, %get3A_3355] {strides = array<i32>} : memref<32x128xf32, #tpu.memory_space<vmem>>, vector<16xf32>,
      %mul3A_3357 = arith.mulf %get3A_3352, %get3A_3356 : vector<16xf32>
      %add3A_3358 = arith.addf %broadcast_in_dim3A_3348, %mul3A_3357 : vector<16xf32>
      %get3A_3359 = arith.constant 30 : i32
      %get3A_3360 = arith.index_cast %get3A_3359 : i32 to index
      %get3A_3361 = arith.constant 16 : index
      %get3A_3362 = tpu.vector_load %arg9[%get3A_3360, %get3A_3361] {strides = array<i32>} : memref<32x128xf32, #tpu.memory_space<vmem>>, vector<16xf32>,
      %get3A_3363 = arith.constant 30 : i32
      %get3A_3364 = arith.index_cast %get3A_3363 : i32 to index
      %get3A_3365 = arith.constant 16 : index
      %get3A_3366 = tpu.vector_load %arg10[%get3A_3364, %get3A_3365] {strides = array<i32>} : memref<32x128xf32, #tpu.memory_space<vmem>>, vector<16xf32>,
      %mul3A_3367 = arith.mulf %get3A_3362, %get3A_3366 : vector<16xf32>
      %add3A_3368 = arith.addf %add3A_3358, %mul3A_3367 : vector<16xf32>
      %get3A_3369 = arith.constant 30 : i32
      %get3A_3370 = arith.index_cast %get3A_3369 : i32 to index
      %get3A_3371 = arith.constant 32 : index
      %get3A_3372 = tpu.vector_load %arg9[%get3A_3370, %get3A_3371] {strides = array<i32>} : memref<32x128xf32, #tpu.memory_space<vmem>>, vector<16xf32>,
      %get3A_3373 = arith.constant 30 : i32
      %get3A_3374 = arith.index_cast %get3A_3373 : i32 to index
      %get3A_3375 = arith.constant 32 : index
      %get3A_3376 = tpu.vector_load %arg10[%get3A_3374, %get3A_3375] {strides = array<i32>} : memref<32x128xf32, #tpu.memory_space<vmem>>, vector<16xf32>,
      %mul3A_3377 = arith.mulf %get3A_3372, %get3A_3376 : vector<16xf32>
      %add3A_3378 = arith.addf %add3A_3368, %mul3A_3377 : vector<16xf32>
      %get3A_3379 = arith.constant 30 : i32
      %get3A_3380 = arith.index_cast %get3A_3379 : i32 to index
      %get3A_3381 = arith.constant 48 : index
      %get3A_3382 = tpu.vector_load %arg9[%get3A_3380, %get3A_3381] {strides = array<i32>} : memref<32x128xf32, #tpu.memory_space<vmem>>, vector<16xf32>,
      %get3A_3383 = arith.constant 30 : i32
      %get3A_3384 = arith.index_cast %get3A_3383 : i32 to index
      %get3A_3385 = arith.constant 48 : index
      %get3A_3386 = tpu.vector_load %arg10[%get3A_3384, %get3A_3385] {strides = array<i32>} : memref<32x128xf32, #tpu.memory_space<vmem>>, vector<16xf32>,
      %mul3A_3387 = arith.mulf %get3A_3382, %get3A_3386 : vector<16xf32>
      %add3A_3388 = arith.addf %add3A_3378, %mul3A_3387 : vector<16xf32>
      %reduce_sum3A_3389 = arith.constant true
      %reduce_sum3A_3390 = vector.broadcast %reduce_sum3A_3389 : i1 to vector<16xi1>
      %reduce_sum3A_3391 = tpu.scan <sum>, %add3A_3388 masked %reduce_sum3A_3390 : vector<16xf32>, vector<16xi1> -> vector<16xf32>
      %reduce_sum3A_3392 = vector.extract %reduce_sum3A_3391[15] : f32 from vector<16xf32>
      %eq3A_3393 = arith.constant 14 : i32
      %eq3A_3394 = vector.broadcast %eq3A_3393 : i32 to vector<16xi32>
      %eq3A_3395 = arith.cmpi eq, %iota3A, %eq3A_3394 : vector<16xi32>
      %broadcast_in_dim3A_3396 = vector.broadcast %reduce_sum3A_3392 : f32 to vector<16xf32>
      %select_n3A_3397 = arith.select %eq3A_3395, %broadcast_in_dim3A_3396, %select_n3A_3346 : vector<16xi1>, vector<16xf32>
      %broadcast_in_dim3A_3398 = arith.constant 0.000000e+00 : f32
      %broadcast_in_dim3A_3399 = vector.broadcast %broadcast_in_dim3A_3398 : f32 to vector<16xf32>
      %get3A_3400 = arith.constant 31 : i32
      %get3A_3401 = arith.index_cast %get3A_3400 : i32 to index
      %get3A_3402 = arith.constant 0 : index
      %get3A_3403 = tpu.vector_load %arg9[%get3A_3401, %get3A_3402] {strides = array<i32>} : memref<32x128xf32, #tpu.memory_space<vmem>>, vector<16xf32>,
      %get3A_3404 = arith.constant 31 : i32
      %get3A_3405 = arith.index_cast %get3A_3404 : i32 to index
      %get3A_3406 = arith.constant 0 : index
      %get3A_3407 = tpu.vector_load %arg10[%get3A_3405, %get3A_3406] {strides = array<i32>} : memref<32x128xf32, #tpu.memory_space<vmem>>, vector<16xf32>,
      %mul3A_3408 = arith.mulf %get3A_3403, %get3A_3407 : vector<16xf32>
      %add3A_3409 = arith.addf %broadcast_in_dim3A_3399, %mul3A_3408 : vector<16xf32>
      %get3A_3410 = arith.constant 31 : i32
      %get3A_3411 = arith.index_cast %get3A_3410 : i32 to index
      %get3A_3412 = arith.constant 16 : index
      %get3A_3413 = tpu.vector_load %arg9[%get3A_3411, %get3A_3412] {strides = array<i32>} : memref<32x128xf32, #tpu.memory_space<vmem>>, vector<16xf32>,
      %get3A_3414 = arith.constant 31 : i32
      %get3A_3415 = arith.index_cast %get3A_3414 : i32 to index
      %get3A_3416 = arith.constant 16 : index
      %get3A_3417 = tpu.vector_load %arg10[%get3A_3415, %get3A_3416] {strides = array<i32>} : memref<32x128xf32, #tpu.memory_space<vmem>>, vector<16xf32>,
      %mul3A_3418 = arith.mulf %get3A_3413, %get3A_3417 : vector<16xf32>
      %add3A_3419 = arith.addf %add3A_3409, %mul3A_3418 : vector<16xf32>
      %get3A_3420 = arith.constant 31 : i32
      %get3A_3421 = arith.index_cast %get3A_3420 : i32 to index
      %get3A_3422 = arith.constant 32 : index
      %get3A_3423 = tpu.vector_load %arg9[%get3A_3421, %get3A_3422] {strides = array<i32>} : memref<32x128xf32, #tpu.memory_space<vmem>>, vector<16xf32>,
      %get3A_3424 = arith.constant 31 : i32
      %get3A_3425 = arith.index_cast %get3A_3424 : i32 to index
      %get3A_3426 = arith.constant 32 : index
      %get3A_3427 = tpu.vector_load %arg10[%get3A_3425, %get3A_3426] {strides = array<i32>} : memref<32x128xf32, #tpu.memory_space<vmem>>, vector<16xf32>,
      %mul3A_3428 = arith.mulf %get3A_3423, %get3A_3427 : vector<16xf32>
      %add3A_3429 = arith.addf %add3A_3419, %mul3A_3428 : vector<16xf32>
      %get3A_3430 = arith.constant 31 : i32
      %get3A_3431 = arith.index_cast %get3A_3430 : i32 to index
      %get3A_3432 = arith.constant 48 : index
      %get3A_3433 = tpu.vector_load %arg9[%get3A_3431, %get3A_3432] {strides = array<i32>} : memref<32x128xf32, #tpu.memory_space<vmem>>, vector<16xf32>,
      %get3A_3434 = arith.constant 31 : i32
      %get3A_3435 = arith.index_cast %get3A_3434 : i32 to index
      %get3A_3436 = arith.constant 48 : index
      %get3A_3437 = tpu.vector_load %arg10[%get3A_3435, %get3A_3436] {strides = array<i32>} : memref<32x128xf32, #tpu.memory_space<vmem>>, vector<16xf32>,
      %mul3A_3438 = arith.mulf %get3A_3433, %get3A_3437 : vector<16xf32>
      %add3A_3439 = arith.addf %add3A_3429, %mul3A_3438 : vector<16xf32>
      %reduce_sum3A_3440 = arith.constant true
      %reduce_sum3A_3441 = vector.broadcast %reduce_sum3A_3440 : i1 to vector<16xi1>
      %reduce_sum3A_3442 = tpu.scan <sum>, %add3A_3439 masked %reduce_sum3A_3441 : vector<16xf32>, vector<16xi1> -> vector<16xf32>
      %reduce_sum3A_3443 = vector.extract %reduce_sum3A_3442[15] : f32 from vector<16xf32>
      %eq3A_3444 = arith.constant 15 : i32
      %eq3A_3445 = vector.broadcast %eq3A_3444 : i32 to vector<16xi32>
      %eq3A_3446 = arith.cmpi eq, %iota3A, %eq3A_3445 : vector<16xi32>
      %broadcast_in_dim3A_3447 = vector.broadcast %reduce_sum3A_3443 : f32 to vector<16xf32>
      %select_n3A_3448 = arith.select %eq3A_3446, %broadcast_in_dim3A_3447, %select_n3A_3397 : vector<16xi1>, vector<16xf32>
      %add3A_3449 = arith.constant 16 : i32
      %add3A_3450 = arith.addi %mul3A_10, %add3A_3449 : i32
      %swap3A_3451 = arith.index_cast %add3A_3450 : i32 to index
      %swap3A_3452 = tpu.vector_load %arg11[%swap3A_3451] {strides = array<i32>} : memref<512xf32, #tpu.memory_space<vmem>>, vector<16xf32>,
      tpu.vector_store %arg11[%swap3A_3451], %select_n3A_3448 {strides = array<i32>} : memref<512xf32, #tpu.memory_space<vmem>>, vector<16xf32>,
    }
    %scan3A_7 = arith.constant 16 : i32
    "tpu.region"() ({
      %run_scoped3A = tpu.sem_alloc : memref<!tpu.dma_semaphore, #tpu.memory_space<semaphore_mem>>
      %dma_start3A = tpu.memref_slice %arg6[%mul3A_2] : memref<16384xf32, #tpu.memory_space<hbm>> -> memref<512xf32, #tpu.memory_space<hbm>>
      %dma_start3A_8 = tpu.memref_slice %arg6[%mul3A_2] : memref<16384xf32, #tpu.memory_space<hbm>> -> memref<512xf32, #tpu.memory_space<hbm>>
      tpu.enqueue_dma source(%arg11 : memref<512xf32, #tpu.memory_space<vmem>>) target(%dma_start3A_8 : memref<512xf32, #tpu.memory_space<hbm>>) target_semaphore(%run_scoped3A : memref<!tpu.dma_semaphore, #tpu.memory_space<semaphore_mem>>)
      %dma_wait3A = tpu.memref_slice %arg6[%mul3A_2] : memref<16384xf32, #tpu.memory_space<hbm>> -> memref<512xf32, #tpu.memory_space<hbm>>
      %dma_wait3A_9 = tpu.memref_slice %arg6[%mul3A_2] : memref<16384xf32, #tpu.memory_space<hbm>> -> memref<512xf32, #tpu.memory_space<hbm>>
      tpu.wait_dma2 semaphore(%run_scoped3A : memref<!tpu.dma_semaphore, #tpu.memory_space<semaphore_mem>>) src(%arg11 : memref<512xf32, #tpu.memory_space<vmem>>) dst(%dma_wait3A_9 : memref<512xf32, #tpu.memory_space<hbm>>)
      tpu.yield
    }) : () -> ()
    return
  }
}

</mosaic_0001>

<sc_bundles>
// kernel: _sc_call.3.cloned.1.call-start
scs
__scs_entry_jumppad:
0x0: {  	(pc) =	sbr.rel $0x88, $3  }
0x1: {  	(tag) =	ssettag $0x0;
	lr =	simm.s32 $0x1  }
0x2: {  	[smem:$0x3F9D] =	sst lr;
	_ =	strace $0xD0000000  }
0x3: {  	_ = 	snop  }
0x4: {  	_ = 	snop  }
0x5: {  	_ = 	snop  }
0x6: {  	_ = 	snop  }
0x7: {  	_ = 	snop  }
__scs_overlays_trampoline_lowered:
0x8: {  	[smem:$0x3FAC] =	sst s0  }
0x9: {  	[smem:$0x3FAD] =	sst s1  }
0xa: {  	[smem:$0x3FAE] =	sst s2  }
0xb: {  	[smem:$0x3FAF] =	sst s3  }
0xc: {  	[smem:$0x3FB0] =	sst s4  }
0xd: {  	[smem:$0x3FB1] =	sst s5  }
0xe: {  	[smem:$0x3FB2] =	sst s6  }
0xf: {  	[smem:$0x3FB3] =	sst s7  }
0x10: {  	[smem:$0x3FB4] =	sst s8  }
0x11: {  	[smem:$0x3FB5] =	sst s9;
	s0 =	simm.s32 @!p0 $0x0  }
0x12: {  	s1 =	sld [smem:$0x3F9B];
	s0 =	simm.s32 @p0 $0x1  }
0x13: {  	[smem:$0x3FB6] =	sst s0;
	s0 =	simm.s32 @!p1 $0x0  }
0x14: {  	s2 =	sld [smem:$0x3F9A];
	s0 =	simm.s32 @p1 $0x1  }
0x15: {  	[smem:$0x3FB7] =	sst s0;
	s0 =	simm.s32 @!p2 $0x0  }
0x16: {  	s3 =	sld [smem:$0x3FDB];
	s0 =	simm.s32 @p2 $0x1  }
0x17: {  	s4 =	simm.s32 $0x1BF5;
	[smem:$0x3FB9] =	sst s0  }
0x18: {  	s0 =	sld [smem:$0x3F9C];
	_ =	swait.ge [sflag:s4], $0x0  }
0x19: {  	s7 =	sld [smem:$0x3F9D]  }
0x1a: {  	s8 =	sadd.s32 $0xFFFFE003, lr  }
0x1b: {  	s9 =	sadd.s32 $0xFFFFFEF7, lr;
	s5 =	simm.s32 $0xFFFFFFFF;
	p2 =	slt.u32 s8, $0xFFFFF086  }
0x1c: {  	p1 =	slt.u32 s9, $0xF7A;
	s5 =	simm.s32 @!p2 $0x0  }
0x1d: {  	s5 =	simm.s32 @p1 $0x1;
	p0 =	seq.s32 s7, s2  }
0x1e: {  	s7 =	smul.u32 @!p0 $0xF7A, s2;
	p2 =	seq.s32 @!p0 s5, $0x0  }
0x1f: {  	s9 =	smul.u32 $0xF7A, s1;
	s8 =	simm.s32 @!p0 $0x1BF5;
	p2 =	por !p2, p0  }
0x20: {  	[sflag:s8] =	ssyncset.s32 @!p0 $0xFFFFF086;
	s6 =	sadd.s32 @!p0 s3, s7;
	s7 =	simm.s32 @!p0 $0x108  }
0x21: {  	s3 =	sadd.s32 s3, s9;
	s6 =	sadd.s32 @!p0 $0x88, s6;
	s7 =	simm.s32 @p2 $0x1082  }
0x22: {  	[simem:s7], [sflag:s8] =	dma.local @!p0 [hbm:s6], $0xF7A  }
0x23: {  	s9 =	sor.u32 $0xD0000000, s2;
	s6 =	simm.s32 $0x108;
	_ =	swait.ge @!p0 [sflag:s8], $0x0  }
0x24: {  	s3 =	sadd.s32 $0x88, s3;
	s6 =	simm.s32 @!p1 $0x1082;
	[sflag:s4] =	ssyncset.s32 $0xFFFFF086  }
0x25: {  	[simem:s6], [sflag:s4] =	dma.local [hbm:s3], $0xF7A  }
0x26: {  	[smem:$0x3F9D] =	sst s1;
	(tag) =	ssettag s2;
	_ =	strace s9  }
0x27: {  	s1 =	sld [smem:$0x3FAD]  }
0x28: {  	s2 =	sld [smem:$0x3FAE]  }
0x29: {  	s4 =	sld [smem:$0x3FB0]  }
0x2a: {  	p0 =	seq.s32 s5, $0x0;
	s5 =	sld [smem:$0x3FB1]  }
0x2b: {  	s6 =	sld [smem:$0x3FB2]  }
0x2c: {  	s7 =	sld [smem:$0x3FB3]  }
0x2d: {  	s3 =	simm.s32 $0x108;
	s8 =	sld [smem:$0x3FB4]  }
0x2e: {  	s3 =	simm.s32 @!p0 $0x1082;
	s9 =	sld [smem:$0x3FB5]  }
0x2f: {  	lr =	sadd.s32 s0, s3;
	s0 =	sld [smem:$0x3FAC]  }
0x30: {  	s3 =	sld [smem:$0x3FAF]  }
0x31: {  	[smem:$0x3FB8] =	sst s10  }
0x32: {  	s10 =	sld [smem:$0x3FB6];
	_ =	sdelay $0x3  }
0x33: {  	p0 =	seq.s32 s10, $0x1;
	s10 =	sld [smem:$0x3FB8];
	_ =	sdelay $0x3  }
0x34: {  	[smem:$0x3FB8] =	sst s10  }
0x35: {  	s10 =	sld [smem:$0x3FB7];
	_ =	sdelay $0x3  }
0x36: {  	p1 =	seq.s32 s10, $0x1;
	s10 =	sld [smem:$0x3FB8];
	_ =	sdelay $0x3  }
0x37: {  	[smem:$0x3FB8] =	sst s10  }
0x38: {  	s10 =	sld [smem:$0x3FB9]  }
0x39: {  	_ = 	snop;
	(pc) =	sbr.ind lr, $3  }
0x3a: {  	_ = 	snop  }
0x3b: {  	_ = 	snop  }
0x3c: {  	p2 =	seq.s32 s10, $0x1;
	s10 =	sld [smem:$0x3FB8]  }
0x3d: {  	_ =	shalt  }
0x3e: {  	_ =	shalt  }
0x3f: {  	_ =	shalt  }
0x40: {  	_ =	shalt  }
0x41: {  	_ =	shalt  }
0x42: {  	_ =	shalt  }
0x43: {  	_ =	shalt  }
0x44: {  	_ =	shalt  }
0x45: {  	_ =	shalt  }
0x46: {  	_ =	shalt  }
0x47: {  	_ =	shalt  }
0x48: {  	_ =	shalt  }
0x49: {  	_ =	shalt  }
0x4a: {  	_ =	shalt  }
0x4b: {  	_ =	shalt  }
0x4c: {  	_ =	shalt  }
0x4d: {  	_ =	shalt  }
0x4e: {  	_ =	shalt  }
0x4f: {  	_ =	shalt  }
0x50: {  	_ =	shalt  }
0x51: {  	_ =	shalt  }
0x52: {  	_ =	shalt  }
0x53: {  	_ =	shalt  }
0x54: {  	_ =	shalt  }
0x55: {  	_ =	shalt  }
0x56: {  	_ =	shalt  }
0x57: {  	_ =	shalt  }
0x58: {  	_ =	shalt  }
0x59: {  	_ =	shalt  }
0x5a: {  	_ =	shalt  }
0x5b: {  	_ =	shalt  }
0x5c: {  	_ =	shalt  }
0x5d: {  	_ =	shalt  }
0x5e: {  	_ =	shalt  }
0x5f: {  	_ =	shalt  }
0x60: {  	_ =	shalt  }
0x61: {  	_ =	shalt  }
0x62: {  	_ =	shalt  }
0x63: {  	_ =	shalt  }
0x64: {  	_ =	shalt  }
0x65: {  	_ =	shalt  }
0x66: {  	_ =	shalt  }
0x67: {  	_ =	shalt  }
0x68: {  	_ =	shalt  }
0x69: {  	_ =	shalt  }
0x6a: {  	_ =	shalt  }
0x6b: {  	_ =	shalt  }
0x6c: {  	_ =	shalt  }
0x6d: {  	_ =	shalt  }
0x6e: {  	_ =	shalt  }
0x6f: {  	_ =	shalt  }
0x70: {  	_ =	shalt  }
0x71: {  	_ =	shalt  }
0x72: {  	_ =	shalt  }
0x73: {  	_ =	shalt  }
0x74: {  	_ =	shalt  }
0x75: {  	_ =	shalt  }
0x76: {  	_ =	shalt  }
0x77: {  	_ =	shalt  }
0x78: {  	_ =	shalt  }
0x79: {  	_ =	shalt  }
0x7a: {  	_ =	shalt  }
0x7b: {  	_ =	shalt  }
0x7c: {  	_ =	shalt  }
0x7d: {  	_ =	shalt  }
0x7e: {  	_ =	shalt  }
0x7f: {  	_ =	shalt  }
0x80: {  	_ =	shalt  }
0x81: {  	_ =	shalt  }
0x82: {  	_ =	shalt  }
0x83: {  	_ =	shalt  }
0x84: {  	_ =	shalt  }
0x85: {  	_ =	shalt  }
0x86: {  	_ =	shalt  }
0x87: {  	_ =	shalt  }
.Lfunc_end0:
.L_simem_size_0:
called_computation_lowered:
.L_overlay_start_0:
0x88: {  	s2 =	sld [smem:$0x3FD9]  }
0x89: {  	s3 =	sld [smem:$0x3FFE];
	_ =	sdelay $0x1  }
0x8a: {  	s1 =	srdreg.scid  }
0x8b: {  	s0 =	sand.u32 $0x1, s1  }
0x8c: {  	s17 =	sshll.u32 s0, $0xA;
	s2 =	sadd.s32 s3, s2  }
0x8d: {  	s2 =	sadd.s32 s2, s17  }
0x8e: {  	[smem:$0x3FC4] =	sst s2  }
0x8f: {  	_ = 	snop  }
0x90: {  	s2 =	sld [smem:$0x3FC9]  }
0x91: {  	s18 =	sld [smem:$0x3FC8]  }
0x92: {  	s4 =	sld [smem:$0x3FD0];
	(tm) =	ssettm $0x1  }
0x93: {  	s5 =	sld [smem:$0x3FFB];
	_ =	sdelay $0x3  }
0x94: {  	_ =	strace s5  }
0x95: {  	s5 =	sld [smem:$0x3FFC];
	_ =	sdelay $0x3  }
0x96: {  	_ =	strace s5  }
0x97: {  	s5 =	sld [smem:$0x3FFD];
	_ =	sdelay $0x3  }
0x98: {  	_ =	strace s5  }
0x99: {  	_ =	strace $0x8FFFFFFF  }
0x9a: {  	s19 =	sld [smem:$0x3FDB];
	_ =	sdelay $0x1  }
0x9b: {  	s6 =	simm.s32 $_scs_section_size  }
0x9c: {  	s7 =	simm.s32 $_size__tile_overlayer_lowered;
	s8 =	simm.s32 $_tile_overlayer_lowered  }
0x9d: {  	s22 =	simm.s32 $0x1BFF;
	s21 =	sshll.u32 s8, $0x1;
	s5 =	sadd.s32 s6, s19  }
0x9e: {  	s9 =	simm.s32 $0x0;
	s20 =	sshll.u32 s7, $0x1;
	s7 =	sadd.s32 s21, s5  }
0x9f: {  	[timem:s9], [sflag:s22] =	dma.local [hbm:s7], s20  }
0xa0: {  	_ =	swait.ge [sflag:s22], s20  }
0xa1: {  	s6 =	ssub.s32 $0x0, s20;
	[sflag:s22] =	ssyncset.done $0x0  }
0xa2: {  	[sflag:s22] =	ssyncadd.s32 s6;
	_ =	sdelay $0x1  }
0xa3: {  	s23 =	simm.s32 $0x1B8B  }
0xa4: {  	_ =	swait.ge [sflag:s23], $0x1  }
0xa5: {  	[sflag:s23] =	ssyncset.done $0x0  }
0xa6: {  	s25 =	simm.s32 $0x1B8E;
	s24 =	sld [smem:$0x3FFE];
	[sflag:s23] =	ssyncadd.s32 $0xFFFFFFFF  }
0xa7: {  	s26 =	simm.s32 $execute0_lowered;
	[smem:$0x3FD2] =	sst s25  }
0xa8: {  	s7 =	sshll.u32 s26, $0x1;
	_ =	strace $0x80000046;
	[dreg:$0x1] =	wrdreg $0xFFFFFFFF  }
0xa9: {  	s28 =	simm.s32 $_size_execute0_lowered;
	s5 =	sadd.s32 s5, s7;
	[dreg:$0x0] =	wrdreg $0x0  }
0xaa: {  	s7 =	sshll.u32 s28, $0x1;
	[dreg:$0x2] =	wrdreg s5  }
0xab: {  	[dreg:$0x3] =	wrdreg s7  }
0xac: {  	[dreg:$0x4] =	wrdreg $0xC0  }
0xad: {  	_ =	task [dreg:s9], $0x5FFFF  }
0xae: {  	[dreg:$0x1] =	wrdreg $0xFFFFFFFF  }
0xaf: {  	[dreg:$0x0] =	wrdreg $0x60  }
0xb0: {  	[dreg:$0x2] =	wrdreg s2  }
0xb1: {  	[dreg:$0x3] =	wrdreg s18  }
0xb2: {  	[dreg:$0x4] =	wrdreg s24  }
0xb3: {  	[dreg:$0x5] =	wrdreg s4  }
0xb4: {  	[dreg:$0x6] =	wrdreg $0x9  }
0xb5: {  	_ =	task.clear_ibuf [dreg:s9], $0x7FFFF;
	_ =	strace $0x90000046  }
0xb6: {  	s29 =	simm.s32 $0x9;
	_ =	strace $0x80000048  }
0xb7: {  	_ =	swait.ge [sflag:s29], $0x1  }
0xb8: {  	[sflag:s29] =	ssyncadd.s32 $0xFFFFFFFF  }
0xb9: {  	_ =	strace $0x90000048  }
0xba: {  	_ =	sfence  }
0xbb: {  	s30 =	sld [smem:$0x0];
	_ =	sdelay $0x2  }
0xbc: {  	s31 =	sshll.u32 s1, $0xD;
	s1 =	sshrl.u32 s1, $0x2  }
0xbd: {  	s3 =	sand.u32 $0x4000, s31;
	s1 =	sadd.s32 s1, s30  }
0xbe: {  	s0 =	sor.u32 s3, s0;
	s1 =	sshll.u32 s1, $0x11  }
0xbf: {  	s0 =	sor.u32 s1, s0  }
0xc0: {  	s0 =	sadd.s32 $0x8F2B, s0  }
0xc1: {  	[sflag:s0] =	ssyncadd.remote.s32 $0x1  }
0xc2: {  	_ =	sfence.sel $0xFFFF  }
0xc3: {  	[dreg:$0x0] =	wrdreg $0xFFFFFFFF;
	(pc) =	sbr.abs _section_cstart, $3  }
0xc4: {  	[dreg:$0x1] =	wrdreg $0xFFFFFFFF  }
0xc5: {  	_ =	task.clear_ibuf [dreg:s9], $0x2FFFF;
	_ =	strace $0x9FFFFFFF  }
0xc6: {  	(tm) =	ssettm $0x7FFFFFFF  }
0xc7: {  	_ =	shalt  }
tec
execute0_lowered:
.L_overlay_start_1:
0x0: {  	(tag) =	ssettag $0x1  }
0x1: {  	s0 =	rddreg [dreg:$0x0]  }
0x2: {  	s2 =	rddreg [dreg:$0x1]  }
0x3: {  	s4 =	rddreg [dreg:$0x2]  }
0x4: {  	s5 =	rddreg [dreg:$0x3];
	s1 =	simm.s32 $0x0;
	s3 =	srdreg.scid  }
0x5: {  	s9 =	stileid.u32;
	s28 =	simm.s32 $0x3;
	s11 =	simm.s32 $0x80  }
0x6: {  	s12 =	simm.s32 $0x400;
	s24 =	simm.s32 $0x1;
	s25 =	simm.s32 $0x2  }
0x7: {  	s31 =	simm.s32 $0xF00;
	s10 =	simm.s32 $0x1F80;
	s13 =	simm.s32 $0x2100  }
0x8: {  	s14 =	simm.s32 $0x1180;
	s15 =	simm.s32 $0x2180;
	s16 =	simm.s32 $0x1200  }
0x9: {  	s17 =	simm.s32 $0x2200;
	s18 =	simm.s32 $0x1280;
	s19 =	simm.s32 $0x2280  }
0xa: {  	s20 =	simm.s32 $0x1300;
	s21 =	simm.s32 $0x2300;
	s22 =	simm.s32 $0x1380  }
0xb: {  	s23 =	simm.s32 $0x2380;
	[smem:$0x7FF] =	sst s1;
	s6 =	sand.u32 $0x1, s3  }
0xc: {  	s3 =	sadd.s32 $0x400, s4;
	s9 =	sshll.u32 s9, $0x7;
	s4 =	sadd.s32 $0xF42800, s4  }
0xd: {  	_ =	strace $0x80000047;
	s7 =	ssub.s32 $0x2, s6;
	s6 =	sshll.u32 s6, $0x6  }
0xe: {  	s8 =	sshrl.u32 s7, $0x1;
	s6 =	sor.u32 s6, s9;
	s9 =	simm.s32 $0x1100  }
0xf: {  	vm0 =	vmmov $0x1;
	vm1 =	vmmov $0x3;
	vm2 =	vmmov $0x7;
	s7 =	ssub.s32 s7, s8;
	s0 =	sadd.s32 s0, s6;
	s26 =	sadd.s32 s2, s6  }
0x10: {  	vm3 =	vmmov $0xf;
	vm4 =	vmmov $0x1f;
	vm5 =	vmmov $0x3f;
	s29 =	sadd.s32 s5, s6;
	s2 =	simm.s32 $0xF80;
	[dreg:$0x5] =	wrdreg s0  }
0x11: {  	vm6 =	vmmov $0x7f;
	vm7 =	vmmov $0xff;
	vm8 =	vmmov $0x1ff;
	s5 =	simm.s32 $0x1000;
	s6 =	simm.s32 $0x2000;
	[dreg:$0x6] =	wrdreg s26  }
0x12: {  	vm9 =	vmmov $0x3ff;
	vm10 =	vmmov $0x7ff;
	vm11 =	vmmov $0xfff;
	s8 =	simm.s32 $0x2080;
	[dreg:$0x7] =	wrdreg s29;
	s30 =	smax.u32 s7, $0x1  }
0x13: {  	vm12 =	vmmov $0x1fff;
	vm13 =	vmmov $0x3fff;
	vm14 =	vmmov $0x7fff;
	s0 =	simm.s32 $0x0;
	s7 =	simm.s32 $0x1080;
	[dreg:$0x8] =	wrdreg s30  }
.LBB2_1:
0x14: {  	[dreg:$0x9] =	wrdreg s0  }
0x15: {  	s26 =	rddreg [dreg:$0x5]  }
0x16: {  	[tilespmem:s1], [sflag:$0x3] =	stream.linear.gather [hbm4b:s26+s1], $0x200, $0x38;
	[tilespmem:$0x2600] =	vst v63  }
0x17: {  	_ =	swait.ge [sflag:s28], $0x200  }
0x18: {  	[sflag:s28] =	ssyncset.done $0x0  }
0x19: {  	s29 =	simm.s32 $0x200;
	s30 =	rddreg [dreg:$0x6];
	[sflag:s28] =	ssyncadd.s32 $0xFFFFFE00  }
0x1a: {  	[tilespmem:s29], [sflag:$0x3] =	stream.linear.gather [hbm4b:s30+s1], $0x200, $0x38;
	[tilespmem:$0x2600] =	vst v63  }
0x1b: {  	_ =	swait.ge [sflag:s28], $0x200  }
0x1c: {  	[sflag:s28] =	ssyncset.done $0x0  }
0x1d: {  	s0 =	simm.s32 $0x1F00;
	s26 =	simm.s32 $0x0;
	[sflag:s28] =	ssyncadd.s32 $0xFFFFFE00  }
.LBB2_2:
0x1e: {  	s28 =	sshra.s32 s26, $0x2  }
0x1f: {  	v0 =	vld [tilespmem:s28+$0x200];
	_ =	sdelay $0x3  }
0x20: {  	v55 =	vld [tilespmem:s28+$0x0]  }
0x21: {  	v1 =	vshll.u32 v0, $0x4  }
0x22: {  	(v2sf) =	vpush v1, $0x0;
	_ =	sdelay $0x2  }
0x23: {  	v0 =	vshll.u32 v55, $0x4  }
0x24: {  	(v2sf) =	vpush v0, $0x0;
	_ =	sdelay $0x6  }
0x25: {  	(v2sf) =	vpush v1, $0x1;
	_ =	sdelay $0x3  }
0x26: {  	s29 =	spop (v2sf)  }
0x27: {  	s29 =	sand.u32 $0x1FFFFFF0, s29  }
0x28: {  	(v2sf) =	vpush v0, $0x1;
	s29 =	sadd.s32 s3, s29  }
0x29: {  	[tilespmem:s12], [sflag:$0x1] =	stream.strided.gather [hbm4b:s29+s11], $0x0, s12, s11, $0x38;
	[tilespmem:$0x2600] =	vst v63  }
0x2a: {  	s30 =	spop (v2sf)  }
0x2b: {  	[tilespmem:s12], [sflag:$0x1] =	stream.linear.gather [hbm4b:s29+s1], $0x40, $0x38;
	[tilespmem:$0x2600] =	vst v63  }
0x2c: {  	s29 =	sand.u32 $0x1FFFFFF0, s30  }
0x2d: {  	s30 =	simm.s32 $0x1400;
	s29 =	sadd.s32 s4, s29  }
0x2e: {  	(v2sf) =	vpush v1, $0x2;
	[tilespmem:s30], [sflag:$0x2] =	stream.strided.gather [hbm4b:s29+s11], $0x0, s12, s11, $0x38;
	[tilespmem:$0x2600] =	vst v63  }
0x2f: {  	_ = 	snop  }
0x30: {  	[tilespmem:s30], [sflag:$0x2] =	stream.linear.gather [hbm4b:s29+s1], $0x40, $0x38;
	[tilespmem:$0x2600] =	vst v63  }
0x31: {  	s30 =	spop (v2sf)  }
0x32: {  	s29 =	sand.u32 $0x1FFFFFF0, s30  }
0x33: {  	s30 =	simm.s32 $0x480;
	s29 =	sadd.s32 s3, s29  }
0x34: {  	(v2sf) =	vpush v0, $0x2;
	[tilespmem:s30], [sflag:$0x1] =	stream.strided.gather [hbm4b:s29+s11], $0x0, s12, s11, $0x38;
	[tilespmem:$0x2600] =	vst v63  }
0x35: {  	_ = 	snop  }
0x36: {  	[tilespmem:s30], [sflag:$0x1] =	stream.linear.gather [hbm4b:s29+s1], $0x40, $0x38;
	[tilespmem:$0x2600] =	vst v63  }
0x37: {  	s30 =	spop (v2sf)  }
0x38: {  	s29 =	sand.u32 $0x1FFFFFF0, s30  }
0x39: {  	s30 =	simm.s32 $0x1480;
	s29 =	sadd.s32 s4, s29  }
0x3a: {  	(v2sf) =	vpush v1, $0x3;
	[tilespmem:s30], [sflag:$0x2] =	stream.strided.gather [hbm4b:s29+s11], $0x0, s12, s11, $0x38;
	[tilespmem:$0x2600] =	vst v63  }
0x3b: {  	_ = 	snop  }
0x3c: {  	[tilespmem:s30], [sflag:$0x2] =	stream.linear.gather [hbm4b:s29+s1], $0x40, $0x38;
	[tilespmem:$0x2600] =	vst v63  }
0x3d: {  	s30 =	spop (v2sf)  }
0x3e: {  	s29 =	sand.u32 $0x1FFFFFF0, s30  }
0x3f: {  	s30 =	simm.s32 $0x500;
	s29 =	sadd.s32 s3, s29  }
0x40: {  	(v2sf) =	vpush v0, $0x3;
	[tilespmem:s30], [sflag:$0x1] =	stream.strided.gather [hbm4b:s29+s11], $0x0, s12, s11, $0x38;
	[tilespmem:$0x2600] =	vst v63  }
0x41: {  	_ = 	snop  }
0x42: {  	[tilespmem:s30], [sflag:$0x1] =	stream.linear.gather [hbm4b:s29+s1], $0x40, $0x38;
	[tilespmem:$0x2600] =	vst v63  }
0x43: {  	s30 =	spop (v2sf)  }
0x44: {  	s29 =	sand.u32 $0x1FFFFFF0, s30  }
0x45: {  	s30 =	simm.s32 $0x1500;
	s29 =	sadd.s32 s4, s29  }
0x46: {  	(v2sf) =	vpush v1, $0x4;
	[tilespmem:s30], [sflag:$0x2] =	stream.strided.gather [hbm4b:s29+s11], $0x0, s12, s11, $0x38;
	[tilespmem:$0x2600] =	vst v63  }
0x47: {  	_ = 	snop  }
0x48: {  	[tilespmem:s30], [sflag:$0x2] =	stream.linear.gather [hbm4b:s29+s1], $0x40, $0x38;
	[tilespmem:$0x2600] =	vst v63  }
0x49: {  	s30 =	spop (v2sf)  }
0x4a: {  	s29 =	sand.u32 $0x1FFFFFF0, s30  }
0x4b: {  	s30 =	simm.s32 $0x580;
	s29 =	sadd.s32 s3, s29  }
0x4c: {  	(v2sf) =	vpush v0, $0x4;
	[tilespmem:s30], [sflag:$0x1] =	stream.strided.gather [hbm4b:s29+s11], $0x0, s12, s11, $0x38;
	[tilespmem:$0x2600] =	vst v63  }
0x4d: {  	_ = 	snop  }
0x4e: {  	[tilespmem:s30], [sflag:$0x1] =	stream.linear.gather [hbm4b:s29+s1], $0x40, $0x38;
	[tilespmem:$0x2600] =	vst v63  }
0x4f: {  	s30 =	spop (v2sf)  }
0x50: {  	s29 =	sand.u32 $0x1FFFFFF0, s30  }
0x51: {  	s30 =	simm.s32 $0x1580;
	s29 =	sadd.s32 s4, s29  }
0x52: {  	(v2sf) =	vpush v1, $0x5;
	[tilespmem:s30], [sflag:$0x2] =	stream.strided.gather [hbm4b:s29+s11], $0x0, s12, s11, $0x38;
	[tilespmem:$0x2600] =	vst v63  }
0x53: {  	_ = 	snop  }
0x54: {  	[tilespmem:s30], [sflag:$0x2] =	stream.linear.gather [hbm4b:s29+s1], $0x40, $0x38;
	[tilespmem:$0x2600] =	vst v63  }
0x55: {  	s30 =	spop (v2sf)  }
0x56: {  	s29 =	sand.u32 $0x1FFFFFF0, s30  }
0x57: {  	s30 =	simm.s32 $0x600;
	s29 =	sadd.s32 s3, s29  }
0x58: {  	(v2sf) =	vpush v0, $0x5;
	[tilespmem:s30], [sflag:$0x1] =	stream.strided.gather [hbm4b:s29+s11], $0x0, s12, s11, $0x38;
	[tilespmem:$0x2600] =	vst v63  }
0x59: {  	_ = 	snop  }
0x5a: {  	[tilespmem:s30], [sflag:$0x1] =	stream.linear.gather [hbm4b:s29+s1], $0x40, $0x38;
	[tilespmem:$0x2600] =	vst v63  }
0x5b: {  	s30 =	spop (v2sf)  }
0x5c: {  	s29 =	sand.u32 $0x1FFFFFF0, s30  }
0x5d: {  	s30 =	simm.s32 $0x1600;
	s29 =	sadd.s32 s4, s29  }
0x5e: {  	(v2sf) =	vpush v1, $0x6;
	[tilespmem:s30], [sflag:$0x2] =	stream.strided.gather [hbm4b:s29+s11], $0x0, s12, s11, $0x38;
	[tilespmem:$0x2600] =	vst v63  }
0x5f: {  	_ = 	snop  }
0x60: {  	[tilespmem:s30], [sflag:$0x2] =	stream.linear.gather [hbm4b:s29+s1], $0x40, $0x38;
	[tilespmem:$0x2600] =	vst v63  }
0x61: {  	s30 =	spop (v2sf)  }
0x62: {  	s29 =	sand.u32 $0x1FFFFFF0, s30  }
0x63: {  	s30 =	simm.s32 $0x680;
	s29 =	sadd.s32 s3, s29  }
0x64: {  	(v2sf) =	vpush v0, $0x6;
	[tilespmem:s30], [sflag:$0x1] =	stream.strided.gather [hbm4b:s29+s11], $0x0, s12, s11, $0x38;
	[tilespmem:$0x2600] =	vst v63  }
0x65: {  	_ = 	snop  }
0x66: {  	[tilespmem:s30], [sflag:$0x1] =	stream.linear.gather [hbm4b:s29+s1], $0x40, $0x38;
	[tilespmem:$0x2600] =	vst v63  }
0x67: {  	s30 =	spop (v2sf)  }
0x68: {  	s29 =	sand.u32 $0x1FFFFFF0, s30  }
0x69: {  	s30 =	simm.s32 $0x1680;
	s29 =	sadd.s32 s4, s29  }
0x6a: {  	(v2sf) =	vpush v1, $0x7;
	[tilespmem:s30], [sflag:$0x2] =	stream.strided.gather [hbm4b:s29+s11], $0x0, s12, s11, $0x38;
	[tilespmem:$0x2600] =	vst v63  }
0x6b: {  	_ = 	snop  }
0x6c: {  	[tilespmem:s30], [sflag:$0x2] =	stream.linear.gather [hbm4b:s29+s1], $0x40, $0x38;
	[tilespmem:$0x2600] =	vst v63  }
0x6d: {  	s30 =	spop (v2sf)  }
0x6e: {  	s29 =	sand.u32 $0x1FFFFFF0, s30  }
0x6f: {  	s30 =	simm.s32 $0x700;
	s29 =	sadd.s32 s3, s29  }
0x70: {  	(v2sf) =	vpush v0, $0x7;
	[tilespmem:s30], [sflag:$0x1] =	stream.strided.gather [hbm4b:s29+s11], $0x0, s12, s11, $0x38;
	[tilespmem:$0x2600] =	vst v63  }
0x71: {  	_ = 	snop  }
0x72: {  	[tilespmem:s30], [sflag:$0x1] =	stream.linear.gather [hbm4b:s29+s1], $0x40, $0x38;
	[tilespmem:$0x2600] =	vst v63  }
0x73: {  	s30 =	spop (v2sf)  }
0x74: {  	s29 =	sand.u32 $0x1FFFFFF0, s30  }
0x75: {  	s30 =	simm.s32 $0x1700;
	s29 =	sadd.s32 s4, s29  }
0x76: {  	(v2sf) =	vpush v1, $0x8;
	[tilespmem:s30], [sflag:$0x2] =	stream.strided.gather [hbm4b:s29+s11], $0x0, s12, s11, $0x38;
	[tilespmem:$0x2600] =	vst v63  }
0x77: {  	_ = 	snop  }
0x78: {  	[tilespmem:s30], [sflag:$0x2] =	stream.linear.gather [hbm4b:s29+s1], $0x40, $0x38;
	[tilespmem:$0x2600] =	vst v63  }
0x79: {  	s30 =	spop (v2sf)  }
0x7a: {  	s29 =	sand.u32 $0x1FFFFFF0, s30  }
0x7b: {  	s30 =	simm.s32 $0x780;
	s29 =	sadd.s32 s3, s29  }
0x7c: {  	(v2sf) =	vpush v0, $0x8;
	[tilespmem:s30], [sflag:$0x1] =	stream.strided.gather [hbm4b:s29+s11], $0x0, s12, s11, $0x38;
	[tilespmem:$0x2600] =	vst v63  }
0x7d: {  	_ = 	snop  }
0x7e: {  	[tilespmem:s30], [sflag:$0x1] =	stream.linear.gather [hbm4b:s29+s1], $0x40, $0x38;
	[tilespmem:$0x2600] =	vst v63  }
0x7f: {  	s30 =	spop (v2sf)  }
0x80: {  	s29 =	sand.u32 $0x1FFFFFF0, s30  }
0x81: {  	s30 =	simm.s32 $0x1780;
	s29 =	sadd.s32 s4, s29  }
0x82: {  	(v2sf) =	vpush v1, $0x9;
	[tilespmem:s30], [sflag:$0x2] =	stream.strided.gather [hbm4b:s29+s11], $0x0, s12, s11, $0x38;
	[tilespmem:$0x2600] =	vst v63  }
0x83: {  	_ = 	snop  }
0x84: {  	[tilespmem:s30], [sflag:$0x2] =	stream.linear.gather [hbm4b:s29+s1], $0x40, $0x38;
	[tilespmem:$0x2600] =	vst v63  }
0x85: {  	s30 =	spop (v2sf)  }
0x86: {  	s29 =	sand.u32 $0x1FFFFFF0, s30  }
0x87: {  	s30 =	simm.s32 $0x800;
	s29 =	sadd.s32 s3, s29  }
0x88: {  	(v2sf) =	vpush v0, $0x9;
	[tilespmem:s30], [sflag:$0x1] =	stream.strided.gather [hbm4b:s29+s11], $0x0, s12, s11, $0x38;
	[tilespmem:$0x2600] =	vst v63  }
0x89: {  	_ = 	snop  }
0x8a: {  	[tilespmem:s30], [sflag:$0x1] =	stream.linear.gather [hbm4b:s29+s1], $0x40, $0x38;
	[tilespmem:$0x2600] =	vst v63  }
0x8b: {  	s30 =	spop (v2sf)  }
0x8c: {  	s29 =	sand.u32 $0x1FFFFFF0, s30  }
0x8d: {  	s30 =	simm.s32 $0x1800;
	s29 =	sadd.s32 s4, s29  }
0x8e: {  	(v2sf) =	vpush v1, $0xA;
	[tilespmem:s30], [sflag:$0x2] =	stream.strided.gather [hbm4b:s29+s11], $0x0, s12, s11, $0x38;
	[tilespmem:$0x2600] =	vst v63  }
0x8f: {  	_ = 	snop  }
0x90: {  	[tilespmem:s30], [sflag:$0x2] =	stream.linear.gather [hbm4b:s29+s1], $0x40, $0x38;
	[tilespmem:$0x2600] =	vst v63  }
0x91: {  	s30 =	spop (v2sf)  }
0x92: {  	s29 =	sand.u32 $0x1FFFFFF0, s30  }
0x93: {  	s30 =	simm.s32 $0x880;
	s29 =	sadd.s32 s3, s29  }
0x94: {  	(v2sf) =	vpush v0, $0xA;
	[tilespmem:s30], [sflag:$0x1] =	stream.strided.gather [hbm4b:s29+s11], $0x0, s12, s11, $0x38;
	[tilespmem:$0x2600] =	vst v63  }
0x95: {  	_ = 	snop  }
0x96: {  	[tilespmem:s30], [sflag:$0x1] =	stream.linear.gather [hbm4b:s29+s1], $0x40, $0x38;
	[tilespmem:$0x2600] =	vst v63  }
0x97: {  	s30 =	spop (v2sf)  }
0x98: {  	s29 =	sand.u32 $0x1FFFFFF0, s30  }
0x99: {  	s30 =	simm.s32 $0x1880;
	s29 =	sadd.s32 s4, s29  }
0x9a: {  	(v2sf) =	vpush v1, $0xB;
	[tilespmem:s30], [sflag:$0x2] =	stream.strided.gather [hbm4b:s29+s11], $0x0, s12, s11, $0x38;
	[tilespmem:$0x2600] =	vst v63  }
0x9b: {  	_ = 	snop  }
0x9c: {  	[tilespmem:s30], [sflag:$0x2] =	stream.linear.gather [hbm4b:s29+s1], $0x40, $0x38;
	[tilespmem:$0x2600] =	vst v63  }
0x9d: {  	s30 =	spop (v2sf)  }
0x9e: {  	s29 =	sand.u32 $0x1FFFFFF0, s30  }
0x9f: {  	s30 =	simm.s32 $0x900;
	s29 =	sadd.s32 s3, s29  }
0xa0: {  	(v2sf) =	vpush v0, $0xB;
	[tilespmem:s30], [sflag:$0x1] =	stream.strided.gather [hbm4b:s29+s11], $0x0, s12, s11, $0x38;
	[tilespmem:$0x2600] =	vst v63  }
0xa1: {  	_ = 	snop  }
0xa2: {  	[tilespmem:s30], [sflag:$0x1] =	stream.linear.gather [hbm4b:s29+s1], $0x40, $0x38;
	[tilespmem:$0x2600] =	vst v63  }
0xa3: {  	s30 =	spop (v2sf)  }
0xa4: {  	s29 =	sand.u32 $0x1FFFFFF0, s30  }
0xa5: {  	s30 =	simm.s32 $0x1900;
	s29 =	sadd.s32 s4, s29  }
0xa6: {  	(v2sf) =	vpush v1, $0xC;
	[tilespmem:s30], [sflag:$0x2] =	stream.strided.gather [hbm4b:s29+s11], $0x0, s12, s11, $0x38;
	[tilespmem:$0x2600] =	vst v63  }
0xa7: {  	_ = 	snop  }
0xa8: {  	[tilespmem:s30], [sflag:$0x2] =	stream.linear.gather [hbm4b:s29+s1], $0x40, $0x38;
	[tilespmem:$0x2600] =	vst v63  }
0xa9: {  	s30 =	spop (v2sf)  }
0xaa: {  	s29 =	sand.u32 $0x1FFFFFF0, s30  }
0xab: {  	s30 =	simm.s32 $0x980;
	s29 =	sadd.s32 s3, s29  }
0xac: {  	(v2sf) =	vpush v0, $0xC;
	[tilespmem:s30], [sflag:$0x1] =	stream.strided.gather [hbm4b:s29+s11], $0x0, s12, s11, $0x38;
	[tilespmem:$0x2600] =	vst v63  }
0xad: {  	_ = 	snop  }
0xae: {  	[tilespmem:s30], [sflag:$0x1] =	stream.linear.gather [hbm4b:s29+s1], $0x40, $0x38;
	[tilespmem:$0x2600] =	vst v63  }
0xaf: {  	s30 =	spop (v2sf)  }
0xb0: {  	s29 =	sand.u32 $0x1FFFFFF0, s30  }
0xb1: {  	s30 =	simm.s32 $0x1980;
	s29 =	sadd.s32 s4, s29  }
0xb2: {  	(v2sf) =	vpush v1, $0xD;
	[tilespmem:s30], [sflag:$0x2] =	stream.strided.gather [hbm4b:s29+s11], $0x0, s12, s11, $0x38;
	[tilespmem:$0x2600] =	vst v63  }
0xb3: {  	_ = 	snop  }
0xb4: {  	[tilespmem:s30], [sflag:$0x2] =	stream.linear.gather [hbm4b:s29+s1], $0x40, $0x38;
	[tilespmem:$0x2600] =	vst v63  }
0xb5: {  	s30 =	spop (v2sf)  }
0xb6: {  	s29 =	sand.u32 $0x1FFFFFF0, s30  }
0xb7: {  	s30 =	simm.s32 $0xA00;
	s29 =	sadd.s32 s3, s29  }
0xb8: {  	(v2sf) =	vpush v0, $0xD;
	[tilespmem:s30], [sflag:$0x1] =	stream.strided.gather [hbm4b:s29+s11], $0x0, s12, s11, $0x38;
	[tilespmem:$0x2600] =	vst v63  }
0xb9: {  	_ = 	snop  }
0xba: {  	[tilespmem:s30], [sflag:$0x1] =	stream.linear.gather [hbm4b:s29+s1], $0x40, $0x38;
	[tilespmem:$0x2600] =	vst v63  }
0xbb: {  	s30 =	spop (v2sf)  }
0xbc: {  	s29 =	sand.u32 $0x1FFFFFF0, s30  }
0xbd: {  	s30 =	simm.s32 $0x1A00;
	s29 =	sadd.s32 s4, s29  }
0xbe: {  	(v2sf) =	vpush v1, $0xE;
	[tilespmem:s30], [sflag:$0x2] =	stream.strided.gather [hbm4b:s29+s11], $0x0, s12, s11, $0x38;
	[tilespmem:$0x2600] =	vst v63  }
0xbf: {  	_ = 	snop  }
0xc0: {  	[tilespmem:s30], [sflag:$0x2] =	stream.linear.gather [hbm4b:s29+s1], $0x40, $0x38;
	[tilespmem:$0x2600] =	vst v63  }
0xc1: {  	s30 =	spop (v2sf)  }
0xc2: {  	s29 =	sand.u32 $0x1FFFFFF0, s30  }
0xc3: {  	s30 =	simm.s32 $0xA80;
	s29 =	sadd.s32 s3, s29  }
0xc4: {  	(v2sf) =	vpush v0, $0xE;
	[tilespmem:s30], [sflag:$0x1] =	stream.strided.gather [hbm4b:s29+s11], $0x0, s12, s11, $0x38;
	[tilespmem:$0x2600] =	vst v63  }
0xc5: {  	_ = 	snop  }
0xc6: {  	[tilespmem:s30], [sflag:$0x1] =	stream.linear.gather [hbm4b:s29+s1], $0x40, $0x38;
	[tilespmem:$0x2600] =	vst v63  }
0xc7: {  	s30 =	spop (v2sf)  }
0xc8: {  	s29 =	sand.u32 $0x1FFFFFF0, s30  }
0xc9: {  	s30 =	simm.s32 $0x1A80;
	s29 =	sadd.s32 s4, s29  }
0xca: {  	(v2sf) =	vpush v1, $0xF;
	[tilespmem:s30], [sflag:$0x2] =	stream.strided.gather [hbm4b:s29+s11], $0x0, s12, s11, $0x38;
	[tilespmem:$0x2600] =	vst v63  }
0xcb: {  	_ = 	snop  }
0xcc: {  	[tilespmem:s30], [sflag:$0x2] =	stream.linear.gather [hbm4b:s29+s1], $0x40, $0x38;
	[tilespmem:$0x2600] =	vst v63  }
0xcd: {  	s30 =	spop (v2sf)  }
0xce: {  	s29 =	sand.u32 $0x1FFFFFF0, s30  }
0xcf: {  	s30 =	simm.s32 $0xB00;
	s29 =	sadd.s32 s3, s29  }
0xd0: {  	(v2sf) =	vpush v0, $0xF;
	[tilespmem:s30], [sflag:$0x1] =	stream.strided.gather [hbm4b:s29+s11], $0x0, s12, s11, $0x38;
	[tilespmem:$0x2600] =	vst v63  }
0xd1: {  	_ = 	snop  }
0xd2: {  	[tilespmem:s30], [sflag:$0x1] =	stream.linear.gather [hbm4b:s29+s1], $0x40, $0x38;
	[tilespmem:$0x2600] =	vst v63  }
0xd3: {  	s30 =	spop (v2sf)  }
0xd4: {  	s29 =	sand.u32 $0x1FFFFFF0, s30  }
0xd5: {  	s30 =	simm.s32 $0x1B00;
	s29 =	sadd.s32 s4, s29  }
0xd6: {  	[tilespmem:s30], [sflag:$0x2] =	stream.strided.gather [hbm4b:s29+s11], $0x0, s12, s11, $0x38;
	[tilespmem:$0x2600] =	vst v63  }
0xd7: {  	_ = 	snop  }
0xd8: {  	[tilespmem:s30], [sflag:$0x2] =	stream.linear.gather [hbm4b:s29+s1], $0x40, $0x38;
	[tilespmem:$0x2600] =	vst v63  }
0xd9: {  	s30 =	spop (v2sf)  }
0xda: {  	s29 =	sand.u32 $0x1FFFFFF0, s30  }
0xdb: {  	s30 =	simm.s32 $0xB80;
	s29 =	sadd.s32 s3, s29  }
0xdc: {  	[tilespmem:s30], [sflag:$0x1] =	stream.strided.gather [hbm4b:s29+s11], $0x0, s12, s11, $0x38;
	[tilespmem:$0x2600] =	vst v63  }
0xdd: {  	_ = 	snop  }
0xde: {  	[tilespmem:s30], [sflag:$0x1] =	stream.linear.gather [hbm4b:s29+s1], $0x40, $0x38;
	[tilespmem:$0x2600] =	vst v63  }
0xdf: {  	s30 =	spop (v2sf)  }
0xe0: {  	s29 =	sand.u32 $0x1FFFFFF0, s30  }
0xe1: {  	s30 =	simm.s32 $0x1B80;
	s29 =	sadd.s32 s4, s29  }
0xe2: {  	[tilespmem:s30], [sflag:$0x2] =	stream.strided.gather [hbm4b:s29+s11], $0x0, s12, s11, $0x38;
	[tilespmem:$0x2600] =	vst v63  }
0xe3: {  	_ = 	snop  }
0xe4: {  	[tilespmem:s30], [sflag:$0x2] =	stream.linear.gather [hbm4b:s29+s1], $0x40, $0x38;
	[tilespmem:$0x2600] =	vst v63  }
0xe5: {  	v56 =	vld [tilespmem:s28+$0x210];
	_ =	sdelay $0x4  }
0xe6: {  	v57 =	vshll.u32 v56, $0x4  }
0xe7: {  	v58 =	vld [tilespmem:s28+$0x10];
	(v2sf) =	vpush v57, $0x0;
	_ =	sdelay $0x4  }
0xe8: {  	v0 =	vshll.u32 v58, $0x4  }
0xe9: {  	(v2sf) =	vpush v0, $0x0;
	_ =	sdelay $0x5  }
0xea: {  	(v2sf) =	vpush v57, $0x1;
	_ =	sdelay $0x2  }
0xeb: {  	s30 =	spop (v2sf)  }
0xec: {  	s29 =	sand.u32 $0x1FFFFFF0, s30  }
0xed: {  	s30 =	simm.s32 $0xC00;
	s29 =	sadd.s32 s3, s29  }
0xee: {  	(v2sf) =	vpush v0, $0x1;
	[tilespmem:s30], [sflag:$0x1] =	stream.strided.gather [hbm4b:s29+s11], $0x0, s12, s11, $0x38;
	[tilespmem:$0x2600] =	vst v63  }
0xef: {  	_ = 	snop  }
0xf0: {  	[tilespmem:s30], [sflag:$0x1] =	stream.linear.gather [hbm4b:s29+s1], $0x40, $0x38;
	[tilespmem:$0x2600] =	vst v63  }
0xf1: {  	s30 =	spop (v2sf)  }
0xf2: {  	s29 =	sand.u32 $0x1FFFFFF0, s30  }
0xf3: {  	s30 =	simm.s32 $0x1C00;
	s29 =	sadd.s32 s4, s29  }
0xf4: {  	(v2sf) =	vpush v57, $0x2;
	[tilespmem:s30], [sflag:$0x2] =	stream.strided.gather [hbm4b:s29+s11], $0x0, s12, s11, $0x38;
	[tilespmem:$0x2600] =	vst v63  }
0xf5: {  	_ = 	snop  }
0xf6: {  	[tilespmem:s30], [sflag:$0x2] =	stream.linear.gather [hbm4b:s29+s1], $0x40, $0x38;
	[tilespmem:$0x2600] =	vst v63  }
0xf7: {  	s30 =	spop (v2sf)  }
0xf8: {  	s29 =	sand.u32 $0x1FFFFFF0, s30  }
0xf9: {  	s30 =	simm.s32 $0xC80;
	s29 =	sadd.s32 s3, s29  }
0xfa: {  	(v2sf) =	vpush v0, $0x2;
	[tilespmem:s30], [sflag:$0x1] =	stream.strided.gather [hbm4b:s29+s11], $0x0, s12, s11, $0x38;
	[tilespmem:$0x2600] =	vst v63  }
0xfb: {  	_ = 	snop  }
0xfc: {  	[tilespmem:s30], [sflag:$0x1] =	stream.linear.gather [hbm4b:s29+s1], $0x40, $0x38;
	[tilespmem:$0x2600] =	vst v63  }
0xfd: {  	s30 =	spop (v2sf)  }
0xfe: {  	s29 =	sand.u32 $0x1FFFFFF0, s30  }
0xff: {  	s30 =	simm.s32 $0x1C80;
	s29 =	sadd.s32 s4, s29  }
0x100: {  	(v2sf) =	vpush v57, $0x3;
	[tilespmem:s30], [sflag:$0x2] =	stream.strided.gather [hbm4b:s29+s11], $0x0, s12, s11, $0x38;
	[tilespmem:$0x2600] =	vst v63  }
0x101: {  	_ = 	snop  }
0x102: {  	[tilespmem:s30], [sflag:$0x2] =	stream.linear.gather [hbm4b:s29+s1], $0x40, $0x38;
	[tilespmem:$0x2600] =	vst v63  }
0x103: {  	s30 =	spop (v2sf)  }
0x104: {  	s29 =	sand.u32 $0x1FFFFFF0, s30  }
0x105: {  	s30 =	simm.s32 $0xD00;
	s29 =	sadd.s32 s3, s29  }
0x106: {  	(v2sf) =	vpush v0, $0x3;
	[tilespmem:s30], [sflag:$0x1] =	stream.strided.gather [hbm4b:s29+s11], $0x0, s12, s11, $0x38;
	[tilespmem:$0x2600] =	vst v63  }
0x107: {  	_ = 	snop  }
0x108: {  	[tilespmem:s30], [sflag:$0x1] =	stream.linear.gather [hbm4b:s29+s1], $0x40, $0x38;
	[tilespmem:$0x2600] =	vst v63  }
0x109: {  	s30 =	spop (v2sf)  }
0x10a: {  	s29 =	sand.u32 $0x1FFFFFF0, s30  }
0x10b: {  	s30 =	simm.s32 $0x1D00;
	s29 =	sadd.s32 s4, s29  }
0x10c: {  	(v2sf) =	vpush v57, $0x4;
	[tilespmem:s30], [sflag:$0x2] =	stream.strided.gather [hbm4b:s29+s11], $0x0, s12, s11, $0x38;
	[tilespmem:$0x2600] =	vst v63  }
0x10d: {  	_ = 	snop  }
0x10e: {  	[tilespmem:s30], [sflag:$0x2] =	stream.linear.gather [hbm4b:s29+s1], $0x40, $0x38;
	[tilespmem:$0x2600] =	vst v63  }
0x10f: {  	s30 =	spop (v2sf)  }
0x110: {  	s29 =	sand.u32 $0x1FFFFFF0, s30  }
0x111: {  	s30 =	simm.s32 $0xD80;
	s29 =	sadd.s32 s3, s29  }
0x112: {  	(v2sf) =	vpush v0, $0x4;
	[tilespmem:s30], [sflag:$0x1] =	stream.strided.gather [hbm4b:s29+s11], $0x0, s12, s11, $0x38;
	[tilespmem:$0x2600] =	vst v63  }
0x113: {  	_ = 	snop  }
0x114: {  	[tilespmem:s30], [sflag:$0x1] =	stream.linear.gather [hbm4b:s29+s1], $0x40, $0x38;
	[tilespmem:$0x2600] =	vst v63  }
0x115: {  	s30 =	spop (v2sf)  }
0x116: {  	s29 =	sand.u32 $0x1FFFFFF0, s30  }
0x117: {  	s30 =	simm.s32 $0x1D80;
	s29 =	sadd.s32 s4, s29  }
0x118: {  	(v2sf) =	vpush v57, $0x5;
	[tilespmem:s30], [sflag:$0x2] =	stream.strided.gather [hbm4b:s29+s11], $0x0, s12, s11, $0x38;
	[tilespmem:$0x2600] =	vst v63  }
0x119: {  	_ = 	snop  }
0x11a: {  	[tilespmem:s30], [sflag:$0x2] =	stream.linear.gather [hbm4b:s29+s1], $0x40, $0x38;
	[tilespmem:$0x2600] =	vst v63  }
0x11b: {  	s30 =	spop (v2sf)  }
0x11c: {  	s29 =	sand.u32 $0x1FFFFFF0, s30  }
0x11d: {  	s30 =	simm.s32 $0xE00;
	s29 =	sadd.s32 s3, s29  }
0x11e: {  	(v2sf) =	vpush v0, $0x5;
	[tilespmem:s30], [sflag:$0x1] =	stream.strided.gather [hbm4b:s29+s11], $0x0, s12, s11, $0x38;
	[tilespmem:$0x2600] =	vst v63  }
0x11f: {  	_ = 	snop  }
0x120: {  	[tilespmem:s30], [sflag:$0x1] =	stream.linear.gather [hbm4b:s29+s1], $0x40, $0x38;
	[tilespmem:$0x2600] =	vst v63  }
0x121: {  	s30 =	spop (v2sf)  }
0x122: {  	s29 =	sand.u32 $0x1FFFFFF0, s30  }
0x123: {  	s30 =	simm.s32 $0x1E00;
	s29 =	sadd.s32 s4, s29  }
0x124: {  	(v2sf) =	vpush v57, $0x6;
	[tilespmem:s30], [sflag:$0x2] =	stream.strided.gather [hbm4b:s29+s11], $0x0, s12, s11, $0x38;
	[tilespmem:$0x2600] =	vst v63  }
0x125: {  	_ = 	snop  }
0x126: {  	[tilespmem:s30], [sflag:$0x2] =	stream.linear.gather [hbm4b:s29+s1], $0x40, $0x38;
	[tilespmem:$0x2600] =	vst v63  }
0x127: {  	s30 =	spop (v2sf)  }
0x128: {  	s29 =	sand.u32 $0x1FFFFFF0, s30  }
0x129: {  	s30 =	simm.s32 $0xE80;
	s29 =	sadd.s32 s3, s29  }
0x12a: {  	(v2sf) =	vpush v0, $0x6;
	[tilespmem:s30], [sflag:$0x1] =	stream.strided.gather [hbm4b:s29+s11], $0x0, s12, s11, $0x38;
	[tilespmem:$0x2600] =	vst v63  }
0x12b: {  	_ = 	snop  }
0x12c: {  	[tilespmem:s30], [sflag:$0x1] =	stream.linear.gather [hbm4b:s29+s1], $0x40, $0x38;
	[tilespmem:$0x2600] =	vst v63  }
0x12d: {  	s30 =	spop (v2sf)  }
0x12e: {  	s29 =	sand.u32 $0x1FFFFFF0, s30  }
0x12f: {  	s30 =	simm.s32 $0x1E80;
	s29 =	sadd.s32 s4, s29  }
0x130: {  	(v2sf) =	vpush v57, $0x7;
	[tilespmem:s30], [sflag:$0x2] =	stream.strided.gather [hbm4b:s29+s11], $0x0, s12, s11, $0x38;
	[tilespmem:$0x2600] =	vst v63  }
0x131: {  	_ = 	snop  }
0x132: {  	[tilespmem:s30], [sflag:$0x2] =	stream.linear.gather [hbm4b:s29+s1], $0x40, $0x38;
	[tilespmem:$0x2600] =	vst v63  }
0x133: {  	s30 =	spop (v2sf)  }
0x134: {  	(v2sf) =	vpush v0, $0x7;
	s29 =	sand.u32 $0x1FFFFFF0, s30  }
0x135: {  	s29 =	sadd.s32 s3, s29  }
0x136: {  	[tilespmem:s31], [sflag:$0x1] =	stream.strided.gather [hbm4b:s29+s11], $0x0, s12, s11, $0x38;
	[tilespmem:$0x2600] =	vst v63  }
0x137: {  	_ = 	snop  }
0x138: {  	[tilespmem:s31], [sflag:$0x1] =	stream.linear.gather [hbm4b:s29+s1], $0x40, $0x38;
	[tilespmem:$0x2600] =	vst v63  }
0x139: {  	s30 =	spop (v2sf)  }
0x13a: {  	(v2sf) =	vpush v57, $0x8;
	s29 =	sand.u32 $0x1FFFFFF0, s30  }
0x13b: {  	s29 =	sadd.s32 s4, s29  }
0x13c: {  	[tilespmem:s0], [sflag:$0x2] =	stream.strided.gather [hbm4b:s29+s11], $0x0, s12, s11, $0x38;
	[tilespmem:$0x2600] =	vst v63  }
0x13d: {  	_ = 	snop  }
0x13e: {  	[tilespmem:s0], [sflag:$0x2] =	stream.linear.gather [hbm4b:s29+s1], $0x40, $0x38;
	[tilespmem:$0x2600] =	vst v63  }
0x13f: {  	s30 =	spop (v2sf)  }
0x140: {  	s29 =	sand.u32 $0x1FFFFFF0, s30  }
0x141: {  	s29 =	sadd.s32 s3, s29  }
0x142: {  	(v2sf) =	vpush v0, $0x8;
	[tilespmem:s2], [sflag:$0x1] =	stream.strided.gather [hbm4b:s29+s11], $0x0, s12, s11, $0x38;
	[tilespmem:$0x2600] =	vst v63  }
0x143: {  	s30 =	spop (v2sf);
	(v2sf) =	vpush v57, $0x9;
	_ =	sdelay $0x1  }
0x144: {  	[tilespmem:s2], [sflag:$0x1] =	stream.linear.gather [hbm4b:s29+s1], $0x40, $0x38;
	[tilespmem:$0x2600] =	vst v63  }
0x145: {  	s29 =	sand.u32 $0x1FFFFFF0, s30  }
0x146: {  	s29 =	sadd.s32 s4, s29  }
0x147: {  	[tilespmem:s10], [sflag:$0x2] =	stream.strided.gather [hbm4b:s29+s11], $0x0, s12, s11, $0x38;
	[tilespmem:$0x2600] =	vst v63  }
0x148: {  	s30 =	spop (v2sf);
	(v2sf) =	vpush v0, $0x9;
	_ =	sdelay $0x1  }
0x149: {  	[tilespmem:s10], [sflag:$0x2] =	stream.linear.gather [hbm4b:s29+s1], $0x40, $0x38;
	[tilespmem:$0x2600] =	vst v63  }
0x14a: {  	s29 =	sand.u32 $0x1FFFFFF0, s30  }
0x14b: {  	s29 =	sadd.s32 s3, s29  }
0x14c: {  	[tilespmem:s5], [sflag:$0x1] =	stream.strided.gather [hbm4b:s29+s11], $0x0, s12, s11, $0x38;
	[tilespmem:$0x2600] =	vst v63  }
0x14d: {  	_ = 	snop  }
0x14e: {  	[tilespmem:s5], [sflag:$0x1] =	stream.linear.gather [hbm4b:s29+s1], $0x40, $0x38;
	[tilespmem:$0x2600] =	vst v63  }
0x14f: {  	s30 =	spop (v2sf)  }
0x150: {  	s29 =	sand.u32 $0x1FFFFFF0, s30;
	s30 =	spop (v2sf);
	(v2sf) =	vpush v57, $0xA  }
0x151: {  	s29 =	sadd.s32 s4, s29  }
0x152: {  	[tilespmem:s6], [sflag:$0x2] =	stream.strided.gather [hbm4b:s29+s11], $0x0, s12, s11, $0x38;
	[tilespmem:$0x2600] =	vst v63  }
0x153: {  	_ = 	snop  }
0x154: {  	[tilespmem:s6], [sflag:$0x2] =	stream.linear.gather [hbm4b:s29+s1], $0x40, $0x38;
	[tilespmem:$0x2600] =	vst v63  }
0x155: {  	s29 =	sand.u32 $0x1FFFFFF0, s30  }
0x156: {  	s29 =	sadd.s32 s3, s29;
	s30 =	spop (v2sf);
	(v2sf) =	vpush v0, $0xA  }
0x157: {  	[tilespmem:s7], [sflag:$0x1] =	stream.strided.gather [hbm4b:s29+s11], $0x0, s12, s11, $0x38;
	[tilespmem:$0x2600] =	vst v63  }
0x158: {  	_ = 	snop  }
0x159: {  	[tilespmem:s7], [sflag:$0x1] =	stream.linear.gather [hbm4b:s29+s1], $0x40, $0x38;
	[tilespmem:$0x2600] =	vst v63  }
0x15a: {  	s29 =	sand.u32 $0x1FFFFFF0, s30;
	(v2sf) =	vpush v57, $0xB  }
0x15b: {  	s29 =	sadd.s32 s4, s29  }
0x15c: {  	[tilespmem:s8], [sflag:$0x2] =	stream.strided.gather [hbm4b:s29+s11], $0x0, s12, s11, $0x38;
	[tilespmem:$0x2600] =	vst v63  }
0x15d: {  	_ = 	snop  }
0x15e: {  	[tilespmem:s8], [sflag:$0x2] =	stream.linear.gather [hbm4b:s29+s1], $0x40, $0x38;
	[tilespmem:$0x2600] =	vst v63  }
0x15f: {  	s30 =	spop (v2sf)  }
0x160: {  	s29 =	sand.u32 $0x1FFFFFF0, s30  }
0x161: {  	(v2sf) =	vpush v0, $0xB;
	s29 =	sadd.s32 s3, s29  }
0x162: {  	[tilespmem:s9], [sflag:$0x1] =	stream.strided.gather [hbm4b:s29+s11], $0x0, s12, s11, $0x38;
	[tilespmem:$0x2600] =	vst v63  }
0x163: {  	_ = 	snop  }
0x164: {  	[tilespmem:s9], [sflag:$0x1] =	stream.linear.gather [hbm4b:s29+s1], $0x40, $0x38;
	[tilespmem:$0x2600] =	vst v63  }
0x165: {  	s30 =	spop (v2sf)  }
0x166: {  	s29 =	sand.u32 $0x1FFFFFF0, s30  }
0x167: {  	(v2sf) =	vpush v57, $0xC;
	s29 =	sadd.s32 s4, s29  }
0x168: {  	[tilespmem:s13], [sflag:$0x2] =	stream.strided.gather [hbm4b:s29+s11], $0x0, s12, s11, $0x38;
	[tilespmem:$0x2600] =	vst v63  }
0x169: {  	s30 =	spop (v2sf)  }
0x16a: {  	[tilespmem:s13], [sflag:$0x2] =	stream.linear.gather [hbm4b:s29+s1], $0x40, $0x38;
	[tilespmem:$0x2600] =	vst v63  }
0x16b: {  	(v2sf) =	vpush v0, $0xC;
	s29 =	sand.u32 $0x1FFFFFF0, s30  }
0x16c: {  	s29 =	sadd.s32 s3, s29  }
0x16d: {  	[tilespmem:s14], [sflag:$0x1] =	stream.strided.gather [hbm4b:s29+s11], $0x0, s12, s11, $0x38;
	[tilespmem:$0x2600] =	vst v63  }
0x16e: {  	_ = 	snop  }
0x16f: {  	[tilespmem:s14], [sflag:$0x1] =	stream.linear.gather [hbm4b:s29+s1], $0x40, $0x38;
	[tilespmem:$0x2600] =	vst v63  }
0x170: {  	s30 =	spop (v2sf)  }
0x171: {  	s29 =	sand.u32 $0x1FFFFFF0, s30  }
0x172: {  	(v2sf) =	vpush v57, $0xD;
	s29 =	sadd.s32 s4, s29  }
0x173: {  	[tilespmem:s15], [sflag:$0x2] =	stream.strided.gather [hbm4b:s29+s11], $0x0, s12, s11, $0x38;
	[tilespmem:$0x2600] =	vst v63  }
0x174: {  	_ = 	snop  }
0x175: {  	[tilespmem:s15], [sflag:$0x2] =	stream.linear.gather [hbm4b:s29+s1], $0x40, $0x38;
	[tilespmem:$0x2600] =	vst v63  }
0x176: {  	s30 =	spop (v2sf)  }
0x177: {  	s29 =	sand.u32 $0x1FFFFFF0, s30  }
0x178: {  	(v2sf) =	vpush v0, $0xD;
	s29 =	sadd.s32 s3, s29  }
0x179: {  	[tilespmem:s16], [sflag:$0x1] =	stream.strided.gather [hbm4b:s29+s11], $0x0, s12, s11, $0x38;
	[tilespmem:$0x2600] =	vst v63  }
0x17a: {  	s30 =	spop (v2sf)  }
0x17b: {  	[tilespmem:s16], [sflag:$0x1] =	stream.linear.gather [hbm4b:s29+s1], $0x40, $0x38;
	[tilespmem:$0x2600] =	vst v63  }
0x17c: {  	(v2sf) =	vpush v57, $0xE;
	s29 =	sand.u32 $0x1FFFFFF0, s30  }
0x17d: {  	s29 =	sadd.s32 s4, s29  }
0x17e: {  	[tilespmem:s17], [sflag:$0x2] =	stream.strided.gather [hbm4b:s29+s11], $0x0, s12, s11, $0x38;
	[tilespmem:$0x2600] =	vst v63  }
0x17f: {  	_ = 	snop  }
0x180: {  	[tilespmem:s17], [sflag:$0x2] =	stream.linear.gather [hbm4b:s29+s1], $0x40, $0x38;
	[tilespmem:$0x2600] =	vst v63  }
0x181: {  	s30 =	spop (v2sf)  }
0x182: {  	s29 =	sand.u32 $0x1FFFFFF0, s30  }
0x183: {  	(v2sf) =	vpush v0, $0xE;
	s29 =	sadd.s32 s3, s29  }
0x184: {  	[tilespmem:s18], [sflag:$0x1] =	stream.strided.gather [hbm4b:s29+s11], $0x0, s12, s11, $0x38;
	[tilespmem:$0x2600] =	vst v63  }
0x185: {  	_ = 	snop  }
0x186: {  	[tilespmem:s18], [sflag:$0x1] =	stream.linear.gather [hbm4b:s29+s1], $0x40, $0x38;
	[tilespmem:$0x2600] =	vst v63  }
0x187: {  	s30 =	spop (v2sf)  }
0x188: {  	s29 =	sand.u32 $0x1FFFFFF0, s30  }
0x189: {  	(v2sf) =	vpush v57, $0xF;
	s29 =	sadd.s32 s4, s29  }
0x18a: {  	[tilespmem:s19], [sflag:$0x2] =	stream.strided.gather [hbm4b:s29+s11], $0x0, s12, s11, $0x38;
	[tilespmem:$0x2600] =	vst v63  }
0x18b: {  	s30 =	spop (v2sf)  }
0x18c: {  	[tilespmem:s19], [sflag:$0x2] =	stream.linear.gather [hbm4b:s29+s1], $0x40, $0x38;
	[tilespmem:$0x2600] =	vst v63  }
0x18d: {  	(v2sf) =	vpush v0, $0xF;
	s29 =	sand.u32 $0x1FFFFFF0, s30  }
0x18e: {  	s29 =	sadd.s32 s3, s29  }
0x18f: {  	[tilespmem:s20], [sflag:$0x1] =	stream.strided.gather [hbm4b:s29+s11], $0x0, s12, s11, $0x38;
	[tilespmem:$0x2600] =	vst v63  }
0x190: {  	_ = 	snop  }
0x191: {  	[tilespmem:s20], [sflag:$0x1] =	stream.linear.gather [hbm4b:s29+s1], $0x40, $0x38;
	[tilespmem:$0x2600] =	vst v63  }
0x192: {  	s30 =	spop (v2sf)  }
0x193: {  	s29 =	sand.u32 $0x1FFFFFF0, s30  }
0x194: {  	s29 =	sadd.s32 s4, s29  }
0x195: {  	[tilespmem:s21], [sflag:$0x2] =	stream.strided.gather [hbm4b:s29+s11], $0x0, s12, s11, $0x38;
	[tilespmem:$0x2600] =	vst v63  }
0x196: {  	_ = 	snop  }
0x197: {  	[tilespmem:s21], [sflag:$0x2] =	stream.linear.gather [hbm4b:s29+s1], $0x40, $0x38;
	[tilespmem:$0x2600] =	vst v63  }
0x198: {  	s30 =	spop (v2sf)  }
0x199: {  	s29 =	sand.u32 $0x1FFFFFF0, s30  }
0x19a: {  	s29 =	sadd.s32 s3, s29  }
0x19b: {  	[tilespmem:s22], [sflag:$0x1] =	stream.strided.gather [hbm4b:s29+s11], $0x0, s12, s11, $0x38;
	[tilespmem:$0x2600] =	vst v63  }
0x19c: {  	s30 =	spop (v2sf)  }
0x19d: {  	[tilespmem:s22], [sflag:$0x1] =	stream.linear.gather [hbm4b:s29+s1], $0x40, $0x38;
	[tilespmem:$0x2600] =	vst v63  }
0x19e: {  	s29 =	sand.u32 $0x1FFFFFF0, s30  }
0x19f: {  	s29 =	sadd.s32 s4, s29  }
0x1a0: {  	[tilespmem:s23], [sflag:$0x2] =	stream.strided.gather [hbm4b:s29+s11], $0x0, s12, s11, $0x38;
	[tilespmem:$0x2600] =	vst v63  }
0x1a1: {  	_ = 	snop  }
0x1a2: {  	[tilespmem:s23], [sflag:$0x2] =	stream.linear.gather [hbm4b:s29+s1], $0x40, $0x38;
	[tilespmem:$0x2600] =	vst v63  }
0x1a3: {  	_ =	swait.ge [sflag:s24], $0x40  }
0x1a4: {  	[sflag:s24] =	ssyncset.done $0x0  }
0x1a5: {  	[sflag:s24] =	ssyncadd.s32 $0xFFFFFFC0  }
0x1a6: {  	_ =	swait.ge [sflag:s25], $0x40  }
0x1a7: {  	[sflag:s25] =	ssyncset.done $0x0  }
0x1a8: {  	[sflag:s25] =	ssyncadd.s32 $0xFFFFFFC0  }
0x1a9: {  	_ =	swait.ge [sflag:s24], $0x40  }
0x1aa: {  	[sflag:s24] =	ssyncset.done $0x0  }
0x1ab: {  	[sflag:s24] =	ssyncadd.s32 $0xFFFFFFC0  }
0x1ac: {  	_ =	swait.ge [sflag:s25], $0x40  }
0x1ad: {  	[sflag:s25] =	ssyncset.done $0x0  }
0x1ae: {  	[sflag:s25] =	ssyncadd.s32 $0xFFFFFFC0  }
0x1af: {  	_ =	swait.ge [sflag:s24], $0x40  }
0x1b0: {  	[sflag:s24] =	ssyncset.done $0x0  }
0x1b1: {  	[sflag:s24] =	ssyncadd.s32 $0xFFFFFFC0  }
0x1b2: {  	_ =	swait.ge [sflag:s25], $0x40  }
0x1b3: {  	[sflag:s25] =	ssyncset.done $0x0  }
0x1b4: {  	[sflag:s25] =	ssyncadd.s32 $0xFFFFFFC0  }
0x1b5: {  	_ =	swait.ge [sflag:s24], $0x40  }
0x1b6: {  	[sflag:s24] =	ssyncset.done $0x0  }
0x1b7: {  	[sflag:s24] =	ssyncadd.s32 $0xFFFFFFC0  }
0x1b8: {  	_ =	swait.ge [sflag:s25], $0x40  }
0x1b9: {  	[sflag:s25] =	ssyncset.done $0x0  }
0x1ba: {  	[sflag:s25] =	ssyncadd.s32 $0xFFFFFFC0  }
0x1bb: {  	_ =	swait.ge [sflag:s24], $0x40  }
0x1bc: {  	[sflag:s24] =	ssyncset.done $0x0  }
0x1bd: {  	[sflag:s24] =	ssyncadd.s32 $0xFFFFFFC0  }
0x1be: {  	_ =	swait.ge [sflag:s25], $0x40  }
0x1bf: {  	[sflag:s25] =	ssyncset.done $0x0  }
0x1c0: {  	[sflag:s25] =	ssyncadd.s32 $0xFFFFFFC0  }
0x1c1: {  	_ =	swait.ge [sflag:s24], $0x40  }
0x1c2: {  	[sflag:s24] =	ssyncset.done $0x0  }
0x1c3: {  	[sflag:s24] =	ssyncadd.s32 $0xFFFFFFC0  }
0x1c4: {  	_ =	swait.ge [sflag:s25], $0x40  }
0x1c5: {  	[sflag:s25] =	ssyncset.done $0x0  }
0x1c6: {  	[sflag:s25] =	ssyncadd.s32 $0xFFFFFFC0  }
0x1c7: {  	_ =	swait.ge [sflag:s24], $0x40  }
0x1c8: {  	[sflag:s24] =	ssyncset.done $0x0  }
0x1c9: {  	[sflag:s24] =	ssyncadd.s32 $0xFFFFFFC0  }
0x1ca: {  	_ =	swait.ge [sflag:s25], $0x40  }
0x1cb: {  	[sflag:s25] =	ssyncset.done $0x0  }
0x1cc: {  	[sflag:s25] =	ssyncadd.s32 $0xFFFFFFC0  }
0x1cd: {  	_ =	swait.ge [sflag:s24], $0x40  }
0x1ce: {  	[sflag:s24] =	ssyncset.done $0x0  }
0x1cf: {  	[sflag:s24] =	ssyncadd.s32 $0xFFFFFFC0  }
0x1d0: {  	_ =	swait.ge [sflag:s25], $0x40  }
0x1d1: {  	[sflag:s25] =	ssyncset.done $0x0  }
0x1d2: {  	[sflag:s25] =	ssyncadd.s32 $0xFFFFFFC0  }
0x1d3: {  	_ =	swait.ge [sflag:s24], $0x40  }
0x1d4: {  	[sflag:s24] =	ssyncset.done $0x0  }
0x1d5: {  	[sflag:s24] =	ssyncadd.s32 $0xFFFFFFC0  }
0x1d6: {  	_ =	swait.ge [sflag:s25], $0x40  }
0x1d7: {  	[sflag:s25] =	ssyncset.done $0x0  }
0x1d8: {  	[sflag:s25] =	ssyncadd.s32 $0xFFFFFFC0  }
0x1d9: {  	_ =	swait.ge [sflag:s24], $0x40  }
0x1da: {  	[sflag:s24] =	ssyncset.done $0x0  }
0x1db: {  	[sflag:s24] =	ssyncadd.s32 $0xFFFFFFC0  }
0x1dc: {  	_ =	swait.ge [sflag:s25], $0x40  }
0x1dd: {  	[sflag:s25] =	ssyncset.done $0x0  }
0x1de: {  	[sflag:s25] =	ssyncadd.s32 $0xFFFFFFC0  }
0x1df: {  	_ =	swait.ge [sflag:s24], $0x40  }
0x1e0: {  	[sflag:s24] =	ssyncset.done $0x0  }
0x1e1: {  	[sflag:s24] =	ssyncadd.s32 $0xFFFFFFC0  }
0x1e2: {  	_ =	swait.ge [sflag:s25], $0x40  }
0x1e3: {  	[sflag:s25] =	ssyncset.done $0x0  }
0x1e4: {  	[sflag:s25] =	ssyncadd.s32 $0xFFFFFFC0  }
0x1e5: {  	_ =	swait.ge [sflag:s24], $0x40  }
0x1e6: {  	[sflag:s24] =	ssyncset.done $0x0  }
0x1e7: {  	[sflag:s24] =	ssyncadd.s32 $0xFFFFFFC0  }
0x1e8: {  	_ =	swait.ge [sflag:s25], $0x40  }
0x1e9: {  	[sflag:s25] =	ssyncset.done $0x0  }
0x1ea: {  	[sflag:s25] =	ssyncadd.s32 $0xFFFFFFC0  }
0x1eb: {  	_ =	swait.ge [sflag:s24], $0x40  }
0x1ec: {  	[sflag:s24] =	ssyncset.done $0x0  }
0x1ed: {  	[sflag:s24] =	ssyncadd.s32 $0xFFFFFFC0  }
0x1ee: {  	_ =	swait.ge [sflag:s25], $0x40  }
0x1ef: {  	[sflag:s25] =	ssyncset.done $0x0  }
0x1f0: {  	[sflag:s25] =	ssyncadd.s32 $0xFFFFFFC0  }
0x1f1: {  	_ =	swait.ge [sflag:s24], $0x40  }
0x1f2: {  	[sflag:s24] =	ssyncset.done $0x0  }
0x1f3: {  	[sflag:s24] =	ssyncadd.s32 $0xFFFFFFC0  }
0x1f4: {  	_ =	swait.ge [sflag:s25], $0x40  }
0x1f5: {  	[sflag:s25] =	ssyncset.done $0x0  }
0x1f6: {  	[sflag:s25] =	ssyncadd.s32 $0xFFFFFFC0  }
0x1f7: {  	_ =	swait.ge [sflag:s24], $0x40  }
0x1f8: {  	[sflag:s24] =	ssyncset.done $0x0  }
0x1f9: {  	[sflag:s24] =	ssyncadd.s32 $0xFFFFFFC0  }
0x1fa: {  	_ =	swait.ge [sflag:s25], $0x40  }
0x1fb: {  	[sflag:s25] =	ssyncset.done $0x0  }
0x1fc: {  	[sflag:s25] =	ssyncadd.s32 $0xFFFFFFC0  }
0x1fd: {  	_ =	swait.ge [sflag:s24], $0x40  }
0x1fe: {  	[sflag:s24] =	ssyncset.done $0x0  }
0x1ff: {  	[sflag:s24] =	ssyncadd.s32 $0xFFFFFFC0  }
0x200: {  	_ =	swait.ge [sflag:s25], $0x40  }
0x201: {  	[sflag:s25] =	ssyncset.done $0x0  }
0x202: {  	[sflag:s25] =	ssyncadd.s32 $0xFFFFFFC0  }
0x203: {  	_ =	swait.ge [sflag:s24], $0x40  }
0x204: {  	[sflag:s24] =	ssyncset.done $0x0  }
0x205: {  	[sflag:s24] =	ssyncadd.s32 $0xFFFFFFC0  }
0x206: {  	_ =	swait.ge [sflag:s25], $0x40  }
0x207: {  	[sflag:s25] =	ssyncset.done $0x0  }
0x208: {  	[sflag:s25] =	ssyncadd.s32 $0xFFFFFFC0  }
0x209: {  	_ =	swait.ge [sflag:s24], $0x40  }
0x20a: {  	[sflag:s24] =	ssyncset.done $0x0  }
0x20b: {  	[sflag:s24] =	ssyncadd.s32 $0xFFFFFFC0  }
0x20c: {  	_ =	swait.ge [sflag:s25], $0x40  }
0x20d: {  	[sflag:s25] =	ssyncset.done $0x0  }
0x20e: {  	[sflag:s25] =	ssyncadd.s32 $0xFFFFFFC0  }
0x20f: {  	_ =	swait.ge [sflag:s24], $0x40  }
0x210: {  	[sflag:s24] =	ssyncset.done $0x0  }
0x211: {  	[sflag:s24] =	ssyncadd.s32 $0xFFFFFFC0  }
0x212: {  	_ =	swait.ge [sflag:s25], $0x40  }
0x213: {  	[sflag:s25] =	ssyncset.done $0x0  }
0x214: {  	[sflag:s25] =	ssyncadd.s32 $0xFFFFFFC0  }
0x215: {  	_ =	swait.ge [sflag:s24], $0x40  }
0x216: {  	[sflag:s24] =	ssyncset.done $0x0  }
0x217: {  	[sflag:s24] =	ssyncadd.s32 $0xFFFFFFC0  }
0x218: {  	_ =	swait.ge [sflag:s25], $0x40  }
0x219: {  	[sflag:s25] =	ssyncset.done $0x0  }
0x21a: {  	[sflag:s25] =	ssyncadd.s32 $0xFFFFFFC0  }
0x21b: {  	_ =	swait.ge [sflag:s24], $0x40  }
0x21c: {  	[sflag:s24] =	ssyncset.done $0x0  }
0x21d: {  	[sflag:s24] =	ssyncadd.s32 $0xFFFFFFC0  }
0x21e: {  	_ =	swait.ge [sflag:s25], $0x40  }
0x21f: {  	[sflag:s25] =	ssyncset.done $0x0  }
0x220: {  	[sflag:s25] =	ssyncadd.s32 $0xFFFFFFC0  }
0x221: {  	_ =	swait.ge [sflag:s24], $0x40  }
0x222: {  	[sflag:s24] =	ssyncset.done $0x0  }
0x223: {  	[sflag:s24] =	ssyncadd.s32 $0xFFFFFFC0  }
0x224: {  	_ =	swait.ge [sflag:s25], $0x40  }
0x225: {  	[sflag:s25] =	ssyncset.done $0x0  }
0x226: {  	[sflag:s25] =	ssyncadd.s32 $0xFFFFFFC0  }
0x227: {  	_ =	swait.ge [sflag:s24], $0x40  }
0x228: {  	[sflag:s24] =	ssyncset.done $0x0  }
0x229: {  	[sflag:s24] =	ssyncadd.s32 $0xFFFFFFC0  }
0x22a: {  	_ =	swait.ge [sflag:s25], $0x40  }
0x22b: {  	[sflag:s25] =	ssyncset.done $0x0  }
0x22c: {  	[sflag:s25] =	ssyncadd.s32 $0xFFFFFFC0  }
0x22d: {  	_ =	swait.ge [sflag:s24], $0x40  }
0x22e: {  	[sflag:s24] =	ssyncset.done $0x0  }
0x22f: {  	[sflag:s24] =	ssyncadd.s32 $0xFFFFFFC0  }
0x230: {  	_ =	swait.ge [sflag:s25], $0x40  }
0x231: {  	[sflag:s25] =	ssyncset.done $0x0  }
0x232: {  	[sflag:s25] =	ssyncadd.s32 $0xFFFFFFC0  }
0x233: {  	_ =	swait.ge [sflag:s24], $0x40  }
0x234: {  	[sflag:s24] =	ssyncset.done $0x0  }
0x235: {  	[sflag:s24] =	ssyncadd.s32 $0xFFFFFFC0  }
0x236: {  	_ =	swait.ge [sflag:s25], $0x40  }
0x237: {  	[sflag:s25] =	ssyncset.done $0x0  }
0x238: {  	[sflag:s25] =	ssyncadd.s32 $0xFFFFFFC0  }
0x239: {  	_ =	swait.ge [sflag:s24], $0x40  }
0x23a: {  	[sflag:s24] =	ssyncset.done $0x0  }
0x23b: {  	[sflag:s24] =	ssyncadd.s32 $0xFFFFFFC0  }
0x23c: {  	_ =	swait.ge [sflag:s25], $0x40  }
0x23d: {  	[sflag:s25] =	ssyncset.done $0x0  }
0x23e: {  	[sflag:s25] =	ssyncadd.s32 $0xFFFFFFC0  }
0x23f: {  	_ =	swait.ge [sflag:s24], $0x40  }
0x240: {  	[sflag:s24] =	ssyncset.done $0x0  }
0x241: {  	[sflag:s24] =	ssyncadd.s32 $0xFFFFFFC0  }
0x242: {  	_ =	swait.ge [sflag:s25], $0x40  }
0x243: {  	[sflag:s25] =	ssyncset.done $0x0  }
0x244: {  	[sflag:s25] =	ssyncadd.s32 $0xFFFFFFC0  }
0x245: {  	_ =	swait.ge [sflag:s24], $0x40  }
0x246: {  	[sflag:s24] =	ssyncset.done $0x0  }
0x247: {  	[sflag:s24] =	ssyncadd.s32 $0xFFFFFFC0  }
0x248: {  	_ =	swait.ge [sflag:s25], $0x40  }
0x249: {  	[sflag:s25] =	ssyncset.done $0x0  }
0x24a: {  	[sflag:s25] =	ssyncadd.s32 $0xFFFFFFC0  }
0x24b: {  	_ =	swait.ge [sflag:s24], $0x40  }
0x24c: {  	[sflag:s24] =	ssyncset.done $0x0  }
0x24d: {  	[sflag:s24] =	ssyncadd.s32 $0xFFFFFFC0  }
0x24e: {  	_ =	swait.ge [sflag:s25], $0x40  }
0x24f: {  	[sflag:s25] =	ssyncset.done $0x0  }
0x250: {  	[sflag:s25] =	ssyncadd.s32 $0xFFFFFFC0  }
0x251: {  	_ =	swait.ge [sflag:s24], $0x40  }
0x252: {  	[sflag:s24] =	ssyncset.done $0x0  }
0x253: {  	[sflag:s24] =	ssyncadd.s32 $0xFFFFFFC0  }
0x254: {  	_ =	swait.ge [sflag:s25], $0x40  }
0x255: {  	[sflag:s25] =	ssyncset.done $0x0  }
0x256: {  	[sflag:s25] =	ssyncadd.s32 $0xFFFFFFC0  }
0x257: {  	_ =	swait.ge [sflag:s24], $0x40  }
0x258: {  	[sflag:s24] =	ssyncset.done $0x0  }
0x259: {  	[sflag:s24] =	ssyncadd.s32 $0xFFFFFFC0  }
0x25a: {  	_ =	swait.ge [sflag:s25], $0x40  }
0x25b: {  	[sflag:s25] =	ssyncset.done $0x0  }
0x25c: {  	[sflag:s25] =	ssyncadd.s32 $0xFFFFFFC0  }
0x25d: {  	_ =	swait.ge [sflag:s24], $0x40  }
0x25e: {  	[sflag:s24] =	ssyncset.done $0x0  }
0x25f: {  	[sflag:s24] =	ssyncadd.s32 $0xFFFFFFC0  }
0x260: {  	_ =	swait.ge [sflag:s25], $0x40  }
0x261: {  	[sflag:s25] =	ssyncset.done $0x0  }
0x262: {  	[sflag:s25] =	ssyncadd.s32 $0xFFFFFFC0  }
0x263: {  	v0 =	vld [tilespmem:$0x400]  }
0x264: {  	v1 =	vld [tilespmem:$0x1400]  }
0x265: {  	v2 =	vld [tilespmem:$0x410]  }
0x266: {  	v3 =	vld [tilespmem:$0x1410]  }
0x267: {  	v4 =	vld [tilespmem:$0x420]  }
0x268: {  	v5 =	vld [tilespmem:$0x1420]  }
0x269: {  	v15 =	vld [tilespmem:$0x430]  }
0x26a: {  	v7 =	vld [tilespmem:$0x1430]  }
0x26b: {  	v8 =	vld [tilespmem:$0x480]  }
0x26c: {  	v9 =	vld [tilespmem:$0x1480]  }
0x26d: {  	v10 =	vld [tilespmem:$0x490]  }
0x26e: {  	v11 =	vld [tilespmem:$0x1490]  }
0x26f: {  	v12 =	vld [tilespmem:$0x4A0]  }
0x270: {  	v13 =	vld [tilespmem:$0x14A0]  }
0x271: {  	v54 =	vld [tilespmem:$0x4B0]  }
0x272: {  	v47 =	vld [tilespmem:$0x14B0]  }
0x273: {  	v16 =	vld [tilespmem:$0x500]  }
0x274: {  	v17 =	vld [tilespmem:$0x1500]  }
0x275: {  	v18 =	vld [tilespmem:$0x510]  }
0x276: {  	v19 =	vld [tilespmem:$0x1510]  }
0x277: {  	v20 =	vld [tilespmem:$0x520]  }
0x278: {  	v21 =	vld [tilespmem:$0x1520]  }
0x279: {  	v22 =	vld [tilespmem:$0x530]  }
0x27a: {  	v23 =	vld [tilespmem:$0x1530]  }
0x27b: {  	v24 =	vld [tilespmem:$0x580]  }
0x27c: {  	v25 =	vld [tilespmem:$0x1580]  }
0x27d: {  	v26 =	vld [tilespmem:$0x590]  }
0x27e: {  	v27 =	vld [tilespmem:$0x1590]  }
0x27f: {  	v28 =	vld [tilespmem:$0x5A0]  }
0x280: {  	v29 =	vld [tilespmem:$0x15A0]  }
0x281: {  	v55 =	vld [tilespmem:$0x5B0]  }
0x282: {  	v39 =	vld [tilespmem:$0x15B0]  }
0x283: {  	v32 =	vld [tilespmem:$0x600]  }
0x284: {  	v33 =	vld [tilespmem:$0x1600]  }
0x285: {  	v34 =	vld [tilespmem:$0x610]  }
0x286: {  	v35 =	vld [tilespmem:$0x1610]  }
0x287: {  	v46 =	vld [tilespmem:$0x620]  }
0x288: {  	v37 =	vld [tilespmem:$0x1620]  }
0x289: {  	v6 =	vld [tilespmem:$0x630]  }
0x28a: {  	v59 =	vld [tilespmem:$0x1630]  }
0x28b: {  	v40 =	vld [tilespmem:$0x680]  }
0x28c: {  	v41 =	vld [tilespmem:$0x1680]  }
0x28d: {  	v42 =	vld [tilespmem:$0x690]  }
0x28e: {  	v43 =	vld [tilespmem:$0x1690]  }
0x28f: {  	v44 =	vld [tilespmem:$0x6A0]  }
0x290: {  	v45 =	vld [tilespmem:$0x16A0]  }
0x291: {  	v60 =	vld [tilespmem:$0x6B0]  }
0x292: {  	v61 =	vld [tilespmem:$0x16B0]  }
0x293: {  	v48 =	vld [tilespmem:$0x700]  }
0x294: {  	v49 =	vld [tilespmem:$0x1700]  }
0x295: {  	v50 =	vld [tilespmem:$0x710]  }
0x296: {  	v51 =	vld [tilespmem:$0x1710]  }
0x297: {  	v52 =	vld [tilespmem:$0x720]  }
0x298: {  	v53 =	vld [tilespmem:$0x1720]  }
0x299: {  	v62 =	vld [tilespmem:$0x730]  }
0x29a: {  	v63 =	vld [tilespmem:$0x1730]  }
0x29b: {  	v56 =	vld [tilespmem:$0x780]  }
0x29c: {  	v57 =	vld [tilespmem:$0x1780]  }
0x29d: {  	v58 =	vld [tilespmem:$0x790]  }
0x29e: {  	v14 =	vld [tilespmem:$0x7A0]  }
0x29f: {  	v30 =	vld [tilespmem:$0x7B0]  }
0x2a0: {  	v31 =	vld [tilespmem:$0x17B0]  }
0x2a1: {  	v36 =	vld [tilespmem:$0x820]  }
0x2a2: {  	v38 =	vld [tilespmem:$0x1820]  }
0x2a3: {  	[tilespmem:$0x1FD10] =	vst v59;
	v59 =	vld [tilespmem:$0x1790]  }
0x2a4: {  	[tilespmem:$0x1FD30] =	vst v61;
	v61 =	vld [tilespmem:$0x17A0]  }
0x2a5: {  	[tilespmem:$0x1FD80] =	vst v31;
	v31 =	vld [tilespmem:$0x800]  }
0x2a6: {  	[tilespmem:$0x1FD70] =	vst v30;
	v30 =	vld [tilespmem:$0x1800]  }
0x2a7: {  	[tilespmem:$0x1FD50] =	vst v62;
	v62 =	vld [tilespmem:$0x810]  }
0x2a8: {  	[tilespmem:$0x1FD20] =	vst v60;
	v60 =	vld [tilespmem:$0x1810]  }
0x2a9: {  	[tilespmem:$0x1FD60] =	vst v63;
	v63 =	vld [tilespmem:$0x830]  }
0x2aa: {  	[tilespmem:$0x1FD40] =	vst v14;
	v14 =	vld [tilespmem:$0x1830]  }
0x2ab: {  	[tilespmem:$0x1FD00] =	vst v6;
	v6 =	vld [tilespmem:$0x1880]  }
0x2ac: {  	[tilespmem:$0x1FDA0] =	vst v38;
	v38 =	vld [tilespmem:$0x890]  }
0x2ad: {  	[tilespmem:$0x1FD90] =	vst v36;
	v36 =	vld [tilespmem:$0x1890]  }
0x2ae: {  	v0 =	vmul.f32 v1, v0;
	v1 =	vld [tilespmem:$0x930]  }
0x2af: {  	v2 =	vmul.f32 v3, v2;
	v3 =	vld [tilespmem:$0x980]  }
0x2b0: {  	v7 =	vmul.f32 v7, v15;
	v15 =	vld [tilespmem:$0x19A0]  }
0x2b1: {  	v17 =	vmul.f32 v17, v16;
	v16 =	vld [tilespmem:$0xA00];
	v32 =	vmul.f32 v33, v32  }
0x2b2: {  	v33 =	vmul.f32 v41, v40;
	v40 =	vmul.f32 v35, v34;
	v34 =	vld [tilespmem:$0x1A90]  }
0x2b3: {  	v35 =	vld [tilespmem:$0xAB0]  }
0x2b4: {  	v41 =	vmul.f32 v39, v55;
	v55 =	vld [tilespmem:$0x1FD10]  }
0x2b5: {  	v56 =	vmul.f32 v57, v56;
	v57 =	vld [tilespmem:$0x1FD20]  }
0x2b6: {  	v43 =	vmul.f32 v43, v42;
	v42 =	vld [tilespmem:$0x1FD40]  }
0x2b7: {  	v48 =	vmul.f32 v49, v48;
	v49 =	vmul.f32 v45, v44;
	v44 =	vld [tilespmem:$0x1FD60];
	v0 =	vadd.f32 $0.0e+00, v0  }
0x2b8: {  	v51 =	vmul.f32 v51, v50;
	v50 =	vld [tilespmem:$0x1FDA0]  }
0x2b9: {  	v0 =	vadd.f32 v2, v0;
	v2 =	vmul.f32 v5, v4;
	v5 =	vld [tilespmem:$0x990]  }
0x2ba: {  	v4 =	vmul.f32 v9, v8;
	v9 =	vld [tilespmem:$0x1990]  }
0x2bb: {  	v8 =	vadd.f32 $0.0e+00, v17;
	v17 =	vld [tilespmem:$0x1A10]  }
0x2bc: {  	[tilespmem:$0x1FE00] =	vst v14;
	v14 =	vld [tilespmem:$0x880]  }
0x2bd: {  	[tilespmem:$0x1FDF0] =	vst v63;
	v63 =	vld [tilespmem:$0x8A0]  }
0x2be: {  	[tilespmem:$0x1FE60] =	vst v1;
	v1 =	vld [tilespmem:$0x1930]  }
0x2bf: {  	v0 =	vadd.f32 v2, v0;
	v2 =	vmul.f32 v11, v10;
	v10 =	vld [tilespmem:$0x9A0]  }
0x2c0: {  	v11 =	vmul.f32 v19, v18;
	v18 =	vmul.f32 v13, v12;
	v13 =	vld [tilespmem:$0x9B0]  }
0x2c1: {  	v19 =	vmul.f32 v25, v24;
	v24 =	vmul.f32 v21, v20;
	v20 =	vld [tilespmem:$0xA10]  }
0x2c2: {  	v21 =	vld [tilespmem:$0xA20]  }
0x2c3: {  	v25 =	vmul.f32 v27, v26;
	v27 =	vmul.f32 v23, v22;
	v23 =	vld [tilespmem:$0x1A30]  }
0x2c4: {  	v26 =	vmul.f32 v47, v54;
	v54 =	vld [tilespmem:$0x1FD00]  }
0x2c5: {  	v47 =	vmul.f32 v37, v46;
	v37 =	vld [tilespmem:$0x1FD30]  }
0x2c6: {  	v46 =	vmul.f32 v36, v38;
	v36 =	vld [tilespmem:$0x1AB0]  }
0x2c7: {  	v38 =	vld [tilespmem:$0xB00]  }
0x2c8: {  	[tilespmem:$0x1FDB0] =	vst v63;
	v63 =	vld [tilespmem:$0x18A0]  }
0x2c9: {  	v22 =	vadd.f32 $0.0e+00, v56;
	v56 =	vld [tilespmem:$0x1FE00]  }
0x2ca: {  	v0 =	vadd.f32 v7, v0;
	v7 =	vadd.f32 v11, v8;
	v11 =	vld [tilespmem:$0x19B0]  }
0x2cb: {  	v4 =	vadd.f32 $0.0e+00, v4;
	v8 =	vadd.f32 $0.0e+00, v33;
	v33 =	vld [tilespmem:$0xA90]  }
0x2cc: {  	v5 =	vmul.f32 v9, v5;
	v9 =	vld [tilespmem:$0x1B20]  }
0x2cd: {  	v2 =	vadd.f32 v2, v4;
	[tilespmem:$0x1FDC0] =	vst v63;
	v63 =	vld [tilespmem:$0x8B0]  }
0x2ce: {  	[tilespmem:$0x1FE70] =	vst v1;
	v1 =	vld [tilespmem:$0x1980]  }
0x2cf: {  	v2 =	vadd.f32 v18, v2;
	v18 =	vld [tilespmem:$0x1A00]  }
0x2d0: {  	v7 =	vadd.f32 v24, v7;
	v24 =	vld [tilespmem:$0x1A20]  }
0x2d1: {  	v6 =	vmul.f32 v6, v14;
	v14 =	vld [tilespmem:$0x1AA0]  }
0x2d2: {  	v12 =	vadd.f32 $0.0e+00, v19;
	[tilespmem:$0x1FE10] =	vst v63;
	v63 =	vld [tilespmem:$0x18B0]  }
0x2d3: {  	v8 =	vadd.f32 v43, v8;
	v43 =	vld [tilespmem:$0x1FD50]  }
0x2d4: {  	v4 =	vadd.f32 v25, v12;
	v25 =	vadd.f32 $0.0e+00, v48;
	v48 =	vld [tilespmem:$0x1FD80]  }
0x2d5: {  	v29 =	vmul.f32 v29, v28;
	v28 =	vmul.f32 v55, v54;
	v55 =	vld [tilespmem:$0x1FDF0]  }
0x2d6: {  	v19 =	vadd.f32 $0.0e+00, v32;
	v2 =	vadd.f32 v26, v2;
	v26 =	vld [tilespmem:$0xA30]  }
0x2d7: {  	[tilespmem:$0x1FE20] =	vst v63;
	v63 =	vld [tilespmem:$0x900]  }
0x2d8: {  	v12 =	vadd.f32 v40, v19;
	v7 =	vadd.f32 v27, v7;
	v27 =	vld [tilespmem:$0xA80]  }
0x2d9: {  	v4 =	vadd.f32 v29, v4;
	v29 =	vld [tilespmem:$0x1A80]  }
0x2da: {  	v12 =	vadd.f32 v47, v12;
	v47 =	vld [tilespmem:$0x1FD70]  }
0x2db: {  	v8 =	vadd.f32 v49, v8;
	v49 =	vld [tilespmem:$0x1FD90]  }
0x2dc: {  	[tilespmem:$0x1FDD0] =	vst v63;
	v63 =	vld [tilespmem:$0x1900]  }
0x2dd: {  	v19 =	vadd.f32 v51, v25;
	v6 =	vadd.f32 $0.0e+00, v6;
	v51 =	vld [tilespmem:$0x1FDB0]  }
0x2de: {  	v4 =	vadd.f32 v41, v4;
	v41 =	vmul.f32 v30, v31;
	v30 =	vld [tilespmem:$0xAA0]  }
0x2df: {  	v6 =	vadd.f32 v46, v6;
	v46 =	vld [tilespmem:$0x1FE70]  }
0x2e0: {  	v39 =	vmul.f32 v53, v52;
	v1 =	vmul.f32 v1, v3;
	v3 =	vld [tilespmem:$0x1B10]  }
0x2e1: {  	[tilespmem:$0x1FDE0] =	vst v63;
	v63 =	vld [tilespmem:$0x910]  }
0x2e2: {  	v19 =	vadd.f32 v39, v19;
	v31 =	vmul.f32 v44, v43;
	v52 =	vld [tilespmem:$0x1FDC0]  }
0x2e3: {  	v25 =	vadd.f32 $0.0e+00, v41;
	v41 =	vld [tilespmem:$0xB20]  }
0x2e4: {  	v19 =	vadd.f32 v31, v19;
	v31 =	vld [tilespmem:$0x1B00]  }
0x2e5: {  	v32 =	vmul.f32 v37, v57;
	v37 =	vmul.f32 v48, v47;
	v48 =	vld [tilespmem:$0xB80]  }
0x2e6: {  	[tilespmem:$0x1FE30] =	vst v63;
	v63 =	vld [tilespmem:$0x1910]  }
0x2e7: {  	v8 =	vadd.f32 v32, v8;
	v32 =	vmul.f32 v50, v49;
	v50 =	vld [tilespmem:$0x1B80]  }
0x2e8: {  	v40 =	vmul.f32 v59, v58;
	v57 =	vld [tilespmem:$0x1FE10]  }
0x2e9: {  	(xrf2) =	vadd.scan.msk.f32 $0xffff, v0;
	v58 =	vld [tilespmem:$0x1FE20]  }
0x2ea: {  	v45 =	vmul.f32 v60, v62;
	v22 =	vadd.f32 v40, v22;
	(xrf2) =	vadd.scan.msk.f32 $0xffff, v2;
	v53 =	vld [tilespmem:$0x1FDD0]  }
0x2eb: {  	v12 =	vadd.f32 v28, v12;
	v28 =	vmul.f32 v61, v42;
	(xrf2) =	vadd.scan.msk.f32 $0xffff, v7;
	[tilespmem:$0x1FE40] =	vst v63;
	v63 =	vld [tilespmem:$0x920]  }
0x2ec: {  	v42 =	vmul.f32 v18, v16;
	(xrf2) =	vadd.scan.msk.f32 $0xffff, v4;
	v54 =	vld [tilespmem:$0x1FDE0]  }
0x2ed: {  	v22 =	vadd.f32 v28, v22;
	v39 =	vmul.f32 v56, v55;
	(xrf2) =	vadd.scan.msk.f32 $0xffff, v12;
	v25 =	vadd.f32 v45, v25;
	v59 =	vld [tilespmem:$0x1FE30]  }
0x2ee: {  	v1 =	vadd.f32 $0.0e+00, v1;
	v47 =	vmul.f32 v29, v27;
	v49 =	vmul.f32 v11, v13;
	(xrf2) =	vadd.scan.msk.f32 $0xffff, v8;
	v60 =	vld [tilespmem:$0x1FE40]  }
0x2ef: {  	v22 =	vadd.f32 v37, v22;
	v37 =	vld [tilespmem:$0xB10];
	(xrf2) =	vadd.scan.msk.f32 $0xffff, v19;
	v19 =	vmul.f32 v36, v35;
	v25 =	vadd.f32 v32, v25  }
0x2f0: {  	v28 =	vmul.f32 v52, v51;
	v51 =	vmul.f32 v17, v20;
	v52 =	vadd.f32 $0.0e+00, v47;
	[tilespmem:$0x1FE50] =	vst v63;
	v63 =	vld [tilespmem:$0x1920]  }
0x2f1: {  	v17 =	vmul.f32 v9, v41;
	v25 =	vadd.f32 v39, v25;
	v32 =	vmul.f32 v54, v53;
	v62 =	vld [tilespmem:$0x1FE50]  }
0x2f2: {  	v43 =	vld [tilespmem:$0x1B30];
	v55 =	vmul.f32 v31, v38;
	v7 =	vmul.f32 v50, v48;
	v6 =	vadd.f32 v28, v6  }
0x2f3: {  	v45 =	vld [tilespmem:$0x1FE60];
	v28 =	vmul.f32 v58, v57;
	v32 =	vadd.f32 $0.0e+00, v32;
	v40 =	vmul.f32 v60, v59  }
0x2f4: {  	v56 =	vld [tilespmem:$0x1B90];
	v3 =	vmul.f32 v3, v37;
	v7 =	vadd.f32 $0.0e+00, v7;
	v57 =	vmul.f32 v24, v21  }
0x2f5: {  	v39 =	vld [tilespmem:$0xB30];
	v6 =	vadd.f32 v28, v6;
	v53 =	vmul.f32 v34, v33;
	v61 =	vadd.f32 v40, v32  }
0x2f6: {  	v54 =	vld [tilespmem:$0xB90];
	v32 =	vmul.f32 v63, v62;
	v63 =	vadd.f32 v5, v1;
	v5 =	vadd.f32 $0.0e+00, v42  }
0x2f7: {  	v58 =	vadd.f32 v53, v52;
	v59 =	vld [tilespmem:$0xBA0];
	v40 =	vmul.f32 v15, v10;
	v1 =	vadd.f32 $0.0e+00, v55  }
0x2f8: {  	v15 =	vmul.f32 v46, v45;
	v44 =	vadd.f32 v32, v61;
	v4 =	vadd.f32 v51, v5;
	v61 =	vld [tilespmem:$0x1BA0]  }
0x2f9: {  	v18 =	vld [tilespmem:$0x1BB0];
	(xrf2) =	vadd.scan.msk.f32 $0xffff, v22;
	v60 =	vmul.f32 v14, v30;
	v0 =	vadd.f32 v40, v63;
	v1 =	vadd.f32 v3, v1  }
0x2fa: {  	(xrf2) =	vadd.scan.msk.f32 $0xffff, v25;
	v62 =	vmul.f32 v23, v26;
	v63 =	vld [tilespmem:$0xBB0];
	v2 =	vadd.f32 v15, v44;
	v4 =	vadd.f32 v57, v4  }
0x2fb: {  	(xrf2) =	vadd.scan.msk.f32 $0xffff, v6;
	v12 =	vmul.f32 v56, v54;
	v8 =	vadd.f32 v60, v58;
	v0 =	vadd.f32 v49, v0  }
0x2fc: {  	v20, _, _ =	vpop (xrf2);
	v22 =	vmul.f32 v43, v39;
	v1 =	vadd.f32 v17, v1;
	(xrf2) =	vadd.scan.msk.f32 $0xffff, v2;
	v21 =	vadd.f32 v62, v4  }
0x2fd: {  	v25 =	vadd.f32 v12, v7;
	v24 =	vadd.f32 v19, v8;
	v23, _, _ =	vpop (xrf2);
	(xrf2) =	vadd.scan.msk.f32 $0xffff, v0;
	v26 =	vmul.f32 v61, v59  }
0x2fe: {  	v27 =	vbroadcast v20, $0xF;
	v28, _, _ =	vpop (xrf2);
	v4 =	vbroadcast v23, $0xF;
	v1 =	vadd.f32 v22, v1;
	(xrf2) =	vadd.scan.msk.f32 $0xffff, v21  }
0x2ff: {  	v29 =	vbroadcast v28, $0xF;
	v30, _, _ =	vpop (xrf2);
	v32 =	vmul.f32 v18, v63;
	(xrf2) =	vadd.scan.msk.f32 $0xffff, v24;
	v31 =	vadd.f32 v26, v25  }
0x300: {  	v3 =	vbroadcast v30, $0xF;
	v33, _, _ =	vpop (xrf2);
	v4 =	vsel vm0, v27, v4;
	(xrf2) =	vadd.scan.msk.f32 $0xffff, v1  }
0x301: {  	v35 =	vbroadcast v33, $0xF;
	v36, _, _ =	vpop (xrf2);
	v34 =	vsel vm1, v4, v29;
	v0 =	vadd.f32 v32, v31  }
0x302: {  	v37 =	vbroadcast v36, $0xF;
	v38, _, _ =	vpop (xrf2);
	v1 =	vsel vm2, v34, v3  }
0x303: {  	v39 =	vbroadcast v38, $0xF;
	v40, _, _ =	vpop (xrf2);
	v1 =	vsel vm3, v1, v35;
	(xrf2) =	vadd.scan.msk.f32 $0xffff, v0  }
0x304: {  	v42 =	vbroadcast v40, $0xF;
	v43, _, _ =	vpop (xrf2);
	v41 =	vsel vm4, v1, v37  }
0x305: {  	v44 =	vbroadcast v43, $0xF;
	v45, _, _ =	vpop (xrf2);
	v0 =	vsel vm5, v41, v39  }
0x306: {  	v46 =	vbroadcast v45, $0xF;
	v0 =	vsel vm6, v0, v42;
	v47, _, _ =	vpop (xrf2)  }
0x307: {  	v0 =	vsel vm7, v0, v44;
	v48 =	vbroadcast v47, $0xF;
	v49, _, _ =	vpop (xrf2)  }
0x308: {  	v0 =	vsel vm8, v0, v46;
	v50 =	vbroadcast v49, $0xF;
	v51, _, _ =	vpop (xrf2)  }
0x309: {  	v0 =	vsel vm9, v0, v48;
	v52 =	vbroadcast v51, $0xF;
	v53, _, _ =	vpop (xrf2)  }
0x30a: {  	v0 =	vsel vm10, v0, v50;
	v54 =	vbroadcast v53, $0xF;
	v55, _, _ =	vpop (xrf2)  }
0x30b: {  	v0 =	vsel vm11, v0, v52;
	v56 =	vbroadcast v55, $0xF  }
0x30c: {  	v0 =	vsel vm12, v0, v54  }
0x30d: {  	v0 =	vsel vm13, v0, v56;
	v57, _, _ =	vpop (xrf2)  }
0x30e: {  	v0 =	vsel vm14, v0, v57  }
0x30f: {  	[tilespmem:s28+$0x2400] =	vst v0  }
0x310: {  	v0 =	vld [tilespmem:$0xC00]  }
0x311: {  	v1 =	vld [tilespmem:$0x1C00]  }
0x312: {  	v2 =	vld [tilespmem:$0xC10]  }
0x313: {  	v3 =	vld [tilespmem:$0x1C10]  }
0x314: {  	v4 =	vld [tilespmem:$0xC20]  }
0x315: {  	v5 =	vld [tilespmem:$0x1C20]  }
0x316: {  	v15 =	vld [tilespmem:$0xC30]  }
0x317: {  	v7 =	vld [tilespmem:$0x1C30]  }
0x318: {  	v8 =	vld [tilespmem:$0xC80]  }
0x319: {  	v9 =	vld [tilespmem:$0x1C80]  }
0x31a: {  	v10 =	vld [tilespmem:$0xC90]  }
0x31b: {  	v11 =	vld [tilespmem:$0x1C90]  }
0x31c: {  	v12 =	vld [tilespmem:$0xCA0]  }
0x31d: {  	v13 =	vld [tilespmem:$0x1CA0]  }
0x31e: {  	v54 =	vld [tilespmem:$0xCB0]  }
0x31f: {  	v47 =	vld [tilespmem:$0x1CB0]  }
0x320: {  	v16 =	vld [tilespmem:$0xD00]  }
0x321: {  	v17 =	vld [tilespmem:$0x1D00]  }
0x322: {  	v18 =	vld [tilespmem:$0xD10]  }
0x323: {  	v19 =	vld [tilespmem:$0x1D10]  }
0x324: {  	v20 =	vld [tilespmem:$0xD20]  }
0x325: {  	v21 =	vld [tilespmem:$0x1D20]  }
0x326: {  	v22 =	vld [tilespmem:$0xD30]  }
0x327: {  	v23 =	vld [tilespmem:$0x1D30]  }
0x328: {  	v24 =	vld [tilespmem:$0xD80]  }
0x329: {  	v25 =	vld [tilespmem:$0x1D80]  }
0x32a: {  	v26 =	vld [tilespmem:$0xD90]  }
0x32b: {  	v27 =	vld [tilespmem:$0x1D90]  }
0x32c: {  	v28 =	vld [tilespmem:$0xDA0]  }
0x32d: {  	v29 =	vld [tilespmem:$0x1DA0]  }
0x32e: {  	v55 =	vld [tilespmem:$0xDB0]  }
0x32f: {  	v39 =	vld [tilespmem:$0x1DB0]  }
0x330: {  	v32 =	vld [tilespmem:$0xE00]  }
0x331: {  	v33 =	vld [tilespmem:$0x1E00]  }
0x332: {  	v34 =	vld [tilespmem:$0xE10]  }
0x333: {  	v35 =	vld [tilespmem:$0x1E10]  }
0x334: {  	v46 =	vld [tilespmem:$0xE20]  }
0x335: {  	v37 =	vld [tilespmem:$0x1E20]  }
0x336: {  	v58 =	vld [tilespmem:$0xE30]  }
0x337: {  	v59 =	vld [tilespmem:$0x1E30]  }
0x338: {  	v40 =	vld [tilespmem:$0xE80]  }
0x339: {  	v41 =	vld [tilespmem:$0x1E80]  }
0x33a: {  	v42 =	vld [tilespmem:$0xE90]  }
0x33b: {  	v43 =	vld [tilespmem:$0x1E90]  }
0x33c: {  	v44 =	vld [tilespmem:$0xEA0]  }
0x33d: {  	v45 =	vld [tilespmem:$0x1EA0]  }
0x33e: {  	v60 =	vld [tilespmem:$0xEB0]  }
0x33f: {  	v61 =	vld [tilespmem:$0x1EB0]  }
0x340: {  	v48 =	vld [tilespmem:$0xF00]  }
0x341: {  	v49 =	vld [tilespmem:$0x1F00]  }
0x342: {  	v50 =	vld [tilespmem:$0xF10]  }
0x343: {  	v51 =	vld [tilespmem:$0x1F10]  }
0x344: {  	v52 =	vld [tilespmem:$0xF20]  }
0x345: {  	v53 =	vld [tilespmem:$0x1F20]  }
0x346: {  	v62 =	vld [tilespmem:$0xF30]  }
0x347: {  	v63 =	vld [tilespmem:$0x1F30]  }
0x348: {  	v56 =	vld [tilespmem:$0xF80]  }
0x349: {  	v57 =	vld [tilespmem:$0x1F80]  }
0x34a: {  	v14 =	vld [tilespmem:$0xFA0]  }
0x34b: {  	v30 =	vld [tilespmem:$0xFB0]  }
0x34c: {  	v31 =	vld [tilespmem:$0x1FB0]  }
0x34d: {  	v36 =	vld [tilespmem:$0x1020]  }
0x34e: {  	v38 =	vld [tilespmem:$0x2020]  }
0x34f: {  	v6 =	vld [tilespmem:$0x2080]  }
0x350: {  	[tilespmem:$0x1FE80] =	vst v58;
	v58 =	vld [tilespmem:$0xF90]  }
0x351: {  	[tilespmem:$0x1FE90] =	vst v59;
	v59 =	vld [tilespmem:$0x1F90]  }
0x352: {  	[tilespmem:$0x1FEB0] =	vst v61;
	v61 =	vld [tilespmem:$0x1FA0]  }
0x353: {  	[tilespmem:$0x1FF00] =	vst v31;
	v31 =	vld [tilespmem:$0x1000]  }
0x354: {  	[tilespmem:$0x1FEF0] =	vst v30;
	v30 =	vld [tilespmem:$0x2000]  }
0x355: {  	[tilespmem:$0x1FED0] =	vst v62;
	v62 =	vld [tilespmem:$0x1010]  }
0x356: {  	[tilespmem:$0x1FEA0] =	vst v60;
	v60 =	vld [tilespmem:$0x2010]  }
0x357: {  	[tilespmem:$0x1FEE0] =	vst v63;
	v63 =	vld [tilespmem:$0x1030]  }
0x358: {  	[tilespmem:$0x1FEC0] =	vst v14;
	v14 =	vld [tilespmem:$0x2030]  }
0x359: {  	[tilespmem:$0x1FF20] =	vst v38;
	v38 =	vld [tilespmem:$0x1090]  }
0x35a: {  	[tilespmem:$0x1FF10] =	vst v36;
	v36 =	vld [tilespmem:$0x2090]  }
0x35b: {  	v0 =	vmul.f32 v1, v0;
	v1 =	vld [tilespmem:$0x2130]  }
0x35c: {  	v2 =	vmul.f32 v3, v2;
	v3 =	vld [tilespmem:$0x1180]  }
0x35d: {  	v7 =	vmul.f32 v7, v15;
	v15 =	vld [tilespmem:$0x21A0]  }
0x35e: {  	v17 =	vmul.f32 v17, v16;
	v16 =	vld [tilespmem:$0x1200];
	v32 =	vmul.f32 v33, v32  }
0x35f: {  	v33 =	vmul.f32 v41, v40;
	v40 =	vmul.f32 v35, v34;
	v34 =	vld [tilespmem:$0x1FE80]  }
0x360: {  	v35 =	vld [tilespmem:$0x1FE90]  }
0x361: {  	v41 =	vmul.f32 v39, v55;
	v39 =	vld [tilespmem:$0x1FEA0]  }
0x362: {  	v55 =	vmul.f32 v51, v50;
	v50 =	vld [tilespmem:$0x1FF00];
	v0 =	vadd.f32 $0.0e+00, v0  }
0x363: {  	v51 =	vld [tilespmem:$0x1FF10]  }
0x364: {  	v0 =	vadd.f32 v2, v0;
	v2 =	vmul.f32 v5, v4;
	v5 =	vld [tilespmem:$0x1190]  }
0x365: {  	v4 =	vmul.f32 v9, v8;
	v9 =	vld [tilespmem:$0x2190]  }
0x366: {  	v8 =	vadd.f32 $0.0e+00, v17;
	v17 =	vld [tilespmem:$0x2210]  }
0x367: {  	[tilespmem:$0x1FF80] =	vst v14;
	v14 =	vld [tilespmem:$0x1080]  }
0x368: {  	[tilespmem:$0x1FF70] =	vst v63;
	v63 =	vld [tilespmem:$0x10A0]  }
0x369: {  	[tilespmem:$0x1FFF0] =	vst v1;
	v1 =	vld [tilespmem:$0x2180]  }
0x36a: {  	v49 =	vmul.f32 v49, v48;
	v48 =	vmul.f32 v36, v38;
	v36 =	vld [tilespmem:$0x22B0]  }
0x36b: {  	v38 =	vld [tilespmem:$0x1300]  }
0x36c: {  	v0 =	vadd.f32 v2, v0;
	v2 =	vmul.f32 v11, v10;
	v10 =	vld [tilespmem:$0x11A0]  }
0x36d: {  	v11 =	vmul.f32 v19, v18;
	v18 =	vmul.f32 v13, v12;
	v13 =	vld [tilespmem:$0x11B0]  }
0x36e: {  	v19 =	vmul.f32 v25, v24;
	v24 =	vmul.f32 v21, v20;
	v20 =	vld [tilespmem:$0x1210]  }
0x36f: {  	v21 =	vld [tilespmem:$0x1220]  }
0x370: {  	[tilespmem:$0x1FF30] =	vst v63;
	v63 =	vld [tilespmem:$0x20A0]  }
0x371: {  	v25 =	vmul.f32 v27, v26;
	v27 =	vmul.f32 v23, v22;
	v23 =	vld [tilespmem:$0x2230]  }
0x372: {  	v29 =	vmul.f32 v29, v28;
	v28 =	vmul.f32 v35, v34;
	v34 =	vld [tilespmem:$0x2290]  }
0x373: {  	v26 =	vmul.f32 v47, v54;
	v54 =	vmul.f32 v45, v44;
	v44 =	vld [tilespmem:$0x1FEC0]  }
0x374: {  	v45 =	vld [tilespmem:$0x1FED0]  }
0x375: {  	[tilespmem:$0x1FF40] =	vst v63;
	v63 =	vld [tilespmem:$0x10B0]  }
0x376: {  	v47 =	vmul.f32 v37, v46;
	v46 =	vld [tilespmem:$0x1FEE0]  }
0x377: {  	v35 =	vld [tilespmem:$0x12B0]  }
0x378: {  	v37 =	vmul.f32 v57, v56;
	v57 =	vld [tilespmem:$0x1FF70]  }
0x379: {  	v43 =	vmul.f32 v43, v42;
	v42 =	vmul.f32 v59, v58;
	v58 =	vld [tilespmem:$0x1FF80]  }
0x37a: {  	v4 =	vadd.f32 $0.0e+00, v4;
	[tilespmem:$0x1FF90] =	vst v63;
	v63 =	vld [tilespmem:$0x20B0]  }
0x37b: {  	v0 =	vadd.f32 v7, v0;
	v7 =	vadd.f32 v11, v8;
	v11 =	vld [tilespmem:$0x21B0]  }
0x37c: {  	v2 =	vadd.f32 v2, v4;
	v8 =	vadd.f32 $0.0e+00, v33;
	v33 =	vld [tilespmem:$0x1290]  }
0x37d: {  	v5 =	vmul.f32 v9, v5;
	v9 =	vld [tilespmem:$0x2320]  }
0x37e: {  	v2 =	vadd.f32 v18, v2;
	v18 =	vld [tilespmem:$0x2200]  }
0x37f: {  	v12 =	vadd.f32 $0.0e+00, v19;
	v19 =	vadd.f32 $0.0e+00, v32;
	[tilespmem:$0x1FFA0] =	vst v63;
	v63 =	vld [tilespmem:$0x1100]  }
0x380: {  	v7 =	vadd.f32 v24, v7;
	v24 =	vld [tilespmem:$0x2220]  }
0x381: {  	v4 =	vadd.f32 v25, v12;
	v12 =	vadd.f32 v40, v19;
	v40 =	vld [tilespmem:$0x1FEB0]  }
0x382: {  	v8 =	vadd.f32 v43, v8;
	v43 =	vmul.f32 v30, v31;
	v30 =	vld [tilespmem:$0x12A0]  }
0x383: {  	v6 =	vmul.f32 v6, v14;
	v14 =	vld [tilespmem:$0x22A0]  }
0x384: {  	[tilespmem:$0x1FF50] =	vst v63;
	v63 =	vld [tilespmem:$0x2100]  }
0x385: {  	v25 =	vadd.f32 $0.0e+00, v49;
	v49 =	vld [tilespmem:$0x1FEF0]  }
0x386: {  	v1 =	vmul.f32 v1, v3;
	v3 =	vld [tilespmem:$0x2310]  }
0x387: {  	v31 =	vmul.f32 v46, v45;
	v45 =	vld [tilespmem:$0x1330]  }
0x388: {  	v46 =	vld [tilespmem:$0x1FFF0]  }
0x389: {  	[tilespmem:$0x1FF60] =	vst v63;
	v63 =	vld [tilespmem:$0x1110]  }
0x38a: {  	v2 =	vadd.f32 v26, v2;
	v26 =	vld [tilespmem:$0x1230]  }
0x38b: {  	v7 =	vadd.f32 v27, v7;
	v4 =	vadd.f32 v29, v4;
	v27 =	vld [tilespmem:$0x1280]  }
0x38c: {  	v29 =	vld [tilespmem:$0x2280]  }
0x38d: {  	v22 =	vadd.f32 $0.0e+00, v37;
	v4 =	vadd.f32 v41, v4;
	v41 =	vmul.f32 v53, v52;
	v52 =	vld [tilespmem:$0x1FF20]  }
0x38e: {  	v6 =	vadd.f32 $0.0e+00, v6;
	[tilespmem:$0x1FFB0] =	vst v63;
	v63 =	vld [tilespmem:$0x2110]  }
0x38f: {  	v22 =	vadd.f32 v42, v22;
	v12 =	vadd.f32 v47, v12;
	v53 =	vld [tilespmem:$0x1FF30]  }
0x390: {  	v19 =	vadd.f32 v55, v25;
	v6 =	vadd.f32 v48, v6;
	v48 =	vld [tilespmem:$0x2330]  }
0x391: {  	v8 =	vadd.f32 v54, v8;
	v12 =	vadd.f32 v28, v12;
	v28 =	vmul.f32 v61, v44;
	v54 =	vld [tilespmem:$0x1FF40]  }
0x392: {  	v19 =	vadd.f32 v41, v19;
	v41 =	vld [tilespmem:$0x1320]  }
0x393: {  	v37 =	vmul.f32 v50, v49;
	v22 =	vadd.f32 v28, v22;
	[tilespmem:$0x1FFC0] =	vst v63;
	v63 =	vld [tilespmem:$0x1120]  }
0x394: {  	v19 =	vadd.f32 v31, v19;
	v31 =	vld [tilespmem:$0x2300]  }
0x395: {  	v22 =	vadd.f32 v37, v22;
	v37 =	vld [tilespmem:$0x1310]  }
0x396: {  	v59 =	vld [tilespmem:$0x1FF90]  }
0x397: {  	v25 =	vadd.f32 $0.0e+00, v43;
	v47 =	vmul.f32 v60, v62;
	v60 =	vld [tilespmem:$0x1FFA0]  }
0x398: {  	[tilespmem:$0x1FFD0] =	vst v63;
	v63 =	vld [tilespmem:$0x2120]  }
0x399: {  	v1 =	vadd.f32 $0.0e+00, v1;
	v25 =	vadd.f32 v47, v25;
	v47 =	vmul.f32 v15, v10;
	v55 =	vld [tilespmem:$0x1FF50]  }
0x39a: {  	v32 =	vmul.f32 v40, v39;
	v39 =	vmul.f32 v58, v57;
	v56 =	vld [tilespmem:$0x1FF60]  }
0x39b: {  	v1 =	vadd.f32 v5, v1;
	v50 =	vmul.f32 v18, v16;
	v58 =	vmul.f32 v34, v33;
	v61 =	vld [tilespmem:$0x1FFB0]  }
0x39c: {  	v8 =	vadd.f32 v32, v8;
	v32 =	vmul.f32 v52, v51;
	v51 =	vmul.f32 v29, v27;
	v62 =	vld [tilespmem:$0x1FFC0]  }
0x39d: {  	v1 =	vadd.f32 v47, v1;
	v27 =	vmul.f32 v23, v26;
	v28 =	vmul.f32 v54, v53;
	v43 =	vld [tilespmem:$0x1FFD0];
	[tilespmem:$0x1FFE0] =	vst v63  }
0x39e: {  	v25 =	vadd.f32 v32, v25;
	v53 =	vmul.f32 v11, v13;
	v54 =	vmul.f32 v17, v20;
	v44 =	vld [tilespmem:$0x1FFE0]  }
0x39f: {  	(xrf2) =	vadd.scan.msk.f32 $0xffff, v0;
	v52 =	vld [tilespmem:$0x1380];
	v57 =	vadd.f32 $0.0e+00, v51;
	v6 =	vadd.f32 v28, v6;
	v32 =	vmul.f32 v56, v55  }
0x3a0: {  	(xrf2) =	vadd.scan.msk.f32 $0xffff, v2;
	v25 =	vadd.f32 v39, v25;
	v28 =	vmul.f32 v60, v59;
	v60 =	vmul.f32 v31, v38;
	v63 =	vld [tilespmem:$0x1130]  }
0x3a1: {  	(xrf2) =	vadd.scan.msk.f32 $0xffff, v7;
	v1 =	vadd.f32 v53, v1;
	v55 =	vld [tilespmem:$0x2380];
	v32 =	vadd.f32 $0.0e+00, v32;
	v40 =	vmul.f32 v62, v61  }
0x3a2: {  	(xrf2) =	vadd.scan.msk.f32 $0xffff, v4;
	v3 =	vmul.f32 v3, v37;
	v59 =	vld [tilespmem:$0x1390];
	v2 =	vadd.f32 $0.0e+00, v60;
	v56 =	vadd.f32 $0.0e+00, v50  }
0x3a3: {  	(xrf2) =	vadd.scan.msk.f32 $0xffff, v12;
	v6 =	vadd.f32 v28, v6;
	v61 =	vld [tilespmem:$0x2390];
	v42 =	vadd.f32 v40, v32;
	v32 =	vmul.f32 v44, v43  }
0x3a4: {  	(xrf2) =	vadd.scan.msk.f32 $0xffff, v8;
	v20 =	vld [tilespmem:$0x13A0];
	v29 =	vmul.f32 v9, v41;
	v2 =	vadd.f32 v3, v2;
	v4 =	vadd.f32 v54, v56  }
0x3a5: {  	(xrf2) =	vadd.scan.msk.f32 $0xffff, v19;
	v62 =	vmul.f32 v24, v21;
	v24 =	vld [tilespmem:$0x23A0];
	v0 =	vmul.f32 v46, v63;
	v49 =	vadd.f32 v32, v42  }
0x3a6: {  	(xrf2) =	vadd.scan.msk.f32 $0xffff, v22;
	v28 =	vld [tilespmem:$0x13B0];
	v11 =	vmul.f32 v55, v52;
	v21 =	vmul.f32 v14, v30;
	v63 =	vadd.f32 v58, v57  }
0x3a7: {  	(xrf2) =	vadd.scan.msk.f32 $0xffff, v25;
	v31 =	vmul.f32 v36, v35;
	v30 =	vld [tilespmem:$0x23B0];
	v4 =	vadd.f32 v62, v4;
	v0 =	vadd.f32 v0, v49  }
0x3a8: {  	(xrf2) =	vadd.scan.msk.f32 $0xffff, v6;
	v11 =	vadd.f32 $0.0e+00, v11;
	v5 =	vmul.f32 v61, v59;
	v8 =	vadd.f32 v21, v63  }
0x3a9: {  	v34 =	vmul.f32 v48, v45;
	v2 =	vadd.f32 v29, v2;
	v33 =	vadd.f32 v27, v4;
	v32, _, _ =	vpop (xrf2);
	(xrf2) =	vadd.scan.msk.f32 $0xffff, v0  }
0x3aa: {  	v37 =	vmul.f32 v24, v20;
	v5 =	vadd.f32 v5, v11;
	v36 =	vadd.f32 v31, v8;
	v35, _, _ =	vpop (xrf2);
	(xrf2) =	vadd.scan.msk.f32 $0xffff, v1  }
0x3ab: {  	v2 =	vadd.f32 v34, v2;
	v39 =	vbroadcast v32, $0xF;
	v38, _, _ =	vpop (xrf2);
	v4 =	vbroadcast v35, $0xF;
	(xrf2) =	vadd.scan.msk.f32 $0xffff, v33  }
0x3ac: {  	v41 =	vadd.f32 v37, v5;
	v42 =	vmul.f32 v30, v28;
	v40, _, _ =	vpop (xrf2);
	v43 =	vbroadcast v38, $0xF;
	(xrf2) =	vadd.scan.msk.f32 $0xffff, v36  }
0x3ad: {  	v0 =	vsel vm0, v39, v4;
	v3 =	vbroadcast v40, $0xF;
	v44, _, _ =	vpop (xrf2);
	(xrf2) =	vadd.scan.msk.f32 $0xffff, v2  }
0x3ae: {  	v1 =	vadd.f32 v42, v41;
	v45, _, _ =	vpop (xrf2);
	v0 =	vsel vm1, v0, v43;
	v4 =	vbroadcast v44, $0xF  }
0x3af: {  	v46, _, _ =	vpop (xrf2);
	v0 =	vsel vm2, v0, v3;
	v2 =	vbroadcast v45, $0xF  }
0x3b0: {  	v0 =	vsel vm3, v0, v4;
	v47 =	vbroadcast v46, $0xF;
	v48, _, _ =	vpop (xrf2);
	(xrf2) =	vadd.scan.msk.f32 $0xffff, v1  }
0x3b1: {  	v49, _, _ =	vpop (xrf2);
	v0 =	vsel vm4, v0, v2;
	v50 =	vbroadcast v48, $0xF  }
0x3b2: {  	v51, _, _ =	vpop (xrf2);
	v0 =	vsel vm5, v0, v47;
	v1 =	vbroadcast v49, $0xF  }
0x3b3: {  	v0 =	vsel vm6, v0, v50;
	v53 =	vbroadcast v51, $0xF;
	v52, _, _ =	vpop (xrf2)  }
0x3b4: {  	v0 =	vsel vm7, v0, v1;
	v54, _, _ =	vpop (xrf2);
	v55 =	vbroadcast v52, $0xF  }
0x3b5: {  	v0 =	vsel vm8, v0, v53;
	v56, _, _ =	vpop (xrf2);
	v57 =	vbroadcast v54, $0xF  }
0x3b6: {  	v58, _, _ =	vpop (xrf2);
	v0 =	vsel vm9, v0, v55;
	v59 =	vbroadcast v56, $0xF  }
0x3b7: {  	p0 =	sne.s32 s26, $0x780;
	v60, _, _ =	vpop (xrf2);
	v0 =	vsel vm10, v0, v57;
	v61 =	vbroadcast v58, $0xF  }
.Ltmp0:
0x3b8: {  	v0 =	vsel vm11, v0, v59;
	v62 =	vbroadcast v60, $0xF;
	(pc) =	sbr.rel @p0 .LBB2_2-.Ltmp0, $4  }
0x3b9: {  	v0 =	vsel vm12, v0, v61  }
0x3ba: {  	v63, _, _ =	vpop (xrf2);
	v0 =	vsel vm13, v0, v62  }
0x3bb: {  	v0 =	vsel vm14, v0, v63  }
0x3bc: {  	s26 =	sadd.s32 $0x80, s26;
	[tilespmem:s28+$0x2410] =	vst v0  }
0x3bd: {  	s26 =	rddreg [dreg:$0x7];
	s0 =	simm.s32 $0x2400;
	s28 =	simm.s32 $0x3  }
0x3be: {  	[hbm4b:s26+s1] =	stream.linear.scatter [tilespmem:s0], [sflag:$0x3], $0x200, $0x38;
	[tilespmem:$0x2600] =	vst v63  }
0x3bf: {  	_ =	swait.ge [sflag:s28], $0x200  }
0x3c0: {  	s29 =	rddreg [dreg:$0x9]  }
0x3c1: {  	s30 =	rddreg [dreg:$0x8];
	s0 =	sadd.s32 $0x1, s29  }
0x3c2: {  	p0 =	sne.s32 s0, s30  }
.Ltmp1:
0x3c3: {  	_ = 	snop;
	(pc) =	sbr.rel @p0 .LBB2_1-.Ltmp1, $3  }
0x3c4: {  	_ =	sdelay $0x1  }
0x3c5: {  	[sflag:s28] =	ssyncset.done $0x0  }
0x3c6: {  	[sflag:s28] =	ssyncadd.s32 $0xFFFFFE00  }
0x3c7: {  	_ =	sfence.sel $0x180000  }
0x3c8: {  	[bflag:$0x0] =	sbarrier.arrive $0xFFFF  }
0x3c9: {  	_ =	strace $0x90000047  }
0x3ca: {  	s0 =	stileid.u32;
	[bflag:$0x2] =	sbarrier.arrive $0xFFFF  }
0x3cb: {  	p0 =	sne.s32 s0, $0x0;
	s0 =	rddreg [dreg:$0x4]  }
0x3cc: {  	s0 =	sadd.s32 @!p0 $0x100000, s0  }
0x3cd: {  	[sflag:s0] =	ssyncadd.tile.s32 @!p0 $0x1;
	_ =	shalt  }
.Lfunc_end2:
_tile_overlayer_lowered:
.L_overlay_start_2:
0x3ce: {  	(tag) =	ssettag $0x2  }
0x3cf: {  	s0 =	rddreg [dreg:$0x0];
	s2 =	stileid.u32  }
0x3d0: {  	s1 =	rddreg [dreg:$0x1];
	p0 =	sne.s32 s2, $0x0  }
0x3d1: {  	s3 =	rddreg [dreg:$0x2];
	[bflag:$0x3] =	sbarrier.arrive $0xFFFF;
	s2 =	simm.s32 @!p0 $0x1C03  }
0x3d2: {  	[timem:s3], [sflag:s2] =	dma.local @!p0 [hbm:s0], s1  }
0x3d3: {  	s0 =	simm.s32 @!p0 $0x3  }
0x3d4: {  	_ =	swait.ge @!p0 [sflag:s0], s1  }
0x3d5: {  	s1 =	ssub.s32 @!p0 $0x0, s1;
	[sflag:s0] =	ssyncset.done @!p0 $0x0  }
0x3d6: {  	[sflag:s0] =	ssyncadd.s32 @!p0 s1  }
0x3d7: {  	[bflag:$0x3] =	sbarrier.arrive $0xFFFF  }
0x3d8: {  	_ =	shalt  }

</sc_bundles>
